<compile_context>
chip_gen: v7x
topology: tpu7x:2x2x1
jax: 0.10.2.dev20260603
libtpu: 0.0.44.dev20260713+nightly
codegen_flags: <defaults>
</compile_context>

<pallas_src>
import jax
import jax.numpy as jnp
from jax import lax
from jax.experimental import pallas as pl
from jax.experimental.pallas import tpu as pltpu
from jax.experimental.pallas import tpu_sc as plsc

N = 10000
E = 320000
NPAD = 10240
NC, NS = 2, 16
NW = NC * NS
CK = 128
C = 80
EW = C * CK
EPAD = NW * EW
STRIPE = NPAD // NS
RB = 640
G = NPAD // RB

_MESH = plsc.VectorSubcoreMesh(
    core_axis_name="c", subcore_axis_name="s", num_cores=NC, num_subcores=NS)


def _spmm_body(u_hbm, src_hbm, dst_hbm, z_hbm, out_hbm, srcv, dstv, rows, acc, sem):
    c = lax.axis_index("c")
    s = lax.axis_index("s")
    w = s * NC + c
    pltpu.sync_copy(z_hbm, acc.at[pl.ds(s * STRIPE, STRIPE), :])
    pltpu.sync_copy(src_hbm.at[w], srcv)
    pltpu.sync_copy(dst_hbm.at[w], dstv)
    plsc.subcore_barrier()

    def chunk(i, carry):
        pltpu.async_copy(u_hbm.at[srcv.at[i]], rows, sem).wait()
        pltpu.sync_copy(rows, acc.at[dstv.at[i]], add=True)
        return carry

    lax.fori_loop(0, C, chunk, 0)
    plsc.subcore_barrier()
    pltpu.sync_copy(acc.at[pl.ds(s * STRIPE, STRIPE), :],
                    out_hbm.at[c, pl.ds(s * STRIPE, STRIPE), :])


def _make_spmm(d, tc_tiling):
    params = None if tc_tiling else pltpu.CompilerParams(use_tc_tiling_on_sc=False)
    return pl.kernel(
        _spmm_body,
        out_type=jax.ShapeDtypeStruct((NC, NPAD, d), jnp.float32),
        mesh=_MESH,
        compiler_params=params,
        scratch_types=[
            pltpu.VMEM((C, CK), jnp.int32),
            pltpu.VMEM((C, CK), jnp.int32),
            pltpu.VMEM((CK, d), jnp.float32),
            pltpu.VMEM_SHARED((NPAD, d), jnp.float32),
            pltpu.SemaphoreType.DMA,
        ],
    )


_spmm128 = _make_spmm(128, True)
_spmm64 = _make_spmm(64, False)


def _deg_body(dst_hbm, ones_hbm, z_hbm, out_hbm, dstv, ones_v, acc):
    c = lax.axis_index("c")
    s = lax.axis_index("s")
    w = s * NC + c
    pltpu.sync_copy(z_hbm, acc.at[pl.ds(s * STRIPE, STRIPE), :])
    pltpu.sync_copy(dst_hbm.at[w], dstv)
    pltpu.sync_copy(ones_hbm, ones_v)
    plsc.subcore_barrier()

    def chunk(i, carry):
        pltpu.sync_copy(ones_v, acc.at[dstv.at[i]], add=True)
        return carry

    lax.fori_loop(0, C, chunk, 0)
    plsc.subcore_barrier()
    pltpu.sync_copy(acc.at[pl.ds(s * STRIPE, STRIPE), :],
                    out_hbm.at[c, pl.ds(s * STRIPE, STRIPE), :])


_deg_kernel = pl.kernel(
    _deg_body,
    out_type=jax.ShapeDtypeStruct((NC, NPAD, 128), jnp.float32),
    mesh=_MESH,
    scratch_types=[
        pltpu.VMEM((C, CK), jnp.int32),
        pltpu.VMEM((CK, 128), jnp.float32),
        pltpu.VMEM_SHARED((NPAD, 128), jnp.float32),
    ],
)



def _dinv_body(degp_ref, x_ref, dinv_ref, u0_ref):
    deg = degp_ref[0, :, 0:1] + degp_ref[1, :, 0:1]
    di = lax.rsqrt(jnp.maximum(deg, 1.0))
    dinv_ref[...] = di
    u0_ref[...] = di * x_ref[...]


def _dinv_call(degp, x_pad):
    return pl.pallas_call(
        _dinv_body,
        grid=(G,),
        in_specs=[
            pl.BlockSpec((NC, RB, 128), lambda i: (0, i, 0)),
            pl.BlockSpec((RB, 128), lambda i: (i, 0)),
        ],
        out_specs=[
            pl.BlockSpec((RB, 1), lambda i: (i, 0)),
            pl.BlockSpec((RB, 128), lambda i: (i, 0)),
        ],
        out_shape=[
            jax.ShapeDtypeStruct((NPAD, 1), jnp.float32),
            jax.ShapeDtypeStruct((NPAD, 128), jnp.float32),
        ],
    )(degp, x_pad)


def _tca_body(sp_ref, dinv_ref, z1_ref, u1_ref):
    di = dinv_ref[...]
    z1 = -(di * (sp_ref[0] + sp_ref[1]))
    z1_ref[...] = z1
    u1_ref[...] = di * z1


def _tca_call(sp, dinv, din):
    return pl.pallas_call(
        _tca_body,
        grid=(G,),
        in_specs=[
            pl.BlockSpec((NC, RB, din), lambda i: (0, i, 0)),
            pl.BlockSpec((RB, 1), lambda i: (i, 0)),
        ],
        out_specs=[
            pl.BlockSpec((RB, din), lambda i: (i, 0)),
            pl.BlockSpec((RB, din), lambda i: (i, 0)),
        ],
        out_shape=[
            jax.ShapeDtypeStruct((NPAD, din), jnp.float32),
            jax.ShapeDtypeStruct((NPAD, din), jnp.float32),
        ],
    )(sp, dinv)


def _tcb_body(sp_ref, dinv_ref, z0_ref, z1_ref, w_ref, b_ref, h_ref, un_ref):
    di = dinv_ref[...]
    z0 = z0_ref[...]
    z2 = -2.0 * (di * (sp_ref[0] + sp_ref[1])) - z0
    h = (jnp.dot(z0, w_ref[0], preferred_element_type=jnp.float32)
         + jnp.dot(z1_ref[...], w_ref[1], preferred_element_type=jnp.float32)
         + jnp.dot(z2, w_ref[2], preferred_element_type=jnp.float32)
         + b_ref[...])
    h_ref[...] = h
    un_ref[...] = di * h


def _tcb_call(sp, dinv, z0, z1, W, b2d, din, dout):
    return pl.pallas_call(
        _tcb_body,
        grid=(G,),
        in_specs=[
            pl.BlockSpec((NC, RB, din), lambda i: (0, i, 0)),
            pl.BlockSpec((RB, 1), lambda i: (i, 0)),
            pl.BlockSpec((RB, din), lambda i: (i, 0)),
            pl.BlockSpec((RB, din), lambda i: (i, 0)),
            pl.BlockSpec((3, din, dout), lambda i: (0, 0, 0)),
            pl.BlockSpec((1, dout), lambda i: (0, 0)),
        ],
        out_specs=[
            pl.BlockSpec((RB, dout), lambda i: (i, 0)),
            pl.BlockSpec((RB, dout), lambda i: (i, 0)),
        ],
        out_shape=[
            jax.ShapeDtypeStruct((NPAD, dout), jnp.float32),
            jax.ShapeDtypeStruct((NPAD, dout), jnp.float32),
        ],
    )(sp, dinv, z0, z1, W, b2d)


def _tcb3_body(sp_ref, dinv_ref, z0_ref, z1_ref, w_ref, b_ref,
               wm1_ref, bm1_ref, wm2_ref, bm2_ref, out_ref, hg_acc):
    i = pl.program_id(0)
    di = dinv_ref[...]
    z0 = z0_ref[...]
    z2 = -2.0 * (di * (sp_ref[0] + sp_ref[1])) - z0
    h = (jnp.dot(z0, w_ref[0], preferred_element_type=jnp.float32)
         + jnp.dot(z1_ref[...], w_ref[1], preferred_element_type=jnp.float32)
         + jnp.dot(z2, w_ref[2], preferred_element_type=jnp.float32)
         + b_ref[...])
    rows = lax.broadcasted_iota(jnp.int32, (RB, 1), 0) + i * RB
    h = jnp.where(rows < N, h, 0.0)
    psum = jnp.sum(h, axis=0, keepdims=True)

    @pl.when(i == 0)
    def _():
        hg_acc[...] = psum

    @pl.when(i > 0)
    def _():
        hg_acc[...] = hg_acc[...] + psum

    @pl.when(i == G - 1)
    def _():
        hg = hg_acc[...]
        a = jnp.maximum(
            jnp.dot(hg, wm1_ref[...], preferred_element_type=jnp.float32)
            + bm1_ref[...], 0.0)
        out_ref[...] = (jnp.dot(a, wm2_ref[...], preferred_element_type=jnp.float32)
                        + bm2_ref[...])


def _tcb3_call(sp, dinv, z0, z1, W, b2d, Wm1, bm1_2d, Wm2, bm2_2d, din, dout):
    return pl.pallas_call(
        _tcb3_body,
        grid=(G,),
        in_specs=[
            pl.BlockSpec((NC, RB, din), lambda i: (0, i, 0)),
            pl.BlockSpec((RB, 1), lambda i: (i, 0)),
            pl.BlockSpec((RB, din), lambda i: (i, 0)),
            pl.BlockSpec((RB, din), lambda i: (i, 0)),
            pl.BlockSpec((3, din, dout), lambda i: (0, 0, 0)),
            pl.BlockSpec((1, dout), lambda i: (0, 0)),
            pl.BlockSpec((dout, dout), lambda i: (0, 0)),
            pl.BlockSpec((1, dout), lambda i: (0, 0)),
            pl.BlockSpec((dout, 10), lambda i: (0, 0)),
            pl.BlockSpec((1, 10), lambda i: (0, 0)),
        ],
        out_specs=pl.BlockSpec((1, 10), lambda i: (0, 0)),
        out_shape=jax.ShapeDtypeStruct((1, 10), jnp.float32),
        scratch_shapes=[pltpu.VMEM((1, dout), jnp.float32)],
    )(sp, dinv, z0, z1, W, b2d, Wm1, bm1_2d, Wm2, bm2_2d)


def kernel(signal, edge_index, W0, b0, W1, b1, W2, b2, W3, b3, Wm1, bm1, Wm2, bm2):
    src = edge_index[0]
    dst = edge_index[1]
    pad = EPAD - E
    src3 = jnp.concatenate([src, jnp.zeros((pad,), jnp.int32)]).reshape(NW, C, CK)
    dst3 = jnp.concatenate([dst, jnp.full((pad,), N, jnp.int32)]).reshape(NW, C, CK)
    x_pad = jnp.concatenate(
        [signal, jnp.zeros((NPAD - N, signal.shape[1]), jnp.float32)], axis=0)

    z64 = jnp.zeros((STRIPE, 64), jnp.float32)
    z128 = jnp.zeros((STRIPE, 128), jnp.float32)
    ones128 = jnp.ones((CK, 128), jnp.float32)
    zstripes = {64: z64, 128: z128}
    spmms = {64: _spmm64, 128: _spmm128}

    degp = _deg_kernel(dst3, ones128, z128)
    dinv, u0 = _dinv_call(degp, x_pad)

    layers = [
        (W0, b0, 128, 64),
        (W1, b1, 64, 64),
        (W2, b2, 64, 128),
        (W3, b3, 128, 256),
    ]
    z0 = x_pad
    u = u0
    for li, (W, b, din, dout) in enumerate(layers):
        sp0 = spmms[din](u, src3, dst3, zstripes[din])
        z1, u1 = _tca_call(sp0, dinv, din)
        sp1 = spmms[din](u1, src3, dst3, zstripes[din])
        b2d = b.reshape(1, dout)
        if li < 3:
            z0, u = _tcb_call(sp1, dinv, z0, z1, W, b2d, din, dout)
        else:
            out = _tcb3_call(sp1, dinv, z0, z1, W, b2d,
                             Wm1, bm1.reshape(1, dout), Wm2, bm2.reshape(1, 10),
                             din, dout)
    return out

# --- scband reference (transcript-rebuilt; emitter-appended) ---
"""Pipeline reference for scband-dgl-mean-classifier-75333726371912 (READ-ONLY COPY).

The authoritative reference and input builder live on the scoring server;
editing this copy changes nothing except your own understanding.
"""

import jax, jax.numpy as jnp
import numpy as np

N_NODES = 10000
N_EDGES = 320000
IN_DIM = 128
FC1 = 64
FC2 = 64
N_CLASSES = 10
K = 3
LAMBDA_MAX = 2.0


def setup_inputs(seed: int = 0) -> dict:
    key = jax.random.key(seed)
    ks = jax.random.split(key, 16)
    x = jax.random.normal(ks[0], (N_NODES, IN_DIM), dtype=jnp.float32)
    edge_index = jax.random.randint(ks[1], (2, N_EDGES), 0, N_NODES, dtype=jnp.int32)
    # ChebConv layers: in_dim->fc1, fc1->fc2, fc2->2*fc2, 2*fc2->4*fc2, each with K hop-weights
    dims = [(IN_DIM, FC1), (FC1, FC2), (FC2, 2 * FC2), (2 * FC2, 4 * FC2)]
    inp = {"signal": x, "edge_index": edge_index}
    for i, (din, dout) in enumerate(dims):
        scale = 1.0 / np.sqrt(din)
        inp[f"W{i}"] = jax.random.uniform(ks[2 + 2 * i], (K, din, dout), dtype=jnp.float32, minval=-scale, maxval=scale)
        inp[f"b{i}"] = jax.random.uniform(ks[3 + 2 * i], (dout,), dtype=jnp.float32, minval=-scale, maxval=scale)
    dh = 4 * FC2
    s = 1.0 / np.sqrt(dh)
    inp["Wm1"] = jax.random.uniform(ks[10], (dh, dh), dtype=jnp.float32, minval=-s, maxval=s)
    inp["bm1"] = jax.random.uniform(ks[11], (dh,), dtype=jnp.float32, minval=-s, maxval=s)
    inp["Wm2"] = jax.random.uniform(ks[12], (dh, N_CLASSES), dtype=jnp.float32, minval=-s, maxval=s)
    inp["bm2"] = jax.random.uniform(ks[13], (N_CLASSES,), dtype=jnp.float32, minval=-s, maxval=s)
    return inp


def _cheb_layer(x, src, dst, norm, W, b):
    n = x.shape[0]

    def lap(z):
        # scaled laplacian apply: (2/lmax) * (I - D^-1/2 A D^-1/2) z - z
        az = jax.ops.segment_sum(norm[:, None] * z[src], dst, num_segments=n)
        return (2.0 / LAMBDA_MAX) * (z - az) - z

    z_prev = x
    h = z_prev @ W[0]
    z = lap(x)
    h = h + z @ W[1]
    for t in range(2, W.shape[0]):
        z_next = 2.0 * lap(z) - z_prev
        h = h + z_next @ W[t]
        z_prev, z = z, z_next
    return h + b


def reference(signal, edge_index, W0, b0, W1, b1, W2, b2, W3, b3, Wm1, bm1, Wm2, bm2):
    src = edge_index[0]
    dst = edge_index[1]
    n = signal.shape[0]
    deg = jax.ops.segment_sum(jnp.ones((src.shape[0],), dtype=signal.dtype), dst, num_segments=n)
    deg = jnp.maximum(deg, 1.0)
    dinv = deg ** -0.5
    norm = dinv[src] * dinv[dst]
    h = signal
    for W, b in ((W0, b0), (W1, b1), (W2, b2), (W3, b3)):
        h = _cheb_layer(h, src, dst, norm, W, b)
    # readout = 'sum' over all nodes (single graph, batch_size = 1)
    hg = jnp.sum(h, axis=0, keepdims=True)
    out = jax.nn.relu(hg @ Wm1 + bm1) @ Wm2 + bm2
    return out

if __name__ == "__main__":
    import jax
    _d = setup_inputs()
    print(jax.jit(kernel)(*tuple(_d.values())))

</pallas_src>

<mosaic_0001>
#map = affine_map<(d0, d1) -> (0, 0)>
#map1 = affine_map<(d0, d1) -> (0, 0, 0)>
module attributes {stable_mosaic.version = 14 : i64} {
  func.func @_spmm_body(%arg0: i32, %arg1: i32, %arg2: memref<10240x128xf32, #tpu.memory_space<hbm>>, %arg3: memref<32x80x128xi32, #tpu.memory_space<hbm>>, %arg4: memref<32x80x128xi32, #tpu.memory_space<hbm>>, %arg5: memref<640x128xf32, #tpu.memory_space<hbm>>, %arg6: memref<2x10240x128xf32, #tpu.memory_space<hbm>>, %arg7: memref<80x128xi32, #tpu.memory_space<vmem>>, %arg8: memref<80x128xi32, #tpu.memory_space<vmem>>, %arg9: memref<128x128xf32, #tpu.memory_space<vmem>>, %arg10: memref<10240x128xf32, #tpu.memory_space<vmem_shared>>, %arg11: memref<!tpu.dma_semaphore, #tpu.memory_space<semaphore_mem>>) attributes {dimension_semantics = [#tpu.dimension_semantics<core_parallel>, #tpu.dimension_semantics<subcore_parallel>], iteration_bounds = array<i64: 2, 16>, scalar_prefetch = 0 : i64, scratch_operands = 5 : i64, tpu.core_type = #tpu.core_type<sc_vector_subcore>, window_params = [{transform_indices = #map}, {transform_indices = #map1}, {transform_indices = #map1}, {transform_indices = #map}, {transform_indices = #map1}]} {
    %mul3A = arith.constant 2 : i32
    %mul3A_0 = arith.muli %arg1, %mul3A : i32
    %add3A = arith.addi %mul3A_0, %arg0 : i32
    %mul3A_1 = arith.constant 640 : i32
    %mul3A_2 = arith.muli %arg1, %mul3A_1 : i32
    "tpu.region"() ({
      %run_scoped3A = tpu.sem_alloc : memref<!tpu.dma_semaphore, #tpu.memory_space<semaphore_mem>>
      %dma_start3A = arith.constant 0 : i32
      %dma_start3A_13 = tpu.memref_slice %arg10[%mul3A_2, %dma_start3A] : memref<10240x128xf32, #tpu.memory_space<vmem_shared>> -> memref<640x128xf32, #tpu.memory_space<vmem_shared>>
      tpu.enqueue_dma source(%arg5 : memref<640x128xf32, #tpu.memory_space<hbm>>) target(%dma_start3A_13 : memref<640x128xf32, #tpu.memory_space<vmem_shared>>) target_semaphore(%run_scoped3A : memref<!tpu.dma_semaphore, #tpu.memory_space<semaphore_mem>>)
      %dma_wait3A = arith.constant 0 : i32
      %dma_wait3A_14 = tpu.memref_slice %arg10[%mul3A_2, %dma_wait3A] : memref<10240x128xf32, #tpu.memory_space<vmem_shared>> -> memref<640x128xf32, #tpu.memory_space<vmem_shared>>
      tpu.wait_dma2 semaphore(%run_scoped3A : memref<!tpu.dma_semaphore, #tpu.memory_space<semaphore_mem>>) src(%arg5 : memref<640x128xf32, #tpu.memory_space<hbm>>) dst(%dma_wait3A_14 : memref<640x128xf32, #tpu.memory_space<vmem_shared>>)
      tpu.yield
    }) : () -> ()
    "tpu.region"() ({
      %run_scoped3A = tpu.sem_alloc : memref<!tpu.dma_semaphore, #tpu.memory_space<semaphore_mem>>
      %dma_start3A = arith.constant 0 : i32
      %dma_start3A_13 = arith.constant 0 : i32
      %dma_start3A_14 = tpu.memref_slice %arg3[%add3A, %dma_start3A, %dma_start3A_13] : memref<32x80x128xi32, #tpu.memory_space<hbm>> -> memref<1x80x128xi32, #tpu.memory_space<hbm>>
      %dma_start3A_15 = tpu.memref_squeeze %dma_start3A_14 : memref<1x80x128xi32, #tpu.memory_space<hbm>> -> memref<80x128xi32, #tpu.memory_space<hbm>>
      %dma_start3A_16 = arith.constant 0 : i32
      %dma_start3A_17 = arith.constant 0 : i32
      %dma_start3A_18 = tpu.memref_slice %arg3[%add3A, %dma_start3A_16, %dma_start3A_17] : memref<32x80x128xi32, #tpu.memory_space<hbm>> -> memref<1x80x128xi32, #tpu.memory_space<hbm>>
      %dma_start3A_19 = tpu.memref_squeeze %dma_start3A_18 : memref<1x80x128xi32, #tpu.memory_space<hbm>> -> memref<80x128xi32, #tpu.memory_space<hbm>>
      tpu.enqueue_dma source(%dma_start3A_19 : memref<80x128xi32, #tpu.memory_space<hbm>>) target(%arg7 : memref<80x128xi32, #tpu.memory_space<vmem>>) target_semaphore(%run_scoped3A : memref<!tpu.dma_semaphore, #tpu.memory_space<semaphore_mem>>)
      %dma_wait3A = arith.constant 0 : i32
      %dma_wait3A_20 = arith.constant 0 : i32
      %dma_wait3A_21 = tpu.memref_slice %arg3[%add3A, %dma_wait3A, %dma_wait3A_20] : memref<32x80x128xi32, #tpu.memory_space<hbm>> -> memref<1x80x128xi32, #tpu.memory_space<hbm>>
      %dma_wait3A_22 = tpu.memref_squeeze %dma_wait3A_21 : memref<1x80x128xi32, #tpu.memory_space<hbm>> -> memref<80x128xi32, #tpu.memory_space<hbm>>
      %dma_wait3A_23 = arith.constant 0 : i32
      %dma_wait3A_24 = arith.constant 0 : i32
      %dma_wait3A_25 = tpu.memref_slice %arg3[%add3A, %dma_wait3A_23, %dma_wait3A_24] : memref<32x80x128xi32, #tpu.memory_space<hbm>> -> memref<1x80x128xi32, #tpu.memory_space<hbm>>
      %dma_wait3A_26 = tpu.memref_squeeze %dma_wait3A_25 : memref<1x80x128xi32, #tpu.memory_space<hbm>> -> memref<80x128xi32, #tpu.memory_space<hbm>>
      tpu.wait_dma2 semaphore(%run_scoped3A : memref<!tpu.dma_semaphore, #tpu.memory_space<semaphore_mem>>) src(%dma_wait3A_26 : memref<80x128xi32, #tpu.memory_space<hbm>>) dst(%arg7 : memref<80x128xi32, #tpu.memory_space<vmem>>)
      tpu.yield
    }) : () -> ()
    "tpu.region"() ({
      %run_scoped3A = tpu.sem_alloc : memref<!tpu.dma_semaphore, #tpu.memory_space<semaphore_mem>>
      %dma_start3A = arith.constant 0 : i32
      %dma_start3A_13 = arith.constant 0 : i32
      %dma_start3A_14 = tpu.memref_slice %arg4[%add3A, %dma_start3A, %dma_start3A_13] : memref<32x80x128xi32, #tpu.memory_space<hbm>> -> memref<1x80x128xi32, #tpu.memory_space<hbm>>
      %dma_start3A_15 = tpu.memref_squeeze %dma_start3A_14 : memref<1x80x128xi32, #tpu.memory_space<hbm>> -> memref<80x128xi32, #tpu.memory_space<hbm>>
      %dma_start3A_16 = arith.constant 0 : i32
      %dma_start3A_17 = arith.constant 0 : i32
      %dma_start3A_18 = tpu.memref_slice %arg4[%add3A, %dma_start3A_16, %dma_start3A_17] : memref<32x80x128xi32, #tpu.memory_space<hbm>> -> memref<1x80x128xi32, #tpu.memory_space<hbm>>
      %dma_start3A_19 = tpu.memref_squeeze %dma_start3A_18 : memref<1x80x128xi32, #tpu.memory_space<hbm>> -> memref<80x128xi32, #tpu.memory_space<hbm>>
      tpu.enqueue_dma source(%dma_start3A_19 : memref<80x128xi32, #tpu.memory_space<hbm>>) target(%arg8 : memref<80x128xi32, #tpu.memory_space<vmem>>) target_semaphore(%run_scoped3A : memref<!tpu.dma_semaphore, #tpu.memory_space<semaphore_mem>>)
      %dma_wait3A = arith.constant 0 : i32
      %dma_wait3A_20 = arith.constant 0 : i32
      %dma_wait3A_21 = tpu.memref_slice %arg4[%add3A, %dma_wait3A, %dma_wait3A_20] : memref<32x80x128xi32, #tpu.memory_space<hbm>> -> memref<1x80x128xi32, #tpu.memory_space<hbm>>
      %dma_wait3A_22 = tpu.memref_squeeze %dma_wait3A_21 : memref<1x80x128xi32, #tpu.memory_space<hbm>> -> memref<80x128xi32, #tpu.memory_space<hbm>>
      %dma_wait3A_23 = arith.constant 0 : i32
      %dma_wait3A_24 = arith.constant 0 : i32
      %dma_wait3A_25 = tpu.memref_slice %arg4[%add3A, %dma_wait3A_23, %dma_wait3A_24] : memref<32x80x128xi32, #tpu.memory_space<hbm>> -> memref<1x80x128xi32, #tpu.memory_space<hbm>>
      %dma_wait3A_26 = tpu.memref_squeeze %dma_wait3A_25 : memref<1x80x128xi32, #tpu.memory_space<hbm>> -> memref<80x128xi32, #tpu.memory_space<hbm>>
      tpu.wait_dma2 semaphore(%run_scoped3A : memref<!tpu.dma_semaphore, #tpu.memory_space<semaphore_mem>>) src(%dma_wait3A_26 : memref<80x128xi32, #tpu.memory_space<hbm>>) dst(%arg8 : memref<80x128xi32, #tpu.memory_space<vmem>>)
      tpu.yield
    }) : () -> ()
    %barrier3A = arith.constant 0 : index
    tpu.barrier barrier_id(%barrier3A)
    %scan3A = arith.constant 0 : i32
    %scan3A_3 = arith.constant 0 : i32
    %scan3A_4 = arith.constant 80 : i32
    %scan3A_5 = arith.addi %scan3A_3, %scan3A_4 : i32
    %scan3A_6 = arith.constant 1 : i32
    scf.for %scan3A_13 = %scan3A_3 to %scan3A_5 step %scan3A_6  : i32 {
      %dma_start3A = arith.constant 0 : i32
      %dma_start3A_14 = tpu.memref_slice %arg7[%scan3A_13, %dma_start3A] : memref<80x128xi32, #tpu.memory_space<vmem>> -> memref<1x128xi32, #tpu.memory_space<vmem>>
      %dma_start3A_15 = tpu.memref_squeeze %dma_start3A_14 : memref<1x128xi32, #tpu.memory_space<vmem>> -> memref<128xi32, #tpu.memory_space<vmem>>
      %dma_start3A_16 = arith.constant 0 : i32
      %dma_start3A_17 = arith.constant 0 : i32
      %dma_start3A_18 = tpu.memref_slice %arg2[%dma_start3A_16, %dma_start3A_17] : memref<10240x128xf32, #tpu.memory_space<hbm>> -> memref<10240x128xf32, #tpu.memory_space<hbm>>
      tpu.enqueue_indirect_dma source(%dma_start3A_18 : memref<10240x128xf32, #tpu.memory_space<hbm>>) target(%arg9 : memref<128x128xf32, #tpu.memory_space<vmem>>) offsets(%dma_start3A_15 : memref<128xi32, #tpu.memory_space<vmem>>) semaphore(%arg11 : memref<!tpu.dma_semaphore, #tpu.memory_space<semaphore_mem>>)
      %dma_wait3A = arith.constant 0 : i32
      %dma_wait3A_19 = tpu.memref_slice %arg7[%scan3A_13, %dma_wait3A] : memref<80x128xi32, #tpu.memory_space<vmem>> -> memref<1x128xi32, #tpu.memory_space<vmem>>
      %dma_wait3A_20 = tpu.memref_squeeze %dma_wait3A_19 : memref<1x128xi32, #tpu.memory_space<vmem>> -> memref<128xi32, #tpu.memory_space<vmem>>
      %dma_wait3A_21 = arith.constant 0 : i32
      %dma_wait3A_22 = arith.constant 0 : i32
      %dma_wait3A_23 = tpu.memref_slice %arg2[%dma_wait3A_21, %dma_wait3A_22] : memref<10240x128xf32, #tpu.memory_space<hbm>> -> memref<10240x128xf32, #tpu.memory_space<hbm>>
      tpu.wait_indirect_dma semaphore(%arg11 : memref<!tpu.dma_semaphore, #tpu.memory_space<semaphore_mem>>) src(%dma_wait3A_23 : memref<10240x128xf32, #tpu.memory_space<hbm>>) dst(%arg9 : memref<128x128xf32, #tpu.memory_space<vmem>>)
      "tpu.region"() ({
        %run_scoped3A = tpu.sem_alloc : memref<!tpu.dma_semaphore, #tpu.memory_space<semaphore_mem>>
        %dma_start3A_24 = arith.constant 0 : i32
        %dma_start3A_25 = tpu.memref_slice %arg8[%scan3A_13, %dma_start3A_24] : memref<80x128xi32, #tpu.memory_space<vmem>> -> memref<1x128xi32, #tpu.memory_space<vmem>>
        %dma_start3A_26 = tpu.memref_squeeze %dma_start3A_25 : memref<1x128xi32, #tpu.memory_space<vmem>> -> memref<128xi32, #tpu.memory_space<vmem>>
        %dma_start3A_27 = arith.constant 0 : i32
        %dma_start3A_28 = arith.constant 0 : i32
        %dma_start3A_29 = tpu.memref_slice %arg10[%dma_start3A_27, %dma_start3A_28] : memref<10240x128xf32, #tpu.memory_space<vmem_shared>> -> memref<10240x128xf32, #tpu.memory_space<vmem_shared>>
        tpu.enqueue_indirect_dma source(%arg9 : memref<128x128xf32, #tpu.memory_space<vmem>>) target(%dma_start3A_29 : memref<10240x128xf32, #tpu.memory_space<vmem_shared>>) offsets(%dma_start3A_26 : memref<128xi32, #tpu.memory_space<vmem>>) semaphore(%run_scoped3A : memref<!tpu.dma_semaphore, #tpu.memory_space<semaphore_mem>>) {add = true}
        %dma_wait3A_30 = arith.constant 0 : i32
        %dma_wait3A_31 = tpu.memref_slice %arg8[%scan3A_13, %dma_wait3A_30] : memref<80x128xi32, #tpu.memory_space<vmem>> -> memref<1x128xi32, #tpu.memory_space<vmem>>
        %dma_wait3A_32 = tpu.memref_squeeze %dma_wait3A_31 : memref<1x128xi32, #tpu.memory_space<vmem>> -> memref<128xi32, #tpu.memory_space<vmem>>
        %dma_wait3A_33 = arith.constant 0 : i32
        %dma_wait3A_34 = arith.constant 0 : i32
        %dma_wait3A_35 = tpu.memref_slice %arg10[%dma_wait3A_33, %dma_wait3A_34] : memref<10240x128xf32, #tpu.memory_space<vmem_shared>> -> memref<10240x128xf32, #tpu.memory_space<vmem_shared>>
        tpu.wait_indirect_dma semaphore(%run_scoped3A : memref<!tpu.dma_semaphore, #tpu.memory_space<semaphore_mem>>) src(%arg9 : memref<128x128xf32, #tpu.memory_space<vmem>>) dst(%dma_wait3A_35 : memref<10240x128xf32, #tpu.memory_space<vmem_shared>>)
        tpu.yield
      }) : () -> ()
    }
    %scan3A_7 = arith.constant 80 : i32
    %barrier3A_8 = arith.constant 0 : index
    tpu.barrier barrier_id(%barrier3A_8)
    %mul3A_9 = arith.constant 640 : i32
    %mul3A_10 = arith.muli %arg1, %mul3A_9 : i32
    %mul3A_11 = arith.constant 640 : i32
    %mul3A_12 = arith.muli %arg1, %mul3A_11 : i32
    "tpu.region"() ({
      %run_scoped3A = tpu.sem_alloc : memref<!tpu.dma_semaphore, #tpu.memory_space<semaphore_mem>>
      %dma_start3A = arith.constant 0 : i32
      %dma_start3A_13 = tpu.memref_slice %arg6[%arg0, %mul3A_12, %dma_start3A] : memref<2x10240x128xf32, #tpu.memory_space<hbm>> -> memref<1x640x128xf32, #tpu.memory_space<hbm>>
      %dma_start3A_14 = tpu.memref_squeeze %dma_start3A_13 : memref<1x640x128xf32, #tpu.memory_space<hbm>> -> memref<640x128xf32, #tpu.memory_space<hbm>>
      %dma_start3A_15 = arith.constant 0 : i32
      %dma_start3A_16 = tpu.memref_slice %arg10[%mul3A_10, %dma_start3A_15] : memref<10240x128xf32, #tpu.memory_space<vmem_shared>> -> memref<640x128xf32, #tpu.memory_space<vmem_shared>>
      tpu.enqueue_dma source(%dma_start3A_16 : memref<640x128xf32, #tpu.memory_space<vmem_shared>>) target(%dma_start3A_14 : memref<640x128xf32, #tpu.memory_space<hbm>>) target_semaphore(%run_scoped3A : memref<!tpu.dma_semaphore, #tpu.memory_space<semaphore_mem>>)
      %dma_wait3A = arith.constant 0 : i32
      %dma_wait3A_17 = tpu.memref_slice %arg6[%arg0, %mul3A_12, %dma_wait3A] : memref<2x10240x128xf32, #tpu.memory_space<hbm>> -> memref<1x640x128xf32, #tpu.memory_space<hbm>>
      %dma_wait3A_18 = tpu.memref_squeeze %dma_wait3A_17 : memref<1x640x128xf32, #tpu.memory_space<hbm>> -> memref<640x128xf32, #tpu.memory_space<hbm>>
      %dma_wait3A_19 = arith.constant 0 : i32
      %dma_wait3A_20 = tpu.memref_slice %arg10[%mul3A_10, %dma_wait3A_19] : memref<10240x128xf32, #tpu.memory_space<vmem_shared>> -> memref<640x128xf32, #tpu.memory_space<vmem_shared>>
      tpu.wait_dma2 semaphore(%run_scoped3A : memref<!tpu.dma_semaphore, #tpu.memory_space<semaphore_mem>>) src(%dma_wait3A_20 : memref<640x128xf32, #tpu.memory_space<vmem_shared>>) dst(%dma_wait3A_18 : memref<640x128xf32, #tpu.memory_space<hbm>>)
      tpu.yield
    }) : () -> ()
    return
  }
}

#map = affine_map<(d0, d1) -> (0, 0, 0)>
#map1 = affine_map<(d0, d1) -> (0, 0)>
module attributes {stable_mosaic.version = 14 : i64} {
  func.func @_deg_body(%arg0: i32, %arg1: i32, %arg2: memref<32x80x128xi32, #tpu.memory_space<hbm>>, %arg3: memref<128x128xf32, #tpu.memory_space<hbm>>, %arg4: memref<640x128xf32, #tpu.memory_space<hbm>>, %arg5: memref<2x10240x128xf32, #tpu.memory_space<hbm>>, %arg6: memref<80x128xi32, #tpu.memory_space<vmem>>, %arg7: memref<128x128xf32, #tpu.memory_space<vmem>>, %arg8: memref<10240x128xf32, #tpu.memory_space<vmem_shared>>) attributes {dimension_semantics = [#tpu.dimension_semantics<core_parallel>, #tpu.dimension_semantics<subcore_parallel>], iteration_bounds = array<i64: 2, 16>, scalar_prefetch = 0 : i64, scratch_operands = 3 : i64, tpu.core_type = #tpu.core_type<sc_vector_subcore>, window_params = [{transform_indices = #map}, {transform_indices = #map1}, {transform_indices = #map1}, {transform_indices = #map}]} {
    %mul3A = arith.constant 2 : i32
    %mul3A_0 = arith.muli %arg1, %mul3A : i32
    %add3A = arith.addi %mul3A_0, %arg0 : i32
    %mul3A_1 = arith.constant 640 : i32
    %mul3A_2 = arith.muli %arg1, %mul3A_1 : i32
    "tpu.region"() ({
      %run_scoped3A = tpu.sem_alloc : memref<!tpu.dma_semaphore, #tpu.memory_space<semaphore_mem>>
      %dma_start3A = arith.constant 0 : i32
      %dma_start3A_13 = tpu.memref_slice %arg8[%mul3A_2, %dma_start3A] : memref<10240x128xf32, #tpu.memory_space<vmem_shared>> -> memref<640x128xf32, #tpu.memory_space<vmem_shared>>
      tpu.enqueue_dma source(%arg4 : memref<640x128xf32, #tpu.memory_space<hbm>>) target(%dma_start3A_13 : memref<640x128xf32, #tpu.memory_space<vmem_shared>>) target_semaphore(%run_scoped3A : memref<!tpu.dma_semaphore, #tpu.memory_space<semaphore_mem>>)
      %dma_wait3A = arith.constant 0 : i32
      %dma_wait3A_14 = tpu.memref_slice %arg8[%mul3A_2, %dma_wait3A] : memref<10240x128xf32, #tpu.memory_space<vmem_shared>> -> memref<640x128xf32, #tpu.memory_space<vmem_shared>>
      tpu.wait_dma2 semaphore(%run_scoped3A : memref<!tpu.dma_semaphore, #tpu.memory_space<semaphore_mem>>) src(%arg4 : memref<640x128xf32, #tpu.memory_space<hbm>>) dst(%dma_wait3A_14 : memref<640x128xf32, #tpu.memory_space<vmem_shared>>)
      tpu.yield
    }) : () -> ()
    "tpu.region"() ({
      %run_scoped3A = tpu.sem_alloc : memref<!tpu.dma_semaphore, #tpu.memory_space<semaphore_mem>>
      %dma_start3A = arith.constant 0 : i32
      %dma_start3A_13 = arith.constant 0 : i32
      %dma_start3A_14 = tpu.memref_slice %arg2[%add3A, %dma_start3A, %dma_start3A_13] : memref<32x80x128xi32, #tpu.memory_space<hbm>> -> memref<1x80x128xi32, #tpu.memory_space<hbm>>
      %dma_start3A_15 = tpu.memref_squeeze %dma_start3A_14 : memref<1x80x128xi32, #tpu.memory_space<hbm>> -> memref<80x128xi32, #tpu.memory_space<hbm>>
      %dma_start3A_16 = arith.constant 0 : i32
      %dma_start3A_17 = arith.constant 0 : i32
      %dma_start3A_18 = tpu.memref_slice %arg2[%add3A, %dma_start3A_16, %dma_start3A_17] : memref<32x80x128xi32, #tpu.memory_space<hbm>> -> memref<1x80x128xi32, #tpu.memory_space<hbm>>
      %dma_start3A_19 = tpu.memref_squeeze %dma_start3A_18 : memref<1x80x128xi32, #tpu.memory_space<hbm>> -> memref<80x128xi32, #tpu.memory_space<hbm>>
      tpu.enqueue_dma source(%dma_start3A_19 : memref<80x128xi32, #tpu.memory_space<hbm>>) target(%arg6 : memref<80x128xi32, #tpu.memory_space<vmem>>) target_semaphore(%run_scoped3A : memref<!tpu.dma_semaphore, #tpu.memory_space<semaphore_mem>>)
      %dma_wait3A = arith.constant 0 : i32
      %dma_wait3A_20 = arith.constant 0 : i32
      %dma_wait3A_21 = tpu.memref_slice %arg2[%add3A, %dma_wait3A, %dma_wait3A_20] : memref<32x80x128xi32, #tpu.memory_space<hbm>> -> memref<1x80x128xi32, #tpu.memory_space<hbm>>
      %dma_wait3A_22 = tpu.memref_squeeze %dma_wait3A_21 : memref<1x80x128xi32, #tpu.memory_space<hbm>> -> memref<80x128xi32, #tpu.memory_space<hbm>>
      %dma_wait3A_23 = arith.constant 0 : i32
      %dma_wait3A_24 = arith.constant 0 : i32
      %dma_wait3A_25 = tpu.memref_slice %arg2[%add3A, %dma_wait3A_23, %dma_wait3A_24] : memref<32x80x128xi32, #tpu.memory_space<hbm>> -> memref<1x80x128xi32, #tpu.memory_space<hbm>>
      %dma_wait3A_26 = tpu.memref_squeeze %dma_wait3A_25 : memref<1x80x128xi32, #tpu.memory_space<hbm>> -> memref<80x128xi32, #tpu.memory_space<hbm>>
      tpu.wait_dma2 semaphore(%run_scoped3A : memref<!tpu.dma_semaphore, #tpu.memory_space<semaphore_mem>>) src(%dma_wait3A_26 : memref<80x128xi32, #tpu.memory_space<hbm>>) dst(%arg6 : memref<80x128xi32, #tpu.memory_space<vmem>>)
      tpu.yield
    }) : () -> ()
    "tpu.region"() ({
      %run_scoped3A = tpu.sem_alloc : memref<!tpu.dma_semaphore, #tpu.memory_space<semaphore_mem>>
      tpu.enqueue_dma source(%arg3 : memref<128x128xf32, #tpu.memory_space<hbm>>) target(%arg7 : memref<128x128xf32, #tpu.memory_space<vmem>>) target_semaphore(%run_scoped3A : memref<!tpu.dma_semaphore, #tpu.memory_space<semaphore_mem>>)
      tpu.wait_dma2 semaphore(%run_scoped3A : memref<!tpu.dma_semaphore, #tpu.memory_space<semaphore_mem>>) src(%arg3 : memref<128x128xf32, #tpu.memory_space<hbm>>) dst(%arg7 : memref<128x128xf32, #tpu.memory_space<vmem>>)
      tpu.yield
    }) : () -> ()
    %barrier3A = arith.constant 0 : index
    tpu.barrier barrier_id(%barrier3A)
    %scan3A = arith.constant 0 : i32
    %scan3A_3 = arith.constant 0 : i32
    %scan3A_4 = arith.constant 80 : i32
    %scan3A_5 = arith.addi %scan3A_3, %scan3A_4 : i32
    %scan3A_6 = arith.constant 1 : i32
    scf.for %scan3A_13 = %scan3A_3 to %scan3A_5 step %scan3A_6  : i32 {
      "tpu.region"() ({
        %run_scoped3A = tpu.sem_alloc : memref<!tpu.dma_semaphore, #tpu.memory_space<semaphore_mem>>
        %dma_start3A = arith.constant 0 : i32
        %dma_start3A_14 = tpu.memref_slice %arg6[%scan3A_13, %dma_start3A] : memref<80x128xi32, #tpu.memory_space<vmem>> -> memref<1x128xi32, #tpu.memory_space<vmem>>
        %dma_start3A_15 = tpu.memref_squeeze %dma_start3A_14 : memref<1x128xi32, #tpu.memory_space<vmem>> -> memref<128xi32, #tpu.memory_space<vmem>>
        %dma_start3A_16 = arith.constant 0 : i32
        %dma_start3A_17 = arith.constant 0 : i32
        %dma_start3A_18 = tpu.memref_slice %arg8[%dma_start3A_16, %dma_start3A_17] : memref<10240x128xf32, #tpu.memory_space<vmem_shared>> -> memref<10240x128xf32, #tpu.memory_space<vmem_shared>>
        tpu.enqueue_indirect_dma source(%arg7 : memref<128x128xf32, #tpu.memory_space<vmem>>) target(%dma_start3A_18 : memref<10240x128xf32, #tpu.memory_space<vmem_shared>>) offsets(%dma_start3A_15 : memref<128xi32, #tpu.memory_space<vmem>>) semaphore(%run_scoped3A : memref<!tpu.dma_semaphore, #tpu.memory_space<semaphore_mem>>) {add = true}
        %dma_wait3A = arith.constant 0 : i32
        %dma_wait3A_19 = tpu.memref_slice %arg6[%scan3A_13, %dma_wait3A] : memref<80x128xi32, #tpu.memory_space<vmem>> -> memref<1x128xi32, #tpu.memory_space<vmem>>
        %dma_wait3A_20 = tpu.memref_squeeze %dma_wait3A_19 : memref<1x128xi32, #tpu.memory_space<vmem>> -> memref<128xi32, #tpu.memory_space<vmem>>
        %dma_wait3A_21 = arith.constant 0 : i32
        %dma_wait3A_22 = arith.constant 0 : i32
        %dma_wait3A_23 = tpu.memref_slice %arg8[%dma_wait3A_21, %dma_wait3A_22] : memref<10240x128xf32, #tpu.memory_space<vmem_shared>> -> memref<10240x128xf32, #tpu.memory_space<vmem_shared>>
        tpu.wait_indirect_dma semaphore(%run_scoped3A : memref<!tpu.dma_semaphore, #tpu.memory_space<semaphore_mem>>) src(%arg7 : memref<128x128xf32, #tpu.memory_space<vmem>>) dst(%dma_wait3A_23 : memref<10240x128xf32, #tpu.memory_space<vmem_shared>>)
        tpu.yield
      }) : () -> ()
    }
    %scan3A_7 = arith.constant 80 : i32
    %barrier3A_8 = arith.constant 0 : index
    tpu.barrier barrier_id(%barrier3A_8)
    %mul3A_9 = arith.constant 640 : i32
    %mul3A_10 = arith.muli %arg1, %mul3A_9 : i32
    %mul3A_11 = arith.constant 640 : i32
    %mul3A_12 = arith.muli %arg1, %mul3A_11 : i32
    "tpu.region"() ({
      %run_scoped3A = tpu.sem_alloc : memref<!tpu.dma_semaphore, #tpu.memory_space<semaphore_mem>>
      %dma_start3A = arith.constant 0 : i32
      %dma_start3A_13 = tpu.memref_slice %arg5[%arg0, %mul3A_12, %dma_start3A] : memref<2x10240x128xf32, #tpu.memory_space<hbm>> -> memref<1x640x128xf32, #tpu.memory_space<hbm>>
      %dma_start3A_14 = tpu.memref_squeeze %dma_start3A_13 : memref<1x640x128xf32, #tpu.memory_space<hbm>> -> memref<640x128xf32, #tpu.memory_space<hbm>>
      %dma_start3A_15 = arith.constant 0 : i32
      %dma_start3A_16 = tpu.memref_slice %arg8[%mul3A_10, %dma_start3A_15] : memref<10240x128xf32, #tpu.memory_space<vmem_shared>> -> memref<640x128xf32, #tpu.memory_space<vmem_shared>>
      tpu.enqueue_dma source(%dma_start3A_16 : memref<640x128xf32, #tpu.memory_space<vmem_shared>>) target(%dma_start3A_14 : memref<640x128xf32, #tpu.memory_space<hbm>>) target_semaphore(%run_scoped3A : memref<!tpu.dma_semaphore, #tpu.memory_space<semaphore_mem>>)
      %dma_wait3A = arith.constant 0 : i32
      %dma_wait3A_17 = tpu.memref_slice %arg5[%arg0, %mul3A_12, %dma_wait3A] : memref<2x10240x128xf32, #tpu.memory_space<hbm>> -> memref<1x640x128xf32, #tpu.memory_space<hbm>>
      %dma_wait3A_18 = tpu.memref_squeeze %dma_wait3A_17 : memref<1x640x128xf32, #tpu.memory_space<hbm>> -> memref<640x128xf32, #tpu.memory_space<hbm>>
      %dma_wait3A_19 = arith.constant 0 : i32
      %dma_wait3A_20 = tpu.memref_slice %arg8[%mul3A_10, %dma_wait3A_19] : memref<10240x128xf32, #tpu.memory_space<vmem_shared>> -> memref<640x128xf32, #tpu.memory_space<vmem_shared>>
      tpu.wait_dma2 semaphore(%run_scoped3A : memref<!tpu.dma_semaphore, #tpu.memory_space<semaphore_mem>>) src(%dma_wait3A_20 : memref<640x128xf32, #tpu.memory_space<vmem_shared>>) dst(%dma_wait3A_18 : memref<640x128xf32, #tpu.memory_space<hbm>>)
      tpu.yield
    }) : () -> ()
    return
  }
}

#map = affine_map<(d0, d1) -> (0, 0)>
#map1 = affine_map<(d0, d1) -> (0, 0, 0)>
module attributes {stable_mosaic.version = 14 : i64} {
  func.func @_spmm_body(%arg0: i32, %arg1: i32, %arg2: memref<10240x64xf32, #tpu.memory_space<hbm>>, %arg3: memref<32x80x128xi32, #tpu.memory_space<hbm>>, %arg4: memref<32x80x128xi32, #tpu.memory_space<hbm>>, %arg5: memref<640x64xf32, #tpu.memory_space<hbm>>, %arg6: memref<2x10240x64xf32, #tpu.memory_space<hbm>>, %arg7: memref<80x128xi32, #tpu.memory_space<vmem>>, %arg8: memref<80x128xi32, #tpu.memory_space<vmem>>, %arg9: memref<128x64xf32, #tpu.memory_space<vmem>>, %arg10: memref<10240x64xf32, #tpu.memory_space<vmem_shared>>, %arg11: memref<!tpu.dma_semaphore, #tpu.memory_space<semaphore_mem>>) attributes {dimension_semantics = [#tpu.dimension_semantics<core_parallel>, #tpu.dimension_semantics<subcore_parallel>], iteration_bounds = array<i64: 2, 16>, scalar_prefetch = 0 : i64, scratch_operands = 5 : i64, tpu.core_type = #tpu.core_type<sc_vector_subcore>, window_params = [{transform_indices = #map}, {transform_indices = #map1}, {transform_indices = #map1}, {transform_indices = #map}, {transform_indices = #map1}]} {
    %mul3A = arith.constant 2 : i32
    %mul3A_0 = arith.muli %arg1, %mul3A : i32
    %add3A = arith.addi %mul3A_0, %arg0 : i32
    %mul3A_1 = arith.constant 640 : i32
    %mul3A_2 = arith.muli %arg1, %mul3A_1 : i32
    "tpu.region"() ({
      %run_scoped3A = tpu.sem_alloc : memref<!tpu.dma_semaphore, #tpu.memory_space<semaphore_mem>>
      %dma_start3A = arith.constant 0 : i32
      %dma_start3A_13 = tpu.memref_slice %arg10[%mul3A_2, %dma_start3A] : memref<10240x64xf32, #tpu.memory_space<vmem_shared>> -> memref<640x64xf32, #tpu.memory_space<vmem_shared>>
      tpu.enqueue_dma source(%arg5 : memref<640x64xf32, #tpu.memory_space<hbm>>) target(%dma_start3A_13 : memref<640x64xf32, #tpu.memory_space<vmem_shared>>) target_semaphore(%run_scoped3A : memref<!tpu.dma_semaphore, #tpu.memory_space<semaphore_mem>>)
      %dma_wait3A = arith.constant 0 : i32
      %dma_wait3A_14 = tpu.memref_slice %arg10[%mul3A_2, %dma_wait3A] : memref<10240x64xf32, #tpu.memory_space<vmem_shared>> -> memref<640x64xf32, #tpu.memory_space<vmem_shared>>
      tpu.wait_dma2 semaphore(%run_scoped3A : memref<!tpu.dma_semaphore, #tpu.memory_space<semaphore_mem>>) src(%arg5 : memref<640x64xf32, #tpu.memory_space<hbm>>) dst(%dma_wait3A_14 : memref<640x64xf32, #tpu.memory_space<vmem_shared>>)
      tpu.yield
    }) : () -> ()
    "tpu.region"() ({
      %run_scoped3A = tpu.sem_alloc : memref<!tpu.dma_semaphore, #tpu.memory_space<semaphore_mem>>
      %dma_start3A = arith.constant 0 : i32
      %dma_start3A_13 = arith.constant 0 : i32
      %dma_start3A_14 = tpu.memref_slice %arg3[%add3A, %dma_start3A, %dma_start3A_13] : memref<32x80x128xi32, #tpu.memory_space<hbm>> -> memref<1x80x128xi32, #tpu.memory_space<hbm>>
      %dma_start3A_15 = tpu.memref_squeeze %dma_start3A_14 : memref<1x80x128xi32, #tpu.memory_space<hbm>> -> memref<80x128xi32, #tpu.memory_space<hbm>>
      %dma_start3A_16 = arith.constant 0 : i32
      %dma_start3A_17 = arith.constant 0 : i32
      %dma_start3A_18 = tpu.memref_slice %arg3[%add3A, %dma_start3A_16, %dma_start3A_17] : memref<32x80x128xi32, #tpu.memory_space<hbm>> -> memref<1x80x128xi32, #tpu.memory_space<hbm>>
      %dma_start3A_19 = tpu.memref_squeeze %dma_start3A_18 : memref<1x80x128xi32, #tpu.memory_space<hbm>> -> memref<80x128xi32, #tpu.memory_space<hbm>>
      tpu.enqueue_dma source(%dma_start3A_19 : memref<80x128xi32, #tpu.memory_space<hbm>>) target(%arg7 : memref<80x128xi32, #tpu.memory_space<vmem>>) target_semaphore(%run_scoped3A : memref<!tpu.dma_semaphore, #tpu.memory_space<semaphore_mem>>)
      %dma_wait3A = arith.constant 0 : i32
      %dma_wait3A_20 = arith.constant 0 : i32
      %dma_wait3A_21 = tpu.memref_slice %arg3[%add3A, %dma_wait3A, %dma_wait3A_20] : memref<32x80x128xi32, #tpu.memory_space<hbm>> -> memref<1x80x128xi32, #tpu.memory_space<hbm>>
      %dma_wait3A_22 = tpu.memref_squeeze %dma_wait3A_21 : memref<1x80x128xi32, #tpu.memory_space<hbm>> -> memref<80x128xi32, #tpu.memory_space<hbm>>
      %dma_wait3A_23 = arith.constant 0 : i32
      %dma_wait3A_24 = arith.constant 0 : i32
      %dma_wait3A_25 = tpu.memref_slice %arg3[%add3A, %dma_wait3A_23, %dma_wait3A_24] : memref<32x80x128xi32, #tpu.memory_space<hbm>> -> memref<1x80x128xi32, #tpu.memory_space<hbm>>
      %dma_wait3A_26 = tpu.memref_squeeze %dma_wait3A_25 : memref<1x80x128xi32, #tpu.memory_space<hbm>> -> memref<80x128xi32, #tpu.memory_space<hbm>>
      tpu.wait_dma2 semaphore(%run_scoped3A : memref<!tpu.dma_semaphore, #tpu.memory_space<semaphore_mem>>) src(%dma_wait3A_26 : memref<80x128xi32, #tpu.memory_space<hbm>>) dst(%arg7 : memref<80x128xi32, #tpu.memory_space<vmem>>)
      tpu.yield
    }) : () -> ()
    "tpu.region"() ({
      %run_scoped3A = tpu.sem_alloc : memref<!tpu.dma_semaphore, #tpu.memory_space<semaphore_mem>>
      %dma_start3A = arith.constant 0 : i32
      %dma_start3A_13 = arith.constant 0 : i32
      %dma_start3A_14 = tpu.memref_slice %arg4[%add3A, %dma_start3A, %dma_start3A_13] : memref<32x80x128xi32, #tpu.memory_space<hbm>> -> memref<1x80x128xi32, #tpu.memory_space<hbm>>
      %dma_start3A_15 = tpu.memref_squeeze %dma_start3A_14 : memref<1x80x128xi32, #tpu.memory_space<hbm>> -> memref<80x128xi32, #tpu.memory_space<hbm>>
      %dma_start3A_16 = arith.constant 0 : i32
      %dma_start3A_17 = arith.constant 0 : i32
      %dma_start3A_18 = tpu.memref_slice %arg4[%add3A, %dma_start3A_16, %dma_start3A_17] : memref<32x80x128xi32, #tpu.memory_space<hbm>> -> memref<1x80x128xi32, #tpu.memory_space<hbm>>
      %dma_start3A_19 = tpu.memref_squeeze %dma_start3A_18 : memref<1x80x128xi32, #tpu.memory_space<hbm>> -> memref<80x128xi32, #tpu.memory_space<hbm>>
      tpu.enqueue_dma source(%dma_start3A_19 : memref<80x128xi32, #tpu.memory_space<hbm>>) target(%arg8 : memref<80x128xi32, #tpu.memory_space<vmem>>) target_semaphore(%run_scoped3A : memref<!tpu.dma_semaphore, #tpu.memory_space<semaphore_mem>>)
      %dma_wait3A = arith.constant 0 : i32
      %dma_wait3A_20 = arith.constant 0 : i32
      %dma_wait3A_21 = tpu.memref_slice %arg4[%add3A, %dma_wait3A, %dma_wait3A_20] : memref<32x80x128xi32, #tpu.memory_space<hbm>> -> memref<1x80x128xi32, #tpu.memory_space<hbm>>
      %dma_wait3A_22 = tpu.memref_squeeze %dma_wait3A_21 : memref<1x80x128xi32, #tpu.memory_space<hbm>> -> memref<80x128xi32, #tpu.memory_space<hbm>>
      %dma_wait3A_23 = arith.constant 0 : i32
      %dma_wait3A_24 = arith.constant 0 : i32
      %dma_wait3A_25 = tpu.memref_slice %arg4[%add3A, %dma_wait3A_23, %dma_wait3A_24] : memref<32x80x128xi32, #tpu.memory_space<hbm>> -> memref<1x80x128xi32, #tpu.memory_space<hbm>>
      %dma_wait3A_26 = tpu.memref_squeeze %dma_wait3A_25 : memref<1x80x128xi32, #tpu.memory_space<hbm>> -> memref<80x128xi32, #tpu.memory_space<hbm>>
      tpu.wait_dma2 semaphore(%run_scoped3A : memref<!tpu.dma_semaphore, #tpu.memory_space<semaphore_mem>>) src(%dma_wait3A_26 : memref<80x128xi32, #tpu.memory_space<hbm>>) dst(%arg8 : memref<80x128xi32, #tpu.memory_space<vmem>>)
      tpu.yield
    }) : () -> ()
    %barrier3A = arith.constant 0 : index
    tpu.barrier barrier_id(%barrier3A)
    %scan3A = arith.constant 0 : i32
    %scan3A_3 = arith.constant 0 : i32
    %scan3A_4 = arith.constant 80 : i32
    %scan3A_5 = arith.addi %scan3A_3, %scan3A_4 : i32
    %scan3A_6 = arith.constant 1 : i32
    scf.for %scan3A_13 = %scan3A_3 to %scan3A_5 step %scan3A_6  : i32 {
      %dma_start3A = arith.constant 0 : i32
      %dma_start3A_14 = tpu.memref_slice %arg7[%scan3A_13, %dma_start3A] : memref<80x128xi32, #tpu.memory_space<vmem>> -> memref<1x128xi32, #tpu.memory_space<vmem>>
      %dma_start3A_15 = tpu.memref_squeeze %dma_start3A_14 : memref<1x128xi32, #tpu.memory_space<vmem>> -> memref<128xi32, #tpu.memory_space<vmem>>
      %dma_start3A_16 = arith.constant 0 : i32
      %dma_start3A_17 = arith.constant 0 : i32
      %dma_start3A_18 = tpu.memref_slice %arg2[%dma_start3A_16, %dma_start3A_17] : memref<10240x64xf32, #tpu.memory_space<hbm>> -> memref<10240x64xf32, #tpu.memory_space<hbm>>
      tpu.enqueue_indirect_dma source(%dma_start3A_18 : memref<10240x64xf32, #tpu.memory_space<hbm>>) target(%arg9 : memref<128x64xf32, #tpu.memory_space<vmem>>) offsets(%dma_start3A_15 : memref<128xi32, #tpu.memory_space<vmem>>) semaphore(%arg11 : memref<!tpu.dma_semaphore, #tpu.memory_space<semaphore_mem>>)
      %dma_wait3A = arith.constant 0 : i32
      %dma_wait3A_19 = tpu.memref_slice %arg7[%scan3A_13, %dma_wait3A] : memref<80x128xi32, #tpu.memory_space<vmem>> -> memref<1x128xi32, #tpu.memory_space<vmem>>
      %dma_wait3A_20 = tpu.memref_squeeze %dma_wait3A_19 : memref<1x128xi32, #tpu.memory_space<vmem>> -> memref<128xi32, #tpu.memory_space<vmem>>
      %dma_wait3A_21 = arith.constant 0 : i32
      %dma_wait3A_22 = arith.constant 0 : i32
      %dma_wait3A_23 = tpu.memref_slice %arg2[%dma_wait3A_21, %dma_wait3A_22] : memref<10240x64xf32, #tpu.memory_space<hbm>> -> memref<10240x64xf32, #tpu.memory_space<hbm>>
      tpu.wait_indirect_dma semaphore(%arg11 : memref<!tpu.dma_semaphore, #tpu.memory_space<semaphore_mem>>) src(%dma_wait3A_23 : memref<10240x64xf32, #tpu.memory_space<hbm>>) dst(%arg9 : memref<128x64xf32, #tpu.memory_space<vmem>>)
      "tpu.region"() ({
        %run_scoped3A = tpu.sem_alloc : memref<!tpu.dma_semaphore, #tpu.memory_space<semaphore_mem>>
        %dma_start3A_24 = arith.constant 0 : i32
        %dma_start3A_25 = tpu.memref_slice %arg8[%scan3A_13, %dma_start3A_24] : memref<80x128xi32, #tpu.memory_space<vmem>> -> memref<1x128xi32, #tpu.memory_space<vmem>>
        %dma_start3A_26 = tpu.memref_squeeze %dma_start3A_25 : memref<1x128xi32, #tpu.memory_space<vmem>> -> memref<128xi32, #tpu.memory_space<vmem>>
        %dma_start3A_27 = arith.constant 0 : i32
        %dma_start3A_28 = arith.constant 0 : i32
        %dma_start3A_29 = tpu.memref_slice %arg10[%dma_start3A_27, %dma_start3A_28] : memref<10240x64xf32, #tpu.memory_space<vmem_shared>> -> memref<10240x64xf32, #tpu.memory_space<vmem_shared>>
        tpu.enqueue_indirect_dma source(%arg9 : memref<128x64xf32, #tpu.memory_space<vmem>>) target(%dma_start3A_29 : memref<10240x64xf32, #tpu.memory_space<vmem_shared>>) offsets(%dma_start3A_26 : memref<128xi32, #tpu.memory_space<vmem>>) semaphore(%run_scoped3A : memref<!tpu.dma_semaphore, #tpu.memory_space<semaphore_mem>>) {add = true}
        %dma_wait3A_30 = arith.constant 0 : i32
        %dma_wait3A_31 = tpu.memref_slice %arg8[%scan3A_13, %dma_wait3A_30] : memref<80x128xi32, #tpu.memory_space<vmem>> -> memref<1x128xi32, #tpu.memory_space<vmem>>
        %dma_wait3A_32 = tpu.memref_squeeze %dma_wait3A_31 : memref<1x128xi32, #tpu.memory_space<vmem>> -> memref<128xi32, #tpu.memory_space<vmem>>
        %dma_wait3A_33 = arith.constant 0 : i32
        %dma_wait3A_34 = arith.constant 0 : i32
        %dma_wait3A_35 = tpu.memref_slice %arg10[%dma_wait3A_33, %dma_wait3A_34] : memref<10240x64xf32, #tpu.memory_space<vmem_shared>> -> memref<10240x64xf32, #tpu.memory_space<vmem_shared>>
        tpu.wait_indirect_dma semaphore(%run_scoped3A : memref<!tpu.dma_semaphore, #tpu.memory_space<semaphore_mem>>) src(%arg9 : memref<128x64xf32, #tpu.memory_space<vmem>>) dst(%dma_wait3A_35 : memref<10240x64xf32, #tpu.memory_space<vmem_shared>>)
        tpu.yield
      }) : () -> ()
    }
    %scan3A_7 = arith.constant 80 : i32
    %barrier3A_8 = arith.constant 0 : index
    tpu.barrier barrier_id(%barrier3A_8)
    %mul3A_9 = arith.constant 640 : i32
    %mul3A_10 = arith.muli %arg1, %mul3A_9 : i32
    %mul3A_11 = arith.constant 640 : i32
    %mul3A_12 = arith.muli %arg1, %mul3A_11 : i32
    "tpu.region"() ({
      %run_scoped3A = tpu.sem_alloc : memref<!tpu.dma_semaphore, #tpu.memory_space<semaphore_mem>>
      %dma_start3A = arith.constant 0 : i32
      %dma_start3A_13 = tpu.memref_slice %arg6[%arg0, %mul3A_12, %dma_start3A] : memref<2x10240x64xf32, #tpu.memory_space<hbm>> -> memref<1x640x64xf32, #tpu.memory_space<hbm>>
      %dma_start3A_14 = tpu.memref_squeeze %dma_start3A_13 : memref<1x640x64xf32, #tpu.memory_space<hbm>> -> memref<640x64xf32, #tpu.memory_space<hbm>>
      %dma_start3A_15 = arith.constant 0 : i32
      %dma_start3A_16 = tpu.memref_slice %arg10[%mul3A_10, %dma_start3A_15] : memref<10240x64xf32, #tpu.memory_space<vmem_shared>> -> memref<640x64xf32, #tpu.memory_space<vmem_shared>>
      tpu.enqueue_dma source(%dma_start3A_16 : memref<640x64xf32, #tpu.memory_space<vmem_shared>>) target(%dma_start3A_14 : memref<640x64xf32, #tpu.memory_space<hbm>>) target_semaphore(%run_scoped3A : memref<!tpu.dma_semaphore, #tpu.memory_space<semaphore_mem>>)
      %dma_wait3A = arith.constant 0 : i32
      %dma_wait3A_17 = tpu.memref_slice %arg6[%arg0, %mul3A_12, %dma_wait3A] : memref<2x10240x64xf32, #tpu.memory_space<hbm>> -> memref<1x640x64xf32, #tpu.memory_space<hbm>>
      %dma_wait3A_18 = tpu.memref_squeeze %dma_wait3A_17 : memref<1x640x64xf32, #tpu.memory_space<hbm>> -> memref<640x64xf32, #tpu.memory_space<hbm>>
      %dma_wait3A_19 = arith.constant 0 : i32
      %dma_wait3A_20 = tpu.memref_slice %arg10[%mul3A_10, %dma_wait3A_19] : memref<10240x64xf32, #tpu.memory_space<vmem_shared>> -> memref<640x64xf32, #tpu.memory_space<vmem_shared>>
      tpu.wait_dma2 semaphore(%run_scoped3A : memref<!tpu.dma_semaphore, #tpu.memory_space<semaphore_mem>>) src(%dma_wait3A_20 : memref<640x64xf32, #tpu.memory_space<vmem_shared>>) dst(%dma_wait3A_18 : memref<640x64xf32, #tpu.memory_space<hbm>>)
      tpu.yield
    }) : () -> ()
    return
  }
}

#map = affine_map<(d0, d1) -> (0, 0)>
#map1 = affine_map<(d0, d1) -> (0, 0, 0)>
module attributes {stable_mosaic.version = 14 : i64} {
  func.func @_spmm_body(%arg0: i32, %arg1: i32, %arg2: memref<10240x128xf32, #tpu.memory_space<hbm>>, %arg3: memref<32x80x128xi32, #tpu.memory_space<hbm>>, %arg4: memref<32x80x128xi32, #tpu.memory_space<hbm>>, %arg5: memref<640x128xf32, #tpu.memory_space<hbm>>, %arg6: memref<2x10240x128xf32, #tpu.memory_space<hbm>>, %arg7: memref<80x128xi32, #tpu.memory_space<vmem>>, %arg8: memref<80x128xi32, #tpu.memory_space<vmem>>, %arg9: memref<128x128xf32, #tpu.memory_space<vmem>>, %arg10: memref<10240x128xf32, #tpu.memory_space<vmem_shared>>, %arg11: memref<!tpu.dma_semaphore, #tpu.memory_space<semaphore_mem>>) attributes {dimension_semantics = [#tpu.dimension_semantics<core_parallel>, #tpu.dimension_semantics<subcore_parallel>], iteration_bounds = array<i64: 2, 16>, scalar_prefetch = 0 : i64, scratch_operands = 5 : i64, tpu.core_type = #tpu.core_type<sc_vector_subcore>, window_params = [{transform_indices = #map}, {transform_indices = #map1}, {transform_indices = #map1}, {transform_indices = #map}, {transform_indices = #map1}]} {
    %mul3A = arith.constant 2 : i32
    %mul3A_0 = arith.muli %arg1, %mul3A : i32
    %add3A = arith.addi %mul3A_0, %arg0 : i32
    %mul3A_1 = arith.constant 640 : i32
    %mul3A_2 = arith.muli %arg1, %mul3A_1 : i32
    "tpu.region"() ({
      %run_scoped3A = tpu.sem_alloc : memref<!tpu.dma_semaphore, #tpu.memory_space<semaphore_mem>>
      %dma_start3A = arith.constant 0 : i32
      %dma_start3A_13 = tpu.memref_slice %arg10[%mul3A_2, %dma_start3A] : memref<10240x128xf32, #tpu.memory_space<vmem_shared>> -> memref<640x128xf32, #tpu.memory_space<vmem_shared>>
      tpu.enqueue_dma source(%arg5 : memref<640x128xf32, #tpu.memory_space<hbm>>) target(%dma_start3A_13 : memref<640x128xf32, #tpu.memory_space<vmem_shared>>) target_semaphore(%run_scoped3A : memref<!tpu.dma_semaphore, #tpu.memory_space<semaphore_mem>>)
      %dma_wait3A = arith.constant 0 : i32
      %dma_wait3A_14 = tpu.memref_slice %arg10[%mul3A_2, %dma_wait3A] : memref<10240x128xf32, #tpu.memory_space<vmem_shared>> -> memref<640x128xf32, #tpu.memory_space<vmem_shared>>
      tpu.wait_dma2 semaphore(%run_scoped3A : memref<!tpu.dma_semaphore, #tpu.memory_space<semaphore_mem>>) src(%arg5 : memref<640x128xf32, #tpu.memory_space<hbm>>) dst(%dma_wait3A_14 : memref<640x128xf32, #tpu.memory_space<vmem_shared>>)
      tpu.yield
    }) : () -> ()
    "tpu.region"() ({
      %run_scoped3A = tpu.sem_alloc : memref<!tpu.dma_semaphore, #tpu.memory_space<semaphore_mem>>
      %dma_start3A = arith.constant 0 : i32
      %dma_start3A_13 = arith.constant 0 : i32
      %dma_start3A_14 = tpu.memref_slice %arg3[%add3A, %dma_start3A, %dma_start3A_13] : memref<32x80x128xi32, #tpu.memory_space<hbm>> -> memref<1x80x128xi32, #tpu.memory_space<hbm>>
      %dma_start3A_15 = tpu.memref_squeeze %dma_start3A_14 : memref<1x80x128xi32, #tpu.memory_space<hbm>> -> memref<80x128xi32, #tpu.memory_space<hbm>>
      %dma_start3A_16 = arith.constant 0 : i32
      %dma_start3A_17 = arith.constant 0 : i32
      %dma_start3A_18 = tpu.memref_slice %arg3[%add3A, %dma_start3A_16, %dma_start3A_17] : memref<32x80x128xi32, #tpu.memory_space<hbm>> -> memref<1x80x128xi32, #tpu.memory_space<hbm>>
      %dma_start3A_19 = tpu.memref_squeeze %dma_start3A_18 : memref<1x80x128xi32, #tpu.memory_space<hbm>> -> memref<80x128xi32, #tpu.memory_space<hbm>>
      tpu.enqueue_dma source(%dma_start3A_19 : memref<80x128xi32, #tpu.memory_space<hbm>>) target(%arg7 : memref<80x128xi32, #tpu.memory_space<vmem>>) target_semaphore(%run_scoped3A : memref<!tpu.dma_semaphore, #tpu.memory_space<semaphore_mem>>)
      %dma_wait3A = arith.constant 0 : i32
      %dma_wait3A_20 = arith.constant 0 : i32
      %dma_wait3A_21 = tpu.memref_slice %arg3[%add3A, %dma_wait3A, %dma_wait3A_20] : memref<32x80x128xi32, #tpu.memory_space<hbm>> -> memref<1x80x128xi32, #tpu.memory_space<hbm>>
      %dma_wait3A_22 = tpu.memref_squeeze %dma_wait3A_21 : memref<1x80x128xi32, #tpu.memory_space<hbm>> -> memref<80x128xi32, #tpu.memory_space<hbm>>
      %dma_wait3A_23 = arith.constant 0 : i32
      %dma_wait3A_24 = arith.constant 0 : i32
      %dma_wait3A_25 = tpu.memref_slice %arg3[%add3A, %dma_wait3A_23, %dma_wait3A_24] : memref<32x80x128xi32, #tpu.memory_space<hbm>> -> memref<1x80x128xi32, #tpu.memory_space<hbm>>
      %dma_wait3A_26 = tpu.memref_squeeze %dma_wait3A_25 : memref<1x80x128xi32, #tpu.memory_space<hbm>> -> memref<80x128xi32, #tpu.memory_space<hbm>>
      tpu.wait_dma2 semaphore(%run_scoped3A : memref<!tpu.dma_semaphore, #tpu.memory_space<semaphore_mem>>) src(%dma_wait3A_26 : memref<80x128xi32, #tpu.memory_space<hbm>>) dst(%arg7 : memref<80x128xi32, #tpu.memory_space<vmem>>)
      tpu.yield
    }) : () -> ()
    "tpu.region"() ({
      %run_scoped3A = tpu.sem_alloc : memref<!tpu.dma_semaphore, #tpu.memory_space<semaphore_mem>>
      %dma_start3A = arith.constant 0 : i32
      %dma_start3A_13 = arith.constant 0 : i32
      %dma_start3A_14 = tpu.memref_slice %arg4[%add3A, %dma_start3A, %dma_start3A_13] : memref<32x80x128xi32, #tpu.memory_space<hbm>> -> memref<1x80x128xi32, #tpu.memory_space<hbm>>
      %dma_start3A_15 = tpu.memref_squeeze %dma_start3A_14 : memref<1x80x128xi32, #tpu.memory_space<hbm>> -> memref<80x128xi32, #tpu.memory_space<hbm>>
      %dma_start3A_16 = arith.constant 0 : i32
      %dma_start3A_17 = arith.constant 0 : i32
      %dma_start3A_18 = tpu.memref_slice %arg4[%add3A, %dma_start3A_16, %dma_start3A_17] : memref<32x80x128xi32, #tpu.memory_space<hbm>> -> memref<1x80x128xi32, #tpu.memory_space<hbm>>
      %dma_start3A_19 = tpu.memref_squeeze %dma_start3A_18 : memref<1x80x128xi32, #tpu.memory_space<hbm>> -> memref<80x128xi32, #tpu.memory_space<hbm>>
      tpu.enqueue_dma source(%dma_start3A_19 : memref<80x128xi32, #tpu.memory_space<hbm>>) target(%arg8 : memref<80x128xi32, #tpu.memory_space<vmem>>) target_semaphore(%run_scoped3A : memref<!tpu.dma_semaphore, #tpu.memory_space<semaphore_mem>>)
      %dma_wait3A = arith.constant 0 : i32
      %dma_wait3A_20 = arith.constant 0 : i32
      %dma_wait3A_21 = tpu.memref_slice %arg4[%add3A, %dma_wait3A, %dma_wait3A_20] : memref<32x80x128xi32, #tpu.memory_space<hbm>> -> memref<1x80x128xi32, #tpu.memory_space<hbm>>
      %dma_wait3A_22 = tpu.memref_squeeze %dma_wait3A_21 : memref<1x80x128xi32, #tpu.memory_space<hbm>> -> memref<80x128xi32, #tpu.memory_space<hbm>>
      %dma_wait3A_23 = arith.constant 0 : i32
      %dma_wait3A_24 = arith.constant 0 : i32
      %dma_wait3A_25 = tpu.memref_slice %arg4[%add3A, %dma_wait3A_23, %dma_wait3A_24] : memref<32x80x128xi32, #tpu.memory_space<hbm>> -> memref<1x80x128xi32, #tpu.memory_space<hbm>>
      %dma_wait3A_26 = tpu.memref_squeeze %dma_wait3A_25 : memref<1x80x128xi32, #tpu.memory_space<hbm>> -> memref<80x128xi32, #tpu.memory_space<hbm>>
      tpu.wait_dma2 semaphore(%run_scoped3A : memref<!tpu.dma_semaphore, #tpu.memory_space<semaphore_mem>>) src(%dma_wait3A_26 : memref<80x128xi32, #tpu.memory_space<hbm>>) dst(%arg8 : memref<80x128xi32, #tpu.memory_space<vmem>>)
      tpu.yield
    }) : () -> ()
    %barrier3A = arith.constant 0 : index
    tpu.barrier barrier_id(%barrier3A)
    %scan3A = arith.constant 0 : i32
    %scan3A_3 = arith.constant 0 : i32
    %scan3A_4 = arith.constant 80 : i32
    %scan3A_5 = arith.addi %scan3A_3, %scan3A_4 : i32
    %scan3A_6 = arith.constant 1 : i32
    scf.for %scan3A_13 = %scan3A_3 to %scan3A_5 step %scan3A_6  : i32 {
      %dma_start3A = arith.constant 0 : i32
      %dma_start3A_14 = tpu.memref_slice %arg7[%scan3A_13, %dma_start3A] : memref<80x128xi32, #tpu.memory_space<vmem>> -> memref<1x128xi32, #tpu.memory_space<vmem>>
      %dma_start3A_15 = tpu.memref_squeeze %dma_start3A_14 : memref<1x128xi32, #tpu.memory_space<vmem>> -> memref<128xi32, #tpu.memory_space<vmem>>
      %dma_start3A_16 = arith.constant 0 : i32
      %dma_start3A_17 = arith.constant 0 : i32
      %dma_start3A_18 = tpu.memref_slice %arg2[%dma_start3A_16, %dma_start3A_17] : memref<10240x128xf32, #tpu.memory_space<hbm>> -> memref<10240x128xf32, #tpu.memory_space<hbm>>
      tpu.enqueue_indirect_dma source(%dma_start3A_18 : memref<10240x128xf32, #tpu.memory_space<hbm>>) target(%arg9 : memref<128x128xf32, #tpu.memory_space<vmem>>) offsets(%dma_start3A_15 : memref<128xi32, #tpu.memory_space<vmem>>) semaphore(%arg11 : memref<!tpu.dma_semaphore, #tpu.memory_space<semaphore_mem>>)
      %dma_wait3A = arith.constant 0 : i32
      %dma_wait3A_19 = tpu.memref_slice %arg7[%scan3A_13, %dma_wait3A] : memref<80x128xi32, #tpu.memory_space<vmem>> -> memref<1x128xi32, #tpu.memory_space<vmem>>
      %dma_wait3A_20 = tpu.memref_squeeze %dma_wait3A_19 : memref<1x128xi32, #tpu.memory_space<vmem>> -> memref<128xi32, #tpu.memory_space<vmem>>
      %dma_wait3A_21 = arith.constant 0 : i32
      %dma_wait3A_22 = arith.constant 0 : i32
      %dma_wait3A_23 = tpu.memref_slice %arg2[%dma_wait3A_21, %dma_wait3A_22] : memref<10240x128xf32, #tpu.memory_space<hbm>> -> memref<10240x128xf32, #tpu.memory_space<hbm>>
      tpu.wait_indirect_dma semaphore(%arg11 : memref<!tpu.dma_semaphore, #tpu.memory_space<semaphore_mem>>) src(%dma_wait3A_23 : memref<10240x128xf32, #tpu.memory_space<hbm>>) dst(%arg9 : memref<128x128xf32, #tpu.memory_space<vmem>>)
      "tpu.region"() ({
        %run_scoped3A = tpu.sem_alloc : memref<!tpu.dma_semaphore, #tpu.memory_space<semaphore_mem>>
        %dma_start3A_24 = arith.constant 0 : i32
        %dma_start3A_25 = tpu.memref_slice %arg8[%scan3A_13, %dma_start3A_24] : memref<80x128xi32, #tpu.memory_space<vmem>> -> memref<1x128xi32, #tpu.memory_space<vmem>>
        %dma_start3A_26 = tpu.memref_squeeze %dma_start3A_25 : memref<1x128xi32, #tpu.memory_space<vmem>> -> memref<128xi32, #tpu.memory_space<vmem>>
        %dma_start3A_27 = arith.constant 0 : i32
        %dma_start3A_28 = arith.constant 0 : i32
        %dma_start3A_29 = tpu.memref_slice %arg10[%dma_start3A_27, %dma_start3A_28] : memref<10240x128xf32, #tpu.memory_space<vmem_shared>> -> memref<10240x128xf32, #tpu.memory_space<vmem_shared>>
        tpu.enqueue_indirect_dma source(%arg9 : memref<128x128xf32, #tpu.memory_space<vmem>>) target(%dma_start3A_29 : memref<10240x128xf32, #tpu.memory_space<vmem_shared>>) offsets(%dma_start3A_26 : memref<128xi32, #tpu.memory_space<vmem>>) semaphore(%run_scoped3A : memref<!tpu.dma_semaphore, #tpu.memory_space<semaphore_mem>>) {add = true}
        %dma_wait3A_30 = arith.constant 0 : i32
        %dma_wait3A_31 = tpu.memref_slice %arg8[%scan3A_13, %dma_wait3A_30] : memref<80x128xi32, #tpu.memory_space<vmem>> -> memref<1x128xi32, #tpu.memory_space<vmem>>
        %dma_wait3A_32 = tpu.memref_squeeze %dma_wait3A_31 : memref<1x128xi32, #tpu.memory_space<vmem>> -> memref<128xi32, #tpu.memory_space<vmem>>
        %dma_wait3A_33 = arith.constant 0 : i32
        %dma_wait3A_34 = arith.constant 0 : i32
        %dma_wait3A_35 = tpu.memref_slice %arg10[%dma_wait3A_33, %dma_wait3A_34] : memref<10240x128xf32, #tpu.memory_space<vmem_shared>> -> memref<10240x128xf32, #tpu.memory_space<vmem_shared>>
        tpu.wait_indirect_dma semaphore(%run_scoped3A : memref<!tpu.dma_semaphore, #tpu.memory_space<semaphore_mem>>) src(%arg9 : memref<128x128xf32, #tpu.memory_space<vmem>>) dst(%dma_wait3A_35 : memref<10240x128xf32, #tpu.memory_space<vmem_shared>>)
        tpu.yield
      }) : () -> ()
    }
    %scan3A_7 = arith.constant 80 : i32
    %barrier3A_8 = arith.constant 0 : index
    tpu.barrier barrier_id(%barrier3A_8)
    %mul3A_9 = arith.constant 640 : i32
    %mul3A_10 = arith.muli %arg1, %mul3A_9 : i32
    %mul3A_11 = arith.constant 640 : i32
    %mul3A_12 = arith.muli %arg1, %mul3A_11 : i32
    "tpu.region"() ({
      %run_scoped3A = tpu.sem_alloc : memref<!tpu.dma_semaphore, #tpu.memory_space<semaphore_mem>>
      %dma_start3A = arith.constant 0 : i32
      %dma_start3A_13 = tpu.memref_slice %arg6[%arg0, %mul3A_12, %dma_start3A] : memref<2x10240x128xf32, #tpu.memory_space<hbm>> -> memref<1x640x128xf32, #tpu.memory_space<hbm>>
      %dma_start3A_14 = tpu.memref_squeeze %dma_start3A_13 : memref<1x640x128xf32, #tpu.memory_space<hbm>> -> memref<640x128xf32, #tpu.memory_space<hbm>>
      %dma_start3A_15 = arith.constant 0 : i32
      %dma_start3A_16 = tpu.memref_slice %arg10[%mul3A_10, %dma_start3A_15] : memref<10240x128xf32, #tpu.memory_space<vmem_shared>> -> memref<640x128xf32, #tpu.memory_space<vmem_shared>>
      tpu.enqueue_dma source(%dma_start3A_16 : memref<640x128xf32, #tpu.memory_space<vmem_shared>>) target(%dma_start3A_14 : memref<640x128xf32, #tpu.memory_space<hbm>>) target_semaphore(%run_scoped3A : memref<!tpu.dma_semaphore, #tpu.memory_space<semaphore_mem>>)
      %dma_wait3A = arith.constant 0 : i32
      %dma_wait3A_17 = tpu.memref_slice %arg6[%arg0, %mul3A_12, %dma_wait3A] : memref<2x10240x128xf32, #tpu.memory_space<hbm>> -> memref<1x640x128xf32, #tpu.memory_space<hbm>>
      %dma_wait3A_18 = tpu.memref_squeeze %dma_wait3A_17 : memref<1x640x128xf32, #tpu.memory_space<hbm>> -> memref<640x128xf32, #tpu.memory_space<hbm>>
      %dma_wait3A_19 = arith.constant 0 : i32
      %dma_wait3A_20 = tpu.memref_slice %arg10[%mul3A_10, %dma_wait3A_19] : memref<10240x128xf32, #tpu.memory_space<vmem_shared>> -> memref<640x128xf32, #tpu.memory_space<vmem_shared>>
      tpu.wait_dma2 semaphore(%run_scoped3A : memref<!tpu.dma_semaphore, #tpu.memory_space<semaphore_mem>>) src(%dma_wait3A_20 : memref<640x128xf32, #tpu.memory_space<vmem_shared>>) dst(%dma_wait3A_18 : memref<640x128xf32, #tpu.memory_space<hbm>>)
      tpu.yield
    }) : () -> ()
    return
  }
}

#map = affine_map<(d0, d1) -> (0, 0)>
#map1 = affine_map<(d0, d1) -> (0, 0, 0)>
module attributes {stable_mosaic.version = 14 : i64} {
  func.func @_spmm_body(%arg0: i32, %arg1: i32, %arg2: memref<10240x64xf32, #tpu.memory_space<hbm>>, %arg3: memref<32x80x128xi32, #tpu.memory_space<hbm>>, %arg4: memref<32x80x128xi32, #tpu.memory_space<hbm>>, %arg5: memref<640x64xf32, #tpu.memory_space<hbm>>, %arg6: memref<2x10240x64xf32, #tpu.memory_space<hbm>>, %arg7: memref<80x128xi32, #tpu.memory_space<vmem>>, %arg8: memref<80x128xi32, #tpu.memory_space<vmem>>, %arg9: memref<128x64xf32, #tpu.memory_space<vmem>>, %arg10: memref<10240x64xf32, #tpu.memory_space<vmem_shared>>, %arg11: memref<!tpu.dma_semaphore, #tpu.memory_space<semaphore_mem>>) attributes {dimension_semantics = [#tpu.dimension_semantics<core_parallel>, #tpu.dimension_semantics<subcore_parallel>], iteration_bounds = array<i64: 2, 16>, scalar_prefetch = 0 : i64, scratch_operands = 5 : i64, tpu.core_type = #tpu.core_type<sc_vector_subcore>, window_params = [{transform_indices = #map}, {transform_indices = #map1}, {transform_indices = #map1}, {transform_indices = #map}, {transform_indices = #map1}]} {
    %mul3A = arith.constant 2 : i32
    %mul3A_0 = arith.muli %arg1, %mul3A : i32
    %add3A = arith.addi %mul3A_0, %arg0 : i32
    %mul3A_1 = arith.constant 640 : i32
    %mul3A_2 = arith.muli %arg1, %mul3A_1 : i32
    "tpu.region"() ({
      %run_scoped3A = tpu.sem_alloc : memref<!tpu.dma_semaphore, #tpu.memory_space<semaphore_mem>>
      %dma_start3A = arith.constant 0 : i32
      %dma_start3A_13 = tpu.memref_slice %arg10[%mul3A_2, %dma_start3A] : memref<10240x64xf32, #tpu.memory_space<vmem_shared>> -> memref<640x64xf32, #tpu.memory_space<vmem_shared>>
      tpu.enqueue_dma source(%arg5 : memref<640x64xf32, #tpu.memory_space<hbm>>) target(%dma_start3A_13 : memref<640x64xf32, #tpu.memory_space<vmem_shared>>) target_semaphore(%run_scoped3A : memref<!tpu.dma_semaphore, #tpu.memory_space<semaphore_mem>>)
      %dma_wait3A = arith.constant 0 : i32
      %dma_wait3A_14 = tpu.memref_slice %arg10[%mul3A_2, %dma_wait3A] : memref<10240x64xf32, #tpu.memory_space<vmem_shared>> -> memref<640x64xf32, #tpu.memory_space<vmem_shared>>
      tpu.wait_dma2 semaphore(%run_scoped3A : memref<!tpu.dma_semaphore, #tpu.memory_space<semaphore_mem>>) src(%arg5 : memref<640x64xf32, #tpu.memory_space<hbm>>) dst(%dma_wait3A_14 : memref<640x64xf32, #tpu.memory_space<vmem_shared>>)
      tpu.yield
    }) : () -> ()
    "tpu.region"() ({
      %run_scoped3A = tpu.sem_alloc : memref<!tpu.dma_semaphore, #tpu.memory_space<semaphore_mem>>
      %dma_start3A = arith.constant 0 : i32
      %dma_start3A_13 = arith.constant 0 : i32
      %dma_start3A_14 = tpu.memref_slice %arg3[%add3A, %dma_start3A, %dma_start3A_13] : memref<32x80x128xi32, #tpu.memory_space<hbm>> -> memref<1x80x128xi32, #tpu.memory_space<hbm>>
      %dma_start3A_15 = tpu.memref_squeeze %dma_start3A_14 : memref<1x80x128xi32, #tpu.memory_space<hbm>> -> memref<80x128xi32, #tpu.memory_space<hbm>>
      %dma_start3A_16 = arith.constant 0 : i32
      %dma_start3A_17 = arith.constant 0 : i32
      %dma_start3A_18 = tpu.memref_slice %arg3[%add3A, %dma_start3A_16, %dma_start3A_17] : memref<32x80x128xi32, #tpu.memory_space<hbm>> -> memref<1x80x128xi32, #tpu.memory_space<hbm>>
      %dma_start3A_19 = tpu.memref_squeeze %dma_start3A_18 : memref<1x80x128xi32, #tpu.memory_space<hbm>> -> memref<80x128xi32, #tpu.memory_space<hbm>>
      tpu.enqueue_dma source(%dma_start3A_19 : memref<80x128xi32, #tpu.memory_space<hbm>>) target(%arg7 : memref<80x128xi32, #tpu.memory_space<vmem>>) target_semaphore(%run_scoped3A : memref<!tpu.dma_semaphore, #tpu.memory_space<semaphore_mem>>)
      %dma_wait3A = arith.constant 0 : i32
      %dma_wait3A_20 = arith.constant 0 : i32
      %dma_wait3A_21 = tpu.memref_slice %arg3[%add3A, %dma_wait3A, %dma_wait3A_20] : memref<32x80x128xi32, #tpu.memory_space<hbm>> -> memref<1x80x128xi32, #tpu.memory_space<hbm>>
      %dma_wait3A_22 = tpu.memref_squeeze %dma_wait3A_21 : memref<1x80x128xi32, #tpu.memory_space<hbm>> -> memref<80x128xi32, #tpu.memory_space<hbm>>
      %dma_wait3A_23 = arith.constant 0 : i32
      %dma_wait3A_24 = arith.constant 0 : i32
      %dma_wait3A_25 = tpu.memref_slice %arg3[%add3A, %dma_wait3A_23, %dma_wait3A_24] : memref<32x80x128xi32, #tpu.memory_space<hbm>> -> memref<1x80x128xi32, #tpu.memory_space<hbm>>
      %dma_wait3A_26 = tpu.memref_squeeze %dma_wait3A_25 : memref<1x80x128xi32, #tpu.memory_space<hbm>> -> memref<80x128xi32, #tpu.memory_space<hbm>>
      tpu.wait_dma2 semaphore(%run_scoped3A : memref<!tpu.dma_semaphore, #tpu.memory_space<semaphore_mem>>) src(%dma_wait3A_26 : memref<80x128xi32, #tpu.memory_space<hbm>>) dst(%arg7 : memref<80x128xi32, #tpu.memory_space<vmem>>)
      tpu.yield
    }) : () -> ()
    "tpu.region"() ({
      %run_scoped3A = tpu.sem_alloc : memref<!tpu.dma_semaphore, #tpu.memory_space<semaphore_mem>>
      %dma_start3A = arith.constant 0 : i32
      %dma_start3A_13 = arith.constant 0 : i32
      %dma_start3A_14 = tpu.memref_slice %arg4[%add3A, %dma_start3A, %dma_start3A_13] : memref<32x80x128xi32, #tpu.memory_space<hbm>> -> memref<1x80x128xi32, #tpu.memory_space<hbm>>
      %dma_start3A_15 = tpu.memref_squeeze %dma_start3A_14 : memref<1x80x128xi32, #tpu.memory_space<hbm>> -> memref<80x128xi32, #tpu.memory_space<hbm>>
      %dma_start3A_16 = arith.constant 0 : i32
      %dma_start3A_17 = arith.constant 0 : i32
      %dma_start3A_18 = tpu.memref_slice %arg4[%add3A, %dma_start3A_16, %dma_start3A_17] : memref<32x80x128xi32, #tpu.memory_space<hbm>> -> memref<1x80x128xi32, #tpu.memory_space<hbm>>
      %dma_start3A_19 = tpu.memref_squeeze %dma_start3A_18 : memref<1x80x128xi32, #tpu.memory_space<hbm>> -> memref<80x128xi32, #tpu.memory_space<hbm>>
      tpu.enqueue_dma source(%dma_start3A_19 : memref<80x128xi32, #tpu.memory_space<hbm>>) target(%arg8 : memref<80x128xi32, #tpu.memory_space<vmem>>) target_semaphore(%run_scoped3A : memref<!tpu.dma_semaphore, #tpu.memory_space<semaphore_mem>>)
      %dma_wait3A = arith.constant 0 : i32
      %dma_wait3A_20 = arith.constant 0 : i32
      %dma_wait3A_21 = tpu.memref_slice %arg4[%add3A, %dma_wait3A, %dma_wait3A_20] : memref<32x80x128xi32, #tpu.memory_space<hbm>> -> memref<1x80x128xi32, #tpu.memory_space<hbm>>
      %dma_wait3A_22 = tpu.memref_squeeze %dma_wait3A_21 : memref<1x80x128xi32, #tpu.memory_space<hbm>> -> memref<80x128xi32, #tpu.memory_space<hbm>>
      %dma_wait3A_23 = arith.constant 0 : i32
      %dma_wait3A_24 = arith.constant 0 : i32
      %dma_wait3A_25 = tpu.memref_slice %arg4[%add3A, %dma_wait3A_23, %dma_wait3A_24] : memref<32x80x128xi32, #tpu.memory_space<hbm>> -> memref<1x80x128xi32, #tpu.memory_space<hbm>>
      %dma_wait3A_26 = tpu.memref_squeeze %dma_wait3A_25 : memref<1x80x128xi32, #tpu.memory_space<hbm>> -> memref<80x128xi32, #tpu.memory_space<hbm>>
      tpu.wait_dma2 semaphore(%run_scoped3A : memref<!tpu.dma_semaphore, #tpu.memory_space<semaphore_mem>>) src(%dma_wait3A_26 : memref<80x128xi32, #tpu.memory_space<hbm>>) dst(%arg8 : memref<80x128xi32, #tpu.memory_space<vmem>>)
      tpu.yield
    }) : () -> ()
    %barrier3A = arith.constant 0 : index
    tpu.barrier barrier_id(%barrier3A)
    %scan3A = arith.constant 0 : i32
    %scan3A_3 = arith.constant 0 : i32
    %scan3A_4 = arith.constant 80 : i32
    %scan3A_5 = arith.addi %scan3A_3, %scan3A_4 : i32
    %scan3A_6 = arith.constant 1 : i32
    scf.for %scan3A_13 = %scan3A_3 to %scan3A_5 step %scan3A_6  : i32 {
      %dma_start3A = arith.constant 0 : i32
      %dma_start3A_14 = tpu.memref_slice %arg7[%scan3A_13, %dma_start3A] : memref<80x128xi32, #tpu.memory_space<vmem>> -> memref<1x128xi32, #tpu.memory_space<vmem>>
      %dma_start3A_15 = tpu.memref_squeeze %dma_start3A_14 : memref<1x128xi32, #tpu.memory_space<vmem>> -> memref<128xi32, #tpu.memory_space<vmem>>
      %dma_start3A_16 = arith.constant 0 : i32
      %dma_start3A_17 = arith.constant 0 : i32
      %dma_start3A_18 = tpu.memref_slice %arg2[%dma_start3A_16, %dma_start3A_17] : memref<10240x64xf32, #tpu.memory_space<hbm>> -> memref<10240x64xf32, #tpu.memory_space<hbm>>
      tpu.enqueue_indirect_dma source(%dma_start3A_18 : memref<10240x64xf32, #tpu.memory_space<hbm>>) target(%arg9 : memref<128x64xf32, #tpu.memory_space<vmem>>) offsets(%dma_start3A_15 : memref<128xi32, #tpu.memory_space<vmem>>) semaphore(%arg11 : memref<!tpu.dma_semaphore, #tpu.memory_space<semaphore_mem>>)
      %dma_wait3A = arith.constant 0 : i32
      %dma_wait3A_19 = tpu.memref_slice %arg7[%scan3A_13, %dma_wait3A] : memref<80x128xi32, #tpu.memory_space<vmem>> -> memref<1x128xi32, #tpu.memory_space<vmem>>
      %dma_wait3A_20 = tpu.memref_squeeze %dma_wait3A_19 : memref<1x128xi32, #tpu.memory_space<vmem>> -> memref<128xi32, #tpu.memory_space<vmem>>
      %dma_wait3A_21 = arith.constant 0 : i32
      %dma_wait3A_22 = arith.constant 0 : i32
      %dma_wait3A_23 = tpu.memref_slice %arg2[%dma_wait3A_21, %dma_wait3A_22] : memref<10240x64xf32, #tpu.memory_space<hbm>> -> memref<10240x64xf32, #tpu.memory_space<hbm>>
      tpu.wait_indirect_dma semaphore(%arg11 : memref<!tpu.dma_semaphore, #tpu.memory_space<semaphore_mem>>) src(%dma_wait3A_23 : memref<10240x64xf32, #tpu.memory_space<hbm>>) dst(%arg9 : memref<128x64xf32, #tpu.memory_space<vmem>>)
      "tpu.region"() ({
        %run_scoped3A = tpu.sem_alloc : memref<!tpu.dma_semaphore, #tpu.memory_space<semaphore_mem>>
        %dma_start3A_24 = arith.constant 0 : i32
        %dma_start3A_25 = tpu.memref_slice %arg8[%scan3A_13, %dma_start3A_24] : memref<80x128xi32, #tpu.memory_space<vmem>> -> memref<1x128xi32, #tpu.memory_space<vmem>>
        %dma_start3A_26 = tpu.memref_squeeze %dma_start3A_25 : memref<1x128xi32, #tpu.memory_space<vmem>> -> memref<128xi32, #tpu.memory_space<vmem>>
        %dma_start3A_27 = arith.constant 0 : i32
        %dma_start3A_28 = arith.constant 0 : i32
        %dma_start3A_29 = tpu.memref_slice %arg10[%dma_start3A_27, %dma_start3A_28] : memref<10240x64xf32, #tpu.memory_space<vmem_shared>> -> memref<10240x64xf32, #tpu.memory_space<vmem_shared>>
        tpu.enqueue_indirect_dma source(%arg9 : memref<128x64xf32, #tpu.memory_space<vmem>>) target(%dma_start3A_29 : memref<10240x64xf32, #tpu.memory_space<vmem_shared>>) offsets(%dma_start3A_26 : memref<128xi32, #tpu.memory_space<vmem>>) semaphore(%run_scoped3A : memref<!tpu.dma_semaphore, #tpu.memory_space<semaphore_mem>>) {add = true}
        %dma_wait3A_30 = arith.constant 0 : i32
        %dma_wait3A_31 = tpu.memref_slice %arg8[%scan3A_13, %dma_wait3A_30] : memref<80x128xi32, #tpu.memory_space<vmem>> -> memref<1x128xi32, #tpu.memory_space<vmem>>
        %dma_wait3A_32 = tpu.memref_squeeze %dma_wait3A_31 : memref<1x128xi32, #tpu.memory_space<vmem>> -> memref<128xi32, #tpu.memory_space<vmem>>
        %dma_wait3A_33 = arith.constant 0 : i32
        %dma_wait3A_34 = arith.constant 0 : i32
        %dma_wait3A_35 = tpu.memref_slice %arg10[%dma_wait3A_33, %dma_wait3A_34] : memref<10240x64xf32, #tpu.memory_space<vmem_shared>> -> memref<10240x64xf32, #tpu.memory_space<vmem_shared>>
        tpu.wait_indirect_dma semaphore(%run_scoped3A : memref<!tpu.dma_semaphore, #tpu.memory_space<semaphore_mem>>) src(%arg9 : memref<128x64xf32, #tpu.memory_space<vmem>>) dst(%dma_wait3A_35 : memref<10240x64xf32, #tpu.memory_space<vmem_shared>>)
        tpu.yield
      }) : () -> ()
    }
    %scan3A_7 = arith.constant 80 : i32
    %barrier3A_8 = arith.constant 0 : index
    tpu.barrier barrier_id(%barrier3A_8)
    %mul3A_9 = arith.constant 640 : i32
    %mul3A_10 = arith.muli %arg1, %mul3A_9 : i32
    %mul3A_11 = arith.constant 640 : i32
    %mul3A_12 = arith.muli %arg1, %mul3A_11 : i32
    "tpu.region"() ({
      %run_scoped3A = tpu.sem_alloc : memref<!tpu.dma_semaphore, #tpu.memory_space<semaphore_mem>>
      %dma_start3A = arith.constant 0 : i32
      %dma_start3A_13 = tpu.memref_slice %arg6[%arg0, %mul3A_12, %dma_start3A] : memref<2x10240x64xf32, #tpu.memory_space<hbm>> -> memref<1x640x64xf32, #tpu.memory_space<hbm>>
      %dma_start3A_14 = tpu.memref_squeeze %dma_start3A_13 : memref<1x640x64xf32, #tpu.memory_space<hbm>> -> memref<640x64xf32, #tpu.memory_space<hbm>>
      %dma_start3A_15 = arith.constant 0 : i32
      %dma_start3A_16 = tpu.memref_slice %arg10[%mul3A_10, %dma_start3A_15] : memref<10240x64xf32, #tpu.memory_space<vmem_shared>> -> memref<640x64xf32, #tpu.memory_space<vmem_shared>>
      tpu.enqueue_dma source(%dma_start3A_16 : memref<640x64xf32, #tpu.memory_space<vmem_shared>>) target(%dma_start3A_14 : memref<640x64xf32, #tpu.memory_space<hbm>>) target_semaphore(%run_scoped3A : memref<!tpu.dma_semaphore, #tpu.memory_space<semaphore_mem>>)
      %dma_wait3A = arith.constant 0 : i32
      %dma_wait3A_17 = tpu.memref_slice %arg6[%arg0, %mul3A_12, %dma_wait3A] : memref<2x10240x64xf32, #tpu.memory_space<hbm>> -> memref<1x640x64xf32, #tpu.memory_space<hbm>>
      %dma_wait3A_18 = tpu.memref_squeeze %dma_wait3A_17 : memref<1x640x64xf32, #tpu.memory_space<hbm>> -> memref<640x64xf32, #tpu.memory_space<hbm>>
      %dma_wait3A_19 = arith.constant 0 : i32
      %dma_wait3A_20 = tpu.memref_slice %arg10[%mul3A_10, %dma_wait3A_19] : memref<10240x64xf32, #tpu.memory_space<vmem_shared>> -> memref<640x64xf32, #tpu.memory_space<vmem_shared>>
      tpu.wait_dma2 semaphore(%run_scoped3A : memref<!tpu.dma_semaphore, #tpu.memory_space<semaphore_mem>>) src(%dma_wait3A_20 : memref<640x64xf32, #tpu.memory_space<vmem_shared>>) dst(%dma_wait3A_18 : memref<640x64xf32, #tpu.memory_space<hbm>>)
      tpu.yield
    }) : () -> ()
    return
  }
}

#map = affine_map<(d0, d1) -> (0, 0)>
#map1 = affine_map<(d0, d1) -> (0, 0, 0)>
module attributes {stable_mosaic.version = 14 : i64} {
  func.func @_spmm_body(%arg0: i32, %arg1: i32, %arg2: memref<10240x64xf32, #tpu.memory_space<hbm>>, %arg3: memref<32x80x128xi32, #tpu.memory_space<hbm>>, %arg4: memref<32x80x128xi32, #tpu.memory_space<hbm>>, %arg5: memref<640x64xf32, #tpu.memory_space<hbm>>, %arg6: memref<2x10240x64xf32, #tpu.memory_space<hbm>>, %arg7: memref<80x128xi32, #tpu.memory_space<vmem>>, %arg8: memref<80x128xi32, #tpu.memory_space<vmem>>, %arg9: memref<128x64xf32, #tpu.memory_space<vmem>>, %arg10: memref<10240x64xf32, #tpu.memory_space<vmem_shared>>, %arg11: memref<!tpu.dma_semaphore, #tpu.memory_space<semaphore_mem>>) attributes {dimension_semantics = [#tpu.dimension_semantics<core_parallel>, #tpu.dimension_semantics<subcore_parallel>], iteration_bounds = array<i64: 2, 16>, scalar_prefetch = 0 : i64, scratch_operands = 5 : i64, tpu.core_type = #tpu.core_type<sc_vector_subcore>, window_params = [{transform_indices = #map}, {transform_indices = #map1}, {transform_indices = #map1}, {transform_indices = #map}, {transform_indices = #map1}]} {
    %mul3A = arith.constant 2 : i32
    %mul3A_0 = arith.muli %arg1, %mul3A : i32
    %add3A = arith.addi %mul3A_0, %arg0 : i32
    %mul3A_1 = arith.constant 640 : i32
    %mul3A_2 = arith.muli %arg1, %mul3A_1 : i32
    "tpu.region"() ({
      %run_scoped3A = tpu.sem_alloc : memref<!tpu.dma_semaphore, #tpu.memory_space<semaphore_mem>>
      %dma_start3A = arith.constant 0 : i32
      %dma_start3A_13 = tpu.memref_slice %arg10[%mul3A_2, %dma_start3A] : memref<10240x64xf32, #tpu.memory_space<vmem_shared>> -> memref<640x64xf32, #tpu.memory_space<vmem_shared>>
      tpu.enqueue_dma source(%arg5 : memref<640x64xf32, #tpu.memory_space<hbm>>) target(%dma_start3A_13 : memref<640x64xf32, #tpu.memory_space<vmem_shared>>) target_semaphore(%run_scoped3A : memref<!tpu.dma_semaphore, #tpu.memory_space<semaphore_mem>>)
      %dma_wait3A = arith.constant 0 : i32
      %dma_wait3A_14 = tpu.memref_slice %arg10[%mul3A_2, %dma_wait3A] : memref<10240x64xf32, #tpu.memory_space<vmem_shared>> -> memref<640x64xf32, #tpu.memory_space<vmem_shared>>
      tpu.wait_dma2 semaphore(%run_scoped3A : memref<!tpu.dma_semaphore, #tpu.memory_space<semaphore_mem>>) src(%arg5 : memref<640x64xf32, #tpu.memory_space<hbm>>) dst(%dma_wait3A_14 : memref<640x64xf32, #tpu.memory_space<vmem_shared>>)
      tpu.yield
    }) : () -> ()
    "tpu.region"() ({
      %run_scoped3A = tpu.sem_alloc : memref<!tpu.dma_semaphore, #tpu.memory_space<semaphore_mem>>
      %dma_start3A = arith.constant 0 : i32
      %dma_start3A_13 = arith.constant 0 : i32
      %dma_start3A_14 = tpu.memref_slice %arg3[%add3A, %dma_start3A, %dma_start3A_13] : memref<32x80x128xi32, #tpu.memory_space<hbm>> -> memref<1x80x128xi32, #tpu.memory_space<hbm>>
      %dma_start3A_15 = tpu.memref_squeeze %dma_start3A_14 : memref<1x80x128xi32, #tpu.memory_space<hbm>> -> memref<80x128xi32, #tpu.memory_space<hbm>>
      %dma_start3A_16 = arith.constant 0 : i32
      %dma_start3A_17 = arith.constant 0 : i32
      %dma_start3A_18 = tpu.memref_slice %arg3[%add3A, %dma_start3A_16, %dma_start3A_17] : memref<32x80x128xi32, #tpu.memory_space<hbm>> -> memref<1x80x128xi32, #tpu.memory_space<hbm>>
      %dma_start3A_19 = tpu.memref_squeeze %dma_start3A_18 : memref<1x80x128xi32, #tpu.memory_space<hbm>> -> memref<80x128xi32, #tpu.memory_space<hbm>>
      tpu.enqueue_dma source(%dma_start3A_19 : memref<80x128xi32, #tpu.memory_space<hbm>>) target(%arg7 : memref<80x128xi32, #tpu.memory_space<vmem>>) target_semaphore(%run_scoped3A : memref<!tpu.dma_semaphore, #tpu.memory_space<semaphore_mem>>)
      %dma_wait3A = arith.constant 0 : i32
      %dma_wait3A_20 = arith.constant 0 : i32
      %dma_wait3A_21 = tpu.memref_slice %arg3[%add3A, %dma_wait3A, %dma_wait3A_20] : memref<32x80x128xi32, #tpu.memory_space<hbm>> -> memref<1x80x128xi32, #tpu.memory_space<hbm>>
      %dma_wait3A_22 = tpu.memref_squeeze %dma_wait3A_21 : memref<1x80x128xi32, #tpu.memory_space<hbm>> -> memref<80x128xi32, #tpu.memory_space<hbm>>
      %dma_wait3A_23 = arith.constant 0 : i32
      %dma_wait3A_24 = arith.constant 0 : i32
      %dma_wait3A_25 = tpu.memref_slice %arg3[%add3A, %dma_wait3A_23, %dma_wait3A_24] : memref<32x80x128xi32, #tpu.memory_space<hbm>> -> memref<1x80x128xi32, #tpu.memory_space<hbm>>
      %dma_wait3A_26 = tpu.memref_squeeze %dma_wait3A_25 : memref<1x80x128xi32, #tpu.memory_space<hbm>> -> memref<80x128xi32, #tpu.memory_space<hbm>>
      tpu.wait_dma2 semaphore(%run_scoped3A : memref<!tpu.dma_semaphore, #tpu.memory_space<semaphore_mem>>) src(%dma_wait3A_26 : memref<80x128xi32, #tpu.memory_space<hbm>>) dst(%arg7 : memref<80x128xi32, #tpu.memory_space<vmem>>)
      tpu.yield
    }) : () -> ()
    "tpu.region"() ({
      %run_scoped3A = tpu.sem_alloc : memref<!tpu.dma_semaphore, #tpu.memory_space<semaphore_mem>>
      %dma_start3A = arith.constant 0 : i32
      %dma_start3A_13 = arith.constant 0 : i32
      %dma_start3A_14 = tpu.memref_slice %arg4[%add3A, %dma_start3A, %dma_start3A_13] : memref<32x80x128xi32, #tpu.memory_space<hbm>> -> memref<1x80x128xi32, #tpu.memory_space<hbm>>
      %dma_start3A_15 = tpu.memref_squeeze %dma_start3A_14 : memref<1x80x128xi32, #tpu.memory_space<hbm>> -> memref<80x128xi32, #tpu.memory_space<hbm>>
      %dma_start3A_16 = arith.constant 0 : i32
      %dma_start3A_17 = arith.constant 0 : i32
      %dma_start3A_18 = tpu.memref_slice %arg4[%add3A, %dma_start3A_16, %dma_start3A_17] : memref<32x80x128xi32, #tpu.memory_space<hbm>> -> memref<1x80x128xi32, #tpu.memory_space<hbm>>
      %dma_start3A_19 = tpu.memref_squeeze %dma_start3A_18 : memref<1x80x128xi32, #tpu.memory_space<hbm>> -> memref<80x128xi32, #tpu.memory_space<hbm>>
      tpu.enqueue_dma source(%dma_start3A_19 : memref<80x128xi32, #tpu.memory_space<hbm>>) target(%arg8 : memref<80x128xi32, #tpu.memory_space<vmem>>) target_semaphore(%run_scoped3A : memref<!tpu.dma_semaphore, #tpu.memory_space<semaphore_mem>>)
      %dma_wait3A = arith.constant 0 : i32
      %dma_wait3A_20 = arith.constant 0 : i32
      %dma_wait3A_21 = tpu.memref_slice %arg4[%add3A, %dma_wait3A, %dma_wait3A_20] : memref<32x80x128xi32, #tpu.memory_space<hbm>> -> memref<1x80x128xi32, #tpu.memory_space<hbm>>
      %dma_wait3A_22 = tpu.memref_squeeze %dma_wait3A_21 : memref<1x80x128xi32, #tpu.memory_space<hbm>> -> memref<80x128xi32, #tpu.memory_space<hbm>>
      %dma_wait3A_23 = arith.constant 0 : i32
      %dma_wait3A_24 = arith.constant 0 : i32
      %dma_wait3A_25 = tpu.memref_slice %arg4[%add3A, %dma_wait3A_23, %dma_wait3A_24] : memref<32x80x128xi32, #tpu.memory_space<hbm>> -> memref<1x80x128xi32, #tpu.memory_space<hbm>>
      %dma_wait3A_26 = tpu.memref_squeeze %dma_wait3A_25 : memref<1x80x128xi32, #tpu.memory_space<hbm>> -> memref<80x128xi32, #tpu.memory_space<hbm>>
      tpu.wait_dma2 semaphore(%run_scoped3A : memref<!tpu.dma_semaphore, #tpu.memory_space<semaphore_mem>>) src(%dma_wait3A_26 : memref<80x128xi32, #tpu.memory_space<hbm>>) dst(%arg8 : memref<80x128xi32, #tpu.memory_space<vmem>>)
      tpu.yield
    }) : () -> ()
    %barrier3A = arith.constant 0 : index
    tpu.barrier barrier_id(%barrier3A)
    %scan3A = arith.constant 0 : i32
    %scan3A_3 = arith.constant 0 : i32
    %scan3A_4 = arith.constant 80 : i32
    %scan3A_5 = arith.addi %scan3A_3, %scan3A_4 : i32
    %scan3A_6 = arith.constant 1 : i32
    scf.for %scan3A_13 = %scan3A_3 to %scan3A_5 step %scan3A_6  : i32 {
      %dma_start3A = arith.constant 0 : i32
      %dma_start3A_14 = tpu.memref_slice %arg7[%scan3A_13, %dma_start3A] : memref<80x128xi32, #tpu.memory_space<vmem>> -> memref<1x128xi32, #tpu.memory_space<vmem>>
      %dma_start3A_15 = tpu.memref_squeeze %dma_start3A_14 : memref<1x128xi32, #tpu.memory_space<vmem>> -> memref<128xi32, #tpu.memory_space<vmem>>
      %dma_start3A_16 = arith.constant 0 : i32
      %dma_start3A_17 = arith.constant 0 : i32
      %dma_start3A_18 = tpu.memref_slice %arg2[%dma_start3A_16, %dma_start3A_17] : memref<10240x64xf32, #tpu.memory_space<hbm>> -> memref<10240x64xf32, #tpu.memory_space<hbm>>
      tpu.enqueue_indirect_dma source(%dma_start3A_18 : memref<10240x64xf32, #tpu.memory_space<hbm>>) target(%arg9 : memref<128x64xf32, #tpu.memory_space<vmem>>) offsets(%dma_start3A_15 : memref<128xi32, #tpu.memory_space<vmem>>) semaphore(%arg11 : memref<!tpu.dma_semaphore, #tpu.memory_space<semaphore_mem>>)
      %dma_wait3A = arith.constant 0 : i32
      %dma_wait3A_19 = tpu.memref_slice %arg7[%scan3A_13, %dma_wait3A] : memref<80x128xi32, #tpu.memory_space<vmem>> -> memref<1x128xi32, #tpu.memory_space<vmem>>
      %dma_wait3A_20 = tpu.memref_squeeze %dma_wait3A_19 : memref<1x128xi32, #tpu.memory_space<vmem>> -> memref<128xi32, #tpu.memory_space<vmem>>
      %dma_wait3A_21 = arith.constant 0 : i32
      %dma_wait3A_22 = arith.constant 0 : i32
      %dma_wait3A_23 = tpu.memref_slice %arg2[%dma_wait3A_21, %dma_wait3A_22] : memref<10240x64xf32, #tpu.memory_space<hbm>> -> memref<10240x64xf32, #tpu.memory_space<hbm>>
      tpu.wait_indirect_dma semaphore(%arg11 : memref<!tpu.dma_semaphore, #tpu.memory_space<semaphore_mem>>) src(%dma_wait3A_23 : memref<10240x64xf32, #tpu.memory_space<hbm>>) dst(%arg9 : memref<128x64xf32, #tpu.memory_space<vmem>>)
      "tpu.region"() ({
        %run_scoped3A = tpu.sem_alloc : memref<!tpu.dma_semaphore, #tpu.memory_space<semaphore_mem>>
        %dma_start3A_24 = arith.constant 0 : i32
        %dma_start3A_25 = tpu.memref_slice %arg8[%scan3A_13, %dma_start3A_24] : memref<80x128xi32, #tpu.memory_space<vmem>> -> memref<1x128xi32, #tpu.memory_space<vmem>>
        %dma_start3A_26 = tpu.memref_squeeze %dma_start3A_25 : memref<1x128xi32, #tpu.memory_space<vmem>> -> memref<128xi32, #tpu.memory_space<vmem>>
        %dma_start3A_27 = arith.constant 0 : i32
        %dma_start3A_28 = arith.constant 0 : i32
        %dma_start3A_29 = tpu.memref_slice %arg10[%dma_start3A_27, %dma_start3A_28] : memref<10240x64xf32, #tpu.memory_space<vmem_shared>> -> memref<10240x64xf32, #tpu.memory_space<vmem_shared>>
        tpu.enqueue_indirect_dma source(%arg9 : memref<128x64xf32, #tpu.memory_space<vmem>>) target(%dma_start3A_29 : memref<10240x64xf32, #tpu.memory_space<vmem_shared>>) offsets(%dma_start3A_26 : memref<128xi32, #tpu.memory_space<vmem>>) semaphore(%run_scoped3A : memref<!tpu.dma_semaphore, #tpu.memory_space<semaphore_mem>>) {add = true}
        %dma_wait3A_30 = arith.constant 0 : i32
        %dma_wait3A_31 = tpu.memref_slice %arg8[%scan3A_13, %dma_wait3A_30] : memref<80x128xi32, #tpu.memory_space<vmem>> -> memref<1x128xi32, #tpu.memory_space<vmem>>
        %dma_wait3A_32 = tpu.memref_squeeze %dma_wait3A_31 : memref<1x128xi32, #tpu.memory_space<vmem>> -> memref<128xi32, #tpu.memory_space<vmem>>
        %dma_wait3A_33 = arith.constant 0 : i32
        %dma_wait3A_34 = arith.constant 0 : i32
        %dma_wait3A_35 = tpu.memref_slice %arg10[%dma_wait3A_33, %dma_wait3A_34] : memref<10240x64xf32, #tpu.memory_space<vmem_shared>> -> memref<10240x64xf32, #tpu.memory_space<vmem_shared>>
        tpu.wait_indirect_dma semaphore(%run_scoped3A : memref<!tpu.dma_semaphore, #tpu.memory_space<semaphore_mem>>) src(%arg9 : memref<128x64xf32, #tpu.memory_space<vmem>>) dst(%dma_wait3A_35 : memref<10240x64xf32, #tpu.memory_space<vmem_shared>>)
        tpu.yield
      }) : () -> ()
    }
    %scan3A_7 = arith.constant 80 : i32
    %barrier3A_8 = arith.constant 0 : index
    tpu.barrier barrier_id(%barrier3A_8)
    %mul3A_9 = arith.constant 640 : i32
    %mul3A_10 = arith.muli %arg1, %mul3A_9 : i32
    %mul3A_11 = arith.constant 640 : i32
    %mul3A_12 = arith.muli %arg1, %mul3A_11 : i32
    "tpu.region"() ({
      %run_scoped3A = tpu.sem_alloc : memref<!tpu.dma_semaphore, #tpu.memory_space<semaphore_mem>>
      %dma_start3A = arith.constant 0 : i32
      %dma_start3A_13 = tpu.memref_slice %arg6[%arg0, %mul3A_12, %dma_start3A] : memref<2x10240x64xf32, #tpu.memory_space<hbm>> -> memref<1x640x64xf32, #tpu.memory_space<hbm>>
      %dma_start3A_14 = tpu.memref_squeeze %dma_start3A_13 : memref<1x640x64xf32, #tpu.memory_space<hbm>> -> memref<640x64xf32, #tpu.memory_space<hbm>>
      %dma_start3A_15 = arith.constant 0 : i32
      %dma_start3A_16 = tpu.memref_slice %arg10[%mul3A_10, %dma_start3A_15] : memref<10240x64xf32, #tpu.memory_space<vmem_shared>> -> memref<640x64xf32, #tpu.memory_space<vmem_shared>>
      tpu.enqueue_dma source(%dma_start3A_16 : memref<640x64xf32, #tpu.memory_space<vmem_shared>>) target(%dma_start3A_14 : memref<640x64xf32, #tpu.memory_space<hbm>>) target_semaphore(%run_scoped3A : memref<!tpu.dma_semaphore, #tpu.memory_space<semaphore_mem>>)
      %dma_wait3A = arith.constant 0 : i32
      %dma_wait3A_17 = tpu.memref_slice %arg6[%arg0, %mul3A_12, %dma_wait3A] : memref<2x10240x64xf32, #tpu.memory_space<hbm>> -> memref<1x640x64xf32, #tpu.memory_space<hbm>>
      %dma_wait3A_18 = tpu.memref_squeeze %dma_wait3A_17 : memref<1x640x64xf32, #tpu.memory_space<hbm>> -> memref<640x64xf32, #tpu.memory_space<hbm>>
      %dma_wait3A_19 = arith.constant 0 : i32
      %dma_wait3A_20 = tpu.memref_slice %arg10[%mul3A_10, %dma_wait3A_19] : memref<10240x64xf32, #tpu.memory_space<vmem_shared>> -> memref<640x64xf32, #tpu.memory_space<vmem_shared>>
      tpu.wait_dma2 semaphore(%run_scoped3A : memref<!tpu.dma_semaphore, #tpu.memory_space<semaphore_mem>>) src(%dma_wait3A_20 : memref<640x64xf32, #tpu.memory_space<vmem_shared>>) dst(%dma_wait3A_18 : memref<640x64xf32, #tpu.memory_space<hbm>>)
      tpu.yield
    }) : () -> ()
    return
  }
}

#map = affine_map<(d0, d1) -> (0, 0)>
#map1 = affine_map<(d0, d1) -> (0, 0, 0)>
module attributes {stable_mosaic.version = 14 : i64} {
  func.func @_spmm_body(%arg0: i32, %arg1: i32, %arg2: memref<10240x64xf32, #tpu.memory_space<hbm>>, %arg3: memref<32x80x128xi32, #tpu.memory_space<hbm>>, %arg4: memref<32x80x128xi32, #tpu.memory_space<hbm>>, %arg5: memref<640x64xf32, #tpu.memory_space<hbm>>, %arg6: memref<2x10240x64xf32, #tpu.memory_space<hbm>>, %arg7: memref<80x128xi32, #tpu.memory_space<vmem>>, %arg8: memref<80x128xi32, #tpu.memory_space<vmem>>, %arg9: memref<128x64xf32, #tpu.memory_space<vmem>>, %arg10: memref<10240x64xf32, #tpu.memory_space<vmem_shared>>, %arg11: memref<!tpu.dma_semaphore, #tpu.memory_space<semaphore_mem>>) attributes {dimension_semantics = [#tpu.dimension_semantics<core_parallel>, #tpu.dimension_semantics<subcore_parallel>], iteration_bounds = array<i64: 2, 16>, scalar_prefetch = 0 : i64, scratch_operands = 5 : i64, tpu.core_type = #tpu.core_type<sc_vector_subcore>, window_params = [{transform_indices = #map}, {transform_indices = #map1}, {transform_indices = #map1}, {transform_indices = #map}, {transform_indices = #map1}]} {
    %mul3A = arith.constant 2 : i32
    %mul3A_0 = arith.muli %arg1, %mul3A : i32
    %add3A = arith.addi %mul3A_0, %arg0 : i32
    %mul3A_1 = arith.constant 640 : i32
    %mul3A_2 = arith.muli %arg1, %mul3A_1 : i32
    "tpu.region"() ({
      %run_scoped3A = tpu.sem_alloc : memref<!tpu.dma_semaphore, #tpu.memory_space<semaphore_mem>>
      %dma_start3A = arith.constant 0 : i32
      %dma_start3A_13 = tpu.memref_slice %arg10[%mul3A_2, %dma_start3A] : memref<10240x64xf32, #tpu.memory_space<vmem_shared>> -> memref<640x64xf32, #tpu.memory_space<vmem_shared>>
      tpu.enqueue_dma source(%arg5 : memref<640x64xf32, #tpu.memory_space<hbm>>) target(%dma_start3A_13 : memref<640x64xf32, #tpu.memory_space<vmem_shared>>) target_semaphore(%run_scoped3A : memref<!tpu.dma_semaphore, #tpu.memory_space<semaphore_mem>>)
      %dma_wait3A = arith.constant 0 : i32
      %dma_wait3A_14 = tpu.memref_slice %arg10[%mul3A_2, %dma_wait3A] : memref<10240x64xf32, #tpu.memory_space<vmem_shared>> -> memref<640x64xf32, #tpu.memory_space<vmem_shared>>
      tpu.wait_dma2 semaphore(%run_scoped3A : memref<!tpu.dma_semaphore, #tpu.memory_space<semaphore_mem>>) src(%arg5 : memref<640x64xf32, #tpu.memory_space<hbm>>) dst(%dma_wait3A_14 : memref<640x64xf32, #tpu.memory_space<vmem_shared>>)
      tpu.yield
    }) : () -> ()
    "tpu.region"() ({
      %run_scoped3A = tpu.sem_alloc : memref<!tpu.dma_semaphore, #tpu.memory_space<semaphore_mem>>
      %dma_start3A = arith.constant 0 : i32
      %dma_start3A_13 = arith.constant 0 : i32
      %dma_start3A_14 = tpu.memref_slice %arg3[%add3A, %dma_start3A, %dma_start3A_13] : memref<32x80x128xi32, #tpu.memory_space<hbm>> -> memref<1x80x128xi32, #tpu.memory_space<hbm>>
      %dma_start3A_15 = tpu.memref_squeeze %dma_start3A_14 : memref<1x80x128xi32, #tpu.memory_space<hbm>> -> memref<80x128xi32, #tpu.memory_space<hbm>>
      %dma_start3A_16 = arith.constant 0 : i32
      %dma_start3A_17 = arith.constant 0 : i32
      %dma_start3A_18 = tpu.memref_slice %arg3[%add3A, %dma_start3A_16, %dma_start3A_17] : memref<32x80x128xi32, #tpu.memory_space<hbm>> -> memref<1x80x128xi32, #tpu.memory_space<hbm>>
      %dma_start3A_19 = tpu.memref_squeeze %dma_start3A_18 : memref<1x80x128xi32, #tpu.memory_space<hbm>> -> memref<80x128xi32, #tpu.memory_space<hbm>>
      tpu.enqueue_dma source(%dma_start3A_19 : memref<80x128xi32, #tpu.memory_space<hbm>>) target(%arg7 : memref<80x128xi32, #tpu.memory_space<vmem>>) target_semaphore(%run_scoped3A : memref<!tpu.dma_semaphore, #tpu.memory_space<semaphore_mem>>)
      %dma_wait3A = arith.constant 0 : i32
      %dma_wait3A_20 = arith.constant 0 : i32
      %dma_wait3A_21 = tpu.memref_slice %arg3[%add3A, %dma_wait3A, %dma_wait3A_20] : memref<32x80x128xi32, #tpu.memory_space<hbm>> -> memref<1x80x128xi32, #tpu.memory_space<hbm>>
      %dma_wait3A_22 = tpu.memref_squeeze %dma_wait3A_21 : memref<1x80x128xi32, #tpu.memory_space<hbm>> -> memref<80x128xi32, #tpu.memory_space<hbm>>
      %dma_wait3A_23 = arith.constant 0 : i32
      %dma_wait3A_24 = arith.constant 0 : i32
      %dma_wait3A_25 = tpu.memref_slice %arg3[%add3A, %dma_wait3A_23, %dma_wait3A_24] : memref<32x80x128xi32, #tpu.memory_space<hbm>> -> memref<1x80x128xi32, #tpu.memory_space<hbm>>
      %dma_wait3A_26 = tpu.memref_squeeze %dma_wait3A_25 : memref<1x80x128xi32, #tpu.memory_space<hbm>> -> memref<80x128xi32, #tpu.memory_space<hbm>>
      tpu.wait_dma2 semaphore(%run_scoped3A : memref<!tpu.dma_semaphore, #tpu.memory_space<semaphore_mem>>) src(%dma_wait3A_26 : memref<80x128xi32, #tpu.memory_space<hbm>>) dst(%arg7 : memref<80x128xi32, #tpu.memory_space<vmem>>)
      tpu.yield
    }) : () -> ()
    "tpu.region"() ({
      %run_scoped3A = tpu.sem_alloc : memref<!tpu.dma_semaphore, #tpu.memory_space<semaphore_mem>>
      %dma_start3A = arith.constant 0 : i32
      %dma_start3A_13 = arith.constant 0 : i32
      %dma_start3A_14 = tpu.memref_slice %arg4[%add3A, %dma_start3A, %dma_start3A_13] : memref<32x80x128xi32, #tpu.memory_space<hbm>> -> memref<1x80x128xi32, #tpu.memory_space<hbm>>
      %dma_start3A_15 = tpu.memref_squeeze %dma_start3A_14 : memref<1x80x128xi32, #tpu.memory_space<hbm>> -> memref<80x128xi32, #tpu.memory_space<hbm>>
      %dma_start3A_16 = arith.constant 0 : i32
      %dma_start3A_17 = arith.constant 0 : i32
      %dma_start3A_18 = tpu.memref_slice %arg4[%add3A, %dma_start3A_16, %dma_start3A_17] : memref<32x80x128xi32, #tpu.memory_space<hbm>> -> memref<1x80x128xi32, #tpu.memory_space<hbm>>
      %dma_start3A_19 = tpu.memref_squeeze %dma_start3A_18 : memref<1x80x128xi32, #tpu.memory_space<hbm>> -> memref<80x128xi32, #tpu.memory_space<hbm>>
      tpu.enqueue_dma source(%dma_start3A_19 : memref<80x128xi32, #tpu.memory_space<hbm>>) target(%arg8 : memref<80x128xi32, #tpu.memory_space<vmem>>) target_semaphore(%run_scoped3A : memref<!tpu.dma_semaphore, #tpu.memory_space<semaphore_mem>>)
      %dma_wait3A = arith.constant 0 : i32
      %dma_wait3A_20 = arith.constant 0 : i32
      %dma_wait3A_21 = tpu.memref_slice %arg4[%add3A, %dma_wait3A, %dma_wait3A_20] : memref<32x80x128xi32, #tpu.memory_space<hbm>> -> memref<1x80x128xi32, #tpu.memory_space<hbm>>
      %dma_wait3A_22 = tpu.memref_squeeze %dma_wait3A_21 : memref<1x80x128xi32, #tpu.memory_space<hbm>> -> memref<80x128xi32, #tpu.memory_space<hbm>>
      %dma_wait3A_23 = arith.constant 0 : i32
      %dma_wait3A_24 = arith.constant 0 : i32
      %dma_wait3A_25 = tpu.memref_slice %arg4[%add3A, %dma_wait3A_23, %dma_wait3A_24] : memref<32x80x128xi32, #tpu.memory_space<hbm>> -> memref<1x80x128xi32, #tpu.memory_space<hbm>>
      %dma_wait3A_26 = tpu.memref_squeeze %dma_wait3A_25 : memref<1x80x128xi32, #tpu.memory_space<hbm>> -> memref<80x128xi32, #tpu.memory_space<hbm>>
      tpu.wait_dma2 semaphore(%run_scoped3A : memref<!tpu.dma_semaphore, #tpu.memory_space<semaphore_mem>>) src(%dma_wait3A_26 : memref<80x128xi32, #tpu.memory_space<hbm>>) dst(%arg8 : memref<80x128xi32, #tpu.memory_space<vmem>>)
      tpu.yield
    }) : () -> ()
    %barrier3A = arith.constant 0 : index
    tpu.barrier barrier_id(%barrier3A)
    %scan3A = arith.constant 0 : i32
    %scan3A_3 = arith.constant 0 : i32
    %scan3A_4 = arith.constant 80 : i32
    %scan3A_5 = arith.addi %scan3A_3, %scan3A_4 : i32
    %scan3A_6 = arith.constant 1 : i32
    scf.for %scan3A_13 = %scan3A_3 to %scan3A_5 step %scan3A_6  : i32 {
      %dma_start3A = arith.constant 0 : i32
      %dma_start3A_14 = tpu.memref_slice %arg7[%scan3A_13, %dma_start3A] : memref<80x128xi32, #tpu.memory_space<vmem>> -> memref<1x128xi32, #tpu.memory_space<vmem>>
      %dma_start3A_15 = tpu.memref_squeeze %dma_start3A_14 : memref<1x128xi32, #tpu.memory_space<vmem>> -> memref<128xi32, #tpu.memory_space<vmem>>
      %dma_start3A_16 = arith.constant 0 : i32
      %dma_start3A_17 = arith.constant 0 : i32
      %dma_start3A_18 = tpu.memref_slice %arg2[%dma_start3A_16, %dma_start3A_17] : memref<10240x64xf32, #tpu.memory_space<hbm>> -> memref<10240x64xf32, #tpu.memory_space<hbm>>
      tpu.enqueue_indirect_dma source(%dma_start3A_18 : memref<10240x64xf32, #tpu.memory_space<hbm>>) target(%arg9 : memref<128x64xf32, #tpu.memory_space<vmem>>) offsets(%dma_start3A_15 : memref<128xi32, #tpu.memory_space<vmem>>) semaphore(%arg11 : memref<!tpu.dma_semaphore, #tpu.memory_space<semaphore_mem>>)
      %dma_wait3A = arith.constant 0 : i32
      %dma_wait3A_19 = tpu.memref_slice %arg7[%scan3A_13, %dma_wait3A] : memref<80x128xi32, #tpu.memory_space<vmem>> -> memref<1x128xi32, #tpu.memory_space<vmem>>
      %dma_wait3A_20 = tpu.memref_squeeze %dma_wait3A_19 : memref<1x128xi32, #tpu.memory_space<vmem>> -> memref<128xi32, #tpu.memory_space<vmem>>
      %dma_wait3A_21 = arith.constant 0 : i32
      %dma_wait3A_22 = arith.constant 0 : i32
      %dma_wait3A_23 = tpu.memref_slice %arg2[%dma_wait3A_21, %dma_wait3A_22] : memref<10240x64xf32, #tpu.memory_space<hbm>> -> memref<10240x64xf32, #tpu.memory_space<hbm>>
      tpu.wait_indirect_dma semaphore(%arg11 : memref<!tpu.dma_semaphore, #tpu.memory_space<semaphore_mem>>) src(%dma_wait3A_23 : memref<10240x64xf32, #tpu.memory_space<hbm>>) dst(%arg9 : memref<128x64xf32, #tpu.memory_space<vmem>>)
      "tpu.region"() ({
        %run_scoped3A = tpu.sem_alloc : memref<!tpu.dma_semaphore, #tpu.memory_space<semaphore_mem>>
        %dma_start3A_24 = arith.constant 0 : i32
        %dma_start3A_25 = tpu.memref_slice %arg8[%scan3A_13, %dma_start3A_24] : memref<80x128xi32, #tpu.memory_space<vmem>> -> memref<1x128xi32, #tpu.memory_space<vmem>>
        %dma_start3A_26 = tpu.memref_squeeze %dma_start3A_25 : memref<1x128xi32, #tpu.memory_space<vmem>> -> memref<128xi32, #tpu.memory_space<vmem>>
        %dma_start3A_27 = arith.constant 0 : i32
        %dma_start3A_28 = arith.constant 0 : i32
        %dma_start3A_29 = tpu.memref_slice %arg10[%dma_start3A_27, %dma_start3A_28] : memref<10240x64xf32, #tpu.memory_space<vmem_shared>> -> memref<10240x64xf32, #tpu.memory_space<vmem_shared>>
        tpu.enqueue_indirect_dma source(%arg9 : memref<128x64xf32, #tpu.memory_space<vmem>>) target(%dma_start3A_29 : memref<10240x64xf32, #tpu.memory_space<vmem_shared>>) offsets(%dma_start3A_26 : memref<128xi32, #tpu.memory_space<vmem>>) semaphore(%run_scoped3A : memref<!tpu.dma_semaphore, #tpu.memory_space<semaphore_mem>>) {add = true}
        %dma_wait3A_30 = arith.constant 0 : i32
        %dma_wait3A_31 = tpu.memref_slice %arg8[%scan3A_13, %dma_wait3A_30] : memref<80x128xi32, #tpu.memory_space<vmem>> -> memref<1x128xi32, #tpu.memory_space<vmem>>
        %dma_wait3A_32 = tpu.memref_squeeze %dma_wait3A_31 : memref<1x128xi32, #tpu.memory_space<vmem>> -> memref<128xi32, #tpu.memory_space<vmem>>
        %dma_wait3A_33 = arith.constant 0 : i32
        %dma_wait3A_34 = arith.constant 0 : i32
        %dma_wait3A_35 = tpu.memref_slice %arg10[%dma_wait3A_33, %dma_wait3A_34] : memref<10240x64xf32, #tpu.memory_space<vmem_shared>> -> memref<10240x64xf32, #tpu.memory_space<vmem_shared>>
        tpu.wait_indirect_dma semaphore(%run_scoped3A : memref<!tpu.dma_semaphore, #tpu.memory_space<semaphore_mem>>) src(%arg9 : memref<128x64xf32, #tpu.memory_space<vmem>>) dst(%dma_wait3A_35 : memref<10240x64xf32, #tpu.memory_space<vmem_shared>>)
        tpu.yield
      }) : () -> ()
    }
    %scan3A_7 = arith.constant 80 : i32
    %barrier3A_8 = arith.constant 0 : index
    tpu.barrier barrier_id(%barrier3A_8)
    %mul3A_9 = arith.constant 640 : i32
    %mul3A_10 = arith.muli %arg1, %mul3A_9 : i32
    %mul3A_11 = arith.constant 640 : i32
    %mul3A_12 = arith.muli %arg1, %mul3A_11 : i32
    "tpu.region"() ({
      %run_scoped3A = tpu.sem_alloc : memref<!tpu.dma_semaphore, #tpu.memory_space<semaphore_mem>>
      %dma_start3A = arith.constant 0 : i32
      %dma_start3A_13 = tpu.memref_slice %arg6[%arg0, %mul3A_12, %dma_start3A] : memref<2x10240x64xf32, #tpu.memory_space<hbm>> -> memref<1x640x64xf32, #tpu.memory_space<hbm>>
      %dma_start3A_14 = tpu.memref_squeeze %dma_start3A_13 : memref<1x640x64xf32, #tpu.memory_space<hbm>> -> memref<640x64xf32, #tpu.memory_space<hbm>>
      %dma_start3A_15 = arith.constant 0 : i32
      %dma_start3A_16 = tpu.memref_slice %arg10[%mul3A_10, %dma_start3A_15] : memref<10240x64xf32, #tpu.memory_space<vmem_shared>> -> memref<640x64xf32, #tpu.memory_space<vmem_shared>>
      tpu.enqueue_dma source(%dma_start3A_16 : memref<640x64xf32, #tpu.memory_space<vmem_shared>>) target(%dma_start3A_14 : memref<640x64xf32, #tpu.memory_space<hbm>>) target_semaphore(%run_scoped3A : memref<!tpu.dma_semaphore, #tpu.memory_space<semaphore_mem>>)
      %dma_wait3A = arith.constant 0 : i32
      %dma_wait3A_17 = tpu.memref_slice %arg6[%arg0, %mul3A_12, %dma_wait3A] : memref<2x10240x64xf32, #tpu.memory_space<hbm>> -> memref<1x640x64xf32, #tpu.memory_space<hbm>>
      %dma_wait3A_18 = tpu.memref_squeeze %dma_wait3A_17 : memref<1x640x64xf32, #tpu.memory_space<hbm>> -> memref<640x64xf32, #tpu.memory_space<hbm>>
      %dma_wait3A_19 = arith.constant 0 : i32
      %dma_wait3A_20 = tpu.memref_slice %arg10[%mul3A_10, %dma_wait3A_19] : memref<10240x64xf32, #tpu.memory_space<vmem_shared>> -> memref<640x64xf32, #tpu.memory_space<vmem_shared>>
      tpu.wait_dma2 semaphore(%run_scoped3A : memref<!tpu.dma_semaphore, #tpu.memory_space<semaphore_mem>>) src(%dma_wait3A_20 : memref<640x64xf32, #tpu.memory_space<vmem_shared>>) dst(%dma_wait3A_18 : memref<640x64xf32, #tpu.memory_space<hbm>>)
      tpu.yield
    }) : () -> ()
    return
  }
}

#map = affine_map<(d0, d1) -> (0, 0)>
#map1 = affine_map<(d0, d1) -> (0, 0, 0)>
module attributes {stable_mosaic.version = 14 : i64} {
  func.func @_spmm_body(%arg0: i32, %arg1: i32, %arg2: memref<10240x128xf32, #tpu.memory_space<hbm>>, %arg3: memref<32x80x128xi32, #tpu.memory_space<hbm>>, %arg4: memref<32x80x128xi32, #tpu.memory_space<hbm>>, %arg5: memref<640x128xf32, #tpu.memory_space<hbm>>, %arg6: memref<2x10240x128xf32, #tpu.memory_space<hbm>>, %arg7: memref<80x128xi32, #tpu.memory_space<vmem>>, %arg8: memref<80x128xi32, #tpu.memory_space<vmem>>, %arg9: memref<128x128xf32, #tpu.memory_space<vmem>>, %arg10: memref<10240x128xf32, #tpu.memory_space<vmem_shared>>, %arg11: memref<!tpu.dma_semaphore, #tpu.memory_space<semaphore_mem>>) attributes {dimension_semantics = [#tpu.dimension_semantics<core_parallel>, #tpu.dimension_semantics<subcore_parallel>], iteration_bounds = array<i64: 2, 16>, scalar_prefetch = 0 : i64, scratch_operands = 5 : i64, tpu.core_type = #tpu.core_type<sc_vector_subcore>, window_params = [{transform_indices = #map}, {transform_indices = #map1}, {transform_indices = #map1}, {transform_indices = #map}, {transform_indices = #map1}]} {
    %mul3A = arith.constant 2 : i32
    %mul3A_0 = arith.muli %arg1, %mul3A : i32
    %add3A = arith.addi %mul3A_0, %arg0 : i32
    %mul3A_1 = arith.constant 640 : i32
    %mul3A_2 = arith.muli %arg1, %mul3A_1 : i32
    "tpu.region"() ({
      %run_scoped3A = tpu.sem_alloc : memref<!tpu.dma_semaphore, #tpu.memory_space<semaphore_mem>>
      %dma_start3A = arith.constant 0 : i32
      %dma_start3A_13 = tpu.memref_slice %arg10[%mul3A_2, %dma_start3A] : memref<10240x128xf32, #tpu.memory_space<vmem_shared>> -> memref<640x128xf32, #tpu.memory_space<vmem_shared>>
      tpu.enqueue_dma source(%arg5 : memref<640x128xf32, #tpu.memory_space<hbm>>) target(%dma_start3A_13 : memref<640x128xf32, #tpu.memory_space<vmem_shared>>) target_semaphore(%run_scoped3A : memref<!tpu.dma_semaphore, #tpu.memory_space<semaphore_mem>>)
      %dma_wait3A = arith.constant 0 : i32
      %dma_wait3A_14 = tpu.memref_slice %arg10[%mul3A_2, %dma_wait3A] : memref<10240x128xf32, #tpu.memory_space<vmem_shared>> -> memref<640x128xf32, #tpu.memory_space<vmem_shared>>
      tpu.wait_dma2 semaphore(%run_scoped3A : memref<!tpu.dma_semaphore, #tpu.memory_space<semaphore_mem>>) src(%arg5 : memref<640x128xf32, #tpu.memory_space<hbm>>) dst(%dma_wait3A_14 : memref<640x128xf32, #tpu.memory_space<vmem_shared>>)
      tpu.yield
    }) : () -> ()
    "tpu.region"() ({
      %run_scoped3A = tpu.sem_alloc : memref<!tpu.dma_semaphore, #tpu.memory_space<semaphore_mem>>
      %dma_start3A = arith.constant 0 : i32
      %dma_start3A_13 = arith.constant 0 : i32
      %dma_start3A_14 = tpu.memref_slice %arg3[%add3A, %dma_start3A, %dma_start3A_13] : memref<32x80x128xi32, #tpu.memory_space<hbm>> -> memref<1x80x128xi32, #tpu.memory_space<hbm>>
      %dma_start3A_15 = tpu.memref_squeeze %dma_start3A_14 : memref<1x80x128xi32, #tpu.memory_space<hbm>> -> memref<80x128xi32, #tpu.memory_space<hbm>>
      %dma_start3A_16 = arith.constant 0 : i32
      %dma_start3A_17 = arith.constant 0 : i32
      %dma_start3A_18 = tpu.memref_slice %arg3[%add3A, %dma_start3A_16, %dma_start3A_17] : memref<32x80x128xi32, #tpu.memory_space<hbm>> -> memref<1x80x128xi32, #tpu.memory_space<hbm>>
      %dma_start3A_19 = tpu.memref_squeeze %dma_start3A_18 : memref<1x80x128xi32, #tpu.memory_space<hbm>> -> memref<80x128xi32, #tpu.memory_space<hbm>>
      tpu.enqueue_dma source(%dma_start3A_19 : memref<80x128xi32, #tpu.memory_space<hbm>>) target(%arg7 : memref<80x128xi32, #tpu.memory_space<vmem>>) target_semaphore(%run_scoped3A : memref<!tpu.dma_semaphore, #tpu.memory_space<semaphore_mem>>)
      %dma_wait3A = arith.constant 0 : i32
      %dma_wait3A_20 = arith.constant 0 : i32
      %dma_wait3A_21 = tpu.memref_slice %arg3[%add3A, %dma_wait3A, %dma_wait3A_20] : memref<32x80x128xi32, #tpu.memory_space<hbm>> -> memref<1x80x128xi32, #tpu.memory_space<hbm>>
      %dma_wait3A_22 = tpu.memref_squeeze %dma_wait3A_21 : memref<1x80x128xi32, #tpu.memory_space<hbm>> -> memref<80x128xi32, #tpu.memory_space<hbm>>
      %dma_wait3A_23 = arith.constant 0 : i32
      %dma_wait3A_24 = arith.constant 0 : i32
      %dma_wait3A_25 = tpu.memref_slice %arg3[%add3A, %dma_wait3A_23, %dma_wait3A_24] : memref<32x80x128xi32, #tpu.memory_space<hbm>> -> memref<1x80x128xi32, #tpu.memory_space<hbm>>
      %dma_wait3A_26 = tpu.memref_squeeze %dma_wait3A_25 : memref<1x80x128xi32, #tpu.memory_space<hbm>> -> memref<80x128xi32, #tpu.memory_space<hbm>>
      tpu.wait_dma2 semaphore(%run_scoped3A : memref<!tpu.dma_semaphore, #tpu.memory_space<semaphore_mem>>) src(%dma_wait3A_26 : memref<80x128xi32, #tpu.memory_space<hbm>>) dst(%arg7 : memref<80x128xi32, #tpu.memory_space<vmem>>)
      tpu.yield
    }) : () -> ()
    "tpu.region"() ({
      %run_scoped3A = tpu.sem_alloc : memref<!tpu.dma_semaphore, #tpu.memory_space<semaphore_mem>>
      %dma_start3A = arith.constant 0 : i32
      %dma_start3A_13 = arith.constant 0 : i32
      %dma_start3A_14 = tpu.memref_slice %arg4[%add3A, %dma_start3A, %dma_start3A_13] : memref<32x80x128xi32, #tpu.memory_space<hbm>> -> memref<1x80x128xi32, #tpu.memory_space<hbm>>
      %dma_start3A_15 = tpu.memref_squeeze %dma_start3A_14 : memref<1x80x128xi32, #tpu.memory_space<hbm>> -> memref<80x128xi32, #tpu.memory_space<hbm>>
      %dma_start3A_16 = arith.constant 0 : i32
      %dma_start3A_17 = arith.constant 0 : i32
      %dma_start3A_18 = tpu.memref_slice %arg4[%add3A, %dma_start3A_16, %dma_start3A_17] : memref<32x80x128xi32, #tpu.memory_space<hbm>> -> memref<1x80x128xi32, #tpu.memory_space<hbm>>
      %dma_start3A_19 = tpu.memref_squeeze %dma_start3A_18 : memref<1x80x128xi32, #tpu.memory_space<hbm>> -> memref<80x128xi32, #tpu.memory_space<hbm>>
      tpu.enqueue_dma source(%dma_start3A_19 : memref<80x128xi32, #tpu.memory_space<hbm>>) target(%arg8 : memref<80x128xi32, #tpu.memory_space<vmem>>) target_semaphore(%run_scoped3A : memref<!tpu.dma_semaphore, #tpu.memory_space<semaphore_mem>>)
      %dma_wait3A = arith.constant 0 : i32
      %dma_wait3A_20 = arith.constant 0 : i32
      %dma_wait3A_21 = tpu.memref_slice %arg4[%add3A, %dma_wait3A, %dma_wait3A_20] : memref<32x80x128xi32, #tpu.memory_space<hbm>> -> memref<1x80x128xi32, #tpu.memory_space<hbm>>
      %dma_wait3A_22 = tpu.memref_squeeze %dma_wait3A_21 : memref<1x80x128xi32, #tpu.memory_space<hbm>> -> memref<80x128xi32, #tpu.memory_space<hbm>>
      %dma_wait3A_23 = arith.constant 0 : i32
      %dma_wait3A_24 = arith.constant 0 : i32
      %dma_wait3A_25 = tpu.memref_slice %arg4[%add3A, %dma_wait3A_23, %dma_wait3A_24] : memref<32x80x128xi32, #tpu.memory_space<hbm>> -> memref<1x80x128xi32, #tpu.memory_space<hbm>>
      %dma_wait3A_26 = tpu.memref_squeeze %dma_wait3A_25 : memref<1x80x128xi32, #tpu.memory_space<hbm>> -> memref<80x128xi32, #tpu.memory_space<hbm>>
      tpu.wait_dma2 semaphore(%run_scoped3A : memref<!tpu.dma_semaphore, #tpu.memory_space<semaphore_mem>>) src(%dma_wait3A_26 : memref<80x128xi32, #tpu.memory_space<hbm>>) dst(%arg8 : memref<80x128xi32, #tpu.memory_space<vmem>>)
      tpu.yield
    }) : () -> ()
    %barrier3A = arith.constant 0 : index
    tpu.barrier barrier_id(%barrier3A)
    %scan3A = arith.constant 0 : i32
    %scan3A_3 = arith.constant 0 : i32
    %scan3A_4 = arith.constant 80 : i32
    %scan3A_5 = arith.addi %scan3A_3, %scan3A_4 : i32
    %scan3A_6 = arith.constant 1 : i32
    scf.for %scan3A_13 = %scan3A_3 to %scan3A_5 step %scan3A_6  : i32 {
      %dma_start3A = arith.constant 0 : i32
      %dma_start3A_14 = tpu.memref_slice %arg7[%scan3A_13, %dma_start3A] : memref<80x128xi32, #tpu.memory_space<vmem>> -> memref<1x128xi32, #tpu.memory_space<vmem>>
      %dma_start3A_15 = tpu.memref_squeeze %dma_start3A_14 : memref<1x128xi32, #tpu.memory_space<vmem>> -> memref<128xi32, #tpu.memory_space<vmem>>
      %dma_start3A_16 = arith.constant 0 : i32
      %dma_start3A_17 = arith.constant 0 : i32
      %dma_start3A_18 = tpu.memref_slice %arg2[%dma_start3A_16, %dma_start3A_17] : memref<10240x128xf32, #tpu.memory_space<hbm>> -> memref<10240x128xf32, #tpu.memory_space<hbm>>
      tpu.enqueue_indirect_dma source(%dma_start3A_18 : memref<10240x128xf32, #tpu.memory_space<hbm>>) target(%arg9 : memref<128x128xf32, #tpu.memory_space<vmem>>) offsets(%dma_start3A_15 : memref<128xi32, #tpu.memory_space<vmem>>) semaphore(%arg11 : memref<!tpu.dma_semaphore, #tpu.memory_space<semaphore_mem>>)
      %dma_wait3A = arith.constant 0 : i32
      %dma_wait3A_19 = tpu.memref_slice %arg7[%scan3A_13, %dma_wait3A] : memref<80x128xi32, #tpu.memory_space<vmem>> -> memref<1x128xi32, #tpu.memory_space<vmem>>
      %dma_wait3A_20 = tpu.memref_squeeze %dma_wait3A_19 : memref<1x128xi32, #tpu.memory_space<vmem>> -> memref<128xi32, #tpu.memory_space<vmem>>
      %dma_wait3A_21 = arith.constant 0 : i32
      %dma_wait3A_22 = arith.constant 0 : i32
      %dma_wait3A_23 = tpu.memref_slice %arg2[%dma_wait3A_21, %dma_wait3A_22] : memref<10240x128xf32, #tpu.memory_space<hbm>> -> memref<10240x128xf32, #tpu.memory_space<hbm>>
      tpu.wait_indirect_dma semaphore(%arg11 : memref<!tpu.dma_semaphore, #tpu.memory_space<semaphore_mem>>) src(%dma_wait3A_23 : memref<10240x128xf32, #tpu.memory_space<hbm>>) dst(%arg9 : memref<128x128xf32, #tpu.memory_space<vmem>>)
      "tpu.region"() ({
        %run_scoped3A = tpu.sem_alloc : memref<!tpu.dma_semaphore, #tpu.memory_space<semaphore_mem>>
        %dma_start3A_24 = arith.constant 0 : i32
        %dma_start3A_25 = tpu.memref_slice %arg8[%scan3A_13, %dma_start3A_24] : memref<80x128xi32, #tpu.memory_space<vmem>> -> memref<1x128xi32, #tpu.memory_space<vmem>>
        %dma_start3A_26 = tpu.memref_squeeze %dma_start3A_25 : memref<1x128xi32, #tpu.memory_space<vmem>> -> memref<128xi32, #tpu.memory_space<vmem>>
        %dma_start3A_27 = arith.constant 0 : i32
        %dma_start3A_28 = arith.constant 0 : i32
        %dma_start3A_29 = tpu.memref_slice %arg10[%dma_start3A_27, %dma_start3A_28] : memref<10240x128xf32, #tpu.memory_space<vmem_shared>> -> memref<10240x128xf32, #tpu.memory_space<vmem_shared>>
        tpu.enqueue_indirect_dma source(%arg9 : memref<128x128xf32, #tpu.memory_space<vmem>>) target(%dma_start3A_29 : memref<10240x128xf32, #tpu.memory_space<vmem_shared>>) offsets(%dma_start3A_26 : memref<128xi32, #tpu.memory_space<vmem>>) semaphore(%run_scoped3A : memref<!tpu.dma_semaphore, #tpu.memory_space<semaphore_mem>>) {add = true}
        %dma_wait3A_30 = arith.constant 0 : i32
        %dma_wait3A_31 = tpu.memref_slice %arg8[%scan3A_13, %dma_wait3A_30] : memref<80x128xi32, #tpu.memory_space<vmem>> -> memref<1x128xi32, #tpu.memory_space<vmem>>
        %dma_wait3A_32 = tpu.memref_squeeze %dma_wait3A_31 : memref<1x128xi32, #tpu.memory_space<vmem>> -> memref<128xi32, #tpu.memory_space<vmem>>
        %dma_wait3A_33 = arith.constant 0 : i32
        %dma_wait3A_34 = arith.constant 0 : i32
        %dma_wait3A_35 = tpu.memref_slice %arg10[%dma_wait3A_33, %dma_wait3A_34] : memref<10240x128xf32, #tpu.memory_space<vmem_shared>> -> memref<10240x128xf32, #tpu.memory_space<vmem_shared>>
        tpu.wait_indirect_dma semaphore(%run_scoped3A : memref<!tpu.dma_semaphore, #tpu.memory_space<semaphore_mem>>) src(%arg9 : memref<128x128xf32, #tpu.memory_space<vmem>>) dst(%dma_wait3A_35 : memref<10240x128xf32, #tpu.memory_space<vmem_shared>>)
        tpu.yield
      }) : () -> ()
    }
    %scan3A_7 = arith.constant 80 : i32
    %barrier3A_8 = arith.constant 0 : index
    tpu.barrier barrier_id(%barrier3A_8)
    %mul3A_9 = arith.constant 640 : i32
    %mul3A_10 = arith.muli %arg1, %mul3A_9 : i32
    %mul3A_11 = arith.constant 640 : i32
    %mul3A_12 = arith.muli %arg1, %mul3A_11 : i32
    "tpu.region"() ({
      %run_scoped3A = tpu.sem_alloc : memref<!tpu.dma_semaphore, #tpu.memory_space<semaphore_mem>>
      %dma_start3A = arith.constant 0 : i32
      %dma_start3A_13 = tpu.memref_slice %arg6[%arg0, %mul3A_12, %dma_start3A] : memref<2x10240x128xf32, #tpu.memory_space<hbm>> -> memref<1x640x128xf32, #tpu.memory_space<hbm>>
      %dma_start3A_14 = tpu.memref_squeeze %dma_start3A_13 : memref<1x640x128xf32, #tpu.memory_space<hbm>> -> memref<640x128xf32, #tpu.memory_space<hbm>>
      %dma_start3A_15 = arith.constant 0 : i32
      %dma_start3A_16 = tpu.memref_slice %arg10[%mul3A_10, %dma_start3A_15] : memref<10240x128xf32, #tpu.memory_space<vmem_shared>> -> memref<640x128xf32, #tpu.memory_space<vmem_shared>>
      tpu.enqueue_dma source(%dma_start3A_16 : memref<640x128xf32, #tpu.memory_space<vmem_shared>>) target(%dma_start3A_14 : memref<640x128xf32, #tpu.memory_space<hbm>>) target_semaphore(%run_scoped3A : memref<!tpu.dma_semaphore, #tpu.memory_space<semaphore_mem>>)
      %dma_wait3A = arith.constant 0 : i32
      %dma_wait3A_17 = tpu.memref_slice %arg6[%arg0, %mul3A_12, %dma_wait3A] : memref<2x10240x128xf32, #tpu.memory_space<hbm>> -> memref<1x640x128xf32, #tpu.memory_space<hbm>>
      %dma_wait3A_18 = tpu.memref_squeeze %dma_wait3A_17 : memref<1x640x128xf32, #tpu.memory_space<hbm>> -> memref<640x128xf32, #tpu.memory_space<hbm>>
      %dma_wait3A_19 = arith.constant 0 : i32
      %dma_wait3A_20 = tpu.memref_slice %arg10[%mul3A_10, %dma_wait3A_19] : memref<10240x128xf32, #tpu.memory_space<vmem_shared>> -> memref<640x128xf32, #tpu.memory_space<vmem_shared>>
      tpu.wait_dma2 semaphore(%run_scoped3A : memref<!tpu.dma_semaphore, #tpu.memory_space<semaphore_mem>>) src(%dma_wait3A_20 : memref<640x128xf32, #tpu.memory_space<vmem_shared>>) dst(%dma_wait3A_18 : memref<640x128xf32, #tpu.memory_space<hbm>>)
      tpu.yield
    }) : () -> ()
    return
  }
}

#map = affine_map<(d0, d1) -> (0, 0)>
#map1 = affine_map<(d0, d1) -> (0, 0, 0)>
module attributes {stable_mosaic.version = 14 : i64} {
  func.func @_spmm_body(%arg0: i32, %arg1: i32, %arg2: memref<10240x128xf32, #tpu.memory_space<hbm>>, %arg3: memref<32x80x128xi32, #tpu.memory_space<hbm>>, %arg4: memref<32x80x128xi32, #tpu.memory_space<hbm>>, %arg5: memref<640x128xf32, #tpu.memory_space<hbm>>, %arg6: memref<2x10240x128xf32, #tpu.memory_space<hbm>>, %arg7: memref<80x128xi32, #tpu.memory_space<vmem>>, %arg8: memref<80x128xi32, #tpu.memory_space<vmem>>, %arg9: memref<128x128xf32, #tpu.memory_space<vmem>>, %arg10: memref<10240x128xf32, #tpu.memory_space<vmem_shared>>, %arg11: memref<!tpu.dma_semaphore, #tpu.memory_space<semaphore_mem>>) attributes {dimension_semantics = [#tpu.dimension_semantics<core_parallel>, #tpu.dimension_semantics<subcore_parallel>], iteration_bounds = array<i64: 2, 16>, scalar_prefetch = 0 : i64, scratch_operands = 5 : i64, tpu.core_type = #tpu.core_type<sc_vector_subcore>, window_params = [{transform_indices = #map}, {transform_indices = #map1}, {transform_indices = #map1}, {transform_indices = #map}, {transform_indices = #map1}]} {
    %mul3A = arith.constant 2 : i32
    %mul3A_0 = arith.muli %arg1, %mul3A : i32
    %add3A = arith.addi %mul3A_0, %arg0 : i32
    %mul3A_1 = arith.constant 640 : i32
    %mul3A_2 = arith.muli %arg1, %mul3A_1 : i32
    "tpu.region"() ({
      %run_scoped3A = tpu.sem_alloc : memref<!tpu.dma_semaphore, #tpu.memory_space<semaphore_mem>>
      %dma_start3A = arith.constant 0 : i32
      %dma_start3A_13 = tpu.memref_slice %arg10[%mul3A_2, %dma_start3A] : memref<10240x128xf32, #tpu.memory_space<vmem_shared>> -> memref<640x128xf32, #tpu.memory_space<vmem_shared>>
      tpu.enqueue_dma source(%arg5 : memref<640x128xf32, #tpu.memory_space<hbm>>) target(%dma_start3A_13 : memref<640x128xf32, #tpu.memory_space<vmem_shared>>) target_semaphore(%run_scoped3A : memref<!tpu.dma_semaphore, #tpu.memory_space<semaphore_mem>>)
      %dma_wait3A = arith.constant 0 : i32
      %dma_wait3A_14 = tpu.memref_slice %arg10[%mul3A_2, %dma_wait3A] : memref<10240x128xf32, #tpu.memory_space<vmem_shared>> -> memref<640x128xf32, #tpu.memory_space<vmem_shared>>
      tpu.wait_dma2 semaphore(%run_scoped3A : memref<!tpu.dma_semaphore, #tpu.memory_space<semaphore_mem>>) src(%arg5 : memref<640x128xf32, #tpu.memory_space<hbm>>) dst(%dma_wait3A_14 : memref<640x128xf32, #tpu.memory_space<vmem_shared>>)
      tpu.yield
    }) : () -> ()
    "tpu.region"() ({
      %run_scoped3A = tpu.sem_alloc : memref<!tpu.dma_semaphore, #tpu.memory_space<semaphore_mem>>
      %dma_start3A = arith.constant 0 : i32
      %dma_start3A_13 = arith.constant 0 : i32
      %dma_start3A_14 = tpu.memref_slice %arg3[%add3A, %dma_start3A, %dma_start3A_13] : memref<32x80x128xi32, #tpu.memory_space<hbm>> -> memref<1x80x128xi32, #tpu.memory_space<hbm>>
      %dma_start3A_15 = tpu.memref_squeeze %dma_start3A_14 : memref<1x80x128xi32, #tpu.memory_space<hbm>> -> memref<80x128xi32, #tpu.memory_space<hbm>>
      %dma_start3A_16 = arith.constant 0 : i32
      %dma_start3A_17 = arith.constant 0 : i32
      %dma_start3A_18 = tpu.memref_slice %arg3[%add3A, %dma_start3A_16, %dma_start3A_17] : memref<32x80x128xi32, #tpu.memory_space<hbm>> -> memref<1x80x128xi32, #tpu.memory_space<hbm>>
      %dma_start3A_19 = tpu.memref_squeeze %dma_start3A_18 : memref<1x80x128xi32, #tpu.memory_space<hbm>> -> memref<80x128xi32, #tpu.memory_space<hbm>>
      tpu.enqueue_dma source(%dma_start3A_19 : memref<80x128xi32, #tpu.memory_space<hbm>>) target(%arg7 : memref<80x128xi32, #tpu.memory_space<vmem>>) target_semaphore(%run_scoped3A : memref<!tpu.dma_semaphore, #tpu.memory_space<semaphore_mem>>)
      %dma_wait3A = arith.constant 0 : i32
      %dma_wait3A_20 = arith.constant 0 : i32
      %dma_wait3A_21 = tpu.memref_slice %arg3[%add3A, %dma_wait3A, %dma_wait3A_20] : memref<32x80x128xi32, #tpu.memory_space<hbm>> -> memref<1x80x128xi32, #tpu.memory_space<hbm>>
      %dma_wait3A_22 = tpu.memref_squeeze %dma_wait3A_21 : memref<1x80x128xi32, #tpu.memory_space<hbm>> -> memref<80x128xi32, #tpu.memory_space<hbm>>
      %dma_wait3A_23 = arith.constant 0 : i32
      %dma_wait3A_24 = arith.constant 0 : i32
      %dma_wait3A_25 = tpu.memref_slice %arg3[%add3A, %dma_wait3A_23, %dma_wait3A_24] : memref<32x80x128xi32, #tpu.memory_space<hbm>> -> memref<1x80x128xi32, #tpu.memory_space<hbm>>
      %dma_wait3A_26 = tpu.memref_squeeze %dma_wait3A_25 : memref<1x80x128xi32, #tpu.memory_space<hbm>> -> memref<80x128xi32, #tpu.memory_space<hbm>>
      tpu.wait_dma2 semaphore(%run_scoped3A : memref<!tpu.dma_semaphore, #tpu.memory_space<semaphore_mem>>) src(%dma_wait3A_26 : memref<80x128xi32, #tpu.memory_space<hbm>>) dst(%arg7 : memref<80x128xi32, #tpu.memory_space<vmem>>)
      tpu.yield
    }) : () -> ()
    "tpu.region"() ({
      %run_scoped3A = tpu.sem_alloc : memref<!tpu.dma_semaphore, #tpu.memory_space<semaphore_mem>>
      %dma_start3A = arith.constant 0 : i32
      %dma_start3A_13 = arith.constant 0 : i32
      %dma_start3A_14 = tpu.memref_slice %arg4[%add3A, %dma_start3A, %dma_start3A_13] : memref<32x80x128xi32, #tpu.memory_space<hbm>> -> memref<1x80x128xi32, #tpu.memory_space<hbm>>
      %dma_start3A_15 = tpu.memref_squeeze %dma_start3A_14 : memref<1x80x128xi32, #tpu.memory_space<hbm>> -> memref<80x128xi32, #tpu.memory_space<hbm>>
      %dma_start3A_16 = arith.constant 0 : i32
      %dma_start3A_17 = arith.constant 0 : i32
      %dma_start3A_18 = tpu.memref_slice %arg4[%add3A, %dma_start3A_16, %dma_start3A_17] : memref<32x80x128xi32, #tpu.memory_space<hbm>> -> memref<1x80x128xi32, #tpu.memory_space<hbm>>
      %dma_start3A_19 = tpu.memref_squeeze %dma_start3A_18 : memref<1x80x128xi32, #tpu.memory_space<hbm>> -> memref<80x128xi32, #tpu.memory_space<hbm>>
      tpu.enqueue_dma source(%dma_start3A_19 : memref<80x128xi32, #tpu.memory_space<hbm>>) target(%arg8 : memref<80x128xi32, #tpu.memory_space<vmem>>) target_semaphore(%run_scoped3A : memref<!tpu.dma_semaphore, #tpu.memory_space<semaphore_mem>>)
      %dma_wait3A = arith.constant 0 : i32
      %dma_wait3A_20 = arith.constant 0 : i32
      %dma_wait3A_21 = tpu.memref_slice %arg4[%add3A, %dma_wait3A, %dma_wait3A_20] : memref<32x80x128xi32, #tpu.memory_space<hbm>> -> memref<1x80x128xi32, #tpu.memory_space<hbm>>
      %dma_wait3A_22 = tpu.memref_squeeze %dma_wait3A_21 : memref<1x80x128xi32, #tpu.memory_space<hbm>> -> memref<80x128xi32, #tpu.memory_space<hbm>>
      %dma_wait3A_23 = arith.constant 0 : i32
      %dma_wait3A_24 = arith.constant 0 : i32
      %dma_wait3A_25 = tpu.memref_slice %arg4[%add3A, %dma_wait3A_23, %dma_wait3A_24] : memref<32x80x128xi32, #tpu.memory_space<hbm>> -> memref<1x80x128xi32, #tpu.memory_space<hbm>>
      %dma_wait3A_26 = tpu.memref_squeeze %dma_wait3A_25 : memref<1x80x128xi32, #tpu.memory_space<hbm>> -> memref<80x128xi32, #tpu.memory_space<hbm>>
      tpu.wait_dma2 semaphore(%run_scoped3A : memref<!tpu.dma_semaphore, #tpu.memory_space<semaphore_mem>>) src(%dma_wait3A_26 : memref<80x128xi32, #tpu.memory_space<hbm>>) dst(%arg8 : memref<80x128xi32, #tpu.memory_space<vmem>>)
      tpu.yield
    }) : () -> ()
    %barrier3A = arith.constant 0 : index
    tpu.barrier barrier_id(%barrier3A)
    %scan3A = arith.constant 0 : i32
    %scan3A_3 = arith.constant 0 : i32
    %scan3A_4 = arith.constant 80 : i32
    %scan3A_5 = arith.addi %scan3A_3, %scan3A_4 : i32
    %scan3A_6 = arith.constant 1 : i32
    scf.for %scan3A_13 = %scan3A_3 to %scan3A_5 step %scan3A_6  : i32 {
      %dma_start3A = arith.constant 0 : i32
      %dma_start3A_14 = tpu.memref_slice %arg7[%scan3A_13, %dma_start3A] : memref<80x128xi32, #tpu.memory_space<vmem>> -> memref<1x128xi32, #tpu.memory_space<vmem>>
      %dma_start3A_15 = tpu.memref_squeeze %dma_start3A_14 : memref<1x128xi32, #tpu.memory_space<vmem>> -> memref<128xi32, #tpu.memory_space<vmem>>
      %dma_start3A_16 = arith.constant 0 : i32
      %dma_start3A_17 = arith.constant 0 : i32
      %dma_start3A_18 = tpu.memref_slice %arg2[%dma_start3A_16, %dma_start3A_17] : memref<10240x128xf32, #tpu.memory_space<hbm>> -> memref<10240x128xf32, #tpu.memory_space<hbm>>
      tpu.enqueue_indirect_dma source(%dma_start3A_18 : memref<10240x128xf32, #tpu.memory_space<hbm>>) target(%arg9 : memref<128x128xf32, #tpu.memory_space<vmem>>) offsets(%dma_start3A_15 : memref<128xi32, #tpu.memory_space<vmem>>) semaphore(%arg11 : memref<!tpu.dma_semaphore, #tpu.memory_space<semaphore_mem>>)
      %dma_wait3A = arith.constant 0 : i32
      %dma_wait3A_19 = tpu.memref_slice %arg7[%scan3A_13, %dma_wait3A] : memref<80x128xi32, #tpu.memory_space<vmem>> -> memref<1x128xi32, #tpu.memory_space<vmem>>
      %dma_wait3A_20 = tpu.memref_squeeze %dma_wait3A_19 : memref<1x128xi32, #tpu.memory_space<vmem>> -> memref<128xi32, #tpu.memory_space<vmem>>
      %dma_wait3A_21 = arith.constant 0 : i32
      %dma_wait3A_22 = arith.constant 0 : i32
      %dma_wait3A_23 = tpu.memref_slice %arg2[%dma_wait3A_21, %dma_wait3A_22] : memref<10240x128xf32, #tpu.memory_space<hbm>> -> memref<10240x128xf32, #tpu.memory_space<hbm>>
      tpu.wait_indirect_dma semaphore(%arg11 : memref<!tpu.dma_semaphore, #tpu.memory_space<semaphore_mem>>) src(%dma_wait3A_23 : memref<10240x128xf32, #tpu.memory_space<hbm>>) dst(%arg9 : memref<128x128xf32, #tpu.memory_space<vmem>>)
      "tpu.region"() ({
        %run_scoped3A = tpu.sem_alloc : memref<!tpu.dma_semaphore, #tpu.memory_space<semaphore_mem>>
        %dma_start3A_24 = arith.constant 0 : i32
        %dma_start3A_25 = tpu.memref_slice %arg8[%scan3A_13, %dma_start3A_24] : memref<80x128xi32, #tpu.memory_space<vmem>> -> memref<1x128xi32, #tpu.memory_space<vmem>>
        %dma_start3A_26 = tpu.memref_squeeze %dma_start3A_25 : memref<1x128xi32, #tpu.memory_space<vmem>> -> memref<128xi32, #tpu.memory_space<vmem>>
        %dma_start3A_27 = arith.constant 0 : i32
        %dma_start3A_28 = arith.constant 0 : i32
        %dma_start3A_29 = tpu.memref_slice %arg10[%dma_start3A_27, %dma_start3A_28] : memref<10240x128xf32, #tpu.memory_space<vmem_shared>> -> memref<10240x128xf32, #tpu.memory_space<vmem_shared>>
        tpu.enqueue_indirect_dma source(%arg9 : memref<128x128xf32, #tpu.memory_space<vmem>>) target(%dma_start3A_29 : memref<10240x128xf32, #tpu.memory_space<vmem_shared>>) offsets(%dma_start3A_26 : memref<128xi32, #tpu.memory_space<vmem>>) semaphore(%run_scoped3A : memref<!tpu.dma_semaphore, #tpu.memory_space<semaphore_mem>>) {add = true}
        %dma_wait3A_30 = arith.constant 0 : i32
        %dma_wait3A_31 = tpu.memref_slice %arg8[%scan3A_13, %dma_wait3A_30] : memref<80x128xi32, #tpu.memory_space<vmem>> -> memref<1x128xi32, #tpu.memory_space<vmem>>
        %dma_wait3A_32 = tpu.memref_squeeze %dma_wait3A_31 : memref<1x128xi32, #tpu.memory_space<vmem>> -> memref<128xi32, #tpu.memory_space<vmem>>
        %dma_wait3A_33 = arith.constant 0 : i32
        %dma_wait3A_34 = arith.constant 0 : i32
        %dma_wait3A_35 = tpu.memref_slice %arg10[%dma_wait3A_33, %dma_wait3A_34] : memref<10240x128xf32, #tpu.memory_space<vmem_shared>> -> memref<10240x128xf32, #tpu.memory_space<vmem_shared>>
        tpu.wait_indirect_dma semaphore(%run_scoped3A : memref<!tpu.dma_semaphore, #tpu.memory_space<semaphore_mem>>) src(%arg9 : memref<128x128xf32, #tpu.memory_space<vmem>>) dst(%dma_wait3A_35 : memref<10240x128xf32, #tpu.memory_space<vmem_shared>>)
        tpu.yield
      }) : () -> ()
    }
    %scan3A_7 = arith.constant 80 : i32
    %barrier3A_8 = arith.constant 0 : index
    tpu.barrier barrier_id(%barrier3A_8)
    %mul3A_9 = arith.constant 640 : i32
    %mul3A_10 = arith.muli %arg1, %mul3A_9 : i32
    %mul3A_11 = arith.constant 640 : i32
    %mul3A_12 = arith.muli %arg1, %mul3A_11 : i32
    "tpu.region"() ({
      %run_scoped3A = tpu.sem_alloc : memref<!tpu.dma_semaphore, #tpu.memory_space<semaphore_mem>>
      %dma_start3A = arith.constant 0 : i32
      %dma_start3A_13 = tpu.memref_slice %arg6[%arg0, %mul3A_12, %dma_start3A] : memref<2x10240x128xf32, #tpu.memory_space<hbm>> -> memref<1x640x128xf32, #tpu.memory_space<hbm>>
      %dma_start3A_14 = tpu.memref_squeeze %dma_start3A_13 : memref<1x640x128xf32, #tpu.memory_space<hbm>> -> memref<640x128xf32, #tpu.memory_space<hbm>>
      %dma_start3A_15 = arith.constant 0 : i32
      %dma_start3A_16 = tpu.memref_slice %arg10[%mul3A_10, %dma_start3A_15] : memref<10240x128xf32, #tpu.memory_space<vmem_shared>> -> memref<640x128xf32, #tpu.memory_space<vmem_shared>>
      tpu.enqueue_dma source(%dma_start3A_16 : memref<640x128xf32, #tpu.memory_space<vmem_shared>>) target(%dma_start3A_14 : memref<640x128xf32, #tpu.memory_space<hbm>>) target_semaphore(%run_scoped3A : memref<!tpu.dma_semaphore, #tpu.memory_space<semaphore_mem>>)
      %dma_wait3A = arith.constant 0 : i32
      %dma_wait3A_17 = tpu.memref_slice %arg6[%arg0, %mul3A_12, %dma_wait3A] : memref<2x10240x128xf32, #tpu.memory_space<hbm>> -> memref<1x640x128xf32, #tpu.memory_space<hbm>>
      %dma_wait3A_18 = tpu.memref_squeeze %dma_wait3A_17 : memref<1x640x128xf32, #tpu.memory_space<hbm>> -> memref<640x128xf32, #tpu.memory_space<hbm>>
      %dma_wait3A_19 = arith.constant 0 : i32
      %dma_wait3A_20 = tpu.memref_slice %arg10[%mul3A_10, %dma_wait3A_19] : memref<10240x128xf32, #tpu.memory_space<vmem_shared>> -> memref<640x128xf32, #tpu.memory_space<vmem_shared>>
      tpu.wait_dma2 semaphore(%run_scoped3A : memref<!tpu.dma_semaphore, #tpu.memory_space<semaphore_mem>>) src(%dma_wait3A_20 : memref<640x128xf32, #tpu.memory_space<vmem_shared>>) dst(%dma_wait3A_18 : memref<640x128xf32, #tpu.memory_space<hbm>>)
      tpu.yield
    }) : () -> ()
    return
  }
}

module attributes {stable_mosaic.version = 14 : i64} {
  func.func @_dinv_body(%arg0: i32, %arg1: memref<2x640x128xf32, #tpu.memory_space<vmem>>, %arg2: memref<640x128xf32, #tpu.memory_space<vmem>>, %arg3: memref<640x1xf32, #tpu.memory_space<vmem>>, %arg4: memref<640x128xf32, #tpu.memory_space<vmem>>) attributes {dimension_semantics = [#tpu.dimension_semantics<arbitrary>], iteration_bounds = array<i64: 16>, scalar_prefetch = 0 : i64, scratch_operands = 0 : i64, tpu.core_type = #tpu.core_type<tc>, window_params = [{transform_indices = @transform_0, window_bounds = array<i64: 2, 640, 128>}, {transform_indices = @transform_1, window_bounds = array<i64: 640, 128>}, {transform_indices = @transform_2, window_bounds = array<i64: 640, 1>}, {transform_indices = @transform_3, window_bounds = array<i64: 640, 128>}]} {
    %get3A = arith.constant 0 : index
    %get3A_0 = arith.constant 0 : index
    %get3A_1 = arith.constant 0 : index
    %get3A_2 = vector.load %arg1[%get3A, %get3A_0, %get3A_1] : memref<2x640x128xf32, #tpu.memory_space<vmem>>, vector<1x640x1xf32>
    %get3A_3 = vector.shape_cast %get3A_2 : vector<1x640x1xf32> to vector<640x1xf32>
    %get3A_4 = arith.constant 1 : index
    %get3A_5 = arith.constant 0 : index
    %get3A_6 = arith.constant 0 : index
    %get3A_7 = vector.load %arg1[%get3A_4, %get3A_5, %get3A_6] : memref<2x640x128xf32, #tpu.memory_space<vmem>>, vector<1x640x1xf32>
    %get3A_8 = vector.shape_cast %get3A_7 : vector<1x640x1xf32> to vector<640x1xf32>
    %add3A = arith.addf %get3A_3, %get3A_8 : vector<640x1xf32>
    %max3A = arith.constant 1.000000e+00 : f32
    %max3A_9 = vector.broadcast %max3A : f32 to vector<640x1xf32>
    %max3A_10 = arith.maximumf %add3A, %max3A_9 : vector<640x1xf32>
    %rsqrt3A = math.rsqrt %max3A_10 : vector<640x1xf32>
    %swap3A = arith.constant 0 : index
    %swap3A_11 = arith.constant 0 : index
    %swap3A_12 = vector.load %arg3[%swap3A, %swap3A_11] : memref<640x1xf32, #tpu.memory_space<vmem>>, vector<640x1xf32>
    tpu.vector_store %arg3[%swap3A, %swap3A_11], %rsqrt3A {strides = array<i32>} : memref<640x1xf32, #tpu.memory_space<vmem>>, vector<640x1xf32>,
    %get3A_13 = arith.constant 0 : index
    %get3A_14 = arith.constant 0 : index
    %get3A_15 = vector.load %arg2[%get3A_13, %get3A_14] : memref<640x128xf32, #tpu.memory_space<vmem>>, vector<640x128xf32>
    %mul3A = vector.broadcast %rsqrt3A : vector<640x1xf32> to vector<640x128xf32>
    %mul3A_16 = arith.mulf %mul3A, %get3A_15 : vector<640x128xf32>
    %swap3A_17 = arith.constant 0 : index
    %swap3A_18 = arith.constant 0 : index
    %swap3A_19 = vector.load %arg4[%swap3A_17, %swap3A_18] : memref<640x128xf32, #tpu.memory_space<vmem>>, vector<640x128xf32>
    tpu.vector_store %arg4[%swap3A_17, %swap3A_18], %mul3A_16 {strides = array<i32>} : memref<640x128xf32, #tpu.memory_space<vmem>>, vector<640x128xf32>,
    return
  }
  func.func @transform_0(%arg0: i32) -> (i32, i32, i32) {
    %c0_i32 = arith.constant 0 : i32
    %c0_i32_0 = arith.constant 0 : i32
    %c0_i32_1 = arith.constant 0 : i32
    return %c0_i32, %arg0, %c0_i32_0 : i32, i32, i32
  }
  func.func @transform_1(%arg0: i32) -> (i32, i32) {
    %c0_i32 = arith.constant 0 : i32
    %c0_i32_0 = arith.constant 0 : i32
    return %arg0, %c0_i32 : i32, i32
  }
  func.func @transform_2(%arg0: i32) -> (i32, i32) {
    %c0_i32 = arith.constant 0 : i32
    %c0_i32_0 = arith.constant 0 : i32
    return %arg0, %c0_i32 : i32, i32
  }
  func.func @transform_3(%arg0: i32) -> (i32, i32) {
    %c0_i32 = arith.constant 0 : i32
    %c0_i32_0 = arith.constant 0 : i32
    return %arg0, %c0_i32 : i32, i32
  }
}

module attributes {stable_mosaic.version = 14 : i64} {
  func.func @_tca_body(%arg0: i32, %arg1: memref<2x640x128xf32, #tpu.memory_space<vmem>>, %arg2: memref<640x1xf32, #tpu.memory_space<vmem>>, %arg3: memref<640x128xf32, #tpu.memory_space<vmem>>, %arg4: memref<640x128xf32, #tpu.memory_space<vmem>>) attributes {dimension_semantics = [#tpu.dimension_semantics<arbitrary>], iteration_bounds = array<i64: 16>, scalar_prefetch = 0 : i64, scratch_operands = 0 : i64, tpu.core_type = #tpu.core_type<tc>, window_params = [{transform_indices = @transform_0, window_bounds = array<i64: 2, 640, 128>}, {transform_indices = @transform_1, window_bounds = array<i64: 640, 1>}, {transform_indices = @transform_2, window_bounds = array<i64: 640, 128>}, {transform_indices = @transform_3, window_bounds = array<i64: 640, 128>}]} {
    %get3A = arith.constant 0 : index
    %get3A_0 = arith.constant 0 : index
    %get3A_1 = vector.load %arg2[%get3A, %get3A_0] : memref<640x1xf32, #tpu.memory_space<vmem>>, vector<640x1xf32>
    %get3A_2 = arith.constant 0 : index
    %get3A_3 = arith.constant 0 : index
    %get3A_4 = arith.constant 0 : index
    %get3A_5 = vector.load %arg1[%get3A_2, %get3A_3, %get3A_4] : memref<2x640x128xf32, #tpu.memory_space<vmem>>, vector<1x640x128xf32>
    %get3A_6 = vector.shape_cast %get3A_5 : vector<1x640x128xf32> to vector<640x128xf32>
    %get3A_7 = arith.constant 1 : index
    %get3A_8 = arith.constant 0 : index
    %get3A_9 = arith.constant 0 : index
    %get3A_10 = vector.load %arg1[%get3A_7, %get3A_8, %get3A_9] : memref<2x640x128xf32, #tpu.memory_space<vmem>>, vector<1x640x128xf32>
    %get3A_11 = vector.shape_cast %get3A_10 : vector<1x640x128xf32> to vector<640x128xf32>
    %add3A = arith.addf %get3A_6, %get3A_11 : vector<640x128xf32>
    %mul3A = vector.broadcast %get3A_1 : vector<640x1xf32> to vector<640x128xf32>
    %mul3A_12 = arith.mulf %mul3A, %add3A : vector<640x128xf32>
    %neg3A = arith.constant 0.000000e+00 : f32
    %neg3A_13 = vector.broadcast %neg3A : f32 to vector<640x128xf32>
    %neg3A_14 = arith.subf %neg3A_13, %mul3A_12 : vector<640x128xf32>
    %swap3A = arith.constant 0 : index
    %swap3A_15 = arith.constant 0 : index
    %swap3A_16 = vector.load %arg3[%swap3A, %swap3A_15] : memref<640x128xf32, #tpu.memory_space<vmem>>, vector<640x128xf32>
    tpu.vector_store %arg3[%swap3A, %swap3A_15], %neg3A_14 {strides = array<i32>} : memref<640x128xf32, #tpu.memory_space<vmem>>, vector<640x128xf32>,
    %mul3A_17 = vector.broadcast %get3A_1 : vector<640x1xf32> to vector<640x128xf32>
    %mul3A_18 = arith.mulf %mul3A_17, %neg3A_14 : vector<640x128xf32>
    %swap3A_19 = arith.constant 0 : index
    %swap3A_20 = arith.constant 0 : index
    %swap3A_21 = vector.load %arg4[%swap3A_19, %swap3A_20] : memref<640x128xf32, #tpu.memory_space<vmem>>, vector<640x128xf32>
    tpu.vector_store %arg4[%swap3A_19, %swap3A_20], %mul3A_18 {strides = array<i32>} : memref<640x128xf32, #tpu.memory_space<vmem>>, vector<640x128xf32>,
    return
  }
  func.func @transform_0(%arg0: i32) -> (i32, i32, i32) {
    %c0_i32 = arith.constant 0 : i32
    %c0_i32_0 = arith.constant 0 : i32
    %c0_i32_1 = arith.constant 0 : i32
    return %c0_i32, %arg0, %c0_i32_0 : i32, i32, i32
  }
  func.func @transform_1(%arg0: i32) -> (i32, i32) {
    %c0_i32 = arith.constant 0 : i32
    %c0_i32_0 = arith.constant 0 : i32
    return %arg0, %c0_i32 : i32, i32
  }
  func.func @transform_2(%arg0: i32) -> (i32, i32) {
    %c0_i32 = arith.constant 0 : i32
    %c0_i32_0 = arith.constant 0 : i32
    return %arg0, %c0_i32 : i32, i32
  }
  func.func @transform_3(%arg0: i32) -> (i32, i32) {
    %c0_i32 = arith.constant 0 : i32
    %c0_i32_0 = arith.constant 0 : i32
    return %arg0, %c0_i32 : i32, i32
  }
}

module attributes {stable_mosaic.version = 14 : i64} {
  func.func @_tcb_body(%arg0: i32, %arg1: memref<2x640x128xf32, #tpu.memory_space<vmem>>, %arg2: memref<640x1xf32, #tpu.memory_space<vmem>>, %arg3: memref<640x128xf32, #tpu.memory_space<vmem>>, %arg4: memref<640x128xf32, #tpu.memory_space<vmem>>, %arg5: memref<3x128x64xf32, #tpu.memory_space<vmem>>, %arg6: memref<1x64xf32, #tpu.memory_space<vmem>>, %arg7: memref<640x64xf32, #tpu.memory_space<vmem>>, %arg8: memref<640x64xf32, #tpu.memory_space<vmem>>) attributes {dimension_semantics = [#tpu.dimension_semantics<arbitrary>], iteration_bounds = array<i64: 16>, scalar_prefetch = 0 : i64, scratch_operands = 0 : i64, tpu.core_type = #tpu.core_type<tc>, window_params = [{transform_indices = @transform_0, window_bounds = array<i64: 2, 640, 128>}, {transform_indices = @transform_1, window_bounds = array<i64: 640, 1>}, {transform_indices = @transform_2, window_bounds = array<i64: 640, 128>}, {transform_indices = @transform_3, window_bounds = array<i64: 640, 128>}, {pipeline_mode = #tpu.pipeline_mode<synchronous>, transform_indices = @transform_4, window_bounds = array<i64: 3, 128, 64>}, {pipeline_mode = #tpu.pipeline_mode<synchronous>, transform_indices = @transform_5, window_bounds = array<i64: 1, 64>}, {transform_indices = @transform_6, window_bounds = array<i64: 640, 64>}, {transform_indices = @transform_7, window_bounds = array<i64: 640, 64>}]} {
    %get3A = arith.constant 0 : index
    %get3A_0 = arith.constant 0 : index
    %get3A_1 = vector.load %arg2[%get3A, %get3A_0] : memref<640x1xf32, #tpu.memory_space<vmem>>, vector<640x1xf32>
    %get3A_2 = arith.constant 0 : index
    %get3A_3 = arith.constant 0 : index
    %get3A_4 = vector.load %arg3[%get3A_2, %get3A_3] : memref<640x128xf32, #tpu.memory_space<vmem>>, vector<640x128xf32>
    %get3A_5 = arith.constant 0 : index
    %get3A_6 = arith.constant 0 : index
    %get3A_7 = arith.constant 0 : index
    %get3A_8 = vector.load %arg1[%get3A_5, %get3A_6, %get3A_7] : memref<2x640x128xf32, #tpu.memory_space<vmem>>, vector<1x640x128xf32>
    %get3A_9 = vector.shape_cast %get3A_8 : vector<1x640x128xf32> to vector<640x128xf32>
    %get3A_10 = arith.constant 1 : index
    %get3A_11 = arith.constant 0 : index
    %get3A_12 = arith.constant 0 : index
    %get3A_13 = vector.load %arg1[%get3A_10, %get3A_11, %get3A_12] : memref<2x640x128xf32, #tpu.memory_space<vmem>>, vector<1x640x128xf32>
    %get3A_14 = vector.shape_cast %get3A_13 : vector<1x640x128xf32> to vector<640x128xf32>
    %add3A = arith.addf %get3A_9, %get3A_14 : vector<640x128xf32>
    %mul3A = vector.broadcast %get3A_1 : vector<640x1xf32> to vector<640x128xf32>
    %mul3A_15 = arith.mulf %mul3A, %add3A : vector<640x128xf32>
    %mul3A_16 = arith.constant -2.000000e+00 : f32
    %mul3A_17 = vector.broadcast %mul3A_16 : f32 to vector<640x128xf32>
    %mul3A_18 = arith.mulf %mul3A_17, %mul3A_15 : vector<640x128xf32>
    %sub3A = arith.subf %mul3A_18, %get3A_4 : vector<640x128xf32>
    %get3A_19 = arith.constant 0 : index
    %get3A_20 = arith.constant 0 : index
    %get3A_21 = arith.constant 0 : index
    %get3A_22 = vector.load %arg5[%get3A_19, %get3A_20, %get3A_21] : memref<3x128x64xf32, #tpu.memory_space<vmem>>, vector<1x128x64xf32>
    %get3A_23 = vector.shape_cast %get3A_22 : vector<1x128x64xf32> to vector<128x64xf32>
    %dot_general3A = arith.constant dense<0.000000e+00> : vector<640x64xf32>
    %dot_general3A_24 = tpu.matmul %get3A_4, %get3A_23, %dot_general3A {dimension_numbers = #tpu.dot_dimension_numbers<[1], [0], [0], [1], [0, 0, 1, 1], [], []>, transpose_lhs_hint = false} : vector<640x128xf32>, vector<128x64xf32>, vector<640x64xf32> -> vector<640x64xf32>
    %get3A_25 = arith.constant 0 : index
    %get3A_26 = arith.constant 0 : index
    %get3A_27 = vector.load %arg4[%get3A_25, %get3A_26] : memref<640x128xf32, #tpu.memory_space<vmem>>, vector<640x128xf32>
    %get3A_28 = arith.constant 1 : index
    %get3A_29 = arith.constant 0 : index
    %get3A_30 = arith.constant 0 : index
    %get3A_31 = vector.load %arg5[%get3A_28, %get3A_29, %get3A_30] : memref<3x128x64xf32, #tpu.memory_space<vmem>>, vector<1x128x64xf32>
    %get3A_32 = vector.shape_cast %get3A_31 : vector<1x128x64xf32> to vector<128x64xf32>
    %dot_general3A_33 = arith.constant dense<0.000000e+00> : vector<640x64xf32>
    %dot_general3A_34 = tpu.matmul %get3A_27, %get3A_32, %dot_general3A_33 {dimension_numbers = #tpu.dot_dimension_numbers<[1], [0], [0], [1], [0, 0, 1, 1], [], []>, transpose_lhs_hint = false} : vector<640x128xf32>, vector<128x64xf32>, vector<640x64xf32> -> vector<640x64xf32>
    %add3A_35 = arith.addf %dot_general3A_24, %dot_general3A_34 : vector<640x64xf32>
    %get3A_36 = arith.constant 2 : index
    %get3A_37 = arith.constant 0 : index
    %get3A_38 = arith.constant 0 : index
    %get3A_39 = vector.load %arg5[%get3A_36, %get3A_37, %get3A_38] : memref<3x128x64xf32, #tpu.memory_space<vmem>>, vector<1x128x64xf32>
    %get3A_40 = vector.shape_cast %get3A_39 : vector<1x128x64xf32> to vector<128x64xf32>
    %dot_general3A_41 = arith.constant dense<0.000000e+00> : vector<640x64xf32>
    %dot_general3A_42 = tpu.matmul %sub3A, %get3A_40, %dot_general3A_41 {dimension_numbers = #tpu.dot_dimension_numbers<[1], [0], [0], [1], [0, 0, 1, 1], [], []>, transpose_lhs_hint = false} : vector<640x128xf32>, vector<128x64xf32>, vector<640x64xf32> -> vector<640x64xf32>
    %add3A_43 = arith.addf %add3A_35, %dot_general3A_42 : vector<640x64xf32>
    %get3A_44 = arith.constant 0 : index
    %get3A_45 = arith.constant 0 : index
    %get3A_46 = vector.load %arg6[%get3A_44, %get3A_45] : memref<1x64xf32, #tpu.memory_space<vmem>>, vector<1x64xf32>
    %add3A_47 = vector.broadcast %get3A_46 : vector<1x64xf32> to vector<640x64xf32>
    %add3A_48 = arith.addf %add3A_43, %add3A_47 : vector<640x64xf32>
    %swap3A = arith.constant 0 : index
    %swap3A_49 = arith.constant 0 : index
    %swap3A_50 = vector.load %arg7[%swap3A, %swap3A_49] : memref<640x64xf32, #tpu.memory_space<vmem>>, vector<640x64xf32>
    tpu.vector_store %arg7[%swap3A, %swap3A_49], %add3A_48 {strides = array<i32>} : memref<640x64xf32, #tpu.memory_space<vmem>>, vector<640x64xf32>,
    %mul3A_51 = vector.broadcast %get3A_1 : vector<640x1xf32> to vector<640x64xf32>
    %mul3A_52 = arith.mulf %mul3A_51, %add3A_48 : vector<640x64xf32>
    %swap3A_53 = arith.constant 0 : index
    %swap3A_54 = arith.constant 0 : index
    %swap3A_55 = vector.load %arg8[%swap3A_53, %swap3A_54] : memref<640x64xf32, #tpu.memory_space<vmem>>, vector<640x64xf32>
    tpu.vector_store %arg8[%swap3A_53, %swap3A_54], %mul3A_52 {strides = array<i32>} : memref<640x64xf32, #tpu.memory_space<vmem>>, vector<640x64xf32>,
    return
  }
  func.func @transform_0(%arg0: i32) -> (i32, i32, i32) {
    %c0_i32 = arith.constant 0 : i32
    %c0_i32_0 = arith.constant 0 : i32
    %c0_i32_1 = arith.constant 0 : i32
    return %c0_i32, %arg0, %c0_i32_0 : i32, i32, i32
  }
  func.func @transform_1(%arg0: i32) -> (i32, i32) {
    %c0_i32 = arith.constant 0 : i32
    %c0_i32_0 = arith.constant 0 : i32
    return %arg0, %c0_i32 : i32, i32
  }
  func.func @transform_2(%arg0: i32) -> (i32, i32) {
    %c0_i32 = arith.constant 0 : i32
    %c0_i32_0 = arith.constant 0 : i32
    return %arg0, %c0_i32 : i32, i32
  }
  func.func @transform_3(%arg0: i32) -> (i32, i32) {
    %c0_i32 = arith.constant 0 : i32
    %c0_i32_0 = arith.constant 0 : i32
    return %arg0, %c0_i32 : i32, i32
  }
  func.func @transform_4(%arg0: i32) -> (i32, i32, i32) {
    %c0_i32 = arith.constant 0 : i32
    %c0_i32_0 = arith.constant 0 : i32
    %c0_i32_1 = arith.constant 0 : i32
    %c0_i32_2 = arith.constant 0 : i32
    return %c0_i32, %c0_i32_0, %c0_i32_1 : i32, i32, i32
  }
  func.func @transform_5(%arg0: i32) -> (i32, i32) {
    %c0_i32 = arith.constant 0 : i32
    %c0_i32_0 = arith.constant 0 : i32
    %c0_i32_1 = arith.constant 0 : i32
    return %c0_i32, %c0_i32_0 : i32, i32
  }
  func.func @transform_6(%arg0: i32) -> (i32, i32) {
    %c0_i32 = arith.constant 0 : i32
    %c0_i32_0 = arith.constant 0 : i32
    return %arg0, %c0_i32 : i32, i32
  }
  func.func @transform_7(%arg0: i32) -> (i32, i32) {
    %c0_i32 = arith.constant 0 : i32
    %c0_i32_0 = arith.constant 0 : i32
    return %arg0, %c0_i32 : i32, i32
  }
}

module attributes {stable_mosaic.version = 14 : i64} {
  func.func @_tca_body(%arg0: i32, %arg1: memref<2x640x64xf32, #tpu.memory_space<vmem>>, %arg2: memref<640x1xf32, #tpu.memory_space<vmem>>, %arg3: memref<640x64xf32, #tpu.memory_space<vmem>>, %arg4: memref<640x64xf32, #tpu.memory_space<vmem>>) attributes {dimension_semantics = [#tpu.dimension_semantics<arbitrary>], iteration_bounds = array<i64: 16>, scalar_prefetch = 0 : i64, scratch_operands = 0 : i64, tpu.core_type = #tpu.core_type<tc>, window_params = [{transform_indices = @transform_0, window_bounds = array<i64: 2, 640, 64>}, {transform_indices = @transform_1, window_bounds = array<i64: 640, 1>}, {transform_indices = @transform_2, window_bounds = array<i64: 640, 64>}, {transform_indices = @transform_3, window_bounds = array<i64: 640, 64>}]} {
    %get3A = arith.constant 0 : index
    %get3A_0 = arith.constant 0 : index
    %get3A_1 = vector.load %arg2[%get3A, %get3A_0] : memref<640x1xf32, #tpu.memory_space<vmem>>, vector<640x1xf32>
    %get3A_2 = arith.constant 0 : index
    %get3A_3 = arith.constant 0 : index
    %get3A_4 = arith.constant 0 : index
    %get3A_5 = vector.load %arg1[%get3A_2, %get3A_3, %get3A_4] : memref<2x640x64xf32, #tpu.memory_space<vmem>>, vector<1x640x64xf32>
    %get3A_6 = vector.shape_cast %get3A_5 : vector<1x640x64xf32> to vector<640x64xf32>
    %get3A_7 = arith.constant 1 : index
    %get3A_8 = arith.constant 0 : index
    %get3A_9 = arith.constant 0 : index
    %get3A_10 = vector.load %arg1[%get3A_7, %get3A_8, %get3A_9] : memref<2x640x64xf32, #tpu.memory_space<vmem>>, vector<1x640x64xf32>
    %get3A_11 = vector.shape_cast %get3A_10 : vector<1x640x64xf32> to vector<640x64xf32>
    %add3A = arith.addf %get3A_6, %get3A_11 : vector<640x64xf32>
    %mul3A = vector.broadcast %get3A_1 : vector<640x1xf32> to vector<640x64xf32>
    %mul3A_12 = arith.mulf %mul3A, %add3A : vector<640x64xf32>
    %neg3A = arith.constant 0.000000e+00 : f32
    %neg3A_13 = vector.broadcast %neg3A : f32 to vector<640x64xf32>
    %neg3A_14 = arith.subf %neg3A_13, %mul3A_12 : vector<640x64xf32>
    %swap3A = arith.constant 0 : index
    %swap3A_15 = arith.constant 0 : index
    %swap3A_16 = vector.load %arg3[%swap3A, %swap3A_15] : memref<640x64xf32, #tpu.memory_space<vmem>>, vector<640x64xf32>
    tpu.vector_store %arg3[%swap3A, %swap3A_15], %neg3A_14 {strides = array<i32>} : memref<640x64xf32, #tpu.memory_space<vmem>>, vector<640x64xf32>,
    %mul3A_17 = vector.broadcast %get3A_1 : vector<640x1xf32> to vector<640x64xf32>
    %mul3A_18 = arith.mulf %mul3A_17, %neg3A_14 : vector<640x64xf32>
    %swap3A_19 = arith.constant 0 : index
    %swap3A_20 = arith.constant 0 : index
    %swap3A_21 = vector.load %arg4[%swap3A_19, %swap3A_20] : memref<640x64xf32, #tpu.memory_space<vmem>>, vector<640x64xf32>
    tpu.vector_store %arg4[%swap3A_19, %swap3A_20], %mul3A_18 {strides = array<i32>} : memref<640x64xf32, #tpu.memory_space<vmem>>, vector<640x64xf32>,
    return
  }
  func.func @transform_0(%arg0: i32) -> (i32, i32, i32) {
    %c0_i32 = arith.constant 0 : i32
    %c0_i32_0 = arith.constant 0 : i32
    %c0_i32_1 = arith.constant 0 : i32
    return %c0_i32, %arg0, %c0_i32_0 : i32, i32, i32
  }
  func.func @transform_1(%arg0: i32) -> (i32, i32) {
    %c0_i32 = arith.constant 0 : i32
    %c0_i32_0 = arith.constant 0 : i32
    return %arg0, %c0_i32 : i32, i32
  }
  func.func @transform_2(%arg0: i32) -> (i32, i32) {
    %c0_i32 = arith.constant 0 : i32
    %c0_i32_0 = arith.constant 0 : i32
    return %arg0, %c0_i32 : i32, i32
  }
  func.func @transform_3(%arg0: i32) -> (i32, i32) {
    %c0_i32 = arith.constant 0 : i32
    %c0_i32_0 = arith.constant 0 : i32
    return %arg0, %c0_i32 : i32, i32
  }
}

module attributes {stable_mosaic.version = 14 : i64} {
  func.func @_tcb_body(%arg0: i32, %arg1: memref<2x640x64xf32, #tpu.memory_space<vmem>>, %arg2: memref<640x1xf32, #tpu.memory_space<vmem>>, %arg3: memref<640x64xf32, #tpu.memory_space<vmem>>, %arg4: memref<640x64xf32, #tpu.memory_space<vmem>>, %arg5: memref<3x64x64xf32, #tpu.memory_space<vmem>>, %arg6: memref<1x64xf32, #tpu.memory_space<vmem>>, %arg7: memref<640x64xf32, #tpu.memory_space<vmem>>, %arg8: memref<640x64xf32, #tpu.memory_space<vmem>>) attributes {dimension_semantics = [#tpu.dimension_semantics<arbitrary>], iteration_bounds = array<i64: 16>, scalar_prefetch = 0 : i64, scratch_operands = 0 : i64, tpu.core_type = #tpu.core_type<tc>, window_params = [{transform_indices = @transform_0, window_bounds = array<i64: 2, 640, 64>}, {transform_indices = @transform_1, window_bounds = array<i64: 640, 1>}, {transform_indices = @transform_2, window_bounds = array<i64: 640, 64>}, {transform_indices = @transform_3, window_bounds = array<i64: 640, 64>}, {pipeline_mode = #tpu.pipeline_mode<synchronous>, transform_indices = @transform_4, window_bounds = array<i64: 3, 64, 64>}, {pipeline_mode = #tpu.pipeline_mode<synchronous>, transform_indices = @transform_5, window_bounds = array<i64: 1, 64>}, {transform_indices = @transform_6, window_bounds = array<i64: 640, 64>}, {transform_indices = @transform_7, window_bounds = array<i64: 640, 64>}]} {
    %get3A = arith.constant 0 : index
    %get3A_0 = arith.constant 0 : index
    %get3A_1 = vector.load %arg2[%get3A, %get3A_0] : memref<640x1xf32, #tpu.memory_space<vmem>>, vector<640x1xf32>
    %get3A_2 = arith.constant 0 : index
    %get3A_3 = arith.constant 0 : index
    %get3A_4 = vector.load %arg3[%get3A_2, %get3A_3] : memref<640x64xf32, #tpu.memory_space<vmem>>, vector<640x64xf32>
    %get3A_5 = arith.constant 0 : index
    %get3A_6 = arith.constant 0 : index
    %get3A_7 = arith.constant 0 : index
    %get3A_8 = vector.load %arg1[%get3A_5, %get3A_6, %get3A_7] : memref<2x640x64xf32, #tpu.memory_space<vmem>>, vector<1x640x64xf32>
    %get3A_9 = vector.shape_cast %get3A_8 : vector<1x640x64xf32> to vector<640x64xf32>
    %get3A_10 = arith.constant 1 : index
    %get3A_11 = arith.constant 0 : index
    %get3A_12 = arith.constant 0 : index
    %get3A_13 = vector.load %arg1[%get3A_10, %get3A_11, %get3A_12] : memref<2x640x64xf32, #tpu.memory_space<vmem>>, vector<1x640x64xf32>
    %get3A_14 = vector.shape_cast %get3A_13 : vector<1x640x64xf32> to vector<640x64xf32>
    %add3A = arith.addf %get3A_9, %get3A_14 : vector<640x64xf32>
    %mul3A = vector.broadcast %get3A_1 : vector<640x1xf32> to vector<640x64xf32>
    %mul3A_15 = arith.mulf %mul3A, %add3A : vector<640x64xf32>
    %mul3A_16 = arith.constant -2.000000e+00 : f32
    %mul3A_17 = vector.broadcast %mul3A_16 : f32 to vector<640x64xf32>
    %mul3A_18 = arith.mulf %mul3A_17, %mul3A_15 : vector<640x64xf32>
    %sub3A = arith.subf %mul3A_18, %get3A_4 : vector<640x64xf32>
    %get3A_19 = arith.constant 0 : index
    %get3A_20 = arith.constant 0 : index
    %get3A_21 = arith.constant 0 : index
    %get3A_22 = vector.load %arg5[%get3A_19, %get3A_20, %get3A_21] : memref<3x64x64xf32, #tpu.memory_space<vmem>>, vector<1x64x64xf32>
    %get3A_23 = vector.shape_cast %get3A_22 : vector<1x64x64xf32> to vector<64x64xf32>
    %dot_general3A = arith.constant dense<0.000000e+00> : vector<640x64xf32>
    %dot_general3A_24 = tpu.matmul %get3A_4, %get3A_23, %dot_general3A {dimension_numbers = #tpu.dot_dimension_numbers<[1], [0], [0], [1], [0, 0, 1, 1], [], []>, transpose_lhs_hint = false} : vector<640x64xf32>, vector<64x64xf32>, vector<640x64xf32> -> vector<640x64xf32>
    %get3A_25 = arith.constant 0 : index
    %get3A_26 = arith.constant 0 : index
    %get3A_27 = vector.load %arg4[%get3A_25, %get3A_26] : memref<640x64xf32, #tpu.memory_space<vmem>>, vector<640x64xf32>
    %get3A_28 = arith.constant 1 : index
    %get3A_29 = arith.constant 0 : index
    %get3A_30 = arith.constant 0 : index
    %get3A_31 = vector.load %arg5[%get3A_28, %get3A_29, %get3A_30] : memref<3x64x64xf32, #tpu.memory_space<vmem>>, vector<1x64x64xf32>
    %get3A_32 = vector.shape_cast %get3A_31 : vector<1x64x64xf32> to vector<64x64xf32>
    %dot_general3A_33 = arith.constant dense<0.000000e+00> : vector<640x64xf32>
    %dot_general3A_34 = tpu.matmul %get3A_27, %get3A_32, %dot_general3A_33 {dimension_numbers = #tpu.dot_dimension_numbers<[1], [0], [0], [1], [0, 0, 1, 1], [], []>, transpose_lhs_hint = false} : vector<640x64xf32>, vector<64x64xf32>, vector<640x64xf32> -> vector<640x64xf32>
    %add3A_35 = arith.addf %dot_general3A_24, %dot_general3A_34 : vector<640x64xf32>
    %get3A_36 = arith.constant 2 : index
    %get3A_37 = arith.constant 0 : index
    %get3A_38 = arith.constant 0 : index
    %get3A_39 = vector.load %arg5[%get3A_36, %get3A_37, %get3A_38] : memref<3x64x64xf32, #tpu.memory_space<vmem>>, vector<1x64x64xf32>
    %get3A_40 = vector.shape_cast %get3A_39 : vector<1x64x64xf32> to vector<64x64xf32>
    %dot_general3A_41 = arith.constant dense<0.000000e+00> : vector<640x64xf32>
    %dot_general3A_42 = tpu.matmul %sub3A, %get3A_40, %dot_general3A_41 {dimension_numbers = #tpu.dot_dimension_numbers<[1], [0], [0], [1], [0, 0, 1, 1], [], []>, transpose_lhs_hint = false} : vector<640x64xf32>, vector<64x64xf32>, vector<640x64xf32> -> vector<640x64xf32>
    %add3A_43 = arith.addf %add3A_35, %dot_general3A_42 : vector<640x64xf32>
    %get3A_44 = arith.constant 0 : index
    %get3A_45 = arith.constant 0 : index
    %get3A_46 = vector.load %arg6[%get3A_44, %get3A_45] : memref<1x64xf32, #tpu.memory_space<vmem>>, vector<1x64xf32>
    %add3A_47 = vector.broadcast %get3A_46 : vector<1x64xf32> to vector<640x64xf32>
    %add3A_48 = arith.addf %add3A_43, %add3A_47 : vector<640x64xf32>
    %swap3A = arith.constant 0 : index
    %swap3A_49 = arith.constant 0 : index
    %swap3A_50 = vector.load %arg7[%swap3A, %swap3A_49] : memref<640x64xf32, #tpu.memory_space<vmem>>, vector<640x64xf32>
    tpu.vector_store %arg7[%swap3A, %swap3A_49], %add3A_48 {strides = array<i32>} : memref<640x64xf32, #tpu.memory_space<vmem>>, vector<640x64xf32>,
    %mul3A_51 = vector.broadcast %get3A_1 : vector<640x1xf32> to vector<640x64xf32>
    %mul3A_52 = arith.mulf %mul3A_51, %add3A_48 : vector<640x64xf32>
    %swap3A_53 = arith.constant 0 : index
    %swap3A_54 = arith.constant 0 : index
    %swap3A_55 = vector.load %arg8[%swap3A_53, %swap3A_54] : memref<640x64xf32, #tpu.memory_space<vmem>>, vector<640x64xf32>
    tpu.vector_store %arg8[%swap3A_53, %swap3A_54], %mul3A_52 {strides = array<i32>} : memref<640x64xf32, #tpu.memory_space<vmem>>, vector<640x64xf32>,
    return
  }
  func.func @transform_0(%arg0: i32) -> (i32, i32, i32) {
    %c0_i32 = arith.constant 0 : i32
    %c0_i32_0 = arith.constant 0 : i32
    %c0_i32_1 = arith.constant 0 : i32
    return %c0_i32, %arg0, %c0_i32_0 : i32, i32, i32
  }
  func.func @transform_1(%arg0: i32) -> (i32, i32) {
    %c0_i32 = arith.constant 0 : i32
    %c0_i32_0 = arith.constant 0 : i32
    return %arg0, %c0_i32 : i32, i32
  }
  func.func @transform_2(%arg0: i32) -> (i32, i32) {
    %c0_i32 = arith.constant 0 : i32
    %c0_i32_0 = arith.constant 0 : i32
    return %arg0, %c0_i32 : i32, i32
  }
  func.func @transform_3(%arg0: i32) -> (i32, i32) {
    %c0_i32 = arith.constant 0 : i32
    %c0_i32_0 = arith.constant 0 : i32
    return %arg0, %c0_i32 : i32, i32
  }
  func.func @transform_4(%arg0: i32) -> (i32, i32, i32) {
    %c0_i32 = arith.constant 0 : i32
    %c0_i32_0 = arith.constant 0 : i32
    %c0_i32_1 = arith.constant 0 : i32
    %c0_i32_2 = arith.constant 0 : i32
    return %c0_i32, %c0_i32_0, %c0_i32_1 : i32, i32, i32
  }
  func.func @transform_5(%arg0: i32) -> (i32, i32) {
    %c0_i32 = arith.constant 0 : i32
    %c0_i32_0 = arith.constant 0 : i32
    %c0_i32_1 = arith.constant 0 : i32
    return %c0_i32, %c0_i32_0 : i32, i32
  }
  func.func @transform_6(%arg0: i32) -> (i32, i32) {
    %c0_i32 = arith.constant 0 : i32
    %c0_i32_0 = arith.constant 0 : i32
    return %arg0, %c0_i32 : i32, i32
  }
  func.func @transform_7(%arg0: i32) -> (i32, i32) {
    %c0_i32 = arith.constant 0 : i32
    %c0_i32_0 = arith.constant 0 : i32
    return %arg0, %c0_i32 : i32, i32
  }
}

module attributes {stable_mosaic.version = 14 : i64} {
  func.func @_tcb_body(%arg0: i32, %arg1: memref<2x640x64xf32, #tpu.memory_space<vmem>>, %arg2: memref<640x1xf32, #tpu.memory_space<vmem>>, %arg3: memref<640x64xf32, #tpu.memory_space<vmem>>, %arg4: memref<640x64xf32, #tpu.memory_space<vmem>>, %arg5: memref<3x64x128xf32, #tpu.memory_space<vmem>>, %arg6: memref<1x128xf32, #tpu.memory_space<vmem>>, %arg7: memref<640x128xf32, #tpu.memory_space<vmem>>, %arg8: memref<640x128xf32, #tpu.memory_space<vmem>>) attributes {dimension_semantics = [#tpu.dimension_semantics<arbitrary>], iteration_bounds = array<i64: 16>, scalar_prefetch = 0 : i64, scratch_operands = 0 : i64, tpu.core_type = #tpu.core_type<tc>, window_params = [{transform_indices = @transform_0, window_bounds = array<i64: 2, 640, 64>}, {transform_indices = @transform_1, window_bounds = array<i64: 640, 1>}, {transform_indices = @transform_2, window_bounds = array<i64: 640, 64>}, {transform_indices = @transform_3, window_bounds = array<i64: 640, 64>}, {pipeline_mode = #tpu.pipeline_mode<synchronous>, transform_indices = @transform_4, window_bounds = array<i64: 3, 64, 128>}, {pipeline_mode = #tpu.pipeline_mode<synchronous>, transform_indices = @transform_5, window_bounds = array<i64: 1, 128>}, {transform_indices = @transform_6, window_bounds = array<i64: 640, 128>}, {transform_indices = @transform_7, window_bounds = array<i64: 640, 128>}]} {
    %get3A = arith.constant 0 : index
    %get3A_0 = arith.constant 0 : index
    %get3A_1 = vector.load %arg2[%get3A, %get3A_0] : memref<640x1xf32, #tpu.memory_space<vmem>>, vector<640x1xf32>
    %get3A_2 = arith.constant 0 : index
    %get3A_3 = arith.constant 0 : index
    %get3A_4 = vector.load %arg3[%get3A_2, %get3A_3] : memref<640x64xf32, #tpu.memory_space<vmem>>, vector<640x64xf32>
    %get3A_5 = arith.constant 0 : index
    %get3A_6 = arith.constant 0 : index
    %get3A_7 = arith.constant 0 : index
    %get3A_8 = vector.load %arg1[%get3A_5, %get3A_6, %get3A_7] : memref<2x640x64xf32, #tpu.memory_space<vmem>>, vector<1x640x64xf32>
    %get3A_9 = vector.shape_cast %get3A_8 : vector<1x640x64xf32> to vector<640x64xf32>
    %get3A_10 = arith.constant 1 : index
    %get3A_11 = arith.constant 0 : index
    %get3A_12 = arith.constant 0 : index
    %get3A_13 = vector.load %arg1[%get3A_10, %get3A_11, %get3A_12] : memref<2x640x64xf32, #tpu.memory_space<vmem>>, vector<1x640x64xf32>
    %get3A_14 = vector.shape_cast %get3A_13 : vector<1x640x64xf32> to vector<640x64xf32>
    %add3A = arith.addf %get3A_9, %get3A_14 : vector<640x64xf32>
    %mul3A = vector.broadcast %get3A_1 : vector<640x1xf32> to vector<640x64xf32>
    %mul3A_15 = arith.mulf %mul3A, %add3A : vector<640x64xf32>
    %mul3A_16 = arith.constant -2.000000e+00 : f32
    %mul3A_17 = vector.broadcast %mul3A_16 : f32 to vector<640x64xf32>
    %mul3A_18 = arith.mulf %mul3A_17, %mul3A_15 : vector<640x64xf32>
    %sub3A = arith.subf %mul3A_18, %get3A_4 : vector<640x64xf32>
    %get3A_19 = arith.constant 0 : index
    %get3A_20 = arith.constant 0 : index
    %get3A_21 = arith.constant 0 : index
    %get3A_22 = vector.load %arg5[%get3A_19, %get3A_20, %get3A_21] : memref<3x64x128xf32, #tpu.memory_space<vmem>>, vector<1x64x128xf32>
    %get3A_23 = vector.shape_cast %get3A_22 : vector<1x64x128xf32> to vector<64x128xf32>
    %dot_general3A = arith.constant dense<0.000000e+00> : vector<640x128xf32>
    %dot_general3A_24 = tpu.matmul %get3A_4, %get3A_23, %dot_general3A {dimension_numbers = #tpu.dot_dimension_numbers<[1], [0], [0], [1], [0, 0, 1, 1], [], []>, transpose_lhs_hint = false} : vector<640x64xf32>, vector<64x128xf32>, vector<640x128xf32> -> vector<640x128xf32>
    %get3A_25 = arith.constant 0 : index
    %get3A_26 = arith.constant 0 : index
    %get3A_27 = vector.load %arg4[%get3A_25, %get3A_26] : memref<640x64xf32, #tpu.memory_space<vmem>>, vector<640x64xf32>
    %get3A_28 = arith.constant 1 : index
    %get3A_29 = arith.constant 0 : index
    %get3A_30 = arith.constant 0 : index
    %get3A_31 = vector.load %arg5[%get3A_28, %get3A_29, %get3A_30] : memref<3x64x128xf32, #tpu.memory_space<vmem>>, vector<1x64x128xf32>
    %get3A_32 = vector.shape_cast %get3A_31 : vector<1x64x128xf32> to vector<64x128xf32>
    %dot_general3A_33 = arith.constant dense<0.000000e+00> : vector<640x128xf32>
    %dot_general3A_34 = tpu.matmul %get3A_27, %get3A_32, %dot_general3A_33 {dimension_numbers = #tpu.dot_dimension_numbers<[1], [0], [0], [1], [0, 0, 1, 1], [], []>, transpose_lhs_hint = false} : vector<640x64xf32>, vector<64x128xf32>, vector<640x128xf32> -> vector<640x128xf32>
    %add3A_35 = arith.addf %dot_general3A_24, %dot_general3A_34 : vector<640x128xf32>
    %get3A_36 = arith.constant 2 : index
    %get3A_37 = arith.constant 0 : index
    %get3A_38 = arith.constant 0 : index
    %get3A_39 = vector.load %arg5[%get3A_36, %get3A_37, %get3A_38] : memref<3x64x128xf32, #tpu.memory_space<vmem>>, vector<1x64x128xf32>
    %get3A_40 = vector.shape_cast %get3A_39 : vector<1x64x128xf32> to vector<64x128xf32>
    %dot_general3A_41 = arith.constant dense<0.000000e+00> : vector<640x128xf32>
    %dot_general3A_42 = tpu.matmul %sub3A, %get3A_40, %dot_general3A_41 {dimension_numbers = #tpu.dot_dimension_numbers<[1], [0], [0], [1], [0, 0, 1, 1], [], []>, transpose_lhs_hint = false} : vector<640x64xf32>, vector<64x128xf32>, vector<640x128xf32> -> vector<640x128xf32>
    %add3A_43 = arith.addf %add3A_35, %dot_general3A_42 : vector<640x128xf32>
    %get3A_44 = arith.constant 0 : index
    %get3A_45 = arith.constant 0 : index
    %get3A_46 = vector.load %arg6[%get3A_44, %get3A_45] : memref<1x128xf32, #tpu.memory_space<vmem>>, vector<1x128xf32>
    %add3A_47 = vector.broadcast %get3A_46 : vector<1x128xf32> to vector<640x128xf32>
    %add3A_48 = arith.addf %add3A_43, %add3A_47 : vector<640x128xf32>
    %swap3A = arith.constant 0 : index
    %swap3A_49 = arith.constant 0 : index
    %swap3A_50 = vector.load %arg7[%swap3A, %swap3A_49] : memref<640x128xf32, #tpu.memory_space<vmem>>, vector<640x128xf32>
    tpu.vector_store %arg7[%swap3A, %swap3A_49], %add3A_48 {strides = array<i32>} : memref<640x128xf32, #tpu.memory_space<vmem>>, vector<640x128xf32>,
    %mul3A_51 = vector.broadcast %get3A_1 : vector<640x1xf32> to vector<640x128xf32>
    %mul3A_52 = arith.mulf %mul3A_51, %add3A_48 : vector<640x128xf32>
    %swap3A_53 = arith.constant 0 : index
    %swap3A_54 = arith.constant 0 : index
    %swap3A_55 = vector.load %arg8[%swap3A_53, %swap3A_54] : memref<640x128xf32, #tpu.memory_space<vmem>>, vector<640x128xf32>
    tpu.vector_store %arg8[%swap3A_53, %swap3A_54], %mul3A_52 {strides = array<i32>} : memref<640x128xf32, #tpu.memory_space<vmem>>, vector<640x128xf32>,
    return
  }
  func.func @transform_0(%arg0: i32) -> (i32, i32, i32) {
    %c0_i32 = arith.constant 0 : i32
    %c0_i32_0 = arith.constant 0 : i32
    %c0_i32_1 = arith.constant 0 : i32
    return %c0_i32, %arg0, %c0_i32_0 : i32, i32, i32
  }
  func.func @transform_1(%arg0: i32) -> (i32, i32) {
    %c0_i32 = arith.constant 0 : i32
    %c0_i32_0 = arith.constant 0 : i32
    return %arg0, %c0_i32 : i32, i32
  }
  func.func @transform_2(%arg0: i32) -> (i32, i32) {
    %c0_i32 = arith.constant 0 : i32
    %c0_i32_0 = arith.constant 0 : i32
    return %arg0, %c0_i32 : i32, i32
  }
  func.func @transform_3(%arg0: i32) -> (i32, i32) {
    %c0_i32 = arith.constant 0 : i32
    %c0_i32_0 = arith.constant 0 : i32
    return %arg0, %c0_i32 : i32, i32
  }
  func.func @transform_4(%arg0: i32) -> (i32, i32, i32) {
    %c0_i32 = arith.constant 0 : i32
    %c0_i32_0 = arith.constant 0 : i32
    %c0_i32_1 = arith.constant 0 : i32
    %c0_i32_2 = arith.constant 0 : i32
    return %c0_i32, %c0_i32_0, %c0_i32_1 : i32, i32, i32
  }
  func.func @transform_5(%arg0: i32) -> (i32, i32) {
    %c0_i32 = arith.constant 0 : i32
    %c0_i32_0 = arith.constant 0 : i32
    %c0_i32_1 = arith.constant 0 : i32
    return %c0_i32, %c0_i32_0 : i32, i32
  }
  func.func @transform_6(%arg0: i32) -> (i32, i32) {
    %c0_i32 = arith.constant 0 : i32
    %c0_i32_0 = arith.constant 0 : i32
    return %arg0, %c0_i32 : i32, i32
  }
  func.func @transform_7(%arg0: i32) -> (i32, i32) {
    %c0_i32 = arith.constant 0 : i32
    %c0_i32_0 = arith.constant 0 : i32
    return %arg0, %c0_i32 : i32, i32
  }
}

module attributes {stable_mosaic.version = 14 : i64} {
  func.func @_tcb3_body(%arg0: i32, %arg1: memref<2x640x128xf32, #tpu.memory_space<vmem>>, %arg2: memref<640x1xf32, #tpu.memory_space<vmem>>, %arg3: memref<640x128xf32, #tpu.memory_space<vmem>>, %arg4: memref<640x128xf32, #tpu.memory_space<vmem>>, %arg5: memref<3x128x256xf32, #tpu.memory_space<vmem>>, %arg6: memref<1x256xf32, #tpu.memory_space<vmem>>, %arg7: memref<256x256xf32, #tpu.memory_space<vmem>>, %arg8: memref<1x256xf32, #tpu.memory_space<vmem>>, %arg9: memref<256x10xf32, #tpu.memory_space<vmem>>, %arg10: memref<1x10xf32, #tpu.memory_space<vmem>>, %arg11: memref<1x10xf32, #tpu.memory_space<vmem>>, %arg12: memref<1x256xf32, #tpu.memory_space<vmem>>) attributes {dimension_semantics = [#tpu.dimension_semantics<arbitrary>], iteration_bounds = array<i64: 16>, scalar_prefetch = 0 : i64, scratch_operands = 1 : i64, tpu.core_type = #tpu.core_type<tc>, window_params = [{transform_indices = @transform_0, window_bounds = array<i64: 2, 640, 128>}, {transform_indices = @transform_1, window_bounds = array<i64: 640, 1>}, {transform_indices = @transform_2, window_bounds = array<i64: 640, 128>}, {transform_indices = @transform_3, window_bounds = array<i64: 640, 128>}, {pipeline_mode = #tpu.pipeline_mode<synchronous>, transform_indices = @transform_4, window_bounds = array<i64: 3, 128, 256>}, {pipeline_mode = #tpu.pipeline_mode<synchronous>, transform_indices = @transform_5, window_bounds = array<i64: 1, 256>}, {pipeline_mode = #tpu.pipeline_mode<synchronous>, transform_indices = @transform_6, window_bounds = array<i64: 256, 256>}, {pipeline_mode = #tpu.pipeline_mode<synchronous>, transform_indices = @transform_7, window_bounds = array<i64: 1, 256>}, {pipeline_mode = #tpu.pipeline_mode<synchronous>, transform_indices = @transform_8, window_bounds = array<i64: 256, 10>}, {pipeline_mode = #tpu.pipeline_mode<synchronous>, transform_indices = @transform_9, window_bounds = array<i64: 1, 10>}, {pipeline_mode = #tpu.pipeline_mode<synchronous>, transform_indices = @transform_10, window_bounds = array<i64: 1, 10>}]} {
    %get3A = arith.constant 0 : index
    %get3A_0 = arith.constant 0 : index
    %get3A_1 = vector.load %arg2[%get3A, %get3A_0] : memref<640x1xf32, #tpu.memory_space<vmem>>, vector<640x1xf32>
    %get3A_2 = arith.constant 0 : index
    %get3A_3 = arith.constant 0 : index
    %get3A_4 = vector.load %arg3[%get3A_2, %get3A_3] : memref<640x128xf32, #tpu.memory_space<vmem>>, vector<640x128xf32>
    %get3A_5 = arith.constant 0 : index
    %get3A_6 = arith.constant 0 : index
    %get3A_7 = arith.constant 0 : index
    %get3A_8 = vector.load %arg1[%get3A_5, %get3A_6, %get3A_7] : memref<2x640x128xf32, #tpu.memory_space<vmem>>, vector<1x640x128xf32>
    %get3A_9 = vector.shape_cast %get3A_8 : vector<1x640x128xf32> to vector<640x128xf32>
    %get3A_10 = arith.constant 1 : index
    %get3A_11 = arith.constant 0 : index
    %get3A_12 = arith.constant 0 : index
    %get3A_13 = vector.load %arg1[%get3A_10, %get3A_11, %get3A_12] : memref<2x640x128xf32, #tpu.memory_space<vmem>>, vector<1x640x128xf32>
    %get3A_14 = vector.shape_cast %get3A_13 : vector<1x640x128xf32> to vector<640x128xf32>
    %add3A = arith.addf %get3A_9, %get3A_14 : vector<640x128xf32>
    %mul3A = vector.broadcast %get3A_1 : vector<640x1xf32> to vector<640x128xf32>
    %mul3A_15 = arith.mulf %mul3A, %add3A : vector<640x128xf32>
    %mul3A_16 = arith.constant -2.000000e+00 : f32
    %mul3A_17 = vector.broadcast %mul3A_16 : f32 to vector<640x128xf32>
    %mul3A_18 = arith.mulf %mul3A_17, %mul3A_15 : vector<640x128xf32>
    %sub3A = arith.subf %mul3A_18, %get3A_4 : vector<640x128xf32>
    %get3A_19 = arith.constant 0 : index
    %get3A_20 = arith.constant 0 : index
    %get3A_21 = arith.constant 0 : index
    %get3A_22 = vector.load %arg5[%get3A_19, %get3A_20, %get3A_21] : memref<3x128x256xf32, #tpu.memory_space<vmem>>, vector<1x128x256xf32>
    %get3A_23 = vector.shape_cast %get3A_22 : vector<1x128x256xf32> to vector<128x256xf32>
    %dot_general3A = arith.constant dense<0.000000e+00> : vector<640x256xf32>
    %dot_general3A_24 = tpu.matmul %get3A_4, %get3A_23, %dot_general3A {dimension_numbers = #tpu.dot_dimension_numbers<[1], [0], [0], [1], [0, 0, 1, 1], [], []>, transpose_lhs_hint = false} : vector<640x128xf32>, vector<128x256xf32>, vector<640x256xf32> -> vector<640x256xf32>
    %get3A_25 = arith.constant 0 : index
    %get3A_26 = arith.constant 0 : index
    %get3A_27 = vector.load %arg4[%get3A_25, %get3A_26] : memref<640x128xf32, #tpu.memory_space<vmem>>, vector<640x128xf32>
    %get3A_28 = arith.constant 1 : index
    %get3A_29 = arith.constant 0 : index
    %get3A_30 = arith.constant 0 : index
    %get3A_31 = vector.load %arg5[%get3A_28, %get3A_29, %get3A_30] : memref<3x128x256xf32, #tpu.memory_space<vmem>>, vector<1x128x256xf32>
    %get3A_32 = vector.shape_cast %get3A_31 : vector<1x128x256xf32> to vector<128x256xf32>
    %dot_general3A_33 = arith.constant dense<0.000000e+00> : vector<640x256xf32>
    %dot_general3A_34 = tpu.matmul %get3A_27, %get3A_32, %dot_general3A_33 {dimension_numbers = #tpu.dot_dimension_numbers<[1], [0], [0], [1], [0, 0, 1, 1], [], []>, transpose_lhs_hint = false} : vector<640x128xf32>, vector<128x256xf32>, vector<640x256xf32> -> vector<640x256xf32>
    %add3A_35 = arith.addf %dot_general3A_24, %dot_general3A_34 : vector<640x256xf32>
    %get3A_36 = arith.constant 2 : index
    %get3A_37 = arith.constant 0 : index
    %get3A_38 = arith.constant 0 : index
    %get3A_39 = vector.load %arg5[%get3A_36, %get3A_37, %get3A_38] : memref<3x128x256xf32, #tpu.memory_space<vmem>>, vector<1x128x256xf32>
    %get3A_40 = vector.shape_cast %get3A_39 : vector<1x128x256xf32> to vector<128x256xf32>
    %dot_general3A_41 = arith.constant dense<0.000000e+00> : vector<640x256xf32>
    %dot_general3A_42 = tpu.matmul %sub3A, %get3A_40, %dot_general3A_41 {dimension_numbers = #tpu.dot_dimension_numbers<[1], [0], [0], [1], [0, 0, 1, 1], [], []>, transpose_lhs_hint = false} : vector<640x128xf32>, vector<128x256xf32>, vector<640x256xf32> -> vector<640x256xf32>
    %add3A_43 = arith.addf %add3A_35, %dot_general3A_42 : vector<640x256xf32>
    %get3A_44 = arith.constant 0 : index
    %get3A_45 = arith.constant 0 : index
    %get3A_46 = vector.load %arg6[%get3A_44, %get3A_45] : memref<1x256xf32, #tpu.memory_space<vmem>>, vector<1x256xf32>
    %add3A_47 = vector.broadcast %get3A_46 : vector<1x256xf32> to vector<640x256xf32>
    %add3A_48 = arith.addf %add3A_43, %add3A_47 : vector<640x256xf32>
    %iota3A = tpu.iota {dimensions = array<i32: 0>} : vector<640x1xi32>
    %mul3A_49 = arith.constant 640 : i32
    %mul3A_50 = arith.muli %arg0, %mul3A_49 : i32
    %add3A_51 = vector.broadcast %mul3A_50 : i32 to vector<640x1xi32>
    %add3A_52 = arith.addi %iota3A, %add3A_51 : vector<640x1xi32>
    %lt3A = arith.constant 10000 : i32
    %lt3A_53 = vector.broadcast %lt3A : i32 to vector<640x1xi32>
    %lt3A_54 = arith.cmpi slt, %add3A_52, %lt3A_53 : vector<640x1xi32>
    %jit3A = arith.constant 0.000000e+00 : f32
    %broadcast_in_dim3A = vector.shape_cast %lt3A_54 : vector<640x1xi1> to vector<640x1xi1>
    %broadcast_in_dim3A_55 = vector.broadcast %broadcast_in_dim3A : vector<640x1xi1> to vector<640x256xi1>
    %broadcast_in_dim3A_56 = vector.broadcast %jit3A : f32 to vector<640x256xf32>
    %select_n3A = arith.select %broadcast_in_dim3A_55, %add3A_48, %broadcast_in_dim3A_56 : vector<640x256xi1>, vector<640x256xf32>
    %reduce_sum3A = arith.constant dense<0.000000e+00> : vector<256xf32>
    %reduce_sum3A_57 = vector.multi_reduction <add>, %select_n3A, %reduce_sum3A [0] : vector<640x256xf32> to vector<256xf32>
    %broadcast_in_dim3A_58 = vector.shape_cast %reduce_sum3A_57 : vector<256xf32> to vector<1x256xf32>
    %eq3A = arith.constant 0 : i32
    %eq3A_59 = arith.cmpi eq, %arg0, %eq3A : i32
    %convert_element_type3A = arith.extui %eq3A_59 : i1 to i32
    %cond3A = arith.constant 0 : i32
    %cond3A_60 = arith.cmpi ne, %convert_element_type3A, %cond3A : i32
    scf.if %cond3A_60 {
      %swap3A = arith.constant 0 : index
      %swap3A_70 = arith.constant 0 : index
      %swap3A_71 = vector.load %arg12[%swap3A, %swap3A_70] : memref<1x256xf32, #tpu.memory_space<vmem>>, vector<1x256xf32>
      tpu.vector_store %arg12[%swap3A, %swap3A_70], %broadcast_in_dim3A_58 {strides = array<i32>} : memref<1x256xf32, #tpu.memory_space<vmem>>, vector<1x256xf32>,
    } else {
    }
    %gt3A = arith.constant 0 : i32
    %gt3A_61 = arith.cmpi sgt, %arg0, %gt3A : i32
    %convert_element_type3A_62 = arith.extui %gt3A_61 : i1 to i32
    %cond3A_63 = arith.constant 0 : i32
    %cond3A_64 = arith.cmpi ne, %convert_element_type3A_62, %cond3A_63 : i32
    scf.if %cond3A_64 {
      %get3A_70 = arith.constant 0 : index
      %get3A_71 = arith.constant 0 : index
      %get3A_72 = vector.load %arg12[%get3A_70, %get3A_71] : memref<1x256xf32, #tpu.memory_space<vmem>>, vector<1x256xf32>
      %add3A_73 = arith.addf %get3A_72, %broadcast_in_dim3A_58 : vector<1x256xf32>
      %swap3A = arith.constant 0 : index
      %swap3A_74 = arith.constant 0 : index
      %swap3A_75 = vector.load %arg12[%swap3A, %swap3A_74] : memref<1x256xf32, #tpu.memory_space<vmem>>, vector<1x256xf32>
      tpu.vector_store %arg12[%swap3A, %swap3A_74], %add3A_73 {strides = array<i32>} : memref<1x256xf32, #tpu.memory_space<vmem>>, vector<1x256xf32>,
    } else {
    }
    %eq3A_65 = arith.constant 15 : i32
    %eq3A_66 = arith.cmpi eq, %arg0, %eq3A_65 : i32
    %convert_element_type3A_67 = arith.extui %eq3A_66 : i1 to i32
    %cond3A_68 = arith.constant 0 : i32
    %cond3A_69 = arith.cmpi ne, %convert_element_type3A_67, %cond3A_68 : i32
    scf.if %cond3A_69 {
      %get3A_70 = arith.constant 0 : index
      %get3A_71 = arith.constant 0 : index
      %get3A_72 = vector.load %arg12[%get3A_70, %get3A_71] : memref<1x256xf32, #tpu.memory_space<vmem>>, vector<1x256xf32>
      %get3A_73 = arith.constant 0 : index
      %get3A_74 = arith.constant 0 : index
      %get3A_75 = vector.load %arg7[%get3A_73, %get3A_74] : memref<256x256xf32, #tpu.memory_space<vmem>>, vector<256x256xf32>
      %dot_general3A_76 = arith.constant dense<0.000000e+00> : vector<1x256xf32>
      %dot_general3A_77 = tpu.matmul %get3A_72, %get3A_75, %dot_general3A_76 {dimension_numbers = #tpu.dot_dimension_numbers<[1], [0], [0], [1], [0, 0, 1, 1], [], []>, transpose_lhs_hint = false} : vector<1x256xf32>, vector<256x256xf32>, vector<1x256xf32> -> vector<1x256xf32>
      %get3A_78 = arith.constant 0 : index
      %get3A_79 = arith.constant 0 : index
      %get3A_80 = vector.load %arg8[%get3A_78, %get3A_79] : memref<1x256xf32, #tpu.memory_space<vmem>>, vector<1x256xf32>
      %add3A_81 = arith.addf %dot_general3A_77, %get3A_80 : vector<1x256xf32>
      %max3A = arith.constant 0.000000e+00 : f32
      %max3A_82 = vector.broadcast %max3A : f32 to vector<1x256xf32>
      %max3A_83 = arith.maximumf %add3A_81, %max3A_82 : vector<1x256xf32>
      %get3A_84 = arith.constant 0 : index
      %get3A_85 = arith.constant 0 : index
      %get3A_86 = vector.load %arg9[%get3A_84, %get3A_85] : memref<256x10xf32, #tpu.memory_space<vmem>>, vector<256x10xf32>
      %dot_general3A_87 = arith.constant dense<0.000000e+00> : vector<1x10xf32>
      %dot_general3A_88 = tpu.matmul %max3A_83, %get3A_86, %dot_general3A_87 {dimension_numbers = #tpu.dot_dimension_numbers<[1], [0], [0], [1], [0, 0, 1, 1], [], []>, transpose_lhs_hint = false} : vector<1x256xf32>, vector<256x10xf32>, vector<1x10xf32> -> vector<1x10xf32>
      %get3A_89 = arith.constant 0 : index
      %get3A_90 = arith.constant 0 : index
      %get3A_91 = vector.load %arg10[%get3A_89, %get3A_90] : memref<1x10xf32, #tpu.memory_space<vmem>>, vector<1x10xf32>
      %add3A_92 = arith.addf %dot_general3A_88, %get3A_91 : vector<1x10xf32>
      %swap3A = arith.constant 0 : index
      %swap3A_93 = arith.constant 0 : index
      %swap3A_94 = vector.load %arg11[%swap3A, %swap3A_93] : memref<1x10xf32, #tpu.memory_space<vmem>>, vector<1x10xf32>
      tpu.vector_store %arg11[%swap3A, %swap3A_93], %add3A_92 {strides = array<i32>} : memref<1x10xf32, #tpu.memory_space<vmem>>, vector<1x10xf32>,
    } else {
    }
    return
  }
  func.func @transform_0(%arg0: i32) -> (i32, i32, i32) {
    %c0_i32 = arith.constant 0 : i32
    %c0_i32_0 = arith.constant 0 : i32
    %c0_i32_1 = arith.constant 0 : i32
    return %c0_i32, %arg0, %c0_i32_0 : i32, i32, i32
  }
  func.func @transform_1(%arg0: i32) -> (i32, i32) {
    %c0_i32 = arith.constant 0 : i32
    %c0_i32_0 = arith.constant 0 : i32
    return %arg0, %c0_i32 : i32, i32
  }
  func.func @transform_2(%arg0: i32) -> (i32, i32) {
    %c0_i32 = arith.constant 0 : i32
    %c0_i32_0 = arith.constant 0 : i32
    return %arg0, %c0_i32 : i32, i32
  }
  func.func @transform_3(%arg0: i32) -> (i32, i32) {
    %c0_i32 = arith.constant 0 : i32
    %c0_i32_0 = arith.constant 0 : i32
    return %arg0, %c0_i32 : i32, i32
  }
  func.func @transform_4(%arg0: i32) -> (i32, i32, i32) {
    %c0_i32 = arith.constant 0 : i32
    %c0_i32_0 = arith.constant 0 : i32
    %c0_i32_1 = arith.constant 0 : i32
    %c0_i32_2 = arith.constant 0 : i32
    return %c0_i32, %c0_i32_0, %c0_i32_1 : i32, i32, i32
  }
  func.func @transform_5(%arg0: i32) -> (i32, i32) {
    %c0_i32 = arith.constant 0 : i32
    %c0_i32_0 = arith.constant 0 : i32
    %c0_i32_1 = arith.constant 0 : i32
    return %c0_i32, %c0_i32_0 : i32, i32
  }
  func.func @transform_6(%arg0: i32) -> (i32, i32) {
    %c0_i32 = arith.constant 0 : i32
    %c0_i32_0 = arith.constant 0 : i32
    %c0_i32_1 = arith.constant 0 : i32
    return %c0_i32, %c0_i32_0 : i32, i32
  }
  func.func @transform_7(%arg0: i32) -> (i32, i32) {
    %c0_i32 = arith.constant 0 : i32
    %c0_i32_0 = arith.constant 0 : i32
    %c0_i32_1 = arith.constant 0 : i32
    return %c0_i32, %c0_i32_0 : i32, i32
  }
  func.func @transform_8(%arg0: i32) -> (i32, i32) {
    %c0_i32 = arith.constant 0 : i32
    %c0_i32_0 = arith.constant 0 : i32
    %c0_i32_1 = arith.constant 0 : i32
    return %c0_i32, %c0_i32_0 : i32, i32
  }
  func.func @transform_9(%arg0: i32) -> (i32, i32) {
    %c0_i32 = arith.constant 0 : i32
    %c0_i32_0 = arith.constant 0 : i32
    %c0_i32_1 = arith.constant 0 : i32
    return %c0_i32, %c0_i32_0 : i32, i32
  }
  func.func @transform_10(%arg0: i32) -> (i32, i32) {
    %c0_i32 = arith.constant 0 : i32
    %c0_i32_0 = arith.constant 0 : i32
    %c0_i32_1 = arith.constant 0 : i32
    return %c0_i32, %c0_i32_0 : i32, i32
  }
}

</mosaic_0001>

<sc_bundles>
// kernel: kernel.20.cloned.1.call-start
scs
__scs_entry_jumppad:
0x0: {  	(pc) =	sbr.rel $0x88, $3  }
0x1: {  	(tag) =	ssettag $0x0;
	lr =	simm.s32 $0x1  }
0x2: {  	[smem:$0x3F93] =	sst lr;
	_ =	strace $0xD0000000  }
0x3: {  	_ = 	snop  }
0x4: {  	_ = 	snop  }
0x5: {  	_ = 	snop  }
0x6: {  	_ = 	snop  }
0x7: {  	_ = 	snop  }
__scs_overlays_trampoline_lowered:
0x8: {  	[smem:$0x3FA2] =	sst s0  }
0x9: {  	[smem:$0x3FA3] =	sst s1  }
0xa: {  	[smem:$0x3FA4] =	sst s2  }
0xb: {  	[smem:$0x3FA5] =	sst s3  }
0xc: {  	[smem:$0x3FA6] =	sst s4  }
0xd: {  	[smem:$0x3FA7] =	sst s5  }
0xe: {  	[smem:$0x3FA8] =	sst s6  }
0xf: {  	[smem:$0x3FA9] =	sst s7  }
0x10: {  	[smem:$0x3FAA] =	sst s8  }
0x11: {  	[smem:$0x3FAB] =	sst s9;
	s0 =	simm.s32 @!p0 $0x0  }
0x12: {  	s1 =	sld [smem:$0x3F91];
	s0 =	simm.s32 @p0 $0x1  }
0x13: {  	[smem:$0x3FAC] =	sst s0;
	s0 =	simm.s32 @!p1 $0x0  }
0x14: {  	s2 =	sld [smem:$0x3F90];
	s0 =	simm.s32 @p1 $0x1  }
0x15: {  	[smem:$0x3FAD] =	sst s0;
	s0 =	simm.s32 @!p2 $0x0  }
0x16: {  	s3 =	sld [smem:$0x3FDB];
	s0 =	simm.s32 @p2 $0x1  }
0x17: {  	s4 =	simm.s32 $0x1BF5;
	[smem:$0x3FAF] =	sst s0  }
0x18: {  	s0 =	sld [smem:$0x3F92];
	_ =	swait.ge [sflag:s4], $0x0  }
0x19: {  	s7 =	sld [smem:$0x3F93]  }
0x1a: {  	s8 =	sadd.s32 $0xFFFFE003, lr  }
0x1b: {  	s9 =	sadd.s32 $0xFFFFFEF7, lr;
	s5 =	simm.s32 $0xFFFFFFFF;
	p2 =	slt.u32 s8, $0xFFFFF086  }
0x1c: {  	p1 =	slt.u32 s9, $0xF7A;
	s5 =	simm.s32 @!p2 $0x0  }
0x1d: {  	s5 =	simm.s32 @p1 $0x1;
	p0 =	seq.s32 s7, s2  }
0x1e: {  	s7 =	smul.u32 @!p0 $0xF7A, s2;
	p2 =	seq.s32 @!p0 s5, $0x0  }
0x1f: {  	s9 =	smul.u32 $0xF7A, s1;
	s8 =	simm.s32 @!p0 $0x1BF5;
	p2 =	por !p2, p0  }
0x20: {  	[sflag:s8] =	ssyncset.s32 @!p0 $0xFFFFF086;
	s6 =	sadd.s32 @!p0 s3, s7;
	s7 =	simm.s32 @!p0 $0x108  }
0x21: {  	s3 =	sadd.s32 s3, s9;
	s6 =	sadd.s32 @!p0 $0x88, s6;
	s7 =	simm.s32 @p2 $0x1082  }
0x22: {  	[simem:s7], [sflag:s8] =	dma.local @!p0 [hbm:s6], $0xF7A  }
0x23: {  	s9 =	sor.u32 $0xD0000000, s2;
	s6 =	simm.s32 $0x108;
	_ =	swait.ge @!p0 [sflag:s8], $0x0  }
0x24: {  	s3 =	sadd.s32 $0x88, s3;
	s6 =	simm.s32 @!p1 $0x1082;
	[sflag:s4] =	ssyncset.s32 $0xFFFFF086  }
0x25: {  	[simem:s6], [sflag:s4] =	dma.local [hbm:s3], $0xF7A  }
0x26: {  	[smem:$0x3F93] =	sst s1;
	(tag) =	ssettag s2;
	_ =	strace s9  }
0x27: {  	s1 =	sld [smem:$0x3FA3]  }
0x28: {  	s2 =	sld [smem:$0x3FA4]  }
0x29: {  	s4 =	sld [smem:$0x3FA6]  }
0x2a: {  	p0 =	seq.s32 s5, $0x0;
	s5 =	sld [smem:$0x3FA7]  }
0x2b: {  	s6 =	sld [smem:$0x3FA8]  }
0x2c: {  	s7 =	sld [smem:$0x3FA9]  }
0x2d: {  	s3 =	simm.s32 $0x108;
	s8 =	sld [smem:$0x3FAA]  }
0x2e: {  	s3 =	simm.s32 @!p0 $0x1082;
	s9 =	sld [smem:$0x3FAB]  }
0x2f: {  	lr =	sadd.s32 s0, s3;
	s0 =	sld [smem:$0x3FA2]  }
0x30: {  	s3 =	sld [smem:$0x3FA5]  }
0x31: {  	[smem:$0x3FAE] =	sst s10  }
0x32: {  	s10 =	sld [smem:$0x3FAC];
	_ =	sdelay $0x3  }
0x33: {  	p0 =	seq.s32 s10, $0x1;
	s10 =	sld [smem:$0x3FAE];
	_ =	sdelay $0x3  }
0x34: {  	[smem:$0x3FAE] =	sst s10  }
0x35: {  	s10 =	sld [smem:$0x3FAD];
	_ =	sdelay $0x3  }
0x36: {  	p1 =	seq.s32 s10, $0x1;
	s10 =	sld [smem:$0x3FAE];
	_ =	sdelay $0x3  }
0x37: {  	[smem:$0x3FAE] =	sst s10  }
0x38: {  	s10 =	sld [smem:$0x3FAF]  }
0x39: {  	_ = 	snop;
	(pc) =	sbr.ind lr, $3  }
0x3a: {  	_ = 	snop  }
0x3b: {  	_ = 	snop  }
0x3c: {  	p2 =	seq.s32 s10, $0x1;
	s10 =	sld [smem:$0x3FAE]  }
0x3d: {  	_ =	shalt  }
0x3e: {  	_ =	shalt  }
0x3f: {  	_ =	shalt  }
0x40: {  	_ =	shalt  }
0x41: {  	_ =	shalt  }
0x42: {  	_ =	shalt  }
0x43: {  	_ =	shalt  }
0x44: {  	_ =	shalt  }
0x45: {  	_ =	shalt  }
0x46: {  	_ =	shalt  }
0x47: {  	_ =	shalt  }
0x48: {  	_ =	shalt  }
0x49: {  	_ =	shalt  }
0x4a: {  	_ =	shalt  }
0x4b: {  	_ =	shalt  }
0x4c: {  	_ =	shalt  }
0x4d: {  	_ =	shalt  }
0x4e: {  	_ =	shalt  }
0x4f: {  	_ =	shalt  }
0x50: {  	_ =	shalt  }
0x51: {  	_ =	shalt  }
0x52: {  	_ =	shalt  }
0x53: {  	_ =	shalt  }
0x54: {  	_ =	shalt  }
0x55: {  	_ =	shalt  }
0x56: {  	_ =	shalt  }
0x57: {  	_ =	shalt  }
0x58: {  	_ =	shalt  }
0x59: {  	_ =	shalt  }
0x5a: {  	_ =	shalt  }
0x5b: {  	_ =	shalt  }
0x5c: {  	_ =	shalt  }
0x5d: {  	_ =	shalt  }
0x5e: {  	_ =	shalt  }
0x5f: {  	_ =	shalt  }
0x60: {  	_ =	shalt  }
0x61: {  	_ =	shalt  }
0x62: {  	_ =	shalt  }
0x63: {  	_ =	shalt  }
0x64: {  	_ =	shalt  }
0x65: {  	_ =	shalt  }
0x66: {  	_ =	shalt  }
0x67: {  	_ =	shalt  }
0x68: {  	_ =	shalt  }
0x69: {  	_ =	shalt  }
0x6a: {  	_ =	shalt  }
0x6b: {  	_ =	shalt  }
0x6c: {  	_ =	shalt  }
0x6d: {  	_ =	shalt  }
0x6e: {  	_ =	shalt  }
0x6f: {  	_ =	shalt  }
0x70: {  	_ =	shalt  }
0x71: {  	_ =	shalt  }
0x72: {  	_ =	shalt  }
0x73: {  	_ =	shalt  }
0x74: {  	_ =	shalt  }
0x75: {  	_ =	shalt  }
0x76: {  	_ =	shalt  }
0x77: {  	_ =	shalt  }
0x78: {  	_ =	shalt  }
0x79: {  	_ =	shalt  }
0x7a: {  	_ =	shalt  }
0x7b: {  	_ =	shalt  }
0x7c: {  	_ =	shalt  }
0x7d: {  	_ =	shalt  }
0x7e: {  	_ =	shalt  }
0x7f: {  	_ =	shalt  }
0x80: {  	_ =	shalt  }
0x81: {  	_ =	shalt  }
0x82: {  	_ =	shalt  }
0x83: {  	_ =	shalt  }
0x84: {  	_ =	shalt  }
0x85: {  	_ =	shalt  }
0x86: {  	_ =	shalt  }
0x87: {  	_ =	shalt  }
.Lfunc_end0:
.L_simem_size_0:
called_computation_lowered:
.L_overlay_start_0:
0x88: {  	s2 =	sld [smem:$0x3FD9]  }
0x89: {  	s3 =	sld [smem:$0x3FFE];
	_ =	sdelay $0x1  }
0x8a: {  	s1 =	srdreg.scid  }
0x8b: {  	s0 =	sand.u32 $0x1, s1  }
0x8c: {  	s16 =	sshll.u32 s0, $0xA;
	s2 =	sadd.s32 s3, s2  }
0x8d: {  	s2 =	sadd.s32 s2, s16  }
0x8e: {  	[smem:$0x3FBA] =	sst s2  }
0x8f: {  	_ = 	snop  }
0x90: {  	(tm) =	ssettm $0x1  }
0x91: {  	s17 =	sld [smem:$0x3FFB];
	_ =	sdelay $0x3  }
0x92: {  	_ =	strace s17  }
0x93: {  	s2 =	sld [smem:$0x3FFC];
	_ =	sdelay $0x3  }
0x94: {  	_ =	strace s2  }
0x95: {  	s2 =	sld [smem:$0x3FFD];
	_ =	sdelay $0x3  }
0x96: {  	_ =	strace s2  }
0x97: {  	_ =	strace $0x8FFFFFFF  }
0x98: {  	s18 =	sld [smem:$0x3FDB];
	_ =	sdelay $0x1  }
0x99: {  	s19 =	simm.s32 $_scs_section_size  }
0x9a: {  	s4 =	simm.s32 $_size__tile_overlayer_lowered;
	s5 =	simm.s32 $_tile_overlayer_lowered  }
0x9b: {  	s22 =	simm.s32 $0x1BFF;
	s21 =	sshll.u32 s5, $0x1;
	s2 =	sadd.s32 s19, s18  }
0x9c: {  	s6 =	simm.s32 $0x0;
	s20 =	sshll.u32 s4, $0x1;
	s4 =	sadd.s32 s21, s2  }
0x9d: {  	[timem:s6], [sflag:s22] =	dma.local [hbm:s4], s20  }
0x9e: {  	_ =	swait.ge [sflag:s22], s20  }
0x9f: {  	s3 =	ssub.s32 $0x0, s20;
	[sflag:s22] =	ssyncset.done $0x0  }
0xa0: {  	[sflag:s22] =	ssyncadd.s32 s3;
	_ =	sdelay $0x1  }
0xa1: {  	s23 =	simm.s32 $0x1B8B  }
0xa2: {  	_ =	swait.ge [sflag:s23], $0x1  }
0xa3: {  	[sflag:s23] =	ssyncset.done $0x0  }
0xa4: {  	s25 =	simm.s32 $0x1B8E;
	s24 =	sld [smem:$0x3FFE];
	[sflag:s23] =	ssyncadd.s32 $0xFFFFFFFF  }
0xa5: {  	s26 =	simm.s32 $execute0_lowered;
	[smem:$0x3FD2] =	sst s25  }
0xa6: {  	s4 =	sshll.u32 s26, $0x1;
	_ =	strace $0x80000046;
	[dreg:$0x1] =	wrdreg $0xFFFFFFFF  }
0xa7: {  	s28 =	simm.s32 $_size_execute0_lowered;
	s2 =	sadd.s32 s2, s4;
	[dreg:$0x0] =	wrdreg $0x0  }
0xa8: {  	s4 =	sshll.u32 s28, $0x1;
	[dreg:$0x2] =	wrdreg s2  }
0xa9: {  	[dreg:$0x3] =	wrdreg s4  }
0xaa: {  	[dreg:$0x4] =	wrdreg $0xC0  }
0xab: {  	_ =	task [dreg:s6], $0x5FFFF  }
0xac: {  	[dreg:$0x1] =	wrdreg $0xFFFFFFFF  }
0xad: {  	[dreg:$0x0] =	wrdreg $0x60  }
0xae: {  	[dreg:$0x2] =	wrdreg s24  }
0xaf: {  	[dreg:$0x3] =	wrdreg $0x68000  }
0xb0: {  	[dreg:$0x4] =	wrdreg $0x9  }
0xb1: {  	_ =	task.clear_ibuf [dreg:s6], $0x5FFFF;
	_ =	strace $0x90000046  }
0xb2: {  	s29 =	simm.s32 $0x9;
	_ =	strace $0x80000048  }
0xb3: {  	_ =	swait.ge [sflag:s29], $0x1  }
0xb4: {  	[sflag:s29] =	ssyncadd.s32 $0xFFFFFFFF  }
0xb5: {  	_ =	strace $0x90000048  }
0xb6: {  	_ =	sfence  }
0xb7: {  	s30 =	sld [smem:$0x0];
	_ =	sdelay $0x2  }
0xb8: {  	s31 =	sshll.u32 s1, $0xD;
	s1 =	sshrl.u32 s1, $0x2  }
0xb9: {  	s3 =	sand.u32 $0x4000, s31;
	s1 =	sadd.s32 s1, s30  }
0xba: {  	s0 =	sor.u32 s3, s0;
	s1 =	sshll.u32 s1, $0x11  }
0xbb: {  	s0 =	sor.u32 s1, s0  }
0xbc: {  	s0 =	sadd.s32 $0x8F2B, s0  }
0xbd: {  	[sflag:s0] =	ssyncadd.remote.s32 $0x1  }
0xbe: {  	_ =	sfence.sel $0xFFFF  }
0xbf: {  	[dreg:$0x0] =	wrdreg $0xFFFFFFFF;
	(pc) =	sbr.abs _section_cstart, $3  }
0xc0: {  	[dreg:$0x1] =	wrdreg $0xFFFFFFFF  }
0xc1: {  	_ =	task.clear_ibuf [dreg:s6], $0x2FFFF;
	_ =	strace $0x9FFFFFFF  }
0xc2: {  	(tm) =	ssettm $0x7FFFFFFF  }
0xc3: {  	_ =	shalt  }
tec
execute0_lowered:
.L_overlay_start_1:
0x0: {  	(tag) =	ssettag $0x1  }
0x1: {  	s1 =	srdreg.scid  }
0x2: {  	s0 =	stileid.u32;
	s7 =	rddreg [dreg:$0x0]  }
0x3: {  	s2 =	rddreg [dreg:$0x1];
	s3 =	simm.s32 $0x0;
	s12 =	simm.s32 $0x2800  }
0x4: {  	s13 =	simm.s32 $0x80;
	s14 =	simm.s32 $0x0;
	s8 =	smul.u32 $0x14000, s0  }
0x5: {  	s6 =	sand.u32 $0x1, s1;
	s29 =	sshll.u32 s0, $0x1;
	s10 =	smul.u32 $0x50000, s0  }
0x6: {  	[smem:$0x7FF] =	sst s3;
	s1 =	sor.u32 s6, s29;
	s5 =	smul.u32 $0x140000, s6  }
0x7: {  	s31 =	sshll.u32 s0, $0x6;
	s6 =	ssub.s32 $0x2, s6;
	s4 =	smul.u32 $0x500, s1  }
0x8: {  	s1 =	rddreg [dreg:$0x2];
	_ =	strace $0x80000047;
	s30 =	sshrl.u32 s6, $0x1  }
0x9: {  	s10 =	sshrl.u32 s10, $0x2;
	s8 =	sadd.s32 s8, s5;
	s5 =	sadd.s32 $0xFA00, s7  }
0xa: {  	s11 =	ssub.s32 s6, s30;
	s10 =	sadd.s32 s10, s2;
	s6 =	sor.u32 $0x1C01, s31  }
0xb: {  	s9 =	sadd.s32 s4, s7;
	s4 =	sadd.s32 $0x12200, s7;
	s8 =	sshrl.u32 s8, $0x3  }
0xc: {  	s10 =	sshrl.u32 s10, $0x3;
	s8 =	sadd.s32 s8, s7;
	s7 =	sadd.s32 $0x5A00, s9  }
0xd: {  	s9 =	smax.u32 s11, $0x1;
	s11 =	simm.s32 $0x1;
	s8 =	sadd.s32 $0x12A00, s8  }
.LBB2_1:
0xe: {  	[spmem:s10], [sflag:s6] =	dma.local [hbm:s5], $0x2800  }
0xf: {  	_ =	swait.ge [sflag:s11], $0x2800  }
0x10: {  	[sflag:s11] =	ssyncset.done $0x0  }
0x11: {  	[sflag:s11] =	ssyncadd.s32 $0xFFFFD800  }
0x12: {  	[tilespmem:s3], [sflag:$0x1] =	stream.linear.gather [hbm4b:s7+s3], $0x2800, $0x38;
	[tilespmem:$0x1A800] =	vst v63  }
0x13: {  	_ =	swait.ge [sflag:s11], $0x2800  }
0x14: {  	[sflag:s11] =	ssyncset.done $0x0  }
0x15: {  	[sflag:s11] =	ssyncadd.s32 $0xFFFFD800  }
0x16: {  	[tilespmem:s12], [sflag:$0x1] =	stream.linear.gather [hbm4b:s4+s3], $0x4000, $0x38;
	[tilespmem:$0x1A800] =	vst v63  }
0x17: {  	_ =	swait.ge [sflag:s11], $0x4000  }
0x18: {  	[sflag:s11] =	ssyncset.done $0x0  }
0x19: {  	[sflag:s11] =	ssyncadd.s32 $0xFFFFC000  }
0x1a: {  	s15 =	simm.s32 $0x0;
	[bflag:$0x0] =	sbarrier.arrive $0xFFFF  }
0x1b: {  	[spmem:s2] =	stream.indirect.scatter.add.f32 [tilespmem:s12], [sflag:$0x1], $0x80, s15, s13, $0xb8;
	[tilespmem:$0x1A800] =	vst v63  }
0x1c: {  	_ =	swait.ge [sflag:s11], $0x4000  }
0x1d: {  	s15 =	simm.s32 $0x200;
	[sflag:s11] =	ssyncset.done $0x0  }
.LBB2_2:
0x1e: {  	s16 =	sshra.s32 s15, $0x2;
	[sflag:s11] =	ssyncadd.s32 $0xFFFFC000;
	p0 =	sne.s32 s15, $0x9E00  }
0x1f: {  	[spmem:s2] =	stream.indirect.scatter.add.f32 [tilespmem:s12], [sflag:$0x1], $0x80, s16, s13, $0xb8;
	[tilespmem:$0x1A800] =	vst v63  }
.Ltmp0:
0x20: {  	_ = 	snop;
	(pc) =	sbr.rel @p0 .LBB2_2-.Ltmp0, $4  }
0x21: {  	_ = 	snop  }
0x22: {  	s15 =	sadd.s32 $0x200, s15  }
0x23: {  	_ =	swait.ge [sflag:s11], $0x4000  }
0x24: {  	[sflag:s11] =	ssyncset.done $0x0  }
0x25: {  	s14 =	sadd.s32 $0x1, s14  }
0x26: {  	[sflag:s11] =	ssyncadd.s32 $0xFFFFC000;
	p0 =	sne.s32 s14, s9  }
.Ltmp1:
0x27: {  	[bflag:$0x0] =	sbarrier.arrive $0xFFFF;
	(pc) =	sbr.rel @p0 .LBB2_1-.Ltmp1, $4  }
0x28: {  	[hbm:s8], [sflag:s6] =	dma.local [spmem:s10], $0x2800  }
0x29: {  	_ =	swait.ge [sflag:s11], $0x2800  }
0x2a: {  	[sflag:s11] =	ssyncset.done $0x0  }
0x2b: {  	[sflag:s11] =	ssyncadd.s32 $0xFFFFD800  }
0x2c: {  	_ =	sfence.sel $0x180000  }
0x2d: {  	[bflag:$0x0] =	sbarrier.arrive $0xFFFF  }
0x2e: {  	p0 =	sne.s32 s0, $0x0;
	_ =	strace $0x90000047  }
0x2f: {  	s0 =	sadd.s32 @!p0 $0x100000, s1;
	[bflag:$0x2] =	sbarrier.arrive $0xFFFF  }
0x30: {  	[sflag:s0] =	ssyncadd.tile.s32 @!p0 $0x1;
	_ =	shalt  }
.Lfunc_end2:
_tile_overlayer_lowered:
.L_overlay_start_2:
0x31: {  	(tag) =	ssettag $0x2  }
0x32: {  	s0 =	rddreg [dreg:$0x0];
	s2 =	stileid.u32  }
0x33: {  	s1 =	rddreg [dreg:$0x1];
	p0 =	sne.s32 s2, $0x0  }
0x34: {  	s3 =	rddreg [dreg:$0x2];
	[bflag:$0x3] =	sbarrier.arrive $0xFFFF;
	s2 =	simm.s32 @!p0 $0x1C01  }
0x35: {  	[timem:s3], [sflag:s2] =	dma.local @!p0 [hbm:s0], s1  }
0x36: {  	s0 =	simm.s32 @!p0 $0x1  }
0x37: {  	_ =	swait.ge @!p0 [sflag:s0], s1  }
0x38: {  	s1 =	ssub.s32 @!p0 $0x0, s1;
	[sflag:s0] =	ssyncset.done @!p0 $0x0  }
0x39: {  	[sflag:s0] =	ssyncadd.s32 @!p0 s1  }
0x3a: {  	[bflag:$0x3] =	sbarrier.arrive $0xFFFF  }
0x3b: {  	_ =	shalt  }

// kernel: kernel.23.cloned.1.call-start
scs
__scs_entry_jumppad:
0x0: {  	(pc) =	sbr.rel $0x88, $3  }
0x1: {  	(tag) =	ssettag $0x0;
	lr =	simm.s32 $0x1  }
0x2: {  	[smem:$0x3F93] =	sst lr;
	_ =	strace $0xD0000000  }
0x3: {  	_ = 	snop  }
0x4: {  	_ = 	snop  }
0x5: {  	_ = 	snop  }
0x6: {  	_ = 	snop  }
0x7: {  	_ = 	snop  }
__scs_overlays_trampoline_lowered:
0x8: {  	[smem:$0x3FA2] =	sst s0  }
0x9: {  	[smem:$0x3FA3] =	sst s1  }
0xa: {  	[smem:$0x3FA4] =	sst s2  }
0xb: {  	[smem:$0x3FA5] =	sst s3  }
0xc: {  	[smem:$0x3FA6] =	sst s4  }
0xd: {  	[smem:$0x3FA7] =	sst s5  }
0xe: {  	[smem:$0x3FA8] =	sst s6  }
0xf: {  	[smem:$0x3FA9] =	sst s7  }
0x10: {  	[smem:$0x3FAA] =	sst s8  }
0x11: {  	[smem:$0x3FAB] =	sst s9;
	s0 =	simm.s32 @!p0 $0x0  }
0x12: {  	s1 =	sld [smem:$0x3F91];
	s0 =	simm.s32 @p0 $0x1  }
0x13: {  	[smem:$0x3FAC] =	sst s0;
	s0 =	simm.s32 @!p1 $0x0  }
0x14: {  	s2 =	sld [smem:$0x3F90];
	s0 =	simm.s32 @p1 $0x1  }
0x15: {  	[smem:$0x3FAD] =	sst s0;
	s0 =	simm.s32 @!p2 $0x0  }
0x16: {  	s3 =	sld [smem:$0x3FDB];
	s0 =	simm.s32 @p2 $0x1  }
0x17: {  	s4 =	simm.s32 $0x1BF5;
	[smem:$0x3FAF] =	sst s0  }
0x18: {  	s0 =	sld [smem:$0x3F92];
	_ =	swait.ge [sflag:s4], $0x0  }
0x19: {  	s7 =	sld [smem:$0x3F93]  }
0x1a: {  	s8 =	sadd.s32 $0xFFFFE003, lr  }
0x1b: {  	s9 =	sadd.s32 $0xFFFFFEF7, lr;
	s5 =	simm.s32 $0xFFFFFFFF;
	p2 =	slt.u32 s8, $0xFFFFF086  }
0x1c: {  	p1 =	slt.u32 s9, $0xF7A;
	s5 =	simm.s32 @!p2 $0x0  }
0x1d: {  	s5 =	simm.s32 @p1 $0x1;
	p0 =	seq.s32 s7, s2  }
0x1e: {  	s7 =	smul.u32 @!p0 $0xF7A, s2;
	p2 =	seq.s32 @!p0 s5, $0x0  }
0x1f: {  	s9 =	smul.u32 $0xF7A, s1;
	s8 =	simm.s32 @!p0 $0x1BF5;
	p2 =	por !p2, p0  }
0x20: {  	[sflag:s8] =	ssyncset.s32 @!p0 $0xFFFFF086;
	s6 =	sadd.s32 @!p0 s3, s7;
	s7 =	simm.s32 @!p0 $0x108  }
0x21: {  	s3 =	sadd.s32 s3, s9;
	s6 =	sadd.s32 @!p0 $0x88, s6;
	s7 =	simm.s32 @p2 $0x1082  }
0x22: {  	[simem:s7], [sflag:s8] =	dma.local @!p0 [hbm:s6], $0xF7A  }
0x23: {  	s9 =	sor.u32 $0xD0000000, s2;
	s6 =	simm.s32 $0x108;
	_ =	swait.ge @!p0 [sflag:s8], $0x0  }
0x24: {  	s3 =	sadd.s32 $0x88, s3;
	s6 =	simm.s32 @!p1 $0x1082;
	[sflag:s4] =	ssyncset.s32 $0xFFFFF086  }
0x25: {  	[simem:s6], [sflag:s4] =	dma.local [hbm:s3], $0xF7A  }
0x26: {  	[smem:$0x3F93] =	sst s1;
	(tag) =	ssettag s2;
	_ =	strace s9  }
0x27: {  	s1 =	sld [smem:$0x3FA3]  }
0x28: {  	s2 =	sld [smem:$0x3FA4]  }
0x29: {  	s4 =	sld [smem:$0x3FA6]  }
0x2a: {  	p0 =	seq.s32 s5, $0x0;
	s5 =	sld [smem:$0x3FA7]  }
0x2b: {  	s6 =	sld [smem:$0x3FA8]  }
0x2c: {  	s7 =	sld [smem:$0x3FA9]  }
0x2d: {  	s3 =	simm.s32 $0x108;
	s8 =	sld [smem:$0x3FAA]  }
0x2e: {  	s3 =	simm.s32 @!p0 $0x1082;
	s9 =	sld [smem:$0x3FAB]  }
0x2f: {  	lr =	sadd.s32 s0, s3;
	s0 =	sld [smem:$0x3FA2]  }
0x30: {  	s3 =	sld [smem:$0x3FA5]  }
0x31: {  	[smem:$0x3FAE] =	sst s10  }
0x32: {  	s10 =	sld [smem:$0x3FAC];
	_ =	sdelay $0x3  }
0x33: {  	p0 =	seq.s32 s10, $0x1;
	s10 =	sld [smem:$0x3FAE];
	_ =	sdelay $0x3  }
0x34: {  	[smem:$0x3FAE] =	sst s10  }
0x35: {  	s10 =	sld [smem:$0x3FAD];
	_ =	sdelay $0x3  }
0x36: {  	p1 =	seq.s32 s10, $0x1;
	s10 =	sld [smem:$0x3FAE];
	_ =	sdelay $0x3  }
0x37: {  	[smem:$0x3FAE] =	sst s10  }
0x38: {  	s10 =	sld [smem:$0x3FAF]  }
0x39: {  	_ = 	snop;
	(pc) =	sbr.ind lr, $3  }
0x3a: {  	_ = 	snop  }
0x3b: {  	_ = 	snop  }
0x3c: {  	p2 =	seq.s32 s10, $0x1;
	s10 =	sld [smem:$0x3FAE]  }
0x3d: {  	_ =	shalt  }
0x3e: {  	_ =	shalt  }
0x3f: {  	_ =	shalt  }
0x40: {  	_ =	shalt  }
0x41: {  	_ =	shalt  }
0x42: {  	_ =	shalt  }
0x43: {  	_ =	shalt  }
0x44: {  	_ =	shalt  }
0x45: {  	_ =	shalt  }
0x46: {  	_ =	shalt  }
0x47: {  	_ =	shalt  }
0x48: {  	_ =	shalt  }
0x49: {  	_ =	shalt  }
0x4a: {  	_ =	shalt  }
0x4b: {  	_ =	shalt  }
0x4c: {  	_ =	shalt  }
0x4d: {  	_ =	shalt  }
0x4e: {  	_ =	shalt  }
0x4f: {  	_ =	shalt  }
0x50: {  	_ =	shalt  }
0x51: {  	_ =	shalt  }
0x52: {  	_ =	shalt  }
0x53: {  	_ =	shalt  }
0x54: {  	_ =	shalt  }
0x55: {  	_ =	shalt  }
0x56: {  	_ =	shalt  }
0x57: {  	_ =	shalt  }
0x58: {  	_ =	shalt  }
0x59: {  	_ =	shalt  }
0x5a: {  	_ =	shalt  }
0x5b: {  	_ =	shalt  }
0x5c: {  	_ =	shalt  }
0x5d: {  	_ =	shalt  }
0x5e: {  	_ =	shalt  }
0x5f: {  	_ =	shalt  }
0x60: {  	_ =	shalt  }
0x61: {  	_ =	shalt  }
0x62: {  	_ =	shalt  }
0x63: {  	_ =	shalt  }
0x64: {  	_ =	shalt  }
0x65: {  	_ =	shalt  }
0x66: {  	_ =	shalt  }
0x67: {  	_ =	shalt  }
0x68: {  	_ =	shalt  }
0x69: {  	_ =	shalt  }
0x6a: {  	_ =	shalt  }
0x6b: {  	_ =	shalt  }
0x6c: {  	_ =	shalt  }
0x6d: {  	_ =	shalt  }
0x6e: {  	_ =	shalt  }
0x6f: {  	_ =	shalt  }
0x70: {  	_ =	shalt  }
0x71: {  	_ =	shalt  }
0x72: {  	_ =	shalt  }
0x73: {  	_ =	shalt  }
0x74: {  	_ =	shalt  }
0x75: {  	_ =	shalt  }
0x76: {  	_ =	shalt  }
0x77: {  	_ =	shalt  }
0x78: {  	_ =	shalt  }
0x79: {  	_ =	shalt  }
0x7a: {  	_ =	shalt  }
0x7b: {  	_ =	shalt  }
0x7c: {  	_ =	shalt  }
0x7d: {  	_ =	shalt  }
0x7e: {  	_ =	shalt  }
0x7f: {  	_ =	shalt  }
0x80: {  	_ =	shalt  }
0x81: {  	_ =	shalt  }
0x82: {  	_ =	shalt  }
0x83: {  	_ =	shalt  }
0x84: {  	_ =	shalt  }
0x85: {  	_ =	shalt  }
0x86: {  	_ =	shalt  }
0x87: {  	_ =	shalt  }
.Lfunc_end0:
.L_simem_size_0:
called_computation.1_lowered:
.L_overlay_start_0:
0x88: {  	s2 =	sld [smem:$0x3FD9]  }
0x89: {  	s3 =	sld [smem:$0x3FFE];
	_ =	sdelay $0x1  }
0x8a: {  	s1 =	srdreg.scid  }
0x8b: {  	s0 =	sand.u32 $0x1, s1  }
0x8c: {  	s16 =	sshll.u32 s0, $0xA;
	s2 =	sadd.s32 s3, s2  }
0x8d: {  	s2 =	sadd.s32 s2, s16  }
0x8e: {  	[smem:$0x3FBA] =	sst s2  }
0x8f: {  	_ = 	snop  }
0x90: {  	(tm) =	ssettm $0x1  }
0x91: {  	s17 =	sld [smem:$0x3FFB];
	_ =	sdelay $0x3  }
0x92: {  	_ =	strace s17  }
0x93: {  	s2 =	sld [smem:$0x3FFC];
	_ =	sdelay $0x3  }
0x94: {  	_ =	strace s2  }
0x95: {  	s2 =	sld [smem:$0x3FFD];
	_ =	sdelay $0x3  }
0x96: {  	_ =	strace s2  }
0x97: {  	_ =	strace $0x8FFFFFFF  }
0x98: {  	s18 =	sld [smem:$0x3FDB];
	_ =	sdelay $0x1  }
0x99: {  	s19 =	simm.s32 $_scs_section_size  }
0x9a: {  	s4 =	simm.s32 $_size__tile_overlayer_lowered;
	s5 =	simm.s32 $_tile_overlayer_lowered  }
0x9b: {  	s22 =	simm.s32 $0x1BFF;
	s21 =	sshll.u32 s5, $0x1;
	s2 =	sadd.s32 s19, s18  }
0x9c: {  	s6 =	simm.s32 $0x0;
	s20 =	sshll.u32 s4, $0x1;
	s4 =	sadd.s32 s21, s2  }
0x9d: {  	[timem:s6], [sflag:s22] =	dma.local [hbm:s4], s20  }
0x9e: {  	_ =	swait.ge [sflag:s22], s20  }
0x9f: {  	s3 =	ssub.s32 $0x0, s20;
	[sflag:s22] =	ssyncset.done $0x0  }
0xa0: {  	[sflag:s22] =	ssyncadd.s32 s3;
	_ =	sdelay $0x1  }
0xa1: {  	s23 =	simm.s32 $0x1B8B  }
0xa2: {  	_ =	swait.ge [sflag:s23], $0x1  }
0xa3: {  	[sflag:s23] =	ssyncset.done $0x0  }
0xa4: {  	s25 =	simm.s32 $0x1B8E;
	s24 =	sld [smem:$0x3FFE];
	[sflag:s23] =	ssyncadd.s32 $0xFFFFFFFF  }
0xa5: {  	s26 =	simm.s32 $execute0_lowered;
	[smem:$0x3FD2] =	sst s25  }
0xa6: {  	s4 =	sshll.u32 s26, $0x1;
	_ =	strace $0x80000049;
	[dreg:$0x1] =	wrdreg $0xFFFFFFFF  }
0xa7: {  	s28 =	simm.s32 $_size_execute0_lowered;
	s2 =	sadd.s32 s2, s4;
	[dreg:$0x0] =	wrdreg $0x0  }
0xa8: {  	s4 =	sshll.u32 s28, $0x1;
	[dreg:$0x2] =	wrdreg s2  }
0xa9: {  	[dreg:$0x3] =	wrdreg s4  }
0xaa: {  	[dreg:$0x4] =	wrdreg $0xC0  }
0xab: {  	_ =	task [dreg:s6], $0x5FFFF  }
0xac: {  	[dreg:$0x1] =	wrdreg $0xFFFFFFFF  }
0xad: {  	[dreg:$0x0] =	wrdreg $0x60  }
0xae: {  	[dreg:$0x2] =	wrdreg s24  }
0xaf: {  	[dreg:$0x3] =	wrdreg $0x90000  }
0xb0: {  	[dreg:$0x4] =	wrdreg $0x9  }
0xb1: {  	_ =	task.clear_ibuf [dreg:s6], $0x5FFFF;
	_ =	strace $0x90000049  }
0xb2: {  	s29 =	simm.s32 $0x9;
	_ =	strace $0x8000004B  }
0xb3: {  	_ =	swait.ge [sflag:s29], $0x1  }
0xb4: {  	[sflag:s29] =	ssyncadd.s32 $0xFFFFFFFF  }
0xb5: {  	_ =	strace $0x9000004B  }
0xb6: {  	_ =	sfence  }
0xb7: {  	s30 =	sld [smem:$0x0];
	_ =	sdelay $0x2  }
0xb8: {  	s31 =	sshll.u32 s1, $0xD;
	s1 =	sshrl.u32 s1, $0x2  }
0xb9: {  	s3 =	sand.u32 $0x4000, s31;
	s1 =	sadd.s32 s1, s30  }
0xba: {  	s0 =	sor.u32 s3, s0;
	s1 =	sshll.u32 s1, $0x11  }
0xbb: {  	s0 =	sor.u32 s1, s0  }
0xbc: {  	s0 =	sadd.s32 $0x8F2B, s0  }
0xbd: {  	[sflag:s0] =	ssyncadd.remote.s32 $0x1  }
0xbe: {  	_ =	sfence.sel $0xFFFF  }
0xbf: {  	[dreg:$0x0] =	wrdreg $0xFFFFFFFF;
	(pc) =	sbr.abs _section_cstart, $3  }
0xc0: {  	[dreg:$0x1] =	wrdreg $0xFFFFFFFF  }
0xc1: {  	_ =	task.clear_ibuf [dreg:s6], $0x2FFFF;
	_ =	strace $0x9FFFFFFF  }
0xc2: {  	(tm) =	ssettm $0x7FFFFFFF  }
0xc3: {  	_ =	shalt  }
tec
execute0_lowered:
.L_overlay_start_1:
0x0: {  	(tag) =	ssettag $0x1  }
0x1: {  	s1 =	srdreg.scid  }
0x2: {  	s0 =	stileid.u32;
	s7 =	rddreg [dreg:$0x0]  }
0x3: {  	s2 =	rddreg [dreg:$0x1];
	s3 =	simm.s32 $0x0;
	s14 =	simm.s32 $0x80  }
0x4: {  	s15 =	simm.s32 $0x5000;
	s16 =	simm.s32 $0x1;
	s17 =	simm.s32 $0x0  }
0x5: {  	s6 =	sand.u32 $0x1, s1;
	s26 =	sshll.u32 s0, $0x1;
	s9 =	smul.u32 $0x14000, s0  }
0x6: {  	[smem:$0x7FF] =	sst s3;
	s4 =	sadd.s32 $0x12200, s7;
	s28 =	smul.u32 $0x50000, s0  }
0x7: {  	s31 =	sshll.u32 s0, $0x6;
	s1 =	sor.u32 s6, s26;
	s8 =	smul.u32 $0x140000, s6  }
0x8: {  	s6 =	ssub.s32 $0x2, s6;
	s5 =	smul.u32 $0x500, s1;
	s1 =	rddreg [dreg:$0x2]  }
0x9: {  	_ =	strace $0x8000004A;
	s29 =	sshrl.u32 s6, $0x1;
	s30 =	sshrl.u32 s28, $0x2  }
0xa: {  	s8 =	sadd.s32 s9, s8;
	s12 =	ssub.s32 s6, s29;
	s13 =	sadd.s32 s30, s2  }
0xb: {  	s6 =	sor.u32 $0x1C02, s31;
	s10 =	sadd.s32 s5, s7;
	s8 =	sshrl.u32 s8, $0x3  }
0xc: {  	s5 =	sadd.s32 $0xFA00, s7;
	s11 =	sadd.s32 s8, s7;
	s7 =	sadd.s32 $0x62A00, s10  }
0xd: {  	s8 =	sadd.s32 $0x5A00, s10;
	s10 =	smax.u32 s12, $0x1;
	s12 =	simm.s32 $0x2  }
0xe: {  	s9 =	sadd.s32 $0x6CA00, s11;
	s11 =	sshrl.u32 s13, $0x3;
	s13 =	simm.s32 $0x2800  }
.LBB2_1:
0xf: {  	[spmem:s11], [sflag:s6] =	dma.local [hbm:s5], $0x2800  }
0x10: {  	_ =	swait.ge [sflag:s12], $0x2800  }
0x11: {  	[sflag:s12] =	ssyncset.done $0x0  }
0x12: {  	[sflag:s12] =	ssyncadd.s32 $0xFFFFD800  }
0x13: {  	[tilespmem:s3], [sflag:$0x2] =	stream.linear.gather [hbm4b:s7+s3], $0x2800, $0x38;
	[tilespmem:$0x1D000] =	vst v63  }
0x14: {  	_ =	swait.ge [sflag:s12], $0x2800  }
0x15: {  	[sflag:s12] =	ssyncset.done $0x0  }
0x16: {  	[sflag:s12] =	ssyncadd.s32 $0xFFFFD800  }
0x17: {  	[tilespmem:s13], [sflag:$0x2] =	stream.linear.gather [hbm4b:s8+s3], $0x2800, $0x38;
	[tilespmem:$0x1D000] =	vst v63  }
0x18: {  	_ =	swait.ge [sflag:s12], $0x2800  }
0x19: {  	[sflag:s12] =	ssyncset.done $0x0  }
0x1a: {  	[sflag:s12] =	ssyncadd.s32 $0xFFFFD800  }
0x1b: {  	s18 =	simm.s32 $0x0;
	[bflag:$0x0] =	sbarrier.arrive $0xFFFF  }
0x1c: {  	[tilespmem:s15], [sflag:$0x1] =	stream.indirect.gather [hbm4b:s4+s14], $0x80, s18, s14, $0xb8;
	[tilespmem:$0x1D000] =	vst v63  }
0x1d: {  	_ =	swait.ge [sflag:s16], $0x4000  }
0x1e: {  	[sflag:s16] =	ssyncset.done $0x0  }
0x1f: {  	s31 =	simm.s32 $0x2800;
	[sflag:s16] =	ssyncadd.s32 $0xFFFFC000  }
0x20: {  	[spmem:s2] =	stream.indirect.scatter.add.f32 [tilespmem:s15], [sflag:$0x2], $0x80, s31, s14, $0xb8;
	[tilespmem:$0x1D000] =	vst v63  }
0x21: {  	_ =	swait.ge [sflag:s12], $0x4000  }
0x22: {  	s19 =	simm.s32 $0x400;
	s18 =	simm.s32 $0x200;
	[sflag:s12] =	ssyncset.done $0x0  }
.LBB2_2:
0x23: {  	s20 =	sshra.s32 s18, $0x2  }
0x24: {  	[sflag:s12] =	ssyncadd.s32 $0xFFFFC000;
	s18 =	smov.u32 s19;
	s21 =	sadd.s32 $0x200, s19  }
0x25: {  	[tilespmem:s15], [sflag:$0x1] =	stream.indirect.gather [hbm4b:s4+s14], $0x80, s20, s14, $0xb8;
	[tilespmem:$0x1D000] =	vst v63  }
0x26: {  	p0 =	sne.s32 s19, $0x9E00;
	_ =	swait.ge [sflag:s16], $0x4000  }
.Ltmp0:
0x27: {  	[sflag:s16] =	ssyncset.done $0x0;
	(pc) =	sbr.rel @p0 .LBB2_2-.Ltmp0, $4  }
0x28: {  	s19 =	sadd.s32 $0x2800, s20;
	[sflag:s16] =	ssyncadd.s32 $0xFFFFC000  }
0x29: {  	[spmem:s2] =	stream.indirect.scatter.add.f32 [tilespmem:s15], [sflag:$0x2], $0x80, s19, s14, $0xb8;
	[tilespmem:$0x1D000] =	vst v63  }
0x2a: {  	_ =	swait.ge [sflag:s12], $0x4000  }
0x2b: {  	s19 =	smov.u32 s21;
	[sflag:s12] =	ssyncset.done $0x0  }
0x2c: {  	s18 =	sshra.s32 s18, $0x2;
	[sflag:s12] =	ssyncadd.s32 $0xFFFFC000  }
0x2d: {  	[tilespmem:s15], [sflag:$0x1] =	stream.indirect.gather [hbm4b:s4+s14], $0x80, s18, s14, $0xb8;
	[tilespmem:$0x1D000] =	vst v63  }
0x2e: {  	_ =	swait.ge [sflag:s16], $0x4000  }
0x2f: {  	[sflag:s16] =	ssyncset.done $0x0  }
0x30: {  	s18 =	sadd.s32 $0x2800, s18;
	[sflag:s16] =	ssyncadd.s32 $0xFFFFC000  }
0x31: {  	[spmem:s2] =	stream.indirect.scatter.add.f32 [tilespmem:s15], [sflag:$0x2], $0x80, s18, s14, $0xb8;
	[tilespmem:$0x1D000] =	vst v63  }
0x32: {  	_ =	swait.ge [sflag:s12], $0x4000  }
0x33: {  	s17 =	sadd.s32 $0x1, s17;
	[sflag:s12] =	ssyncset.done $0x0  }
0x34: {  	p0 =	sne.s32 s17, s10;
	[sflag:s12] =	ssyncadd.s32 $0xFFFFC000  }
.Ltmp1:
0x35: {  	[bflag:$0x0] =	sbarrier.arrive $0xFFFF;
	(pc) =	sbr.rel @p0 .LBB2_1-.Ltmp1, $4  }
0x36: {  	[hbm:s9], [sflag:s6] =	dma.local [spmem:s11], $0x2800  }
0x37: {  	_ =	swait.ge [sflag:s12], $0x2800  }
0x38: {  	[sflag:s12] =	ssyncset.done $0x0  }
0x39: {  	[sflag:s12] =	ssyncadd.s32 $0xFFFFD800  }
0x3a: {  	_ =	sfence.sel $0x180000  }
0x3b: {  	[bflag:$0x0] =	sbarrier.arrive $0xFFFF  }
0x3c: {  	p0 =	sne.s32 s0, $0x0;
	_ =	strace $0x9000004A  }
0x3d: {  	s0 =	sadd.s32 @!p0 $0x100000, s1;
	[bflag:$0x2] =	sbarrier.arrive $0xFFFF  }
0x3e: {  	[sflag:s0] =	ssyncadd.tile.s32 @!p0 $0x1;
	_ =	shalt  }
.Lfunc_end2:
_tile_overlayer_lowered:
.L_overlay_start_2:
0x3f: {  	(tag) =	ssettag $0x2  }
0x40: {  	s0 =	rddreg [dreg:$0x0];
	s2 =	stileid.u32  }
0x41: {  	s1 =	rddreg [dreg:$0x1];
	p0 =	sne.s32 s2, $0x0  }
0x42: {  	s3 =	rddreg [dreg:$0x2];
	[bflag:$0x3] =	sbarrier.arrive $0xFFFF;
	s2 =	simm.s32 @!p0 $0x1C02  }
0x43: {  	[timem:s3], [sflag:s2] =	dma.local @!p0 [hbm:s0], s1  }
0x44: {  	s0 =	simm.s32 @!p0 $0x2  }
0x45: {  	_ =	swait.ge @!p0 [sflag:s0], s1  }
0x46: {  	s1 =	ssub.s32 @!p0 $0x0, s1;
	[sflag:s0] =	ssyncset.done @!p0 $0x0  }
0x47: {  	[sflag:s0] =	ssyncadd.s32 @!p0 s1  }
0x48: {  	[bflag:$0x3] =	sbarrier.arrive $0xFFFF  }
0x49: {  	_ =	shalt  }

// kernel: kernel.26.cloned.1.call-start
scs
__scs_entry_jumppad:
0x0: {  	(pc) =	sbr.rel $0x88, $3  }
0x1: {  	(tag) =	ssettag $0x0;
	lr =	simm.s32 $0x1  }
0x2: {  	[smem:$0x3F93] =	sst lr;
	_ =	strace $0xD0000000  }
0x3: {  	_ = 	snop  }
0x4: {  	_ = 	snop  }
0x5: {  	_ = 	snop  }
0x6: {  	_ = 	snop  }
0x7: {  	_ = 	snop  }
__scs_overlays_trampoline_lowered:
0x8: {  	[smem:$0x3FA2] =	sst s0  }
0x9: {  	[smem:$0x3FA3] =	sst s1  }
0xa: {  	[smem:$0x3FA4] =	sst s2  }
0xb: {  	[smem:$0x3FA5] =	sst s3  }
0xc: {  	[smem:$0x3FA6] =	sst s4  }
0xd: {  	[smem:$0x3FA7] =	sst s5  }
0xe: {  	[smem:$0x3FA8] =	sst s6  }
0xf: {  	[smem:$0x3FA9] =	sst s7  }
0x10: {  	[smem:$0x3FAA] =	sst s8  }
0x11: {  	[smem:$0x3FAB] =	sst s9;
	s0 =	simm.s32 @!p0 $0x0  }
0x12: {  	s1 =	sld [smem:$0x3F91];
	s0 =	simm.s32 @p0 $0x1  }
0x13: {  	[smem:$0x3FAC] =	sst s0;
	s0 =	simm.s32 @!p1 $0x0  }
0x14: {  	s2 =	sld [smem:$0x3F90];
	s0 =	simm.s32 @p1 $0x1  }
0x15: {  	[smem:$0x3FAD] =	sst s0;
	s0 =	simm.s32 @!p2 $0x0  }
0x16: {  	s3 =	sld [smem:$0x3FDB];
	s0 =	simm.s32 @p2 $0x1  }
0x17: {  	s4 =	simm.s32 $0x1BF5;
	[smem:$0x3FAF] =	sst s0  }
0x18: {  	s0 =	sld [smem:$0x3F92];
	_ =	swait.ge [sflag:s4], $0x0  }
0x19: {  	s7 =	sld [smem:$0x3F93]  }
0x1a: {  	s8 =	sadd.s32 $0xFFFFE003, lr  }
0x1b: {  	s9 =	sadd.s32 $0xFFFFFEF7, lr;
	s5 =	simm.s32 $0xFFFFFFFF;
	p2 =	slt.u32 s8, $0xFFFFF086  }
0x1c: {  	p1 =	slt.u32 s9, $0xF7A;
	s5 =	simm.s32 @!p2 $0x0  }
0x1d: {  	s5 =	simm.s32 @p1 $0x1;
	p0 =	seq.s32 s7, s2  }
0x1e: {  	s7 =	smul.u32 @!p0 $0xF7A, s2;
	p2 =	seq.s32 @!p0 s5, $0x0  }
0x1f: {  	s9 =	smul.u32 $0xF7A, s1;
	s8 =	simm.s32 @!p0 $0x1BF5;
	p2 =	por !p2, p0  }
0x20: {  	[sflag:s8] =	ssyncset.s32 @!p0 $0xFFFFF086;
	s6 =	sadd.s32 @!p0 s3, s7;
	s7 =	simm.s32 @!p0 $0x108  }
0x21: {  	s3 =	sadd.s32 s3, s9;
	s6 =	sadd.s32 @!p0 $0x88, s6;
	s7 =	simm.s32 @p2 $0x1082  }
0x22: {  	[simem:s7], [sflag:s8] =	dma.local @!p0 [hbm:s6], $0xF7A  }
0x23: {  	s9 =	sor.u32 $0xD0000000, s2;
	s6 =	simm.s32 $0x108;
	_ =	swait.ge @!p0 [sflag:s8], $0x0  }
0x24: {  	s3 =	sadd.s32 $0x88, s3;
	s6 =	simm.s32 @!p1 $0x1082;
	[sflag:s4] =	ssyncset.s32 $0xFFFFF086  }
0x25: {  	[simem:s6], [sflag:s4] =	dma.local [hbm:s3], $0xF7A  }
0x26: {  	[smem:$0x3F93] =	sst s1;
	(tag) =	ssettag s2;
	_ =	strace s9  }
0x27: {  	s1 =	sld [smem:$0x3FA3]  }
0x28: {  	s2 =	sld [smem:$0x3FA4]  }
0x29: {  	s4 =	sld [smem:$0x3FA6]  }
0x2a: {  	p0 =	seq.s32 s5, $0x0;
	s5 =	sld [smem:$0x3FA7]  }
0x2b: {  	s6 =	sld [smem:$0x3FA8]  }
0x2c: {  	s7 =	sld [smem:$0x3FA9]  }
0x2d: {  	s3 =	simm.s32 $0x108;
	s8 =	sld [smem:$0x3FAA]  }
0x2e: {  	s3 =	simm.s32 @!p0 $0x1082;
	s9 =	sld [smem:$0x3FAB]  }
0x2f: {  	lr =	sadd.s32 s0, s3;
	s0 =	sld [smem:$0x3FA2]  }
0x30: {  	s3 =	sld [smem:$0x3FA5]  }
0x31: {  	[smem:$0x3FAE] =	sst s10  }
0x32: {  	s10 =	sld [smem:$0x3FAC];
	_ =	sdelay $0x3  }
0x33: {  	p0 =	seq.s32 s10, $0x1;
	s10 =	sld [smem:$0x3FAE];
	_ =	sdelay $0x3  }
0x34: {  	[smem:$0x3FAE] =	sst s10  }
0x35: {  	s10 =	sld [smem:$0x3FAD];
	_ =	sdelay $0x3  }
0x36: {  	p1 =	seq.s32 s10, $0x1;
	s10 =	sld [smem:$0x3FAE];
	_ =	sdelay $0x3  }
0x37: {  	[smem:$0x3FAE] =	sst s10  }
0x38: {  	s10 =	sld [smem:$0x3FAF]  }
0x39: {  	_ = 	snop;
	(pc) =	sbr.ind lr, $3  }
0x3a: {  	_ = 	snop  }
0x3b: {  	_ = 	snop  }
0x3c: {  	p2 =	seq.s32 s10, $0x1;
	s10 =	sld [smem:$0x3FAE]  }
0x3d: {  	_ =	shalt  }
0x3e: {  	_ =	shalt  }
0x3f: {  	_ =	shalt  }
0x40: {  	_ =	shalt  }
0x41: {  	_ =	shalt  }
0x42: {  	_ =	shalt  }
0x43: {  	_ =	shalt  }
0x44: {  	_ =	shalt  }
0x45: {  	_ =	shalt  }
0x46: {  	_ =	shalt  }
0x47: {  	_ =	shalt  }
0x48: {  	_ =	shalt  }
0x49: {  	_ =	shalt  }
0x4a: {  	_ =	shalt  }
0x4b: {  	_ =	shalt  }
0x4c: {  	_ =	shalt  }
0x4d: {  	_ =	shalt  }
0x4e: {  	_ =	shalt  }
0x4f: {  	_ =	shalt  }
0x50: {  	_ =	shalt  }
0x51: {  	_ =	shalt  }
0x52: {  	_ =	shalt  }
0x53: {  	_ =	shalt  }
0x54: {  	_ =	shalt  }
0x55: {  	_ =	shalt  }
0x56: {  	_ =	shalt  }
0x57: {  	_ =	shalt  }
0x58: {  	_ =	shalt  }
0x59: {  	_ =	shalt  }
0x5a: {  	_ =	shalt  }
0x5b: {  	_ =	shalt  }
0x5c: {  	_ =	shalt  }
0x5d: {  	_ =	shalt  }
0x5e: {  	_ =	shalt  }
0x5f: {  	_ =	shalt  }
0x60: {  	_ =	shalt  }
0x61: {  	_ =	shalt  }
0x62: {  	_ =	shalt  }
0x63: {  	_ =	shalt  }
0x64: {  	_ =	shalt  }
0x65: {  	_ =	shalt  }
0x66: {  	_ =	shalt  }
0x67: {  	_ =	shalt  }
0x68: {  	_ =	shalt  }
0x69: {  	_ =	shalt  }
0x6a: {  	_ =	shalt  }
0x6b: {  	_ =	shalt  }
0x6c: {  	_ =	shalt  }
0x6d: {  	_ =	shalt  }
0x6e: {  	_ =	shalt  }
0x6f: {  	_ =	shalt  }
0x70: {  	_ =	shalt  }
0x71: {  	_ =	shalt  }
0x72: {  	_ =	shalt  }
0x73: {  	_ =	shalt  }
0x74: {  	_ =	shalt  }
0x75: {  	_ =	shalt  }
0x76: {  	_ =	shalt  }
0x77: {  	_ =	shalt  }
0x78: {  	_ =	shalt  }
0x79: {  	_ =	shalt  }
0x7a: {  	_ =	shalt  }
0x7b: {  	_ =	shalt  }
0x7c: {  	_ =	shalt  }
0x7d: {  	_ =	shalt  }
0x7e: {  	_ =	shalt  }
0x7f: {  	_ =	shalt  }
0x80: {  	_ =	shalt  }
0x81: {  	_ =	shalt  }
0x82: {  	_ =	shalt  }
0x83: {  	_ =	shalt  }
0x84: {  	_ =	shalt  }
0x85: {  	_ =	shalt  }
0x86: {  	_ =	shalt  }
0x87: {  	_ =	shalt  }
.Lfunc_end0:
.L_simem_size_0:
called_computation.2_lowered:
.L_overlay_start_0:
0x88: {  	s2 =	sld [smem:$0x3FD9]  }
0x89: {  	s3 =	sld [smem:$0x3FFE];
	_ =	sdelay $0x1  }
0x8a: {  	s1 =	srdreg.scid  }
0x8b: {  	s0 =	sand.u32 $0x1, s1  }
0x8c: {  	s16 =	sshll.u32 s0, $0xA;
	s2 =	sadd.s32 s3, s2  }
0x8d: {  	s2 =	sadd.s32 s2, s16  }
0x8e: {  	[smem:$0x3FBA] =	sst s2  }
0x8f: {  	_ = 	snop  }
0x90: {  	(tm) =	ssettm $0x1  }
0x91: {  	s17 =	sld [smem:$0x3FFB];
	_ =	sdelay $0x3  }
0x92: {  	_ =	strace s17  }
0x93: {  	s2 =	sld [smem:$0x3FFC];
	_ =	sdelay $0x3  }
0x94: {  	_ =	strace s2  }
0x95: {  	s2 =	sld [smem:$0x3FFD];
	_ =	sdelay $0x3  }
0x96: {  	_ =	strace s2  }
0x97: {  	_ =	strace $0x8FFFFFFF  }
0x98: {  	s18 =	sld [smem:$0x3FDB];
	_ =	sdelay $0x1  }
0x99: {  	s19 =	simm.s32 $_scs_section_size  }
0x9a: {  	s4 =	simm.s32 $_size__tile_overlayer_lowered;
	s5 =	simm.s32 $_tile_overlayer_lowered  }
0x9b: {  	s22 =	simm.s32 $0x1BFF;
	s21 =	sshll.u32 s5, $0x1;
	s2 =	sadd.s32 s19, s18  }
0x9c: {  	s6 =	simm.s32 $0x0;
	s20 =	sshll.u32 s4, $0x1;
	s4 =	sadd.s32 s21, s2  }
0x9d: {  	[timem:s6], [sflag:s22] =	dma.local [hbm:s4], s20  }
0x9e: {  	_ =	swait.ge [sflag:s22], s20  }
0x9f: {  	s3 =	ssub.s32 $0x0, s20;
	[sflag:s22] =	ssyncset.done $0x0  }
0xa0: {  	[sflag:s22] =	ssyncadd.s32 s3;
	_ =	sdelay $0x1  }
0xa1: {  	s23 =	simm.s32 $0x1B8B  }
0xa2: {  	_ =	swait.ge [sflag:s23], $0x1  }
0xa3: {  	[sflag:s23] =	ssyncset.done $0x0  }
0xa4: {  	s25 =	simm.s32 $0x1B8E;
	s24 =	sld [smem:$0x3FFE];
	[sflag:s23] =	ssyncadd.s32 $0xFFFFFFFF  }
0xa5: {  	s26 =	simm.s32 $execute0_lowered;
	[smem:$0x3FD2] =	sst s25  }
0xa6: {  	s4 =	sshll.u32 s26, $0x1;
	_ =	strace $0x8000004C;
	[dreg:$0x1] =	wrdreg $0xFFFFFFFF  }
0xa7: {  	s28 =	simm.s32 $_size_execute0_lowered;
	s2 =	sadd.s32 s2, s4;
	[dreg:$0x0] =	wrdreg $0x0  }
0xa8: {  	s4 =	sshll.u32 s28, $0x1;
	[dreg:$0x2] =	wrdreg s2  }
0xa9: {  	[dreg:$0x3] =	wrdreg s4  }
0xaa: {  	[dreg:$0x4] =	wrdreg $0xC0  }
0xab: {  	_ =	task [dreg:s6], $0x5FFFF  }
0xac: {  	[dreg:$0x1] =	wrdreg $0xFFFFFFFF  }
0xad: {  	[dreg:$0x0] =	wrdreg $0x60  }
0xae: {  	[dreg:$0x2] =	wrdreg s24  }
0xaf: {  	[dreg:$0x3] =	wrdreg $0x90000  }
0xb0: {  	[dreg:$0x4] =	wrdreg $0x9  }
0xb1: {  	_ =	task.clear_ibuf [dreg:s6], $0x5FFFF;
	_ =	strace $0x9000004C  }
0xb2: {  	s29 =	simm.s32 $0x9;
	_ =	strace $0x8000004E  }
0xb3: {  	_ =	swait.ge [sflag:s29], $0x1  }
0xb4: {  	[sflag:s29] =	ssyncadd.s32 $0xFFFFFFFF  }
0xb5: {  	_ =	strace $0x9000004E  }
0xb6: {  	_ =	sfence  }
0xb7: {  	s30 =	sld [smem:$0x0];
	_ =	sdelay $0x2  }
0xb8: {  	s31 =	sshll.u32 s1, $0xD;
	s1 =	sshrl.u32 s1, $0x2  }
0xb9: {  	s3 =	sand.u32 $0x4000, s31;
	s1 =	sadd.s32 s1, s30  }
0xba: {  	s0 =	sor.u32 s3, s0;
	s1 =	sshll.u32 s1, $0x11  }
0xbb: {  	s0 =	sor.u32 s1, s0  }
0xbc: {  	s0 =	sadd.s32 $0x8F2B, s0  }
0xbd: {  	[sflag:s0] =	ssyncadd.remote.s32 $0x1  }
0xbe: {  	_ =	sfence.sel $0xFFFF  }
0xbf: {  	[dreg:$0x0] =	wrdreg $0xFFFFFFFF;
	(pc) =	sbr.abs _section_cstart, $3  }
0xc0: {  	[dreg:$0x1] =	wrdreg $0xFFFFFFFF  }
0xc1: {  	_ =	task.clear_ibuf [dreg:s6], $0x2FFFF;
	_ =	strace $0x9FFFFFFF  }
0xc2: {  	(tm) =	ssettm $0x7FFFFFFF  }
0xc3: {  	_ =	shalt  }
tec
execute0_lowered:
.L_overlay_start_1:
0x0: {  	(tag) =	ssettag $0x1  }
0x1: {  	s1 =	srdreg.scid  }
0x2: {  	s0 =	stileid.u32;
	s7 =	rddreg [dreg:$0x0]  }
0x3: {  	s2 =	rddreg [dreg:$0x1];
	s3 =	simm.s32 $0x0;
	s14 =	simm.s32 $0x80  }
0x4: {  	s15 =	simm.s32 $0x5000;
	s16 =	simm.s32 $0x1;
	s17 =	simm.s32 $0x0  }
0x5: {  	s6 =	sand.u32 $0x1, s1;
	s26 =	sshll.u32 s0, $0x1;
	s9 =	smul.u32 $0x14000, s0  }
0x6: {  	[smem:$0x7FF] =	sst s3;
	s4 =	sadd.s32 $0x12200, s7;
	s28 =	smul.u32 $0x50000, s0  }
0x7: {  	s31 =	sshll.u32 s0, $0x6;
	s1 =	sor.u32 s6, s26;
	s8 =	smul.u32 $0x140000, s6  }
0x8: {  	s6 =	ssub.s32 $0x2, s6;
	s5 =	smul.u32 $0x500, s1;
	s1 =	rddreg [dreg:$0x2]  }
0x9: {  	_ =	strace $0x8000004D;
	s29 =	sshrl.u32 s6, $0x1;
	s30 =	sshrl.u32 s28, $0x2  }
0xa: {  	s8 =	sadd.s32 s9, s8;
	s12 =	ssub.s32 s6, s29;
	s13 =	sadd.s32 s30, s2  }
0xb: {  	s6 =	sor.u32 $0x1C02, s31;
	s10 =	sadd.s32 s5, s7;
	s8 =	sshrl.u32 s8, $0x3  }
0xc: {  	s5 =	sadd.s32 $0xFA00, s7;
	s11 =	sadd.s32 s8, s7;
	s7 =	sadd.s32 $0x62A00, s10  }
0xd: {  	s8 =	sadd.s32 $0x5A00, s10;
	s10 =	smax.u32 s12, $0x1;
	s12 =	simm.s32 $0x2  }
0xe: {  	s9 =	sadd.s32 $0x6CA00, s11;
	s11 =	sshrl.u32 s13, $0x3;
	s13 =	simm.s32 $0x2800  }
.LBB2_1:
0xf: {  	[spmem:s11], [sflag:s6] =	dma.local [hbm:s5], $0x2800  }
0x10: {  	_ =	swait.ge [sflag:s12], $0x2800  }
0x11: {  	[sflag:s12] =	ssyncset.done $0x0  }
0x12: {  	[sflag:s12] =	ssyncadd.s32 $0xFFFFD800  }
0x13: {  	[tilespmem:s3], [sflag:$0x2] =	stream.linear.gather [hbm4b:s7+s3], $0x2800, $0x38;
	[tilespmem:$0x1D000] =	vst v63  }
0x14: {  	_ =	swait.ge [sflag:s12], $0x2800  }
0x15: {  	[sflag:s12] =	ssyncset.done $0x0  }
0x16: {  	[sflag:s12] =	ssyncadd.s32 $0xFFFFD800  }
0x17: {  	[tilespmem:s13], [sflag:$0x2] =	stream.linear.gather [hbm4b:s8+s3], $0x2800, $0x38;
	[tilespmem:$0x1D000] =	vst v63  }
0x18: {  	_ =	swait.ge [sflag:s12], $0x2800  }
0x19: {  	[sflag:s12] =	ssyncset.done $0x0  }
0x1a: {  	[sflag:s12] =	ssyncadd.s32 $0xFFFFD800  }
0x1b: {  	s18 =	simm.s32 $0x0;
	[bflag:$0x0] =	sbarrier.arrive $0xFFFF  }
0x1c: {  	[tilespmem:s15], [sflag:$0x1] =	stream.indirect.gather [hbm4b:s4+s14], $0x80, s18, s14, $0xb8;
	[tilespmem:$0x1D000] =	vst v63  }
0x1d: {  	_ =	swait.ge [sflag:s16], $0x4000  }
0x1e: {  	[sflag:s16] =	ssyncset.done $0x0  }
0x1f: {  	s31 =	simm.s32 $0x2800;
	[sflag:s16] =	ssyncadd.s32 $0xFFFFC000  }
0x20: {  	[spmem:s2] =	stream.indirect.scatter.add.f32 [tilespmem:s15], [sflag:$0x2], $0x80, s31, s14, $0xb8;
	[tilespmem:$0x1D000] =	vst v63  }
0x21: {  	_ =	swait.ge [sflag:s12], $0x4000  }
0x22: {  	s19 =	simm.s32 $0x400;
	s18 =	simm.s32 $0x200;
	[sflag:s12] =	ssyncset.done $0x0  }
.LBB2_2:
0x23: {  	s20 =	sshra.s32 s18, $0x2  }
0x24: {  	[sflag:s12] =	ssyncadd.s32 $0xFFFFC000;
	s18 =	smov.u32 s19;
	s21 =	sadd.s32 $0x200, s19  }
0x25: {  	[tilespmem:s15], [sflag:$0x1] =	stream.indirect.gather [hbm4b:s4+s14], $0x80, s20, s14, $0xb8;
	[tilespmem:$0x1D000] =	vst v63  }
0x26: {  	p0 =	sne.s32 s19, $0x9E00;
	_ =	swait.ge [sflag:s16], $0x4000  }
.Ltmp0:
0x27: {  	[sflag:s16] =	ssyncset.done $0x0;
	(pc) =	sbr.rel @p0 .LBB2_2-.Ltmp0, $4  }
0x28: {  	s19 =	sadd.s32 $0x2800, s20;
	[sflag:s16] =	ssyncadd.s32 $0xFFFFC000  }
0x29: {  	[spmem:s2] =	stream.indirect.scatter.add.f32 [tilespmem:s15], [sflag:$0x2], $0x80, s19, s14, $0xb8;
	[tilespmem:$0x1D000] =	vst v63  }
0x2a: {  	_ =	swait.ge [sflag:s12], $0x4000  }
0x2b: {  	s19 =	smov.u32 s21;
	[sflag:s12] =	ssyncset.done $0x0  }
0x2c: {  	s18 =	sshra.s32 s18, $0x2;
	[sflag:s12] =	ssyncadd.s32 $0xFFFFC000  }
0x2d: {  	[tilespmem:s15], [sflag:$0x1] =	stream.indirect.gather [hbm4b:s4+s14], $0x80, s18, s14, $0xb8;
	[tilespmem:$0x1D000] =	vst v63  }
0x2e: {  	_ =	swait.ge [sflag:s16], $0x4000  }
0x2f: {  	[sflag:s16] =	ssyncset.done $0x0  }
0x30: {  	s18 =	sadd.s32 $0x2800, s18;
	[sflag:s16] =	ssyncadd.s32 $0xFFFFC000  }
0x31: {  	[spmem:s2] =	stream.indirect.scatter.add.f32 [tilespmem:s15], [sflag:$0x2], $0x80, s18, s14, $0xb8;
	[tilespmem:$0x1D000] =	vst v63  }
0x32: {  	_ =	swait.ge [sflag:s12], $0x4000  }
0x33: {  	s17 =	sadd.s32 $0x1, s17;
	[sflag:s12] =	ssyncset.done $0x0  }
0x34: {  	p0 =	sne.s32 s17, s10;
	[sflag:s12] =	ssyncadd.s32 $0xFFFFC000  }
.Ltmp1:
0x35: {  	[bflag:$0x0] =	sbarrier.arrive $0xFFFF;
	(pc) =	sbr.rel @p0 .LBB2_1-.Ltmp1, $4  }
0x36: {  	[hbm:s9], [sflag:s6] =	dma.local [spmem:s11], $0x2800  }
0x37: {  	_ =	swait.ge [sflag:s12], $0x2800  }
0x38: {  	[sflag:s12] =	ssyncset.done $0x0  }
0x39: {  	[sflag:s12] =	ssyncadd.s32 $0xFFFFD800  }
0x3a: {  	_ =	sfence.sel $0x180000  }
0x3b: {  	[bflag:$0x0] =	sbarrier.arrive $0xFFFF  }
0x3c: {  	p0 =	sne.s32 s0, $0x0;
	_ =	strace $0x9000004D  }
0x3d: {  	s0 =	sadd.s32 @!p0 $0x100000, s1;
	[bflag:$0x2] =	sbarrier.arrive $0xFFFF  }
0x3e: {  	[sflag:s0] =	ssyncadd.tile.s32 @!p0 $0x1;
	_ =	shalt  }
.Lfunc_end2:
_tile_overlayer_lowered:
.L_overlay_start_2:
0x3f: {  	(tag) =	ssettag $0x2  }
0x40: {  	s0 =	rddreg [dreg:$0x0];
	s2 =	stileid.u32  }
0x41: {  	s1 =	rddreg [dreg:$0x1];
	p0 =	sne.s32 s2, $0x0  }
0x42: {  	s3 =	rddreg [dreg:$0x2];
	[bflag:$0x3] =	sbarrier.arrive $0xFFFF;
	s2 =	simm.s32 @!p0 $0x1C02  }
0x43: {  	[timem:s3], [sflag:s2] =	dma.local @!p0 [hbm:s0], s1  }
0x44: {  	s0 =	simm.s32 @!p0 $0x2  }
0x45: {  	_ =	swait.ge @!p0 [sflag:s0], s1  }
0x46: {  	s1 =	ssub.s32 @!p0 $0x0, s1;
	[sflag:s0] =	ssyncset.done @!p0 $0x0  }
0x47: {  	[sflag:s0] =	ssyncadd.s32 @!p0 s1  }
0x48: {  	[bflag:$0x3] =	sbarrier.arrive $0xFFFF  }
0x49: {  	_ =	shalt  }

// kernel: kernel.29.cloned.1.call-start
scs
__scs_entry_jumppad:
0x0: {  	(pc) =	sbr.rel $0x88, $3  }
0x1: {  	(tag) =	ssettag $0x0;
	lr =	simm.s32 $0x1  }
0x2: {  	[smem:$0x3F93] =	sst lr;
	_ =	strace $0xD0000000  }
0x3: {  	_ = 	snop  }
0x4: {  	_ = 	snop  }
0x5: {  	_ = 	snop  }
0x6: {  	_ = 	snop  }
0x7: {  	_ = 	snop  }
__scs_overlays_trampoline_lowered:
0x8: {  	[smem:$0x3FA2] =	sst s0  }
0x9: {  	[smem:$0x3FA3] =	sst s1  }
0xa: {  	[smem:$0x3FA4] =	sst s2  }
0xb: {  	[smem:$0x3FA5] =	sst s3  }
0xc: {  	[smem:$0x3FA6] =	sst s4  }
0xd: {  	[smem:$0x3FA7] =	sst s5  }
0xe: {  	[smem:$0x3FA8] =	sst s6  }
0xf: {  	[smem:$0x3FA9] =	sst s7  }
0x10: {  	[smem:$0x3FAA] =	sst s8  }
0x11: {  	[smem:$0x3FAB] =	sst s9;
	s0 =	simm.s32 @!p0 $0x0  }
0x12: {  	s1 =	sld [smem:$0x3F91];
	s0 =	simm.s32 @p0 $0x1  }
0x13: {  	[smem:$0x3FAC] =	sst s0;
	s0 =	simm.s32 @!p1 $0x0  }
0x14: {  	s2 =	sld [smem:$0x3F90];
	s0 =	simm.s32 @p1 $0x1  }
0x15: {  	[smem:$0x3FAD] =	sst s0;
	s0 =	simm.s32 @!p2 $0x0  }
0x16: {  	s3 =	sld [smem:$0x3FDB];
	s0 =	simm.s32 @p2 $0x1  }
0x17: {  	s4 =	simm.s32 $0x1BF5;
	[smem:$0x3FAF] =	sst s0  }
0x18: {  	s0 =	sld [smem:$0x3F92];
	_ =	swait.ge [sflag:s4], $0x0  }
0x19: {  	s7 =	sld [smem:$0x3F93]  }
0x1a: {  	s8 =	sadd.s32 $0xFFFFE003, lr  }
0x1b: {  	s9 =	sadd.s32 $0xFFFFFEF7, lr;
	s5 =	simm.s32 $0xFFFFFFFF;
	p2 =	slt.u32 s8, $0xFFFFF086  }
0x1c: {  	p1 =	slt.u32 s9, $0xF7A;
	s5 =	simm.s32 @!p2 $0x0  }
0x1d: {  	s5 =	simm.s32 @p1 $0x1;
	p0 =	seq.s32 s7, s2  }
0x1e: {  	s7 =	smul.u32 @!p0 $0xF7A, s2;
	p2 =	seq.s32 @!p0 s5, $0x0  }
0x1f: {  	s9 =	smul.u32 $0xF7A, s1;
	s8 =	simm.s32 @!p0 $0x1BF5;
	p2 =	por !p2, p0  }
0x20: {  	[sflag:s8] =	ssyncset.s32 @!p0 $0xFFFFF086;
	s6 =	sadd.s32 @!p0 s3, s7;
	s7 =	simm.s32 @!p0 $0x108  }
0x21: {  	s3 =	sadd.s32 s3, s9;
	s6 =	sadd.s32 @!p0 $0x88, s6;
	s7 =	simm.s32 @p2 $0x1082  }
0x22: {  	[simem:s7], [sflag:s8] =	dma.local @!p0 [hbm:s6], $0xF7A  }
0x23: {  	s9 =	sor.u32 $0xD0000000, s2;
	s6 =	simm.s32 $0x108;
	_ =	swait.ge @!p0 [sflag:s8], $0x0  }
0x24: {  	s3 =	sadd.s32 $0x88, s3;
	s6 =	simm.s32 @!p1 $0x1082;
	[sflag:s4] =	ssyncset.s32 $0xFFFFF086  }
0x25: {  	[simem:s6], [sflag:s4] =	dma.local [hbm:s3], $0xF7A  }
0x26: {  	[smem:$0x3F93] =	sst s1;
	(tag) =	ssettag s2;
	_ =	strace s9  }
0x27: {  	s1 =	sld [smem:$0x3FA3]  }
0x28: {  	s2 =	sld [smem:$0x3FA4]  }
0x29: {  	s4 =	sld [smem:$0x3FA6]  }
0x2a: {  	p0 =	seq.s32 s5, $0x0;
	s5 =	sld [smem:$0x3FA7]  }
0x2b: {  	s6 =	sld [smem:$0x3FA8]  }
0x2c: {  	s7 =	sld [smem:$0x3FA9]  }
0x2d: {  	s3 =	simm.s32 $0x108;
	s8 =	sld [smem:$0x3FAA]  }
0x2e: {  	s3 =	simm.s32 @!p0 $0x1082;
	s9 =	sld [smem:$0x3FAB]  }
0x2f: {  	lr =	sadd.s32 s0, s3;
	s0 =	sld [smem:$0x3FA2]  }
0x30: {  	s3 =	sld [smem:$0x3FA5]  }
0x31: {  	[smem:$0x3FAE] =	sst s10  }
0x32: {  	s10 =	sld [smem:$0x3FAC];
	_ =	sdelay $0x3  }
0x33: {  	p0 =	seq.s32 s10, $0x1;
	s10 =	sld [smem:$0x3FAE];
	_ =	sdelay $0x3  }
0x34: {  	[smem:$0x3FAE] =	sst s10  }
0x35: {  	s10 =	sld [smem:$0x3FAD];
	_ =	sdelay $0x3  }
0x36: {  	p1 =	seq.s32 s10, $0x1;
	s10 =	sld [smem:$0x3FAE];
	_ =	sdelay $0x3  }
0x37: {  	[smem:$0x3FAE] =	sst s10  }
0x38: {  	s10 =	sld [smem:$0x3FAF]  }
0x39: {  	_ = 	snop;
	(pc) =	sbr.ind lr, $3  }
0x3a: {  	_ = 	snop  }
0x3b: {  	_ = 	snop  }
0x3c: {  	p2 =	seq.s32 s10, $0x1;
	s10 =	sld [smem:$0x3FAE]  }
0x3d: {  	_ =	shalt  }
0x3e: {  	_ =	shalt  }
0x3f: {  	_ =	shalt  }
0x40: {  	_ =	shalt  }
0x41: {  	_ =	shalt  }
0x42: {  	_ =	shalt  }
0x43: {  	_ =	shalt  }
0x44: {  	_ =	shalt  }
0x45: {  	_ =	shalt  }
0x46: {  	_ =	shalt  }
0x47: {  	_ =	shalt  }
0x48: {  	_ =	shalt  }
0x49: {  	_ =	shalt  }
0x4a: {  	_ =	shalt  }
0x4b: {  	_ =	shalt  }
0x4c: {  	_ =	shalt  }
0x4d: {  	_ =	shalt  }
0x4e: {  	_ =	shalt  }
0x4f: {  	_ =	shalt  }
0x50: {  	_ =	shalt  }
0x51: {  	_ =	shalt  }
0x52: {  	_ =	shalt  }
0x53: {  	_ =	shalt  }
0x54: {  	_ =	shalt  }
0x55: {  	_ =	shalt  }
0x56: {  	_ =	shalt  }
0x57: {  	_ =	shalt  }
0x58: {  	_ =	shalt  }
0x59: {  	_ =	shalt  }
0x5a: {  	_ =	shalt  }
0x5b: {  	_ =	shalt  }
0x5c: {  	_ =	shalt  }
0x5d: {  	_ =	shalt  }
0x5e: {  	_ =	shalt  }
0x5f: {  	_ =	shalt  }
0x60: {  	_ =	shalt  }
0x61: {  	_ =	shalt  }
0x62: {  	_ =	shalt  }
0x63: {  	_ =	shalt  }
0x64: {  	_ =	shalt  }
0x65: {  	_ =	shalt  }
0x66: {  	_ =	shalt  }
0x67: {  	_ =	shalt  }
0x68: {  	_ =	shalt  }
0x69: {  	_ =	shalt  }
0x6a: {  	_ =	shalt  }
0x6b: {  	_ =	shalt  }
0x6c: {  	_ =	shalt  }
0x6d: {  	_ =	shalt  }
0x6e: {  	_ =	shalt  }
0x6f: {  	_ =	shalt  }
0x70: {  	_ =	shalt  }
0x71: {  	_ =	shalt  }
0x72: {  	_ =	shalt  }
0x73: {  	_ =	shalt  }
0x74: {  	_ =	shalt  }
0x75: {  	_ =	shalt  }
0x76: {  	_ =	shalt  }
0x77: {  	_ =	shalt  }
0x78: {  	_ =	shalt  }
0x79: {  	_ =	shalt  }
0x7a: {  	_ =	shalt  }
0x7b: {  	_ =	shalt  }
0x7c: {  	_ =	shalt  }
0x7d: {  	_ =	shalt  }
0x7e: {  	_ =	shalt  }
0x7f: {  	_ =	shalt  }
0x80: {  	_ =	shalt  }
0x81: {  	_ =	shalt  }
0x82: {  	_ =	shalt  }
0x83: {  	_ =	shalt  }
0x84: {  	_ =	shalt  }
0x85: {  	_ =	shalt  }
0x86: {  	_ =	shalt  }
0x87: {  	_ =	shalt  }
.Lfunc_end0:
.L_simem_size_0:
called_computation.3_lowered:
.L_overlay_start_0:
0x88: {  	s2 =	sld [smem:$0x3FD9]  }
0x89: {  	s3 =	sld [smem:$0x3FFE];
	_ =	sdelay $0x1  }
0x8a: {  	s1 =	srdreg.scid  }
0x8b: {  	s0 =	sand.u32 $0x1, s1  }
0x8c: {  	s16 =	sshll.u32 s0, $0xA;
	s2 =	sadd.s32 s3, s2  }
0x8d: {  	s2 =	sadd.s32 s2, s16  }
0x8e: {  	[smem:$0x3FBA] =	sst s2  }
0x8f: {  	_ = 	snop  }
0x90: {  	(tm) =	ssettm $0x1  }
0x91: {  	s17 =	sld [smem:$0x3FFB];
	_ =	sdelay $0x3  }
0x92: {  	_ =	strace s17  }
0x93: {  	s2 =	sld [smem:$0x3FFC];
	_ =	sdelay $0x3  }
0x94: {  	_ =	strace s2  }
0x95: {  	s2 =	sld [smem:$0x3FFD];
	_ =	sdelay $0x3  }
0x96: {  	_ =	strace s2  }
0x97: {  	_ =	strace $0x8FFFFFFF  }
0x98: {  	s18 =	sld [smem:$0x3FDB];
	_ =	sdelay $0x1  }
0x99: {  	s19 =	simm.s32 $_scs_section_size  }
0x9a: {  	s4 =	simm.s32 $_size__tile_overlayer_lowered;
	s5 =	simm.s32 $_tile_overlayer_lowered  }
0x9b: {  	s22 =	simm.s32 $0x1BFF;
	s21 =	sshll.u32 s5, $0x1;
	s2 =	sadd.s32 s19, s18  }
0x9c: {  	s6 =	simm.s32 $0x0;
	s20 =	sshll.u32 s4, $0x1;
	s4 =	sadd.s32 s21, s2  }
0x9d: {  	[timem:s6], [sflag:s22] =	dma.local [hbm:s4], s20  }
0x9e: {  	_ =	swait.ge [sflag:s22], s20  }
0x9f: {  	s3 =	ssub.s32 $0x0, s20;
	[sflag:s22] =	ssyncset.done $0x0  }
0xa0: {  	[sflag:s22] =	ssyncadd.s32 s3;
	_ =	sdelay $0x1  }
0xa1: {  	s23 =	simm.s32 $0x1B8B  }
0xa2: {  	_ =	swait.ge [sflag:s23], $0x1  }
0xa3: {  	[sflag:s23] =	ssyncset.done $0x0  }
0xa4: {  	s25 =	simm.s32 $0x1B8E;
	s24 =	sld [smem:$0x3FFE];
	[sflag:s23] =	ssyncadd.s32 $0xFFFFFFFF  }
0xa5: {  	s26 =	simm.s32 $execute0_lowered;
	[smem:$0x3FD2] =	sst s25  }
0xa6: {  	s4 =	sshll.u32 s26, $0x1;
	_ =	strace $0x8000004F;
	[dreg:$0x1] =	wrdreg $0xFFFFFFFF  }
0xa7: {  	s28 =	simm.s32 $_size_execute0_lowered;
	s2 =	sadd.s32 s2, s4;
	[dreg:$0x0] =	wrdreg $0x0  }
0xa8: {  	s4 =	sshll.u32 s28, $0x1;
	[dreg:$0x2] =	wrdreg s2  }
0xa9: {  	[dreg:$0x3] =	wrdreg s4  }
0xaa: {  	[dreg:$0x4] =	wrdreg $0xC0  }
0xab: {  	_ =	task [dreg:s6], $0x5FFFF  }
0xac: {  	[dreg:$0x1] =	wrdreg $0xFFFFFFFF  }
0xad: {  	[dreg:$0x0] =	wrdreg $0x60  }
0xae: {  	[dreg:$0x2] =	wrdreg s24  }
0xaf: {  	[dreg:$0x3] =	wrdreg $0x70000  }
0xb0: {  	[dreg:$0x4] =	wrdreg $0x9  }
0xb1: {  	_ =	task.clear_ibuf [dreg:s6], $0x5FFFF;
	_ =	strace $0x9000004F  }
0xb2: {  	s29 =	simm.s32 $0x9;
	_ =	strace $0x80000051  }
0xb3: {  	_ =	swait.ge [sflag:s29], $0x1  }
0xb4: {  	[sflag:s29] =	ssyncadd.s32 $0xFFFFFFFF  }
0xb5: {  	_ =	strace $0x90000051  }
0xb6: {  	_ =	sfence  }
0xb7: {  	s30 =	sld [smem:$0x0];
	_ =	sdelay $0x2  }
0xb8: {  	s31 =	sshll.u32 s1, $0xD;
	s1 =	sshrl.u32 s1, $0x2  }
0xb9: {  	s3 =	sand.u32 $0x4000, s31;
	s1 =	sadd.s32 s1, s30  }
0xba: {  	s0 =	sor.u32 s3, s0;
	s1 =	sshll.u32 s1, $0x11  }
0xbb: {  	s0 =	sor.u32 s1, s0  }
0xbc: {  	s0 =	sadd.s32 $0x8F2B, s0  }
0xbd: {  	[sflag:s0] =	ssyncadd.remote.s32 $0x1  }
0xbe: {  	_ =	sfence.sel $0xFFFF  }
0xbf: {  	[dreg:$0x0] =	wrdreg $0xFFFFFFFF;
	(pc) =	sbr.abs _section_cstart, $3  }
0xc0: {  	[dreg:$0x1] =	wrdreg $0xFFFFFFFF  }
0xc1: {  	_ =	task.clear_ibuf [dreg:s6], $0x2FFFF;
	_ =	strace $0x9FFFFFFF  }
0xc2: {  	(tm) =	ssettm $0x7FFFFFFF  }
0xc3: {  	_ =	shalt  }
tec
execute0_lowered:
.L_overlay_start_1:
0x0: {  	(tag) =	ssettag $0x1  }
0x1: {  	s6 =	rddreg [dreg:$0x0]  }
0x2: {  	s2 =	rddreg [dreg:$0x1]  }
0x3: {  	s0 =	rddreg [dreg:$0x2];
	s3 =	srdreg.scid  }
0x4: {  	s1 =	stileid.u32;
	s13 =	simm.s32 $0x2800;
	s14 =	simm.s32 $0x80  }
0x5: {  	s15 =	simm.s32 $0x5000;
	s16 =	simm.s32 $0x1;
	s17 =	simm.s32 $0x0  }
0x6: {  	s5 =	sand.u32 $0x1, s3;
	s4 =	sshll.u32 s1, $0x1;
	s7 =	smul.u32 $0xA000, s1  }
0x7: {  	s3 =	simm.s32 $0x0;
	s31 =	sshll.u32 s1, $0x6;
	s4 =	sor.u32 s5, s4  }
0x8: {  	s8 =	smul.u32 $0xA0000, s5;
	[smem:$0x7FF] =	sst s3;
	s10 =	ssub.s32 $0x2, s5  }
0x9: {  	s5 =	sadd.s32 $0x26200, s6;
	s9 =	smul.u32 $0x500, s4;
	_ =	strace $0x80000050  }
0xa: {  	s4 =	sadd.s32 $0x12200, s6;
	s30 =	sshrl.u32 s10, $0x1;
	s8 =	sadd.s32 s7, s8  }
0xb: {  	s12 =	sadd.s32 s7, s2;
	s10 =	ssub.s32 s10, s30;
	s8 =	sshrl.u32 s8, $0x3  }
0xc: {  	s9 =	sadd.s32 s9, s6;
	s10 =	smax.u32 s10, $0x1;
	s11 =	sadd.s32 s8, s6  }
0xd: {  	s6 =	sor.u32 $0x1C02, s31;
	s7 =	sadd.s32 $0x62A00, s9;
	s8 =	sadd.s32 $0x5A00, s9  }
0xe: {  	s9 =	sadd.s32 $0x27600, s11;
	s11 =	sshrl.u32 s12, $0x3;
	s12 =	simm.s32 $0x2  }
.LBB2_1:
0xf: {  	[spmem:s11], [sflag:s6] =	dma.local [hbm:s5], $0x1400  }
0x10: {  	_ =	swait.ge [sflag:s12], $0x1400  }
0x11: {  	[sflag:s12] =	ssyncset.done $0x0  }
0x12: {  	[sflag:s12] =	ssyncadd.s32 $0xFFFFEC00  }
0x13: {  	[tilespmem:s3], [sflag:$0x2] =	stream.linear.gather [hbm4b:s7+s3], $0x2800, $0x38;
	[tilespmem:$0x11000] =	vst v63  }
0x14: {  	_ =	swait.ge [sflag:s12], $0x2800  }
0x15: {  	[sflag:s12] =	ssyncset.done $0x0  }
0x16: {  	[sflag:s12] =	ssyncadd.s32 $0xFFFFD800  }
0x17: {  	[tilespmem:s13], [sflag:$0x2] =	stream.linear.gather [hbm4b:s8+s3], $0x2800, $0x38;
	[tilespmem:$0x11000] =	vst v63  }
0x18: {  	_ =	swait.ge [sflag:s12], $0x2800  }
0x19: {  	[sflag:s12] =	ssyncset.done $0x0  }
0x1a: {  	[sflag:s12] =	ssyncadd.s32 $0xFFFFD800  }
0x1b: {  	s18 =	simm.s32 $0x0;
	[bflag:$0x0] =	sbarrier.arrive $0xFFFF  }
0x1c: {  	[tilespmem:s15], [sflag:$0x1] =	stream.indirect.gather [hbm4b:s4+s14], $0x40, s18, s14, $0xb8;
	[tilespmem:$0x11000] =	vst v63  }
0x1d: {  	_ =	swait.ge [sflag:s16], $0x2000  }
0x1e: {  	[sflag:s16] =	ssyncset.done $0x0  }
0x1f: {  	s31 =	simm.s32 $0x2800;
	[sflag:s16] =	ssyncadd.s32 $0xFFFFE000  }
0x20: {  	[spmem:s2] =	stream.indirect.scatter.add.f32 [tilespmem:s15], [sflag:$0x2], $0x40, s31, s14, $0xb8;
	[tilespmem:$0x11000] =	vst v63  }
0x21: {  	_ =	swait.ge [sflag:s12], $0x2000  }
0x22: {  	s19 =	simm.s32 $0x400;
	s18 =	simm.s32 $0x200;
	[sflag:s12] =	ssyncset.done $0x0  }
.LBB2_2:
0x23: {  	s20 =	sshra.s32 s18, $0x2  }
0x24: {  	[sflag:s12] =	ssyncadd.s32 $0xFFFFE000;
	s18 =	smov.u32 s19;
	s21 =	sadd.s32 $0x200, s19  }
0x25: {  	[tilespmem:s15], [sflag:$0x1] =	stream.indirect.gather [hbm4b:s4+s14], $0x40, s20, s14, $0xb8;
	[tilespmem:$0x11000] =	vst v63  }
0x26: {  	p0 =	sne.s32 s19, $0x9E00;
	_ =	swait.ge [sflag:s16], $0x2000  }
.Ltmp0:
0x27: {  	[sflag:s16] =	ssyncset.done $0x0;
	(pc) =	sbr.rel @p0 .LBB2_2-.Ltmp0, $4  }
0x28: {  	s19 =	sadd.s32 $0x2800, s20;
	[sflag:s16] =	ssyncadd.s32 $0xFFFFE000  }
0x29: {  	[spmem:s2] =	stream.indirect.scatter.add.f32 [tilespmem:s15], [sflag:$0x2], $0x40, s19, s14, $0xb8;
	[tilespmem:$0x11000] =	vst v63  }
0x2a: {  	_ =	swait.ge [sflag:s12], $0x2000  }
0x2b: {  	s19 =	smov.u32 s21;
	[sflag:s12] =	ssyncset.done $0x0  }
0x2c: {  	s18 =	sshra.s32 s18, $0x2;
	[sflag:s12] =	ssyncadd.s32 $0xFFFFE000  }
0x2d: {  	[tilespmem:s15], [sflag:$0x1] =	stream.indirect.gather [hbm4b:s4+s14], $0x40, s18, s14, $0xb8;
	[tilespmem:$0x11000] =	vst v63  }
0x2e: {  	_ =	swait.ge [sflag:s16], $0x2000  }
0x2f: {  	[sflag:s16] =	ssyncset.done $0x0  }
0x30: {  	s18 =	sadd.s32 $0x2800, s18;
	[sflag:s16] =	ssyncadd.s32 $0xFFFFE000  }
0x31: {  	[spmem:s2] =	stream.indirect.scatter.add.f32 [tilespmem:s15], [sflag:$0x2], $0x40, s18, s14, $0xb8;
	[tilespmem:$0x11000] =	vst v63  }
0x32: {  	_ =	swait.ge [sflag:s12], $0x2000  }
0x33: {  	s17 =	sadd.s32 $0x1, s17;
	[sflag:s12] =	ssyncset.done $0x0  }
0x34: {  	p0 =	sne.s32 s17, s10;
	[sflag:s12] =	ssyncadd.s32 $0xFFFFE000  }
.Ltmp1:
0x35: {  	[bflag:$0x0] =	sbarrier.arrive $0xFFFF;
	(pc) =	sbr.rel @p0 .LBB2_1-.Ltmp1, $4  }
0x36: {  	[hbm:s9], [sflag:s6] =	dma.local [spmem:s11], $0x1400  }
0x37: {  	_ =	swait.ge [sflag:s12], $0x1400  }
0x38: {  	[sflag:s12] =	ssyncset.done $0x0  }
0x39: {  	[sflag:s12] =	ssyncadd.s32 $0xFFFFEC00  }
0x3a: {  	_ =	sfence.sel $0x180000  }
0x3b: {  	[bflag:$0x0] =	sbarrier.arrive $0xFFFF  }
0x3c: {  	p0 =	sne.s32 s1, $0x0;
	_ =	strace $0x90000050  }
0x3d: {  	s0 =	sadd.s32 @!p0 $0x100000, s0;
	[bflag:$0x2] =	sbarrier.arrive $0xFFFF  }
0x3e: {  	[sflag:s0] =	ssyncadd.tile.s32 @!p0 $0x1;
	_ =	shalt  }
.Lfunc_end2:
_tile_overlayer_lowered:
.L_overlay_start_2:
0x3f: {  	(tag) =	ssettag $0x2  }
0x40: {  	s0 =	rddreg [dreg:$0x0];
	s2 =	stileid.u32  }
0x41: {  	s1 =	rddreg [dreg:$0x1];
	p0 =	sne.s32 s2, $0x0  }
0x42: {  	s3 =	rddreg [dreg:$0x2];
	[bflag:$0x3] =	sbarrier.arrive $0xFFFF;
	s2 =	simm.s32 @!p0 $0x1C02  }
0x43: {  	[timem:s3], [sflag:s2] =	dma.local @!p0 [hbm:s0], s1  }
0x44: {  	s0 =	simm.s32 @!p0 $0x2  }
0x45: {  	_ =	swait.ge @!p0 [sflag:s0], s1  }
0x46: {  	s1 =	ssub.s32 @!p0 $0x0, s1;
	[sflag:s0] =	ssyncset.done @!p0 $0x0  }
0x47: {  	[sflag:s0] =	ssyncadd.s32 @!p0 s1  }
0x48: {  	[bflag:$0x3] =	sbarrier.arrive $0xFFFF  }
0x49: {  	_ =	shalt  }

// kernel: kernel.32.cloned.1.call-start
scs
__scs_entry_jumppad:
0x0: {  	(pc) =	sbr.rel $0x88, $3  }
0x1: {  	(tag) =	ssettag $0x0;
	lr =	simm.s32 $0x1  }
0x2: {  	[smem:$0x3F93] =	sst lr;
	_ =	strace $0xD0000000  }
0x3: {  	_ = 	snop  }
0x4: {  	_ = 	snop  }
0x5: {  	_ = 	snop  }
0x6: {  	_ = 	snop  }
0x7: {  	_ = 	snop  }
__scs_overlays_trampoline_lowered:
0x8: {  	[smem:$0x3FA2] =	sst s0  }
0x9: {  	[smem:$0x3FA3] =	sst s1  }
0xa: {  	[smem:$0x3FA4] =	sst s2  }
0xb: {  	[smem:$0x3FA5] =	sst s3  }
0xc: {  	[smem:$0x3FA6] =	sst s4  }
0xd: {  	[smem:$0x3FA7] =	sst s5  }
0xe: {  	[smem:$0x3FA8] =	sst s6  }
0xf: {  	[smem:$0x3FA9] =	sst s7  }
0x10: {  	[smem:$0x3FAA] =	sst s8  }
0x11: {  	[smem:$0x3FAB] =	sst s9;
	s0 =	simm.s32 @!p0 $0x0  }
0x12: {  	s1 =	sld [smem:$0x3F91];
	s0 =	simm.s32 @p0 $0x1  }
0x13: {  	[smem:$0x3FAC] =	sst s0;
	s0 =	simm.s32 @!p1 $0x0  }
0x14: {  	s2 =	sld [smem:$0x3F90];
	s0 =	simm.s32 @p1 $0x1  }
0x15: {  	[smem:$0x3FAD] =	sst s0;
	s0 =	simm.s32 @!p2 $0x0  }
0x16: {  	s3 =	sld [smem:$0x3FDB];
	s0 =	simm.s32 @p2 $0x1  }
0x17: {  	s4 =	simm.s32 $0x1BF5;
	[smem:$0x3FAF] =	sst s0  }
0x18: {  	s0 =	sld [smem:$0x3F92];
	_ =	swait.ge [sflag:s4], $0x0  }
0x19: {  	s7 =	sld [smem:$0x3F93]  }
0x1a: {  	s8 =	sadd.s32 $0xFFFFE003, lr  }
0x1b: {  	s9 =	sadd.s32 $0xFFFFFEF7, lr;
	s5 =	simm.s32 $0xFFFFFFFF;
	p2 =	slt.u32 s8, $0xFFFFF086  }
0x1c: {  	p1 =	slt.u32 s9, $0xF7A;
	s5 =	simm.s32 @!p2 $0x0  }
0x1d: {  	s5 =	simm.s32 @p1 $0x1;
	p0 =	seq.s32 s7, s2  }
0x1e: {  	s7 =	smul.u32 @!p0 $0xF7A, s2;
	p2 =	seq.s32 @!p0 s5, $0x0  }
0x1f: {  	s9 =	smul.u32 $0xF7A, s1;
	s8 =	simm.s32 @!p0 $0x1BF5;
	p2 =	por !p2, p0  }
0x20: {  	[sflag:s8] =	ssyncset.s32 @!p0 $0xFFFFF086;
	s6 =	sadd.s32 @!p0 s3, s7;
	s7 =	simm.s32 @!p0 $0x108  }
0x21: {  	s3 =	sadd.s32 s3, s9;
	s6 =	sadd.s32 @!p0 $0x88, s6;
	s7 =	simm.s32 @p2 $0x1082  }
0x22: {  	[simem:s7], [sflag:s8] =	dma.local @!p0 [hbm:s6], $0xF7A  }
0x23: {  	s9 =	sor.u32 $0xD0000000, s2;
	s6 =	simm.s32 $0x108;
	_ =	swait.ge @!p0 [sflag:s8], $0x0  }
0x24: {  	s3 =	sadd.s32 $0x88, s3;
	s6 =	simm.s32 @!p1 $0x1082;
	[sflag:s4] =	ssyncset.s32 $0xFFFFF086  }
0x25: {  	[simem:s6], [sflag:s4] =	dma.local [hbm:s3], $0xF7A  }
0x26: {  	[smem:$0x3F93] =	sst s1;
	(tag) =	ssettag s2;
	_ =	strace s9  }
0x27: {  	s1 =	sld [smem:$0x3FA3]  }
0x28: {  	s2 =	sld [smem:$0x3FA4]  }
0x29: {  	s4 =	sld [smem:$0x3FA6]  }
0x2a: {  	p0 =	seq.s32 s5, $0x0;
	s5 =	sld [smem:$0x3FA7]  }
0x2b: {  	s6 =	sld [smem:$0x3FA8]  }
0x2c: {  	s7 =	sld [smem:$0x3FA9]  }
0x2d: {  	s3 =	simm.s32 $0x108;
	s8 =	sld [smem:$0x3FAA]  }
0x2e: {  	s3 =	simm.s32 @!p0 $0x1082;
	s9 =	sld [smem:$0x3FAB]  }
0x2f: {  	lr =	sadd.s32 s0, s3;
	s0 =	sld [smem:$0x3FA2]  }
0x30: {  	s3 =	sld [smem:$0x3FA5]  }
0x31: {  	[smem:$0x3FAE] =	sst s10  }
0x32: {  	s10 =	sld [smem:$0x3FAC];
	_ =	sdelay $0x3  }
0x33: {  	p0 =	seq.s32 s10, $0x1;
	s10 =	sld [smem:$0x3FAE];
	_ =	sdelay $0x3  }
0x34: {  	[smem:$0x3FAE] =	sst s10  }
0x35: {  	s10 =	sld [smem:$0x3FAD];
	_ =	sdelay $0x3  }
0x36: {  	p1 =	seq.s32 s10, $0x1;
	s10 =	sld [smem:$0x3FAE];
	_ =	sdelay $0x3  }
0x37: {  	[smem:$0x3FAE] =	sst s10  }
0x38: {  	s10 =	sld [smem:$0x3FAF]  }
0x39: {  	_ = 	snop;
	(pc) =	sbr.ind lr, $3  }
0x3a: {  	_ = 	snop  }
0x3b: {  	_ = 	snop  }
0x3c: {  	p2 =	seq.s32 s10, $0x1;
	s10 =	sld [smem:$0x3FAE]  }
0x3d: {  	_ =	shalt  }
0x3e: {  	_ =	shalt  }
0x3f: {  	_ =	shalt  }
0x40: {  	_ =	shalt  }
0x41: {  	_ =	shalt  }
0x42: {  	_ =	shalt  }
0x43: {  	_ =	shalt  }
0x44: {  	_ =	shalt  }
0x45: {  	_ =	shalt  }
0x46: {  	_ =	shalt  }
0x47: {  	_ =	shalt  }
0x48: {  	_ =	shalt  }
0x49: {  	_ =	shalt  }
0x4a: {  	_ =	shalt  }
0x4b: {  	_ =	shalt  }
0x4c: {  	_ =	shalt  }
0x4d: {  	_ =	shalt  }
0x4e: {  	_ =	shalt  }
0x4f: {  	_ =	shalt  }
0x50: {  	_ =	shalt  }
0x51: {  	_ =	shalt  }
0x52: {  	_ =	shalt  }
0x53: {  	_ =	shalt  }
0x54: {  	_ =	shalt  }
0x55: {  	_ =	shalt  }
0x56: {  	_ =	shalt  }
0x57: {  	_ =	shalt  }
0x58: {  	_ =	shalt  }
0x59: {  	_ =	shalt  }
0x5a: {  	_ =	shalt  }
0x5b: {  	_ =	shalt  }
0x5c: {  	_ =	shalt  }
0x5d: {  	_ =	shalt  }
0x5e: {  	_ =	shalt  }
0x5f: {  	_ =	shalt  }
0x60: {  	_ =	shalt  }
0x61: {  	_ =	shalt  }
0x62: {  	_ =	shalt  }
0x63: {  	_ =	shalt  }
0x64: {  	_ =	shalt  }
0x65: {  	_ =	shalt  }
0x66: {  	_ =	shalt  }
0x67: {  	_ =	shalt  }
0x68: {  	_ =	shalt  }
0x69: {  	_ =	shalt  }
0x6a: {  	_ =	shalt  }
0x6b: {  	_ =	shalt  }
0x6c: {  	_ =	shalt  }
0x6d: {  	_ =	shalt  }
0x6e: {  	_ =	shalt  }
0x6f: {  	_ =	shalt  }
0x70: {  	_ =	shalt  }
0x71: {  	_ =	shalt  }
0x72: {  	_ =	shalt  }
0x73: {  	_ =	shalt  }
0x74: {  	_ =	shalt  }
0x75: {  	_ =	shalt  }
0x76: {  	_ =	shalt  }
0x77: {  	_ =	shalt  }
0x78: {  	_ =	shalt  }
0x79: {  	_ =	shalt  }
0x7a: {  	_ =	shalt  }
0x7b: {  	_ =	shalt  }
0x7c: {  	_ =	shalt  }
0x7d: {  	_ =	shalt  }
0x7e: {  	_ =	shalt  }
0x7f: {  	_ =	shalt  }
0x80: {  	_ =	shalt  }
0x81: {  	_ =	shalt  }
0x82: {  	_ =	shalt  }
0x83: {  	_ =	shalt  }
0x84: {  	_ =	shalt  }
0x85: {  	_ =	shalt  }
0x86: {  	_ =	shalt  }
0x87: {  	_ =	shalt  }
.Lfunc_end0:
.L_simem_size_0:
called_computation.4_lowered:
.L_overlay_start_0:
0x88: {  	s2 =	sld [smem:$0x3FD9]  }
0x89: {  	s3 =	sld [smem:$0x3FFE];
	_ =	sdelay $0x1  }
0x8a: {  	s1 =	srdreg.scid  }
0x8b: {  	s0 =	sand.u32 $0x1, s1  }
0x8c: {  	s16 =	sshll.u32 s0, $0xA;
	s2 =	sadd.s32 s3, s2  }
0x8d: {  	s2 =	sadd.s32 s2, s16  }
0x8e: {  	[smem:$0x3FBA] =	sst s2  }
0x8f: {  	_ = 	snop  }
0x90: {  	(tm) =	ssettm $0x1  }
0x91: {  	s17 =	sld [smem:$0x3FFB];
	_ =	sdelay $0x3  }
0x92: {  	_ =	strace s17  }
0x93: {  	s2 =	sld [smem:$0x3FFC];
	_ =	sdelay $0x3  }
0x94: {  	_ =	strace s2  }
0x95: {  	s2 =	sld [smem:$0x3FFD];
	_ =	sdelay $0x3  }
0x96: {  	_ =	strace s2  }
0x97: {  	_ =	strace $0x8FFFFFFF  }
0x98: {  	s18 =	sld [smem:$0x3FDB];
	_ =	sdelay $0x1  }
0x99: {  	s19 =	simm.s32 $_scs_section_size  }
0x9a: {  	s4 =	simm.s32 $_size__tile_overlayer_lowered;
	s5 =	simm.s32 $_tile_overlayer_lowered  }
0x9b: {  	s22 =	simm.s32 $0x1BFF;
	s21 =	sshll.u32 s5, $0x1;
	s2 =	sadd.s32 s19, s18  }
0x9c: {  	s6 =	simm.s32 $0x0;
	s20 =	sshll.u32 s4, $0x1;
	s4 =	sadd.s32 s21, s2  }
0x9d: {  	[timem:s6], [sflag:s22] =	dma.local [hbm:s4], s20  }
0x9e: {  	_ =	swait.ge [sflag:s22], s20  }
0x9f: {  	s3 =	ssub.s32 $0x0, s20;
	[sflag:s22] =	ssyncset.done $0x0  }
0xa0: {  	[sflag:s22] =	ssyncadd.s32 s3;
	_ =	sdelay $0x1  }
0xa1: {  	s23 =	simm.s32 $0x1B8B  }
0xa2: {  	_ =	swait.ge [sflag:s23], $0x1  }
0xa3: {  	[sflag:s23] =	ssyncset.done $0x0  }
0xa4: {  	s25 =	simm.s32 $0x1B8E;
	s24 =	sld [smem:$0x3FFE];
	[sflag:s23] =	ssyncadd.s32 $0xFFFFFFFF  }
0xa5: {  	s26 =	simm.s32 $execute0_lowered;
	[smem:$0x3FD2] =	sst s25  }
0xa6: {  	s4 =	sshll.u32 s26, $0x1;
	_ =	strace $0x80000052;
	[dreg:$0x1] =	wrdreg $0xFFFFFFFF  }
0xa7: {  	s28 =	simm.s32 $_size_execute0_lowered;
	s2 =	sadd.s32 s2, s4;
	[dreg:$0x0] =	wrdreg $0x0  }
0xa8: {  	s4 =	sshll.u32 s28, $0x1;
	[dreg:$0x2] =	wrdreg s2  }
0xa9: {  	[dreg:$0x3] =	wrdreg s4  }
0xaa: {  	[dreg:$0x4] =	wrdreg $0xC0  }
0xab: {  	_ =	task [dreg:s6], $0x5FFFF  }
0xac: {  	[dreg:$0x1] =	wrdreg $0xFFFFFFFF  }
0xad: {  	[dreg:$0x0] =	wrdreg $0x60  }
0xae: {  	[dreg:$0x2] =	wrdreg s24  }
0xaf: {  	[dreg:$0x3] =	wrdreg $0x70000  }
0xb0: {  	[dreg:$0x4] =	wrdreg $0x9  }
0xb1: {  	_ =	task.clear_ibuf [dreg:s6], $0x5FFFF;
	_ =	strace $0x90000052  }
0xb2: {  	s29 =	simm.s32 $0x9;
	_ =	strace $0x80000054  }
0xb3: {  	_ =	swait.ge [sflag:s29], $0x1  }
0xb4: {  	[sflag:s29] =	ssyncadd.s32 $0xFFFFFFFF  }
0xb5: {  	_ =	strace $0x90000054  }
0xb6: {  	_ =	sfence  }
0xb7: {  	s30 =	sld [smem:$0x0];
	_ =	sdelay $0x2  }
0xb8: {  	s31 =	sshll.u32 s1, $0xD;
	s1 =	sshrl.u32 s1, $0x2  }
0xb9: {  	s3 =	sand.u32 $0x4000, s31;
	s1 =	sadd.s32 s1, s30  }
0xba: {  	s0 =	sor.u32 s3, s0;
	s1 =	sshll.u32 s1, $0x11  }
0xbb: {  	s0 =	sor.u32 s1, s0  }
0xbc: {  	s0 =	sadd.s32 $0x8F2B, s0  }
0xbd: {  	[sflag:s0] =	ssyncadd.remote.s32 $0x1  }
0xbe: {  	_ =	sfence.sel $0xFFFF  }
0xbf: {  	[dreg:$0x0] =	wrdreg $0xFFFFFFFF;
	(pc) =	sbr.abs _section_cstart, $3  }
0xc0: {  	[dreg:$0x1] =	wrdreg $0xFFFFFFFF  }
0xc1: {  	_ =	task.clear_ibuf [dreg:s6], $0x2FFFF;
	_ =	strace $0x9FFFFFFF  }
0xc2: {  	(tm) =	ssettm $0x7FFFFFFF  }
0xc3: {  	_ =	shalt  }
tec
execute0_lowered:
.L_overlay_start_1:
0x0: {  	(tag) =	ssettag $0x1  }
0x1: {  	s6 =	rddreg [dreg:$0x0]  }
0x2: {  	s2 =	rddreg [dreg:$0x1]  }
0x3: {  	s0 =	rddreg [dreg:$0x2];
	s3 =	srdreg.scid  }
0x4: {  	s1 =	stileid.u32;
	s13 =	simm.s32 $0x2800;
	s14 =	simm.s32 $0x80  }
0x5: {  	s15 =	simm.s32 $0x5000;
	s16 =	simm.s32 $0x1;
	s17 =	simm.s32 $0x0  }
0x6: {  	s5 =	sand.u32 $0x1, s3;
	s4 =	sshll.u32 s1, $0x1;
	s7 =	smul.u32 $0xA000, s1  }
0x7: {  	s3 =	simm.s32 $0x0;
	s31 =	sshll.u32 s1, $0x6;
	s4 =	sor.u32 s5, s4  }
0x8: {  	s8 =	smul.u32 $0xA0000, s5;
	[smem:$0x7FF] =	sst s3;
	s10 =	ssub.s32 $0x2, s5  }
0x9: {  	s5 =	sadd.s32 $0x26200, s6;
	s9 =	smul.u32 $0x500, s4;
	_ =	strace $0x80000053  }
0xa: {  	s4 =	sadd.s32 $0x12200, s6;
	s30 =	sshrl.u32 s10, $0x1;
	s8 =	sadd.s32 s7, s8  }
0xb: {  	s12 =	sadd.s32 s7, s2;
	s10 =	ssub.s32 s10, s30;
	s8 =	sshrl.u32 s8, $0x3  }
0xc: {  	s9 =	sadd.s32 s9, s6;
	s10 =	smax.u32 s10, $0x1;
	s11 =	sadd.s32 s8, s6  }
0xd: {  	s6 =	sor.u32 $0x1C02, s31;
	s7 =	sadd.s32 $0x62A00, s9;
	s8 =	sadd.s32 $0x5A00, s9  }
0xe: {  	s9 =	sadd.s32 $0x6CA00, s11;
	s11 =	sshrl.u32 s12, $0x3;
	s12 =	simm.s32 $0x2  }
.LBB2_1:
0xf: {  	[spmem:s11], [sflag:s6] =	dma.local [hbm:s5], $0x1400  }
0x10: {  	_ =	swait.ge [sflag:s12], $0x1400  }
0x11: {  	[sflag:s12] =	ssyncset.done $0x0  }
0x12: {  	[sflag:s12] =	ssyncadd.s32 $0xFFFFEC00  }
0x13: {  	[tilespmem:s3], [sflag:$0x2] =	stream.linear.gather [hbm4b:s7+s3], $0x2800, $0x38;
	[tilespmem:$0x11000] =	vst v63  }
0x14: {  	_ =	swait.ge [sflag:s12], $0x2800  }
0x15: {  	[sflag:s12] =	ssyncset.done $0x0  }
0x16: {  	[sflag:s12] =	ssyncadd.s32 $0xFFFFD800  }
0x17: {  	[tilespmem:s13], [sflag:$0x2] =	stream.linear.gather [hbm4b:s8+s3], $0x2800, $0x38;
	[tilespmem:$0x11000] =	vst v63  }
0x18: {  	_ =	swait.ge [sflag:s12], $0x2800  }
0x19: {  	[sflag:s12] =	ssyncset.done $0x0  }
0x1a: {  	[sflag:s12] =	ssyncadd.s32 $0xFFFFD800  }
0x1b: {  	s18 =	simm.s32 $0x0;
	[bflag:$0x0] =	sbarrier.arrive $0xFFFF  }
0x1c: {  	[tilespmem:s15], [sflag:$0x1] =	stream.indirect.gather [hbm4b:s4+s14], $0x40, s18, s14, $0xb8;
	[tilespmem:$0x11000] =	vst v63  }
0x1d: {  	_ =	swait.ge [sflag:s16], $0x2000  }
0x1e: {  	[sflag:s16] =	ssyncset.done $0x0  }
0x1f: {  	s31 =	simm.s32 $0x2800;
	[sflag:s16] =	ssyncadd.s32 $0xFFFFE000  }
0x20: {  	[spmem:s2] =	stream.indirect.scatter.add.f32 [tilespmem:s15], [sflag:$0x2], $0x40, s31, s14, $0xb8;
	[tilespmem:$0x11000] =	vst v63  }
0x21: {  	_ =	swait.ge [sflag:s12], $0x2000  }
0x22: {  	s19 =	simm.s32 $0x400;
	s18 =	simm.s32 $0x200;
	[sflag:s12] =	ssyncset.done $0x0  }
.LBB2_2:
0x23: {  	s20 =	sshra.s32 s18, $0x2  }
0x24: {  	[sflag:s12] =	ssyncadd.s32 $0xFFFFE000;
	s18 =	smov.u32 s19;
	s21 =	sadd.s32 $0x200, s19  }
0x25: {  	[tilespmem:s15], [sflag:$0x1] =	stream.indirect.gather [hbm4b:s4+s14], $0x40, s20, s14, $0xb8;
	[tilespmem:$0x11000] =	vst v63  }
0x26: {  	p0 =	sne.s32 s19, $0x9E00;
	_ =	swait.ge [sflag:s16], $0x2000  }
.Ltmp0:
0x27: {  	[sflag:s16] =	ssyncset.done $0x0;
	(pc) =	sbr.rel @p0 .LBB2_2-.Ltmp0, $4  }
0x28: {  	s19 =	sadd.s32 $0x2800, s20;
	[sflag:s16] =	ssyncadd.s32 $0xFFFFE000  }
0x29: {  	[spmem:s2] =	stream.indirect.scatter.add.f32 [tilespmem:s15], [sflag:$0x2], $0x40, s19, s14, $0xb8;
	[tilespmem:$0x11000] =	vst v63  }
0x2a: {  	_ =	swait.ge [sflag:s12], $0x2000  }
0x2b: {  	s19 =	smov.u32 s21;
	[sflag:s12] =	ssyncset.done $0x0  }
0x2c: {  	s18 =	sshra.s32 s18, $0x2;
	[sflag:s12] =	ssyncadd.s32 $0xFFFFE000  }
0x2d: {  	[tilespmem:s15], [sflag:$0x1] =	stream.indirect.gather [hbm4b:s4+s14], $0x40, s18, s14, $0xb8;
	[tilespmem:$0x11000] =	vst v63  }
0x2e: {  	_ =	swait.ge [sflag:s16], $0x2000  }
0x2f: {  	[sflag:s16] =	ssyncset.done $0x0  }
0x30: {  	s18 =	sadd.s32 $0x2800, s18;
	[sflag:s16] =	ssyncadd.s32 $0xFFFFE000  }
0x31: {  	[spmem:s2] =	stream.indirect.scatter.add.f32 [tilespmem:s15], [sflag:$0x2], $0x40, s18, s14, $0xb8;
	[tilespmem:$0x11000] =	vst v63  }
0x32: {  	_ =	swait.ge [sflag:s12], $0x2000  }
0x33: {  	s17 =	sadd.s32 $0x1, s17;
	[sflag:s12] =	ssyncset.done $0x0  }
0x34: {  	p0 =	sne.s32 s17, s10;
	[sflag:s12] =	ssyncadd.s32 $0xFFFFE000  }
.Ltmp1:
0x35: {  	[bflag:$0x0] =	sbarrier.arrive $0xFFFF;
	(pc) =	sbr.rel @p0 .LBB2_1-.Ltmp1, $4  }
0x36: {  	[hbm:s9], [sflag:s6] =	dma.local [spmem:s11], $0x1400  }
0x37: {  	_ =	swait.ge [sflag:s12], $0x1400  }
0x38: {  	[sflag:s12] =	ssyncset.done $0x0  }
0x39: {  	[sflag:s12] =	ssyncadd.s32 $0xFFFFEC00  }
0x3a: {  	_ =	sfence.sel $0x180000  }
0x3b: {  	[bflag:$0x0] =	sbarrier.arrive $0xFFFF  }
0x3c: {  	p0 =	sne.s32 s1, $0x0;
	_ =	strace $0x90000053  }
0x3d: {  	s0 =	sadd.s32 @!p0 $0x100000, s0;
	[bflag:$0x2] =	sbarrier.arrive $0xFFFF  }
0x3e: {  	[sflag:s0] =	ssyncadd.tile.s32 @!p0 $0x1;
	_ =	shalt  }
.Lfunc_end2:
_tile_overlayer_lowered:
.L_overlay_start_2:
0x3f: {  	(tag) =	ssettag $0x2  }
0x40: {  	s0 =	rddreg [dreg:$0x0];
	s2 =	stileid.u32  }
0x41: {  	s1 =	rddreg [dreg:$0x1];
	p0 =	sne.s32 s2, $0x0  }
0x42: {  	s3 =	rddreg [dreg:$0x2];
	[bflag:$0x3] =	sbarrier.arrive $0xFFFF;
	s2 =	simm.s32 @!p0 $0x1C02  }
0x43: {  	[timem:s3], [sflag:s2] =	dma.local @!p0 [hbm:s0], s1  }
0x44: {  	s0 =	simm.s32 @!p0 $0x2  }
0x45: {  	_ =	swait.ge @!p0 [sflag:s0], s1  }
0x46: {  	s1 =	ssub.s32 @!p0 $0x0, s1;
	[sflag:s0] =	ssyncset.done @!p0 $0x0  }
0x47: {  	[sflag:s0] =	ssyncadd.s32 @!p0 s1  }
0x48: {  	[bflag:$0x3] =	sbarrier.arrive $0xFFFF  }
0x49: {  	_ =	shalt  }

// kernel: kernel.35.cloned.1.call-start
scs
__scs_entry_jumppad:
0x0: {  	(pc) =	sbr.rel $0x88, $3  }
0x1: {  	(tag) =	ssettag $0x0;
	lr =	simm.s32 $0x1  }
0x2: {  	[smem:$0x3F93] =	sst lr;
	_ =	strace $0xD0000000  }
0x3: {  	_ = 	snop  }
0x4: {  	_ = 	snop  }
0x5: {  	_ = 	snop  }
0x6: {  	_ = 	snop  }
0x7: {  	_ = 	snop  }
__scs_overlays_trampoline_lowered:
0x8: {  	[smem:$0x3FA2] =	sst s0  }
0x9: {  	[smem:$0x3FA3] =	sst s1  }
0xa: {  	[smem:$0x3FA4] =	sst s2  }
0xb: {  	[smem:$0x3FA5] =	sst s3  }
0xc: {  	[smem:$0x3FA6] =	sst s4  }
0xd: {  	[smem:$0x3FA7] =	sst s5  }
0xe: {  	[smem:$0x3FA8] =	sst s6  }
0xf: {  	[smem:$0x3FA9] =	sst s7  }
0x10: {  	[smem:$0x3FAA] =	sst s8  }
0x11: {  	[smem:$0x3FAB] =	sst s9;
	s0 =	simm.s32 @!p0 $0x0  }
0x12: {  	s1 =	sld [smem:$0x3F91];
	s0 =	simm.s32 @p0 $0x1  }
0x13: {  	[smem:$0x3FAC] =	sst s0;
	s0 =	simm.s32 @!p1 $0x0  }
0x14: {  	s2 =	sld [smem:$0x3F90];
	s0 =	simm.s32 @p1 $0x1  }
0x15: {  	[smem:$0x3FAD] =	sst s0;
	s0 =	simm.s32 @!p2 $0x0  }
0x16: {  	s3 =	sld [smem:$0x3FDB];
	s0 =	simm.s32 @p2 $0x1  }
0x17: {  	s4 =	simm.s32 $0x1BF5;
	[smem:$0x3FAF] =	sst s0  }
0x18: {  	s0 =	sld [smem:$0x3F92];
	_ =	swait.ge [sflag:s4], $0x0  }
0x19: {  	s7 =	sld [smem:$0x3F93]  }
0x1a: {  	s8 =	sadd.s32 $0xFFFFE003, lr  }
0x1b: {  	s9 =	sadd.s32 $0xFFFFFEF7, lr;
	s5 =	simm.s32 $0xFFFFFFFF;
	p2 =	slt.u32 s8, $0xFFFFF086  }
0x1c: {  	p1 =	slt.u32 s9, $0xF7A;
	s5 =	simm.s32 @!p2 $0x0  }
0x1d: {  	s5 =	simm.s32 @p1 $0x1;
	p0 =	seq.s32 s7, s2  }
0x1e: {  	s7 =	smul.u32 @!p0 $0xF7A, s2;
	p2 =	seq.s32 @!p0 s5, $0x0  }
0x1f: {  	s9 =	smul.u32 $0xF7A, s1;
	s8 =	simm.s32 @!p0 $0x1BF5;
	p2 =	por !p2, p0  }
0x20: {  	[sflag:s8] =	ssyncset.s32 @!p0 $0xFFFFF086;
	s6 =	sadd.s32 @!p0 s3, s7;
	s7 =	simm.s32 @!p0 $0x108  }
0x21: {  	s3 =	sadd.s32 s3, s9;
	s6 =	sadd.s32 @!p0 $0x88, s6;
	s7 =	simm.s32 @p2 $0x1082  }
0x22: {  	[simem:s7], [sflag:s8] =	dma.local @!p0 [hbm:s6], $0xF7A  }
0x23: {  	s9 =	sor.u32 $0xD0000000, s2;
	s6 =	simm.s32 $0x108;
	_ =	swait.ge @!p0 [sflag:s8], $0x0  }
0x24: {  	s3 =	sadd.s32 $0x88, s3;
	s6 =	simm.s32 @!p1 $0x1082;
	[sflag:s4] =	ssyncset.s32 $0xFFFFF086  }
0x25: {  	[simem:s6], [sflag:s4] =	dma.local [hbm:s3], $0xF7A  }
0x26: {  	[smem:$0x3F93] =	sst s1;
	(tag) =	ssettag s2;
	_ =	strace s9  }
0x27: {  	s1 =	sld [smem:$0x3FA3]  }
0x28: {  	s2 =	sld [smem:$0x3FA4]  }
0x29: {  	s4 =	sld [smem:$0x3FA6]  }
0x2a: {  	p0 =	seq.s32 s5, $0x0;
	s5 =	sld [smem:$0x3FA7]  }
0x2b: {  	s6 =	sld [smem:$0x3FA8]  }
0x2c: {  	s7 =	sld [smem:$0x3FA9]  }
0x2d: {  	s3 =	simm.s32 $0x108;
	s8 =	sld [smem:$0x3FAA]  }
0x2e: {  	s3 =	simm.s32 @!p0 $0x1082;
	s9 =	sld [smem:$0x3FAB]  }
0x2f: {  	lr =	sadd.s32 s0, s3;
	s0 =	sld [smem:$0x3FA2]  }
0x30: {  	s3 =	sld [smem:$0x3FA5]  }
0x31: {  	[smem:$0x3FAE] =	sst s10  }
0x32: {  	s10 =	sld [smem:$0x3FAC];
	_ =	sdelay $0x3  }
0x33: {  	p0 =	seq.s32 s10, $0x1;
	s10 =	sld [smem:$0x3FAE];
	_ =	sdelay $0x3  }
0x34: {  	[smem:$0x3FAE] =	sst s10  }
0x35: {  	s10 =	sld [smem:$0x3FAD];
	_ =	sdelay $0x3  }
0x36: {  	p1 =	seq.s32 s10, $0x1;
	s10 =	sld [smem:$0x3FAE];
	_ =	sdelay $0x3  }
0x37: {  	[smem:$0x3FAE] =	sst s10  }
0x38: {  	s10 =	sld [smem:$0x3FAF]  }
0x39: {  	_ = 	snop;
	(pc) =	sbr.ind lr, $3  }
0x3a: {  	_ = 	snop  }
0x3b: {  	_ = 	snop  }
0x3c: {  	p2 =	seq.s32 s10, $0x1;
	s10 =	sld [smem:$0x3FAE]  }
0x3d: {  	_ =	shalt  }
0x3e: {  	_ =	shalt  }
0x3f: {  	_ =	shalt  }
0x40: {  	_ =	shalt  }
0x41: {  	_ =	shalt  }
0x42: {  	_ =	shalt  }
0x43: {  	_ =	shalt  }
0x44: {  	_ =	shalt  }
0x45: {  	_ =	shalt  }
0x46: {  	_ =	shalt  }
0x47: {  	_ =	shalt  }
0x48: {  	_ =	shalt  }
0x49: {  	_ =	shalt  }
0x4a: {  	_ =	shalt  }
0x4b: {  	_ =	shalt  }
0x4c: {  	_ =	shalt  }
0x4d: {  	_ =	shalt  }
0x4e: {  	_ =	shalt  }
0x4f: {  	_ =	shalt  }
0x50: {  	_ =	shalt  }
0x51: {  	_ =	shalt  }
0x52: {  	_ =	shalt  }
0x53: {  	_ =	shalt  }
0x54: {  	_ =	shalt  }
0x55: {  	_ =	shalt  }
0x56: {  	_ =	shalt  }
0x57: {  	_ =	shalt  }
0x58: {  	_ =	shalt  }
0x59: {  	_ =	shalt  }
0x5a: {  	_ =	shalt  }
0x5b: {  	_ =	shalt  }
0x5c: {  	_ =	shalt  }
0x5d: {  	_ =	shalt  }
0x5e: {  	_ =	shalt  }
0x5f: {  	_ =	shalt  }
0x60: {  	_ =	shalt  }
0x61: {  	_ =	shalt  }
0x62: {  	_ =	shalt  }
0x63: {  	_ =	shalt  }
0x64: {  	_ =	shalt  }
0x65: {  	_ =	shalt  }
0x66: {  	_ =	shalt  }
0x67: {  	_ =	shalt  }
0x68: {  	_ =	shalt  }
0x69: {  	_ =	shalt  }
0x6a: {  	_ =	shalt  }
0x6b: {  	_ =	shalt  }
0x6c: {  	_ =	shalt  }
0x6d: {  	_ =	shalt  }
0x6e: {  	_ =	shalt  }
0x6f: {  	_ =	shalt  }
0x70: {  	_ =	shalt  }
0x71: {  	_ =	shalt  }
0x72: {  	_ =	shalt  }
0x73: {  	_ =	shalt  }
0x74: {  	_ =	shalt  }
0x75: {  	_ =	shalt  }
0x76: {  	_ =	shalt  }
0x77: {  	_ =	shalt  }
0x78: {  	_ =	shalt  }
0x79: {  	_ =	shalt  }
0x7a: {  	_ =	shalt  }
0x7b: {  	_ =	shalt  }
0x7c: {  	_ =	shalt  }
0x7d: {  	_ =	shalt  }
0x7e: {  	_ =	shalt  }
0x7f: {  	_ =	shalt  }
0x80: {  	_ =	shalt  }
0x81: {  	_ =	shalt  }
0x82: {  	_ =	shalt  }
0x83: {  	_ =	shalt  }
0x84: {  	_ =	shalt  }
0x85: {  	_ =	shalt  }
0x86: {  	_ =	shalt  }
0x87: {  	_ =	shalt  }
.Lfunc_end0:
.L_simem_size_0:
called_computation.5_lowered:
.L_overlay_start_0:
0x88: {  	s2 =	sld [smem:$0x3FD9]  }
0x89: {  	s3 =	sld [smem:$0x3FFE];
	_ =	sdelay $0x1  }
0x8a: {  	s1 =	srdreg.scid  }
0x8b: {  	s0 =	sand.u32 $0x1, s1  }
0x8c: {  	s16 =	sshll.u32 s0, $0xA;
	s2 =	sadd.s32 s3, s2  }
0x8d: {  	s2 =	sadd.s32 s2, s16  }
0x8e: {  	[smem:$0x3FBA] =	sst s2  }
0x8f: {  	_ = 	snop  }
0x90: {  	(tm) =	ssettm $0x1  }
0x91: {  	s17 =	sld [smem:$0x3FFB];
	_ =	sdelay $0x3  }
0x92: {  	_ =	strace s17  }
0x93: {  	s2 =	sld [smem:$0x3FFC];
	_ =	sdelay $0x3  }
0x94: {  	_ =	strace s2  }
0x95: {  	s2 =	sld [smem:$0x3FFD];
	_ =	sdelay $0x3  }
0x96: {  	_ =	strace s2  }
0x97: {  	_ =	strace $0x8FFFFFFF  }
0x98: {  	s18 =	sld [smem:$0x3FDB];
	_ =	sdelay $0x1  }
0x99: {  	s19 =	simm.s32 $_scs_section_size  }
0x9a: {  	s4 =	simm.s32 $_size__tile_overlayer_lowered;
	s5 =	simm.s32 $_tile_overlayer_lowered  }
0x9b: {  	s22 =	simm.s32 $0x1BFF;
	s21 =	sshll.u32 s5, $0x1;
	s2 =	sadd.s32 s19, s18  }
0x9c: {  	s6 =	simm.s32 $0x0;
	s20 =	sshll.u32 s4, $0x1;
	s4 =	sadd.s32 s21, s2  }
0x9d: {  	[timem:s6], [sflag:s22] =	dma.local [hbm:s4], s20  }
0x9e: {  	_ =	swait.ge [sflag:s22], s20  }
0x9f: {  	s3 =	ssub.s32 $0x0, s20;
	[sflag:s22] =	ssyncset.done $0x0  }
0xa0: {  	[sflag:s22] =	ssyncadd.s32 s3;
	_ =	sdelay $0x1  }
0xa1: {  	s23 =	simm.s32 $0x1B8B  }
0xa2: {  	_ =	swait.ge [sflag:s23], $0x1  }
0xa3: {  	[sflag:s23] =	ssyncset.done $0x0  }
0xa4: {  	s25 =	simm.s32 $0x1B8E;
	s24 =	sld [smem:$0x3FFE];
	[sflag:s23] =	ssyncadd.s32 $0xFFFFFFFF  }
0xa5: {  	s26 =	simm.s32 $execute0_lowered;
	[smem:$0x3FD2] =	sst s25  }
0xa6: {  	s4 =	sshll.u32 s26, $0x1;
	_ =	strace $0x80000055;
	[dreg:$0x1] =	wrdreg $0xFFFFFFFF  }
0xa7: {  	s28 =	simm.s32 $_size_execute0_lowered;
	s2 =	sadd.s32 s2, s4;
	[dreg:$0x0] =	wrdreg $0x0  }
0xa8: {  	s4 =	sshll.u32 s28, $0x1;
	[dreg:$0x2] =	wrdreg s2  }
0xa9: {  	[dreg:$0x3] =	wrdreg s4  }
0xaa: {  	[dreg:$0x4] =	wrdreg $0xC0  }
0xab: {  	_ =	task [dreg:s6], $0x5FFFF  }
0xac: {  	[dreg:$0x1] =	wrdreg $0xFFFFFFFF  }
0xad: {  	[dreg:$0x0] =	wrdreg $0x60  }
0xae: {  	[dreg:$0x2] =	wrdreg s24  }
0xaf: {  	[dreg:$0x3] =	wrdreg $0x70000  }
0xb0: {  	[dreg:$0x4] =	wrdreg $0x9  }
0xb1: {  	_ =	task.clear_ibuf [dreg:s6], $0x5FFFF;
	_ =	strace $0x90000055  }
0xb2: {  	s29 =	simm.s32 $0x9;
	_ =	strace $0x80000057  }
0xb3: {  	_ =	swait.ge [sflag:s29], $0x1  }
0xb4: {  	[sflag:s29] =	ssyncadd.s32 $0xFFFFFFFF  }
0xb5: {  	_ =	strace $0x90000057  }
0xb6: {  	_ =	sfence  }
0xb7: {  	s30 =	sld [smem:$0x0];
	_ =	sdelay $0x2  }
0xb8: {  	s31 =	sshll.u32 s1, $0xD;
	s1 =	sshrl.u32 s1, $0x2  }
0xb9: {  	s3 =	sand.u32 $0x4000, s31;
	s1 =	sadd.s32 s1, s30  }
0xba: {  	s0 =	sor.u32 s3, s0;
	s1 =	sshll.u32 s1, $0x11  }
0xbb: {  	s0 =	sor.u32 s1, s0  }
0xbc: {  	s0 =	sadd.s32 $0x8F2B, s0  }
0xbd: {  	[sflag:s0] =	ssyncadd.remote.s32 $0x1  }
0xbe: {  	_ =	sfence.sel $0xFFFF  }
0xbf: {  	[dreg:$0x0] =	wrdreg $0xFFFFFFFF;
	(pc) =	sbr.abs _section_cstart, $3  }
0xc0: {  	[dreg:$0x1] =	wrdreg $0xFFFFFFFF  }
0xc1: {  	_ =	task.clear_ibuf [dreg:s6], $0x2FFFF;
	_ =	strace $0x9FFFFFFF  }
0xc2: {  	(tm) =	ssettm $0x7FFFFFFF  }
0xc3: {  	_ =	shalt  }
tec
execute0_lowered:
.L_overlay_start_1:
0x0: {  	(tag) =	ssettag $0x1  }
0x1: {  	s6 =	rddreg [dreg:$0x0]  }
0x2: {  	s2 =	rddreg [dreg:$0x1]  }
0x3: {  	s0 =	rddreg [dreg:$0x2];
	s3 =	srdreg.scid  }
0x4: {  	s1 =	stileid.u32;
	s13 =	simm.s32 $0x2800;
	s14 =	simm.s32 $0x80  }
0x5: {  	s15 =	simm.s32 $0x5000;
	s16 =	simm.s32 $0x1;
	s17 =	simm.s32 $0x0  }
0x6: {  	s5 =	sand.u32 $0x1, s3;
	s4 =	sshll.u32 s1, $0x1;
	s7 =	smul.u32 $0xA000, s1  }
0x7: {  	s3 =	simm.s32 $0x0;
	s31 =	sshll.u32 s1, $0x6;
	s4 =	sor.u32 s5, s4  }
0x8: {  	s8 =	smul.u32 $0xA0000, s5;
	[smem:$0x7FF] =	sst s3;
	s10 =	ssub.s32 $0x2, s5  }
0x9: {  	s5 =	sadd.s32 $0x26200, s6;
	s9 =	smul.u32 $0x500, s4;
	_ =	strace $0x80000056  }
0xa: {  	s4 =	sadd.s32 $0x12200, s6;
	s30 =	sshrl.u32 s10, $0x1;
	s8 =	sadd.s32 s7, s8  }
0xb: {  	s12 =	sadd.s32 s7, s2;
	s10 =	ssub.s32 s10, s30;
	s8 =	sshrl.u32 s8, $0x3  }
0xc: {  	s9 =	sadd.s32 s9, s6;
	s10 =	smax.u32 s10, $0x1;
	s11 =	sadd.s32 s8, s6  }
0xd: {  	s6 =	sor.u32 $0x1C02, s31;
	s7 =	sadd.s32 $0x62A00, s9;
	s8 =	sadd.s32 $0x5A00, s9  }
0xe: {  	s9 =	sadd.s32 $0x27600, s11;
	s11 =	sshrl.u32 s12, $0x3;
	s12 =	simm.s32 $0x2  }
.LBB2_1:
0xf: {  	[spmem:s11], [sflag:s6] =	dma.local [hbm:s5], $0x1400  }
0x10: {  	_ =	swait.ge [sflag:s12], $0x1400  }
0x11: {  	[sflag:s12] =	ssyncset.done $0x0  }
0x12: {  	[sflag:s12] =	ssyncadd.s32 $0xFFFFEC00  }
0x13: {  	[tilespmem:s3], [sflag:$0x2] =	stream.linear.gather [hbm4b:s7+s3], $0x2800, $0x38;
	[tilespmem:$0x11000] =	vst v63  }
0x14: {  	_ =	swait.ge [sflag:s12], $0x2800  }
0x15: {  	[sflag:s12] =	ssyncset.done $0x0  }
0x16: {  	[sflag:s12] =	ssyncadd.s32 $0xFFFFD800  }
0x17: {  	[tilespmem:s13], [sflag:$0x2] =	stream.linear.gather [hbm4b:s8+s3], $0x2800, $0x38;
	[tilespmem:$0x11000] =	vst v63  }
0x18: {  	_ =	swait.ge [sflag:s12], $0x2800  }
0x19: {  	[sflag:s12] =	ssyncset.done $0x0  }
0x1a: {  	[sflag:s12] =	ssyncadd.s32 $0xFFFFD800  }
0x1b: {  	s18 =	simm.s32 $0x0;
	[bflag:$0x0] =	sbarrier.arrive $0xFFFF  }
0x1c: {  	[tilespmem:s15], [sflag:$0x1] =	stream.indirect.gather [hbm4b:s4+s14], $0x40, s18, s14, $0xb8;
	[tilespmem:$0x11000] =	vst v63  }
0x1d: {  	_ =	swait.ge [sflag:s16], $0x2000  }
0x1e: {  	[sflag:s16] =	ssyncset.done $0x0  }
0x1f: {  	s31 =	simm.s32 $0x2800;
	[sflag:s16] =	ssyncadd.s32 $0xFFFFE000  }
0x20: {  	[spmem:s2] =	stream.indirect.scatter.add.f32 [tilespmem:s15], [sflag:$0x2], $0x40, s31, s14, $0xb8;
	[tilespmem:$0x11000] =	vst v63  }
0x21: {  	_ =	swait.ge [sflag:s12], $0x2000  }
0x22: {  	s19 =	simm.s32 $0x400;
	s18 =	simm.s32 $0x200;
	[sflag:s12] =	ssyncset.done $0x0  }
.LBB2_2:
0x23: {  	s20 =	sshra.s32 s18, $0x2  }
0x24: {  	[sflag:s12] =	ssyncadd.s32 $0xFFFFE000;
	s18 =	smov.u32 s19;
	s21 =	sadd.s32 $0x200, s19  }
0x25: {  	[tilespmem:s15], [sflag:$0x1] =	stream.indirect.gather [hbm4b:s4+s14], $0x40, s20, s14, $0xb8;
	[tilespmem:$0x11000] =	vst v63  }
0x26: {  	p0 =	sne.s32 s19, $0x9E00;
	_ =	swait.ge [sflag:s16], $0x2000  }
.Ltmp0:
0x27: {  	[sflag:s16] =	ssyncset.done $0x0;
	(pc) =	sbr.rel @p0 .LBB2_2-.Ltmp0, $4  }
0x28: {  	s19 =	sadd.s32 $0x2800, s20;
	[sflag:s16] =	ssyncadd.s32 $0xFFFFE000  }
0x29: {  	[spmem:s2] =	stream.indirect.scatter.add.f32 [tilespmem:s15], [sflag:$0x2], $0x40, s19, s14, $0xb8;
	[tilespmem:$0x11000] =	vst v63  }
0x2a: {  	_ =	swait.ge [sflag:s12], $0x2000  }
0x2b: {  	s19 =	smov.u32 s21;
	[sflag:s12] =	ssyncset.done $0x0  }
0x2c: {  	s18 =	sshra.s32 s18, $0x2;
	[sflag:s12] =	ssyncadd.s32 $0xFFFFE000  }
0x2d: {  	[tilespmem:s15], [sflag:$0x1] =	stream.indirect.gather [hbm4b:s4+s14], $0x40, s18, s14, $0xb8;
	[tilespmem:$0x11000] =	vst v63  }
0x2e: {  	_ =	swait.ge [sflag:s16], $0x2000  }
0x2f: {  	[sflag:s16] =	ssyncset.done $0x0  }
0x30: {  	s18 =	sadd.s32 $0x2800, s18;
	[sflag:s16] =	ssyncadd.s32 $0xFFFFE000  }
0x31: {  	[spmem:s2] =	stream.indirect.scatter.add.f32 [tilespmem:s15], [sflag:$0x2], $0x40, s18, s14, $0xb8;
	[tilespmem:$0x11000] =	vst v63  }
0x32: {  	_ =	swait.ge [sflag:s12], $0x2000  }
0x33: {  	s17 =	sadd.s32 $0x1, s17;
	[sflag:s12] =	ssyncset.done $0x0  }
0x34: {  	p0 =	sne.s32 s17, s10;
	[sflag:s12] =	ssyncadd.s32 $0xFFFFE000  }
.Ltmp1:
0x35: {  	[bflag:$0x0] =	sbarrier.arrive $0xFFFF;
	(pc) =	sbr.rel @p0 .LBB2_1-.Ltmp1, $4  }
0x36: {  	[hbm:s9], [sflag:s6] =	dma.local [spmem:s11], $0x1400  }
0x37: {  	_ =	swait.ge [sflag:s12], $0x1400  }
0x38: {  	[sflag:s12] =	ssyncset.done $0x0  }
0x39: {  	[sflag:s12] =	ssyncadd.s32 $0xFFFFEC00  }
0x3a: {  	_ =	sfence.sel $0x180000  }
0x3b: {  	[bflag:$0x0] =	sbarrier.arrive $0xFFFF  }
0x3c: {  	p0 =	sne.s32 s1, $0x0;
	_ =	strace $0x90000056  }
0x3d: {  	s0 =	sadd.s32 @!p0 $0x100000, s0;
	[bflag:$0x2] =	sbarrier.arrive $0xFFFF  }
0x3e: {  	[sflag:s0] =	ssyncadd.tile.s32 @!p0 $0x1;
	_ =	shalt  }
.Lfunc_end2:
_tile_overlayer_lowered:
.L_overlay_start_2:
0x3f: {  	(tag) =	ssettag $0x2  }
0x40: {  	s0 =	rddreg [dreg:$0x0];
	s2 =	stileid.u32  }
0x41: {  	s1 =	rddreg [dreg:$0x1];
	p0 =	sne.s32 s2, $0x0  }
0x42: {  	s3 =	rddreg [dreg:$0x2];
	[bflag:$0x3] =	sbarrier.arrive $0xFFFF;
	s2 =	simm.s32 @!p0 $0x1C02  }
0x43: {  	[timem:s3], [sflag:s2] =	dma.local @!p0 [hbm:s0], s1  }
0x44: {  	s0 =	simm.s32 @!p0 $0x2  }
0x45: {  	_ =	swait.ge @!p0 [sflag:s0], s1  }
0x46: {  	s1 =	ssub.s32 @!p0 $0x0, s1;
	[sflag:s0] =	ssyncset.done @!p0 $0x0  }
0x47: {  	[sflag:s0] =	ssyncadd.s32 @!p0 s1  }
0x48: {  	[bflag:$0x3] =	sbarrier.arrive $0xFFFF  }
0x49: {  	_ =	shalt  }

// kernel: kernel.38.cloned.1.call-start
scs
__scs_entry_jumppad:
0x0: {  	(pc) =	sbr.rel $0x88, $3  }
0x1: {  	(tag) =	ssettag $0x0;
	lr =	simm.s32 $0x1  }
0x2: {  	[smem:$0x3F93] =	sst lr;
	_ =	strace $0xD0000000  }
0x3: {  	_ = 	snop  }
0x4: {  	_ = 	snop  }
0x5: {  	_ = 	snop  }
0x6: {  	_ = 	snop  }
0x7: {  	_ = 	snop  }
__scs_overlays_trampoline_lowered:
0x8: {  	[smem:$0x3FA2] =	sst s0  }
0x9: {  	[smem:$0x3FA3] =	sst s1  }
0xa: {  	[smem:$0x3FA4] =	sst s2  }
0xb: {  	[smem:$0x3FA5] =	sst s3  }
0xc: {  	[smem:$0x3FA6] =	sst s4  }
0xd: {  	[smem:$0x3FA7] =	sst s5  }
0xe: {  	[smem:$0x3FA8] =	sst s6  }
0xf: {  	[smem:$0x3FA9] =	sst s7  }
0x10: {  	[smem:$0x3FAA] =	sst s8  }
0x11: {  	[smem:$0x3FAB] =	sst s9;
	s0 =	simm.s32 @!p0 $0x0  }
0x12: {  	s1 =	sld [smem:$0x3F91];
	s0 =	simm.s32 @p0 $0x1  }
0x13: {  	[smem:$0x3FAC] =	sst s0;
	s0 =	simm.s32 @!p1 $0x0  }
0x14: {  	s2 =	sld [smem:$0x3F90];
	s0 =	simm.s32 @p1 $0x1  }
0x15: {  	[smem:$0x3FAD] =	sst s0;
	s0 =	simm.s32 @!p2 $0x0  }
0x16: {  	s3 =	sld [smem:$0x3FDB];
	s0 =	simm.s32 @p2 $0x1  }
0x17: {  	s4 =	simm.s32 $0x1BF5;
	[smem:$0x3FAF] =	sst s0  }
0x18: {  	s0 =	sld [smem:$0x3F92];
	_ =	swait.ge [sflag:s4], $0x0  }
0x19: {  	s7 =	sld [smem:$0x3F93]  }
0x1a: {  	s8 =	sadd.s32 $0xFFFFE003, lr  }
0x1b: {  	s9 =	sadd.s32 $0xFFFFFEF7, lr;
	s5 =	simm.s32 $0xFFFFFFFF;
	p2 =	slt.u32 s8, $0xFFFFF086  }
0x1c: {  	p1 =	slt.u32 s9, $0xF7A;
	s5 =	simm.s32 @!p2 $0x0  }
0x1d: {  	s5 =	simm.s32 @p1 $0x1;
	p0 =	seq.s32 s7, s2  }
0x1e: {  	s7 =	smul.u32 @!p0 $0xF7A, s2;
	p2 =	seq.s32 @!p0 s5, $0x0  }
0x1f: {  	s9 =	smul.u32 $0xF7A, s1;
	s8 =	simm.s32 @!p0 $0x1BF5;
	p2 =	por !p2, p0  }
0x20: {  	[sflag:s8] =	ssyncset.s32 @!p0 $0xFFFFF086;
	s6 =	sadd.s32 @!p0 s3, s7;
	s7 =	simm.s32 @!p0 $0x108  }
0x21: {  	s3 =	sadd.s32 s3, s9;
	s6 =	sadd.s32 @!p0 $0x88, s6;
	s7 =	simm.s32 @p2 $0x1082  }
0x22: {  	[simem:s7], [sflag:s8] =	dma.local @!p0 [hbm:s6], $0xF7A  }
0x23: {  	s9 =	sor.u32 $0xD0000000, s2;
	s6 =	simm.s32 $0x108;
	_ =	swait.ge @!p0 [sflag:s8], $0x0  }
0x24: {  	s3 =	sadd.s32 $0x88, s3;
	s6 =	simm.s32 @!p1 $0x1082;
	[sflag:s4] =	ssyncset.s32 $0xFFFFF086  }
0x25: {  	[simem:s6], [sflag:s4] =	dma.local [hbm:s3], $0xF7A  }
0x26: {  	[smem:$0x3F93] =	sst s1;
	(tag) =	ssettag s2;
	_ =	strace s9  }
0x27: {  	s1 =	sld [smem:$0x3FA3]  }
0x28: {  	s2 =	sld [smem:$0x3FA4]  }
0x29: {  	s4 =	sld [smem:$0x3FA6]  }
0x2a: {  	p0 =	seq.s32 s5, $0x0;
	s5 =	sld [smem:$0x3FA7]  }
0x2b: {  	s6 =	sld [smem:$0x3FA8]  }
0x2c: {  	s7 =	sld [smem:$0x3FA9]  }
0x2d: {  	s3 =	simm.s32 $0x108;
	s8 =	sld [smem:$0x3FAA]  }
0x2e: {  	s3 =	simm.s32 @!p0 $0x1082;
	s9 =	sld [smem:$0x3FAB]  }
0x2f: {  	lr =	sadd.s32 s0, s3;
	s0 =	sld [smem:$0x3FA2]  }
0x30: {  	s3 =	sld [smem:$0x3FA5]  }
0x31: {  	[smem:$0x3FAE] =	sst s10  }
0x32: {  	s10 =	sld [smem:$0x3FAC];
	_ =	sdelay $0x3  }
0x33: {  	p0 =	seq.s32 s10, $0x1;
	s10 =	sld [smem:$0x3FAE];
	_ =	sdelay $0x3  }
0x34: {  	[smem:$0x3FAE] =	sst s10  }
0x35: {  	s10 =	sld [smem:$0x3FAD];
	_ =	sdelay $0x3  }
0x36: {  	p1 =	seq.s32 s10, $0x1;
	s10 =	sld [smem:$0x3FAE];
	_ =	sdelay $0x3  }
0x37: {  	[smem:$0x3FAE] =	sst s10  }
0x38: {  	s10 =	sld [smem:$0x3FAF]  }
0x39: {  	_ = 	snop;
	(pc) =	sbr.ind lr, $3  }
0x3a: {  	_ = 	snop  }
0x3b: {  	_ = 	snop  }
0x3c: {  	p2 =	seq.s32 s10, $0x1;
	s10 =	sld [smem:$0x3FAE]  }
0x3d: {  	_ =	shalt  }
0x3e: {  	_ =	shalt  }
0x3f: {  	_ =	shalt  }
0x40: {  	_ =	shalt  }
0x41: {  	_ =	shalt  }
0x42: {  	_ =	shalt  }
0x43: {  	_ =	shalt  }
0x44: {  	_ =	shalt  }
0x45: {  	_ =	shalt  }
0x46: {  	_ =	shalt  }
0x47: {  	_ =	shalt  }
0x48: {  	_ =	shalt  }
0x49: {  	_ =	shalt  }
0x4a: {  	_ =	shalt  }
0x4b: {  	_ =	shalt  }
0x4c: {  	_ =	shalt  }
0x4d: {  	_ =	shalt  }
0x4e: {  	_ =	shalt  }
0x4f: {  	_ =	shalt  }
0x50: {  	_ =	shalt  }
0x51: {  	_ =	shalt  }
0x52: {  	_ =	shalt  }
0x53: {  	_ =	shalt  }
0x54: {  	_ =	shalt  }
0x55: {  	_ =	shalt  }
0x56: {  	_ =	shalt  }
0x57: {  	_ =	shalt  }
0x58: {  	_ =	shalt  }
0x59: {  	_ =	shalt  }
0x5a: {  	_ =	shalt  }
0x5b: {  	_ =	shalt  }
0x5c: {  	_ =	shalt  }
0x5d: {  	_ =	shalt  }
0x5e: {  	_ =	shalt  }
0x5f: {  	_ =	shalt  }
0x60: {  	_ =	shalt  }
0x61: {  	_ =	shalt  }
0x62: {  	_ =	shalt  }
0x63: {  	_ =	shalt  }
0x64: {  	_ =	shalt  }
0x65: {  	_ =	shalt  }
0x66: {  	_ =	shalt  }
0x67: {  	_ =	shalt  }
0x68: {  	_ =	shalt  }
0x69: {  	_ =	shalt  }
0x6a: {  	_ =	shalt  }
0x6b: {  	_ =	shalt  }
0x6c: {  	_ =	shalt  }
0x6d: {  	_ =	shalt  }
0x6e: {  	_ =	shalt  }
0x6f: {  	_ =	shalt  }
0x70: {  	_ =	shalt  }
0x71: {  	_ =	shalt  }
0x72: {  	_ =	shalt  }
0x73: {  	_ =	shalt  }
0x74: {  	_ =	shalt  }
0x75: {  	_ =	shalt  }
0x76: {  	_ =	shalt  }
0x77: {  	_ =	shalt  }
0x78: {  	_ =	shalt  }
0x79: {  	_ =	shalt  }
0x7a: {  	_ =	shalt  }
0x7b: {  	_ =	shalt  }
0x7c: {  	_ =	shalt  }
0x7d: {  	_ =	shalt  }
0x7e: {  	_ =	shalt  }
0x7f: {  	_ =	shalt  }
0x80: {  	_ =	shalt  }
0x81: {  	_ =	shalt  }
0x82: {  	_ =	shalt  }
0x83: {  	_ =	shalt  }
0x84: {  	_ =	shalt  }
0x85: {  	_ =	shalt  }
0x86: {  	_ =	shalt  }
0x87: {  	_ =	shalt  }
.Lfunc_end0:
.L_simem_size_0:
called_computation.6_lowered:
.L_overlay_start_0:
0x88: {  	s2 =	sld [smem:$0x3FD9]  }
0x89: {  	s3 =	sld [smem:$0x3FFE];
	_ =	sdelay $0x1  }
0x8a: {  	s1 =	srdreg.scid  }
0x8b: {  	s0 =	sand.u32 $0x1, s1  }
0x8c: {  	s16 =	sshll.u32 s0, $0xA;
	s2 =	sadd.s32 s3, s2  }
0x8d: {  	s2 =	sadd.s32 s2, s16  }
0x8e: {  	[smem:$0x3FBA] =	sst s2  }
0x8f: {  	_ = 	snop  }
0x90: {  	(tm) =	ssettm $0x1  }
0x91: {  	s17 =	sld [smem:$0x3FFB];
	_ =	sdelay $0x3  }
0x92: {  	_ =	strace s17  }
0x93: {  	s2 =	sld [smem:$0x3FFC];
	_ =	sdelay $0x3  }
0x94: {  	_ =	strace s2  }
0x95: {  	s2 =	sld [smem:$0x3FFD];
	_ =	sdelay $0x3  }
0x96: {  	_ =	strace s2  }
0x97: {  	_ =	strace $0x8FFFFFFF  }
0x98: {  	s18 =	sld [smem:$0x3FDB];
	_ =	sdelay $0x1  }
0x99: {  	s19 =	simm.s32 $_scs_section_size  }
0x9a: {  	s4 =	simm.s32 $_size__tile_overlayer_lowered;
	s5 =	simm.s32 $_tile_overlayer_lowered  }
0x9b: {  	s22 =	simm.s32 $0x1BFF;
	s21 =	sshll.u32 s5, $0x1;
	s2 =	sadd.s32 s19, s18  }
0x9c: {  	s6 =	simm.s32 $0x0;
	s20 =	sshll.u32 s4, $0x1;
	s4 =	sadd.s32 s21, s2  }
0x9d: {  	[timem:s6], [sflag:s22] =	dma.local [hbm:s4], s20  }
0x9e: {  	_ =	swait.ge [sflag:s22], s20  }
0x9f: {  	s3 =	ssub.s32 $0x0, s20;
	[sflag:s22] =	ssyncset.done $0x0  }
0xa0: {  	[sflag:s22] =	ssyncadd.s32 s3;
	_ =	sdelay $0x1  }
0xa1: {  	s23 =	simm.s32 $0x1B8B  }
0xa2: {  	_ =	swait.ge [sflag:s23], $0x1  }
0xa3: {  	[sflag:s23] =	ssyncset.done $0x0  }
0xa4: {  	s25 =	simm.s32 $0x1B8E;
	s24 =	sld [smem:$0x3FFE];
	[sflag:s23] =	ssyncadd.s32 $0xFFFFFFFF  }
0xa5: {  	s26 =	simm.s32 $execute0_lowered;
	[smem:$0x3FD2] =	sst s25  }
0xa6: {  	s4 =	sshll.u32 s26, $0x1;
	_ =	strace $0x80000058;
	[dreg:$0x1] =	wrdreg $0xFFFFFFFF  }
0xa7: {  	s28 =	simm.s32 $_size_execute0_lowered;
	s2 =	sadd.s32 s2, s4;
	[dreg:$0x0] =	wrdreg $0x0  }
0xa8: {  	s4 =	sshll.u32 s28, $0x1;
	[dreg:$0x2] =	wrdreg s2  }
0xa9: {  	[dreg:$0x3] =	wrdreg s4  }
0xaa: {  	[dreg:$0x4] =	wrdreg $0xC0  }
0xab: {  	_ =	task [dreg:s6], $0x5FFFF  }
0xac: {  	[dreg:$0x1] =	wrdreg $0xFFFFFFFF  }
0xad: {  	[dreg:$0x0] =	wrdreg $0x60  }
0xae: {  	[dreg:$0x2] =	wrdreg s24  }
0xaf: {  	[dreg:$0x3] =	wrdreg $0x70000  }
0xb0: {  	[dreg:$0x4] =	wrdreg $0x9  }
0xb1: {  	_ =	task.clear_ibuf [dreg:s6], $0x5FFFF;
	_ =	strace $0x90000058  }
0xb2: {  	s29 =	simm.s32 $0x9;
	_ =	strace $0x8000005A  }
0xb3: {  	_ =	swait.ge [sflag:s29], $0x1  }
0xb4: {  	[sflag:s29] =	ssyncadd.s32 $0xFFFFFFFF  }
0xb5: {  	_ =	strace $0x9000005A  }
0xb6: {  	_ =	sfence  }
0xb7: {  	s30 =	sld [smem:$0x0];
	_ =	sdelay $0x2  }
0xb8: {  	s31 =	sshll.u32 s1, $0xD;
	s1 =	sshrl.u32 s1, $0x2  }
0xb9: {  	s3 =	sand.u32 $0x4000, s31;
	s1 =	sadd.s32 s1, s30  }
0xba: {  	s0 =	sor.u32 s3, s0;
	s1 =	sshll.u32 s1, $0x11  }
0xbb: {  	s0 =	sor.u32 s1, s0  }
0xbc: {  	s0 =	sadd.s32 $0x8F2B, s0  }
0xbd: {  	[sflag:s0] =	ssyncadd.remote.s32 $0x1  }
0xbe: {  	_ =	sfence.sel $0xFFFF  }
0xbf: {  	[dreg:$0x0] =	wrdreg $0xFFFFFFFF;
	(pc) =	sbr.abs _section_cstart, $3  }
0xc0: {  	[dreg:$0x1] =	wrdreg $0xFFFFFFFF  }
0xc1: {  	_ =	task.clear_ibuf [dreg:s6], $0x2FFFF;
	_ =	strace $0x9FFFFFFF  }
0xc2: {  	(tm) =	ssettm $0x7FFFFFFF  }
0xc3: {  	_ =	shalt  }
tec
execute0_lowered:
.L_overlay_start_1:
0x0: {  	(tag) =	ssettag $0x1  }
0x1: {  	s6 =	rddreg [dreg:$0x0]  }
0x2: {  	s2 =	rddreg [dreg:$0x1]  }
0x3: {  	s0 =	rddreg [dreg:$0x2];
	s3 =	srdreg.scid  }
0x4: {  	s1 =	stileid.u32;
	s13 =	simm.s32 $0x2800;
	s14 =	simm.s32 $0x80  }
0x5: {  	s15 =	simm.s32 $0x5000;
	s16 =	simm.s32 $0x1;
	s17 =	simm.s32 $0x0  }
0x6: {  	s5 =	sand.u32 $0x1, s3;
	s4 =	sshll.u32 s1, $0x1;
	s7 =	smul.u32 $0xA000, s1  }
0x7: {  	s3 =	simm.s32 $0x0;
	s31 =	sshll.u32 s1, $0x6;
	s4 =	sor.u32 s5, s4  }
0x8: {  	s8 =	smul.u32 $0xA0000, s5;
	[smem:$0x7FF] =	sst s3;
	s10 =	ssub.s32 $0x2, s5  }
0x9: {  	s5 =	sadd.s32 $0x26200, s6;
	s9 =	smul.u32 $0x500, s4;
	_ =	strace $0x80000059  }
0xa: {  	s4 =	sadd.s32 $0x12200, s6;
	s30 =	sshrl.u32 s10, $0x1;
	s8 =	sadd.s32 s7, s8  }
0xb: {  	s12 =	sadd.s32 s7, s2;
	s10 =	ssub.s32 s10, s30;
	s8 =	sshrl.u32 s8, $0x3  }
0xc: {  	s9 =	sadd.s32 s9, s6;
	s10 =	smax.u32 s10, $0x1;
	s11 =	sadd.s32 s8, s6  }
0xd: {  	s6 =	sor.u32 $0x1C02, s31;
	s7 =	sadd.s32 $0x62A00, s9;
	s8 =	sadd.s32 $0x5A00, s9  }
0xe: {  	s9 =	sadd.s32 $0x6CA00, s11;
	s11 =	sshrl.u32 s12, $0x3;
	s12 =	simm.s32 $0x2  }
.LBB2_1:
0xf: {  	[spmem:s11], [sflag:s6] =	dma.local [hbm:s5], $0x1400  }
0x10: {  	_ =	swait.ge [sflag:s12], $0x1400  }
0x11: {  	[sflag:s12] =	ssyncset.done $0x0  }
0x12: {  	[sflag:s12] =	ssyncadd.s32 $0xFFFFEC00  }
0x13: {  	[tilespmem:s3], [sflag:$0x2] =	stream.linear.gather [hbm4b:s7+s3], $0x2800, $0x38;
	[tilespmem:$0x11000] =	vst v63  }
0x14: {  	_ =	swait.ge [sflag:s12], $0x2800  }
0x15: {  	[sflag:s12] =	ssyncset.done $0x0  }
0x16: {  	[sflag:s12] =	ssyncadd.s32 $0xFFFFD800  }
0x17: {  	[tilespmem:s13], [sflag:$0x2] =	stream.linear.gather [hbm4b:s8+s3], $0x2800, $0x38;
	[tilespmem:$0x11000] =	vst v63  }
0x18: {  	_ =	swait.ge [sflag:s12], $0x2800  }
0x19: {  	[sflag:s12] =	ssyncset.done $0x0  }
0x1a: {  	[sflag:s12] =	ssyncadd.s32 $0xFFFFD800  }
0x1b: {  	s18 =	simm.s32 $0x0;
	[bflag:$0x0] =	sbarrier.arrive $0xFFFF  }
0x1c: {  	[tilespmem:s15], [sflag:$0x1] =	stream.indirect.gather [hbm4b:s4+s14], $0x40, s18, s14, $0xb8;
	[tilespmem:$0x11000] =	vst v63  }
0x1d: {  	_ =	swait.ge [sflag:s16], $0x2000  }
0x1e: {  	[sflag:s16] =	ssyncset.done $0x0  }
0x1f: {  	s31 =	simm.s32 $0x2800;
	[sflag:s16] =	ssyncadd.s32 $0xFFFFE000  }
0x20: {  	[spmem:s2] =	stream.indirect.scatter.add.f32 [tilespmem:s15], [sflag:$0x2], $0x40, s31, s14, $0xb8;
	[tilespmem:$0x11000] =	vst v63  }
0x21: {  	_ =	swait.ge [sflag:s12], $0x2000  }
0x22: {  	s19 =	simm.s32 $0x400;
	s18 =	simm.s32 $0x200;
	[sflag:s12] =	ssyncset.done $0x0  }
.LBB2_2:
0x23: {  	s20 =	sshra.s32 s18, $0x2  }
0x24: {  	[sflag:s12] =	ssyncadd.s32 $0xFFFFE000;
	s18 =	smov.u32 s19;
	s21 =	sadd.s32 $0x200, s19  }
0x25: {  	[tilespmem:s15], [sflag:$0x1] =	stream.indirect.gather [hbm4b:s4+s14], $0x40, s20, s14, $0xb8;
	[tilespmem:$0x11000] =	vst v63  }
0x26: {  	p0 =	sne.s32 s19, $0x9E00;
	_ =	swait.ge [sflag:s16], $0x2000  }
.Ltmp0:
0x27: {  	[sflag:s16] =	ssyncset.done $0x0;
	(pc) =	sbr.rel @p0 .LBB2_2-.Ltmp0, $4  }
0x28: {  	s19 =	sadd.s32 $0x2800, s20;
	[sflag:s16] =	ssyncadd.s32 $0xFFFFE000  }
0x29: {  	[spmem:s2] =	stream.indirect.scatter.add.f32 [tilespmem:s15], [sflag:$0x2], $0x40, s19, s14, $0xb8;
	[tilespmem:$0x11000] =	vst v63  }
0x2a: {  	_ =	swait.ge [sflag:s12], $0x2000  }
0x2b: {  	s19 =	smov.u32 s21;
	[sflag:s12] =	ssyncset.done $0x0  }
0x2c: {  	s18 =	sshra.s32 s18, $0x2;
	[sflag:s12] =	ssyncadd.s32 $0xFFFFE000  }
0x2d: {  	[tilespmem:s15], [sflag:$0x1] =	stream.indirect.gather [hbm4b:s4+s14], $0x40, s18, s14, $0xb8;
	[tilespmem:$0x11000] =	vst v63  }
0x2e: {  	_ =	swait.ge [sflag:s16], $0x2000  }
0x2f: {  	[sflag:s16] =	ssyncset.done $0x0  }
0x30: {  	s18 =	sadd.s32 $0x2800, s18;
	[sflag:s16] =	ssyncadd.s32 $0xFFFFE000  }
0x31: {  	[spmem:s2] =	stream.indirect.scatter.add.f32 [tilespmem:s15], [sflag:$0x2], $0x40, s18, s14, $0xb8;
	[tilespmem:$0x11000] =	vst v63  }
0x32: {  	_ =	swait.ge [sflag:s12], $0x2000  }
0x33: {  	s17 =	sadd.s32 $0x1, s17;
	[sflag:s12] =	ssyncset.done $0x0  }
0x34: {  	p0 =	sne.s32 s17, s10;
	[sflag:s12] =	ssyncadd.s32 $0xFFFFE000  }
.Ltmp1:
0x35: {  	[bflag:$0x0] =	sbarrier.arrive $0xFFFF;
	(pc) =	sbr.rel @p0 .LBB2_1-.Ltmp1, $4  }
0x36: {  	[hbm:s9], [sflag:s6] =	dma.local [spmem:s11], $0x1400  }
0x37: {  	_ =	swait.ge [sflag:s12], $0x1400  }
0x38: {  	[sflag:s12] =	ssyncset.done $0x0  }
0x39: {  	[sflag:s12] =	ssyncadd.s32 $0xFFFFEC00  }
0x3a: {  	_ =	sfence.sel $0x180000  }
0x3b: {  	[bflag:$0x0] =	sbarrier.arrive $0xFFFF  }
0x3c: {  	p0 =	sne.s32 s1, $0x0;
	_ =	strace $0x90000059  }
0x3d: {  	s0 =	sadd.s32 @!p0 $0x100000, s0;
	[bflag:$0x2] =	sbarrier.arrive $0xFFFF  }
0x3e: {  	[sflag:s0] =	ssyncadd.tile.s32 @!p0 $0x1;
	_ =	shalt  }
.Lfunc_end2:
_tile_overlayer_lowered:
.L_overlay_start_2:
0x3f: {  	(tag) =	ssettag $0x2  }
0x40: {  	s0 =	rddreg [dreg:$0x0];
	s2 =	stileid.u32  }
0x41: {  	s1 =	rddreg [dreg:$0x1];
	p0 =	sne.s32 s2, $0x0  }
0x42: {  	s3 =	rddreg [dreg:$0x2];
	[bflag:$0x3] =	sbarrier.arrive $0xFFFF;
	s2 =	simm.s32 @!p0 $0x1C02  }
0x43: {  	[timem:s3], [sflag:s2] =	dma.local @!p0 [hbm:s0], s1  }
0x44: {  	s0 =	simm.s32 @!p0 $0x2  }
0x45: {  	_ =	swait.ge @!p0 [sflag:s0], s1  }
0x46: {  	s1 =	ssub.s32 @!p0 $0x0, s1;
	[sflag:s0] =	ssyncset.done @!p0 $0x0  }
0x47: {  	[sflag:s0] =	ssyncadd.s32 @!p0 s1  }
0x48: {  	[bflag:$0x3] =	sbarrier.arrive $0xFFFF  }
0x49: {  	_ =	shalt  }

// kernel: kernel.41.cloned.1.call-start
scs
__scs_entry_jumppad:
0x0: {  	(pc) =	sbr.rel $0x88, $3  }
0x1: {  	(tag) =	ssettag $0x0;
	lr =	simm.s32 $0x1  }
0x2: {  	[smem:$0x3F93] =	sst lr;
	_ =	strace $0xD0000000  }
0x3: {  	_ = 	snop  }
0x4: {  	_ = 	snop  }
0x5: {  	_ = 	snop  }
0x6: {  	_ = 	snop  }
0x7: {  	_ = 	snop  }
__scs_overlays_trampoline_lowered:
0x8: {  	[smem:$0x3FA2] =	sst s0  }
0x9: {  	[smem:$0x3FA3] =	sst s1  }
0xa: {  	[smem:$0x3FA4] =	sst s2  }
0xb: {  	[smem:$0x3FA5] =	sst s3  }
0xc: {  	[smem:$0x3FA6] =	sst s4  }
0xd: {  	[smem:$0x3FA7] =	sst s5  }
0xe: {  	[smem:$0x3FA8] =	sst s6  }
0xf: {  	[smem:$0x3FA9] =	sst s7  }
0x10: {  	[smem:$0x3FAA] =	sst s8  }
0x11: {  	[smem:$0x3FAB] =	sst s9;
	s0 =	simm.s32 @!p0 $0x0  }
0x12: {  	s1 =	sld [smem:$0x3F91];
	s0 =	simm.s32 @p0 $0x1  }
0x13: {  	[smem:$0x3FAC] =	sst s0;
	s0 =	simm.s32 @!p1 $0x0  }
0x14: {  	s2 =	sld [smem:$0x3F90];
	s0 =	simm.s32 @p1 $0x1  }
0x15: {  	[smem:$0x3FAD] =	sst s0;
	s0 =	simm.s32 @!p2 $0x0  }
0x16: {  	s3 =	sld [smem:$0x3FDB];
	s0 =	simm.s32 @p2 $0x1  }
0x17: {  	s4 =	simm.s32 $0x1BF5;
	[smem:$0x3FAF] =	sst s0  }
0x18: {  	s0 =	sld [smem:$0x3F92];
	_ =	swait.ge [sflag:s4], $0x0  }
0x19: {  	s7 =	sld [smem:$0x3F93]  }
0x1a: {  	s8 =	sadd.s32 $0xFFFFE003, lr  }
0x1b: {  	s9 =	sadd.s32 $0xFFFFFEF7, lr;
	s5 =	simm.s32 $0xFFFFFFFF;
	p2 =	slt.u32 s8, $0xFFFFF086  }
0x1c: {  	p1 =	slt.u32 s9, $0xF7A;
	s5 =	simm.s32 @!p2 $0x0  }
0x1d: {  	s5 =	simm.s32 @p1 $0x1;
	p0 =	seq.s32 s7, s2  }
0x1e: {  	s7 =	smul.u32 @!p0 $0xF7A, s2;
	p2 =	seq.s32 @!p0 s5, $0x0  }
0x1f: {  	s9 =	smul.u32 $0xF7A, s1;
	s8 =	simm.s32 @!p0 $0x1BF5;
	p2 =	por !p2, p0  }
0x20: {  	[sflag:s8] =	ssyncset.s32 @!p0 $0xFFFFF086;
	s6 =	sadd.s32 @!p0 s3, s7;
	s7 =	simm.s32 @!p0 $0x108  }
0x21: {  	s3 =	sadd.s32 s3, s9;
	s6 =	sadd.s32 @!p0 $0x88, s6;
	s7 =	simm.s32 @p2 $0x1082  }
0x22: {  	[simem:s7], [sflag:s8] =	dma.local @!p0 [hbm:s6], $0xF7A  }
0x23: {  	s9 =	sor.u32 $0xD0000000, s2;
	s6 =	simm.s32 $0x108;
	_ =	swait.ge @!p0 [sflag:s8], $0x0  }
0x24: {  	s3 =	sadd.s32 $0x88, s3;
	s6 =	simm.s32 @!p1 $0x1082;
	[sflag:s4] =	ssyncset.s32 $0xFFFFF086  }
0x25: {  	[simem:s6], [sflag:s4] =	dma.local [hbm:s3], $0xF7A  }
0x26: {  	[smem:$0x3F93] =	sst s1;
	(tag) =	ssettag s2;
	_ =	strace s9  }
0x27: {  	s1 =	sld [smem:$0x3FA3]  }
0x28: {  	s2 =	sld [smem:$0x3FA4]  }
0x29: {  	s4 =	sld [smem:$0x3FA6]  }
0x2a: {  	p0 =	seq.s32 s5, $0x0;
	s5 =	sld [smem:$0x3FA7]  }
0x2b: {  	s6 =	sld [smem:$0x3FA8]  }
0x2c: {  	s7 =	sld [smem:$0x3FA9]  }
0x2d: {  	s3 =	simm.s32 $0x108;
	s8 =	sld [smem:$0x3FAA]  }
0x2e: {  	s3 =	simm.s32 @!p0 $0x1082;
	s9 =	sld [smem:$0x3FAB]  }
0x2f: {  	lr =	sadd.s32 s0, s3;
	s0 =	sld [smem:$0x3FA2]  }
0x30: {  	s3 =	sld [smem:$0x3FA5]  }
0x31: {  	[smem:$0x3FAE] =	sst s10  }
0x32: {  	s10 =	sld [smem:$0x3FAC];
	_ =	sdelay $0x3  }
0x33: {  	p0 =	seq.s32 s10, $0x1;
	s10 =	sld [smem:$0x3FAE];
	_ =	sdelay $0x3  }
0x34: {  	[smem:$0x3FAE] =	sst s10  }
0x35: {  	s10 =	sld [smem:$0x3FAD];
	_ =	sdelay $0x3  }
0x36: {  	p1 =	seq.s32 s10, $0x1;
	s10 =	sld [smem:$0x3FAE];
	_ =	sdelay $0x3  }
0x37: {  	[smem:$0x3FAE] =	sst s10  }
0x38: {  	s10 =	sld [smem:$0x3FAF]  }
0x39: {  	_ = 	snop;
	(pc) =	sbr.ind lr, $3  }
0x3a: {  	_ = 	snop  }
0x3b: {  	_ = 	snop  }
0x3c: {  	p2 =	seq.s32 s10, $0x1;
	s10 =	sld [smem:$0x3FAE]  }
0x3d: {  	_ =	shalt  }
0x3e: {  	_ =	shalt  }
0x3f: {  	_ =	shalt  }
0x40: {  	_ =	shalt  }
0x41: {  	_ =	shalt  }
0x42: {  	_ =	shalt  }
0x43: {  	_ =	shalt  }
0x44: {  	_ =	shalt  }
0x45: {  	_ =	shalt  }
0x46: {  	_ =	shalt  }
0x47: {  	_ =	shalt  }
0x48: {  	_ =	shalt  }
0x49: {  	_ =	shalt  }
0x4a: {  	_ =	shalt  }
0x4b: {  	_ =	shalt  }
0x4c: {  	_ =	shalt  }
0x4d: {  	_ =	shalt  }
0x4e: {  	_ =	shalt  }
0x4f: {  	_ =	shalt  }
0x50: {  	_ =	shalt  }
0x51: {  	_ =	shalt  }
0x52: {  	_ =	shalt  }
0x53: {  	_ =	shalt  }
0x54: {  	_ =	shalt  }
0x55: {  	_ =	shalt  }
0x56: {  	_ =	shalt  }
0x57: {  	_ =	shalt  }
0x58: {  	_ =	shalt  }
0x59: {  	_ =	shalt  }
0x5a: {  	_ =	shalt  }
0x5b: {  	_ =	shalt  }
0x5c: {  	_ =	shalt  }
0x5d: {  	_ =	shalt  }
0x5e: {  	_ =	shalt  }
0x5f: {  	_ =	shalt  }
0x60: {  	_ =	shalt  }
0x61: {  	_ =	shalt  }
0x62: {  	_ =	shalt  }
0x63: {  	_ =	shalt  }
0x64: {  	_ =	shalt  }
0x65: {  	_ =	shalt  }
0x66: {  	_ =	shalt  }
0x67: {  	_ =	shalt  }
0x68: {  	_ =	shalt  }
0x69: {  	_ =	shalt  }
0x6a: {  	_ =	shalt  }
0x6b: {  	_ =	shalt  }
0x6c: {  	_ =	shalt  }
0x6d: {  	_ =	shalt  }
0x6e: {  	_ =	shalt  }
0x6f: {  	_ =	shalt  }
0x70: {  	_ =	shalt  }
0x71: {  	_ =	shalt  }
0x72: {  	_ =	shalt  }
0x73: {  	_ =	shalt  }
0x74: {  	_ =	shalt  }
0x75: {  	_ =	shalt  }
0x76: {  	_ =	shalt  }
0x77: {  	_ =	shalt  }
0x78: {  	_ =	shalt  }
0x79: {  	_ =	shalt  }
0x7a: {  	_ =	shalt  }
0x7b: {  	_ =	shalt  }
0x7c: {  	_ =	shalt  }
0x7d: {  	_ =	shalt  }
0x7e: {  	_ =	shalt  }
0x7f: {  	_ =	shalt  }
0x80: {  	_ =	shalt  }
0x81: {  	_ =	shalt  }
0x82: {  	_ =	shalt  }
0x83: {  	_ =	shalt  }
0x84: {  	_ =	shalt  }
0x85: {  	_ =	shalt  }
0x86: {  	_ =	shalt  }
0x87: {  	_ =	shalt  }
.Lfunc_end0:
.L_simem_size_0:
called_computation.7_lowered:
.L_overlay_start_0:
0x88: {  	s2 =	sld [smem:$0x3FD9]  }
0x89: {  	s3 =	sld [smem:$0x3FFE];
	_ =	sdelay $0x1  }
0x8a: {  	s1 =	srdreg.scid  }
0x8b: {  	s0 =	sand.u32 $0x1, s1  }
0x8c: {  	s16 =	sshll.u32 s0, $0xA;
	s2 =	sadd.s32 s3, s2  }
0x8d: {  	s2 =	sadd.s32 s2, s16  }
0x8e: {  	[smem:$0x3FBA] =	sst s2  }
0x8f: {  	_ = 	snop  }
0x90: {  	(tm) =	ssettm $0x1  }
0x91: {  	s17 =	sld [smem:$0x3FFB];
	_ =	sdelay $0x3  }
0x92: {  	_ =	strace s17  }
0x93: {  	s2 =	sld [smem:$0x3FFC];
	_ =	sdelay $0x3  }
0x94: {  	_ =	strace s2  }
0x95: {  	s2 =	sld [smem:$0x3FFD];
	_ =	sdelay $0x3  }
0x96: {  	_ =	strace s2  }
0x97: {  	_ =	strace $0x8FFFFFFF  }
0x98: {  	s18 =	sld [smem:$0x3FDB];
	_ =	sdelay $0x1  }
0x99: {  	s19 =	simm.s32 $_scs_section_size  }
0x9a: {  	s4 =	simm.s32 $_size__tile_overlayer_lowered;
	s5 =	simm.s32 $_tile_overlayer_lowered  }
0x9b: {  	s22 =	simm.s32 $0x1BFF;
	s21 =	sshll.u32 s5, $0x1;
	s2 =	sadd.s32 s19, s18  }
0x9c: {  	s6 =	simm.s32 $0x0;
	s20 =	sshll.u32 s4, $0x1;
	s4 =	sadd.s32 s21, s2  }
0x9d: {  	[timem:s6], [sflag:s22] =	dma.local [hbm:s4], s20  }
0x9e: {  	_ =	swait.ge [sflag:s22], s20  }
0x9f: {  	s3 =	ssub.s32 $0x0, s20;
	[sflag:s22] =	ssyncset.done $0x0  }
0xa0: {  	[sflag:s22] =	ssyncadd.s32 s3;
	_ =	sdelay $0x1  }
0xa1: {  	s23 =	simm.s32 $0x1B8B  }
0xa2: {  	_ =	swait.ge [sflag:s23], $0x1  }
0xa3: {  	[sflag:s23] =	ssyncset.done $0x0  }
0xa4: {  	s25 =	simm.s32 $0x1B8E;
	s24 =	sld [smem:$0x3FFE];
	[sflag:s23] =	ssyncadd.s32 $0xFFFFFFFF  }
0xa5: {  	s26 =	simm.s32 $execute0_lowered;
	[smem:$0x3FD2] =	sst s25  }
0xa6: {  	s4 =	sshll.u32 s26, $0x1;
	_ =	strace $0x8000005B;
	[dreg:$0x1] =	wrdreg $0xFFFFFFFF  }
0xa7: {  	s28 =	simm.s32 $_size_execute0_lowered;
	s2 =	sadd.s32 s2, s4;
	[dreg:$0x0] =	wrdreg $0x0  }
0xa8: {  	s4 =	sshll.u32 s28, $0x1;
	[dreg:$0x2] =	wrdreg s2  }
0xa9: {  	[dreg:$0x3] =	wrdreg s4  }
0xaa: {  	[dreg:$0x4] =	wrdreg $0xC0  }
0xab: {  	_ =	task [dreg:s6], $0x5FFFF  }
0xac: {  	[dreg:$0x1] =	wrdreg $0xFFFFFFFF  }
0xad: {  	[dreg:$0x0] =	wrdreg $0x60  }
0xae: {  	[dreg:$0x2] =	wrdreg s24  }
0xaf: {  	[dreg:$0x3] =	wrdreg $0x90000  }
0xb0: {  	[dreg:$0x4] =	wrdreg $0x9  }
0xb1: {  	_ =	task.clear_ibuf [dreg:s6], $0x5FFFF;
	_ =	strace $0x9000005B  }
0xb2: {  	s29 =	simm.s32 $0x9;
	_ =	strace $0x8000005D  }
0xb3: {  	_ =	swait.ge [sflag:s29], $0x1  }
0xb4: {  	[sflag:s29] =	ssyncadd.s32 $0xFFFFFFFF  }
0xb5: {  	_ =	strace $0x9000005D  }
0xb6: {  	_ =	sfence  }
0xb7: {  	s30 =	sld [smem:$0x0];
	_ =	sdelay $0x2  }
0xb8: {  	s31 =	sshll.u32 s1, $0xD;
	s1 =	sshrl.u32 s1, $0x2  }
0xb9: {  	s3 =	sand.u32 $0x4000, s31;
	s1 =	sadd.s32 s1, s30  }
0xba: {  	s0 =	sor.u32 s3, s0;
	s1 =	sshll.u32 s1, $0x11  }
0xbb: {  	s0 =	sor.u32 s1, s0  }
0xbc: {  	s0 =	sadd.s32 $0x8F2B, s0  }
0xbd: {  	[sflag:s0] =	ssyncadd.remote.s32 $0x1  }
0xbe: {  	_ =	sfence.sel $0xFFFF  }
0xbf: {  	[dreg:$0x0] =	wrdreg $0xFFFFFFFF;
	(pc) =	sbr.abs _section_cstart, $3  }
0xc0: {  	[dreg:$0x1] =	wrdreg $0xFFFFFFFF  }
0xc1: {  	_ =	task.clear_ibuf [dreg:s6], $0x2FFFF;
	_ =	strace $0x9FFFFFFF  }
0xc2: {  	(tm) =	ssettm $0x7FFFFFFF  }
0xc3: {  	_ =	shalt  }
tec
execute0_lowered:
.L_overlay_start_1:
0x0: {  	(tag) =	ssettag $0x1  }
0x1: {  	s1 =	srdreg.scid  }
0x2: {  	s0 =	stileid.u32;
	s7 =	rddreg [dreg:$0x0]  }
0x3: {  	s2 =	rddreg [dreg:$0x1];
	s3 =	simm.s32 $0x0;
	s14 =	simm.s32 $0x80  }
0x4: {  	s15 =	simm.s32 $0x5000;
	s16 =	simm.s32 $0x1;
	s17 =	simm.s32 $0x0  }
0x5: {  	s6 =	sand.u32 $0x1, s1;
	s26 =	sshll.u32 s0, $0x1;
	s9 =	smul.u32 $0x14000, s0  }
0x6: {  	[smem:$0x7FF] =	sst s3;
	s4 =	sadd.s32 $0x12200, s7;
	s28 =	smul.u32 $0x50000, s0  }
0x7: {  	s31 =	sshll.u32 s0, $0x6;
	s1 =	sor.u32 s6, s26;
	s8 =	smul.u32 $0x140000, s6  }
0x8: {  	s6 =	ssub.s32 $0x2, s6;
	s5 =	smul.u32 $0x500, s1;
	s1 =	rddreg [dreg:$0x2]  }
0x9: {  	_ =	strace $0x8000005C;
	s29 =	sshrl.u32 s6, $0x1;
	s30 =	sshrl.u32 s28, $0x2  }
0xa: {  	s8 =	sadd.s32 s9, s8;
	s12 =	ssub.s32 s6, s29;
	s13 =	sadd.s32 s30, s2  }
0xb: {  	s6 =	sor.u32 $0x1C02, s31;
	s10 =	sadd.s32 s5, s7;
	s8 =	sshrl.u32 s8, $0x3  }
0xc: {  	s5 =	sadd.s32 $0xFA00, s7;
	s11 =	sadd.s32 s8, s7;
	s7 =	sadd.s32 $0x62A00, s10  }
0xd: {  	s8 =	sadd.s32 $0x5A00, s10;
	s10 =	smax.u32 s12, $0x1;
	s12 =	simm.s32 $0x2  }
0xe: {  	s9 =	sadd.s32 $0x6CA00, s11;
	s11 =	sshrl.u32 s13, $0x3;
	s13 =	simm.s32 $0x2800  }
.LBB2_1:
0xf: {  	[spmem:s11], [sflag:s6] =	dma.local [hbm:s5], $0x2800  }
0x10: {  	_ =	swait.ge [sflag:s12], $0x2800  }
0x11: {  	[sflag:s12] =	ssyncset.done $0x0  }
0x12: {  	[sflag:s12] =	ssyncadd.s32 $0xFFFFD800  }
0x13: {  	[tilespmem:s3], [sflag:$0x2] =	stream.linear.gather [hbm4b:s7+s3], $0x2800, $0x38;
	[tilespmem:$0x1D000] =	vst v63  }
0x14: {  	_ =	swait.ge [sflag:s12], $0x2800  }
0x15: {  	[sflag:s12] =	ssyncset.done $0x0  }
0x16: {  	[sflag:s12] =	ssyncadd.s32 $0xFFFFD800  }
0x17: {  	[tilespmem:s13], [sflag:$0x2] =	stream.linear.gather [hbm4b:s8+s3], $0x2800, $0x38;
	[tilespmem:$0x1D000] =	vst v63  }
0x18: {  	_ =	swait.ge [sflag:s12], $0x2800  }
0x19: {  	[sflag:s12] =	ssyncset.done $0x0  }
0x1a: {  	[sflag:s12] =	ssyncadd.s32 $0xFFFFD800  }
0x1b: {  	s18 =	simm.s32 $0x0;
	[bflag:$0x0] =	sbarrier.arrive $0xFFFF  }
0x1c: {  	[tilespmem:s15], [sflag:$0x1] =	stream.indirect.gather [hbm4b:s4+s14], $0x80, s18, s14, $0xb8;
	[tilespmem:$0x1D000] =	vst v63  }
0x1d: {  	_ =	swait.ge [sflag:s16], $0x4000  }
0x1e: {  	[sflag:s16] =	ssyncset.done $0x0  }
0x1f: {  	s31 =	simm.s32 $0x2800;
	[sflag:s16] =	ssyncadd.s32 $0xFFFFC000  }
0x20: {  	[spmem:s2] =	stream.indirect.scatter.add.f32 [tilespmem:s15], [sflag:$0x2], $0x80, s31, s14, $0xb8;
	[tilespmem:$0x1D000] =	vst v63  }
0x21: {  	_ =	swait.ge [sflag:s12], $0x4000  }
0x22: {  	s19 =	simm.s32 $0x400;
	s18 =	simm.s32 $0x200;
	[sflag:s12] =	ssyncset.done $0x0  }
.LBB2_2:
0x23: {  	s20 =	sshra.s32 s18, $0x2  }
0x24: {  	[sflag:s12] =	ssyncadd.s32 $0xFFFFC000;
	s18 =	smov.u32 s19;
	s21 =	sadd.s32 $0x200, s19  }
0x25: {  	[tilespmem:s15], [sflag:$0x1] =	stream.indirect.gather [hbm4b:s4+s14], $0x80, s20, s14, $0xb8;
	[tilespmem:$0x1D000] =	vst v63  }
0x26: {  	p0 =	sne.s32 s19, $0x9E00;
	_ =	swait.ge [sflag:s16], $0x4000  }
.Ltmp0:
0x27: {  	[sflag:s16] =	ssyncset.done $0x0;
	(pc) =	sbr.rel @p0 .LBB2_2-.Ltmp0, $4  }
0x28: {  	s19 =	sadd.s32 $0x2800, s20;
	[sflag:s16] =	ssyncadd.s32 $0xFFFFC000  }
0x29: {  	[spmem:s2] =	stream.indirect.scatter.add.f32 [tilespmem:s15], [sflag:$0x2], $0x80, s19, s14, $0xb8;
	[tilespmem:$0x1D000] =	vst v63  }
0x2a: {  	_ =	swait.ge [sflag:s12], $0x4000  }
0x2b: {  	s19 =	smov.u32 s21;
	[sflag:s12] =	ssyncset.done $0x0  }
0x2c: {  	s18 =	sshra.s32 s18, $0x2;
	[sflag:s12] =	ssyncadd.s32 $0xFFFFC000  }
0x2d: {  	[tilespmem:s15], [sflag:$0x1] =	stream.indirect.gather [hbm4b:s4+s14], $0x80, s18, s14, $0xb8;
	[tilespmem:$0x1D000] =	vst v63  }
0x2e: {  	_ =	swait.ge [sflag:s16], $0x4000  }
0x2f: {  	[sflag:s16] =	ssyncset.done $0x0  }
0x30: {  	s18 =	sadd.s32 $0x2800, s18;
	[sflag:s16] =	ssyncadd.s32 $0xFFFFC000  }
0x31: {  	[spmem:s2] =	stream.indirect.scatter.add.f32 [tilespmem:s15], [sflag:$0x2], $0x80, s18, s14, $0xb8;
	[tilespmem:$0x1D000] =	vst v63  }
0x32: {  	_ =	swait.ge [sflag:s12], $0x4000  }
0x33: {  	s17 =	sadd.s32 $0x1, s17;
	[sflag:s12] =	ssyncset.done $0x0  }
0x34: {  	p0 =	sne.s32 s17, s10;
	[sflag:s12] =	ssyncadd.s32 $0xFFFFC000  }
.Ltmp1:
0x35: {  	[bflag:$0x0] =	sbarrier.arrive $0xFFFF;
	(pc) =	sbr.rel @p0 .LBB2_1-.Ltmp1, $4  }
0x36: {  	[hbm:s9], [sflag:s6] =	dma.local [spmem:s11], $0x2800  }
0x37: {  	_ =	swait.ge [sflag:s12], $0x2800  }
0x38: {  	[sflag:s12] =	ssyncset.done $0x0  }
0x39: {  	[sflag:s12] =	ssyncadd.s32 $0xFFFFD800  }
0x3a: {  	_ =	sfence.sel $0x180000  }
0x3b: {  	[bflag:$0x0] =	sbarrier.arrive $0xFFFF  }
0x3c: {  	p0 =	sne.s32 s0, $0x0;
	_ =	strace $0x9000005C  }
0x3d: {  	s0 =	sadd.s32 @!p0 $0x100000, s1;
	[bflag:$0x2] =	sbarrier.arrive $0xFFFF  }
0x3e: {  	[sflag:s0] =	ssyncadd.tile.s32 @!p0 $0x1;
	_ =	shalt  }
.Lfunc_end2:
_tile_overlayer_lowered:
.L_overlay_start_2:
0x3f: {  	(tag) =	ssettag $0x2  }
0x40: {  	s0 =	rddreg [dreg:$0x0];
	s2 =	stileid.u32  }
0x41: {  	s1 =	rddreg [dreg:$0x1];
	p0 =	sne.s32 s2, $0x0  }
0x42: {  	s3 =	rddreg [dreg:$0x2];
	[bflag:$0x3] =	sbarrier.arrive $0xFFFF;
	s2 =	simm.s32 @!p0 $0x1C02  }
0x43: {  	[timem:s3], [sflag:s2] =	dma.local @!p0 [hbm:s0], s1  }
0x44: {  	s0 =	simm.s32 @!p0 $0x2  }
0x45: {  	_ =	swait.ge @!p0 [sflag:s0], s1  }
0x46: {  	s1 =	ssub.s32 @!p0 $0x0, s1;
	[sflag:s0] =	ssyncset.done @!p0 $0x0  }
0x47: {  	[sflag:s0] =	ssyncadd.s32 @!p0 s1  }
0x48: {  	[bflag:$0x3] =	sbarrier.arrive $0xFFFF  }
0x49: {  	_ =	shalt  }

// kernel: kernel.44.cloned.1.call-start
scs
__scs_entry_jumppad:
0x0: {  	(pc) =	sbr.rel $0x88, $3  }
0x1: {  	(tag) =	ssettag $0x0;
	lr =	simm.s32 $0x1  }
0x2: {  	[smem:$0x3F93] =	sst lr;
	_ =	strace $0xD0000000  }
0x3: {  	_ = 	snop  }
0x4: {  	_ = 	snop  }
0x5: {  	_ = 	snop  }
0x6: {  	_ = 	snop  }
0x7: {  	_ = 	snop  }
__scs_overlays_trampoline_lowered:
0x8: {  	[smem:$0x3FA2] =	sst s0  }
0x9: {  	[smem:$0x3FA3] =	sst s1  }
0xa: {  	[smem:$0x3FA4] =	sst s2  }
0xb: {  	[smem:$0x3FA5] =	sst s3  }
0xc: {  	[smem:$0x3FA6] =	sst s4  }
0xd: {  	[smem:$0x3FA7] =	sst s5  }
0xe: {  	[smem:$0x3FA8] =	sst s6  }
0xf: {  	[smem:$0x3FA9] =	sst s7  }
0x10: {  	[smem:$0x3FAA] =	sst s8  }
0x11: {  	[smem:$0x3FAB] =	sst s9;
	s0 =	simm.s32 @!p0 $0x0  }
0x12: {  	s1 =	sld [smem:$0x3F91];
	s0 =	simm.s32 @p0 $0x1  }
0x13: {  	[smem:$0x3FAC] =	sst s0;
	s0 =	simm.s32 @!p1 $0x0  }
0x14: {  	s2 =	sld [smem:$0x3F90];
	s0 =	simm.s32 @p1 $0x1  }
0x15: {  	[smem:$0x3FAD] =	sst s0;
	s0 =	simm.s32 @!p2 $0x0  }
0x16: {  	s3 =	sld [smem:$0x3FDB];
	s0 =	simm.s32 @p2 $0x1  }
0x17: {  	s4 =	simm.s32 $0x1BF5;
	[smem:$0x3FAF] =	sst s0  }
0x18: {  	s0 =	sld [smem:$0x3F92];
	_ =	swait.ge [sflag:s4], $0x0  }
0x19: {  	s7 =	sld [smem:$0x3F93]  }
0x1a: {  	s8 =	sadd.s32 $0xFFFFE003, lr  }
0x1b: {  	s9 =	sadd.s32 $0xFFFFFEF7, lr;
	s5 =	simm.s32 $0xFFFFFFFF;
	p2 =	slt.u32 s8, $0xFFFFF086  }
0x1c: {  	p1 =	slt.u32 s9, $0xF7A;
	s5 =	simm.s32 @!p2 $0x0  }
0x1d: {  	s5 =	simm.s32 @p1 $0x1;
	p0 =	seq.s32 s7, s2  }
0x1e: {  	s7 =	smul.u32 @!p0 $0xF7A, s2;
	p2 =	seq.s32 @!p0 s5, $0x0  }
0x1f: {  	s9 =	smul.u32 $0xF7A, s1;
	s8 =	simm.s32 @!p0 $0x1BF5;
	p2 =	por !p2, p0  }
0x20: {  	[sflag:s8] =	ssyncset.s32 @!p0 $0xFFFFF086;
	s6 =	sadd.s32 @!p0 s3, s7;
	s7 =	simm.s32 @!p0 $0x108  }
0x21: {  	s3 =	sadd.s32 s3, s9;
	s6 =	sadd.s32 @!p0 $0x88, s6;
	s7 =	simm.s32 @p2 $0x1082  }
0x22: {  	[simem:s7], [sflag:s8] =	dma.local @!p0 [hbm:s6], $0xF7A  }
0x23: {  	s9 =	sor.u32 $0xD0000000, s2;
	s6 =	simm.s32 $0x108;
	_ =	swait.ge @!p0 [sflag:s8], $0x0  }
0x24: {  	s3 =	sadd.s32 $0x88, s3;
	s6 =	simm.s32 @!p1 $0x1082;
	[sflag:s4] =	ssyncset.s32 $0xFFFFF086  }
0x25: {  	[simem:s6], [sflag:s4] =	dma.local [hbm:s3], $0xF7A  }
0x26: {  	[smem:$0x3F93] =	sst s1;
	(tag) =	ssettag s2;
	_ =	strace s9  }
0x27: {  	s1 =	sld [smem:$0x3FA3]  }
0x28: {  	s2 =	sld [smem:$0x3FA4]  }
0x29: {  	s4 =	sld [smem:$0x3FA6]  }
0x2a: {  	p0 =	seq.s32 s5, $0x0;
	s5 =	sld [smem:$0x3FA7]  }
0x2b: {  	s6 =	sld [smem:$0x3FA8]  }
0x2c: {  	s7 =	sld [smem:$0x3FA9]  }
0x2d: {  	s3 =	simm.s32 $0x108;
	s8 =	sld [smem:$0x3FAA]  }
0x2e: {  	s3 =	simm.s32 @!p0 $0x1082;
	s9 =	sld [smem:$0x3FAB]  }
0x2f: {  	lr =	sadd.s32 s0, s3;
	s0 =	sld [smem:$0x3FA2]  }
0x30: {  	s3 =	sld [smem:$0x3FA5]  }
0x31: {  	[smem:$0x3FAE] =	sst s10  }
0x32: {  	s10 =	sld [smem:$0x3FAC];
	_ =	sdelay $0x3  }
0x33: {  	p0 =	seq.s32 s10, $0x1;
	s10 =	sld [smem:$0x3FAE];
	_ =	sdelay $0x3  }
0x34: {  	[smem:$0x3FAE] =	sst s10  }
0x35: {  	s10 =	sld [smem:$0x3FAD];
	_ =	sdelay $0x3  }
0x36: {  	p1 =	seq.s32 s10, $0x1;
	s10 =	sld [smem:$0x3FAE];
	_ =	sdelay $0x3  }
0x37: {  	[smem:$0x3FAE] =	sst s10  }
0x38: {  	s10 =	sld [smem:$0x3FAF]  }
0x39: {  	_ = 	snop;
	(pc) =	sbr.ind lr, $3  }
0x3a: {  	_ = 	snop  }
0x3b: {  	_ = 	snop  }
0x3c: {  	p2 =	seq.s32 s10, $0x1;
	s10 =	sld [smem:$0x3FAE]  }
0x3d: {  	_ =	shalt  }
0x3e: {  	_ =	shalt  }
0x3f: {  	_ =	shalt  }
0x40: {  	_ =	shalt  }
0x41: {  	_ =	shalt  }
0x42: {  	_ =	shalt  }
0x43: {  	_ =	shalt  }
0x44: {  	_ =	shalt  }
0x45: {  	_ =	shalt  }
0x46: {  	_ =	shalt  }
0x47: {  	_ =	shalt  }
0x48: {  	_ =	shalt  }
0x49: {  	_ =	shalt  }
0x4a: {  	_ =	shalt  }
0x4b: {  	_ =	shalt  }
0x4c: {  	_ =	shalt  }
0x4d: {  	_ =	shalt  }
0x4e: {  	_ =	shalt  }
0x4f: {  	_ =	shalt  }
0x50: {  	_ =	shalt  }
0x51: {  	_ =	shalt  }
0x52: {  	_ =	shalt  }
0x53: {  	_ =	shalt  }
0x54: {  	_ =	shalt  }
0x55: {  	_ =	shalt  }
0x56: {  	_ =	shalt  }
0x57: {  	_ =	shalt  }
0x58: {  	_ =	shalt  }
0x59: {  	_ =	shalt  }
0x5a: {  	_ =	shalt  }
0x5b: {  	_ =	shalt  }
0x5c: {  	_ =	shalt  }
0x5d: {  	_ =	shalt  }
0x5e: {  	_ =	shalt  }
0x5f: {  	_ =	shalt  }
0x60: {  	_ =	shalt  }
0x61: {  	_ =	shalt  }
0x62: {  	_ =	shalt  }
0x63: {  	_ =	shalt  }
0x64: {  	_ =	shalt  }
0x65: {  	_ =	shalt  }
0x66: {  	_ =	shalt  }
0x67: {  	_ =	shalt  }
0x68: {  	_ =	shalt  }
0x69: {  	_ =	shalt  }
0x6a: {  	_ =	shalt  }
0x6b: {  	_ =	shalt  }
0x6c: {  	_ =	shalt  }
0x6d: {  	_ =	shalt  }
0x6e: {  	_ =	shalt  }
0x6f: {  	_ =	shalt  }
0x70: {  	_ =	shalt  }
0x71: {  	_ =	shalt  }
0x72: {  	_ =	shalt  }
0x73: {  	_ =	shalt  }
0x74: {  	_ =	shalt  }
0x75: {  	_ =	shalt  }
0x76: {  	_ =	shalt  }
0x77: {  	_ =	shalt  }
0x78: {  	_ =	shalt  }
0x79: {  	_ =	shalt  }
0x7a: {  	_ =	shalt  }
0x7b: {  	_ =	shalt  }
0x7c: {  	_ =	shalt  }
0x7d: {  	_ =	shalt  }
0x7e: {  	_ =	shalt  }
0x7f: {  	_ =	shalt  }
0x80: {  	_ =	shalt  }
0x81: {  	_ =	shalt  }
0x82: {  	_ =	shalt  }
0x83: {  	_ =	shalt  }
0x84: {  	_ =	shalt  }
0x85: {  	_ =	shalt  }
0x86: {  	_ =	shalt  }
0x87: {  	_ =	shalt  }
.Lfunc_end0:
.L_simem_size_0:
called_computation.8_lowered:
.L_overlay_start_0:
0x88: {  	s2 =	sld [smem:$0x3FD9]  }
0x89: {  	s3 =	sld [smem:$0x3FFE];
	_ =	sdelay $0x1  }
0x8a: {  	s1 =	srdreg.scid  }
0x8b: {  	s0 =	sand.u32 $0x1, s1  }
0x8c: {  	s16 =	sshll.u32 s0, $0xA;
	s2 =	sadd.s32 s3, s2  }
0x8d: {  	s2 =	sadd.s32 s2, s16  }
0x8e: {  	[smem:$0x3FBA] =	sst s2  }
0x8f: {  	_ = 	snop  }
0x90: {  	(tm) =	ssettm $0x1  }
0x91: {  	s17 =	sld [smem:$0x3FFB];
	_ =	sdelay $0x3  }
0x92: {  	_ =	strace s17  }
0x93: {  	s2 =	sld [smem:$0x3FFC];
	_ =	sdelay $0x3  }
0x94: {  	_ =	strace s2  }
0x95: {  	s2 =	sld [smem:$0x3FFD];
	_ =	sdelay $0x3  }
0x96: {  	_ =	strace s2  }
0x97: {  	_ =	strace $0x8FFFFFFF  }
0x98: {  	s18 =	sld [smem:$0x3FDB];
	_ =	sdelay $0x1  }
0x99: {  	s19 =	simm.s32 $_scs_section_size  }
0x9a: {  	s4 =	simm.s32 $_size__tile_overlayer_lowered;
	s5 =	simm.s32 $_tile_overlayer_lowered  }
0x9b: {  	s22 =	simm.s32 $0x1BFF;
	s21 =	sshll.u32 s5, $0x1;
	s2 =	sadd.s32 s19, s18  }
0x9c: {  	s6 =	simm.s32 $0x0;
	s20 =	sshll.u32 s4, $0x1;
	s4 =	sadd.s32 s21, s2  }
0x9d: {  	[timem:s6], [sflag:s22] =	dma.local [hbm:s4], s20  }
0x9e: {  	_ =	swait.ge [sflag:s22], s20  }
0x9f: {  	s3 =	ssub.s32 $0x0, s20;
	[sflag:s22] =	ssyncset.done $0x0  }
0xa0: {  	[sflag:s22] =	ssyncadd.s32 s3;
	_ =	sdelay $0x1  }
0xa1: {  	s23 =	simm.s32 $0x1B8B  }
0xa2: {  	_ =	swait.ge [sflag:s23], $0x1  }
0xa3: {  	[sflag:s23] =	ssyncset.done $0x0  }
0xa4: {  	s25 =	simm.s32 $0x1B8E;
	s24 =	sld [smem:$0x3FFE];
	[sflag:s23] =	ssyncadd.s32 $0xFFFFFFFF  }
0xa5: {  	s26 =	simm.s32 $execute0_lowered;
	[smem:$0x3FD2] =	sst s25  }
0xa6: {  	s4 =	sshll.u32 s26, $0x1;
	_ =	strace $0x8000005E;
	[dreg:$0x1] =	wrdreg $0xFFFFFFFF  }
0xa7: {  	s28 =	simm.s32 $_size_execute0_lowered;
	s2 =	sadd.s32 s2, s4;
	[dreg:$0x0] =	wrdreg $0x0  }
0xa8: {  	s4 =	sshll.u32 s28, $0x1;
	[dreg:$0x2] =	wrdreg s2  }
0xa9: {  	[dreg:$0x3] =	wrdreg s4  }
0xaa: {  	[dreg:$0x4] =	wrdreg $0xC0  }
0xab: {  	_ =	task [dreg:s6], $0x5FFFF  }
0xac: {  	[dreg:$0x1] =	wrdreg $0xFFFFFFFF  }
0xad: {  	[dreg:$0x0] =	wrdreg $0x60  }
0xae: {  	[dreg:$0x2] =	wrdreg s24  }
0xaf: {  	[dreg:$0x3] =	wrdreg $0x90000  }
0xb0: {  	[dreg:$0x4] =	wrdreg $0x9  }
0xb1: {  	_ =	task.clear_ibuf [dreg:s6], $0x5FFFF;
	_ =	strace $0x9000005E  }
0xb2: {  	s29 =	simm.s32 $0x9;
	_ =	strace $0x80000060  }
0xb3: {  	_ =	swait.ge [sflag:s29], $0x1  }
0xb4: {  	[sflag:s29] =	ssyncadd.s32 $0xFFFFFFFF  }
0xb5: {  	_ =	strace $0x90000060  }
0xb6: {  	_ =	sfence  }
0xb7: {  	s30 =	sld [smem:$0x0];
	_ =	sdelay $0x2  }
0xb8: {  	s31 =	sshll.u32 s1, $0xD;
	s1 =	sshrl.u32 s1, $0x2  }
0xb9: {  	s3 =	sand.u32 $0x4000, s31;
	s1 =	sadd.s32 s1, s30  }
0xba: {  	s0 =	sor.u32 s3, s0;
	s1 =	sshll.u32 s1, $0x11  }
0xbb: {  	s0 =	sor.u32 s1, s0  }
0xbc: {  	s0 =	sadd.s32 $0x8F2B, s0  }
0xbd: {  	[sflag:s0] =	ssyncadd.remote.s32 $0x1  }
0xbe: {  	_ =	sfence.sel $0xFFFF  }
0xbf: {  	[dreg:$0x0] =	wrdreg $0xFFFFFFFF;
	(pc) =	sbr.abs _section_cstart, $3  }
0xc0: {  	[dreg:$0x1] =	wrdreg $0xFFFFFFFF  }
0xc1: {  	_ =	task.clear_ibuf [dreg:s6], $0x2FFFF;
	_ =	strace $0x9FFFFFFF  }
0xc2: {  	(tm) =	ssettm $0x7FFFFFFF  }
0xc3: {  	_ =	shalt  }
tec
execute0_lowered:
.L_overlay_start_1:
0x0: {  	(tag) =	ssettag $0x1  }
0x1: {  	s1 =	srdreg.scid  }
0x2: {  	s0 =	stileid.u32;
	s7 =	rddreg [dreg:$0x0]  }
0x3: {  	s2 =	rddreg [dreg:$0x1];
	s3 =	simm.s32 $0x0;
	s14 =	simm.s32 $0x80  }
0x4: {  	s15 =	simm.s32 $0x5000;
	s16 =	simm.s32 $0x1;
	s17 =	simm.s32 $0x0  }
0x5: {  	s6 =	sand.u32 $0x1, s1;
	s26 =	sshll.u32 s0, $0x1;
	s9 =	smul.u32 $0x14000, s0  }
0x6: {  	[smem:$0x7FF] =	sst s3;
	s4 =	sadd.s32 $0x12200, s7;
	s28 =	smul.u32 $0x50000, s0  }
0x7: {  	s31 =	sshll.u32 s0, $0x6;
	s1 =	sor.u32 s6, s26;
	s8 =	smul.u32 $0x140000, s6  }
0x8: {  	s6 =	ssub.s32 $0x2, s6;
	s5 =	smul.u32 $0x500, s1;
	s1 =	rddreg [dreg:$0x2]  }
0x9: {  	_ =	strace $0x8000005F;
	s29 =	sshrl.u32 s6, $0x1;
	s30 =	sshrl.u32 s28, $0x2  }
0xa: {  	s8 =	sadd.s32 s9, s8;
	s12 =	ssub.s32 s6, s29;
	s13 =	sadd.s32 s30, s2  }
0xb: {  	s6 =	sor.u32 $0x1C02, s31;
	s10 =	sadd.s32 s5, s7;
	s8 =	sshrl.u32 s8, $0x3  }
0xc: {  	s5 =	sadd.s32 $0xFA00, s7;
	s11 =	sadd.s32 s8, s7;
	s7 =	sadd.s32 $0x62A00, s10  }
0xd: {  	s8 =	sadd.s32 $0x5A00, s10;
	s10 =	smax.u32 s12, $0x1;
	s12 =	simm.s32 $0x2  }
0xe: {  	s9 =	sadd.s32 $0x6CA00, s11;
	s11 =	sshrl.u32 s13, $0x3;
	s13 =	simm.s32 $0x2800  }
.LBB2_1:
0xf: {  	[spmem:s11], [sflag:s6] =	dma.local [hbm:s5], $0x2800  }
0x10: {  	_ =	swait.ge [sflag:s12], $0x2800  }
0x11: {  	[sflag:s12] =	ssyncset.done $0x0  }
0x12: {  	[sflag:s12] =	ssyncadd.s32 $0xFFFFD800  }
0x13: {  	[tilespmem:s3], [sflag:$0x2] =	stream.linear.gather [hbm4b:s7+s3], $0x2800, $0x38;
	[tilespmem:$0x1D000] =	vst v63  }
0x14: {  	_ =	swait.ge [sflag:s12], $0x2800  }
0x15: {  	[sflag:s12] =	ssyncset.done $0x0  }
0x16: {  	[sflag:s12] =	ssyncadd.s32 $0xFFFFD800  }
0x17: {  	[tilespmem:s13], [sflag:$0x2] =	stream.linear.gather [hbm4b:s8+s3], $0x2800, $0x38;
	[tilespmem:$0x1D000] =	vst v63  }
0x18: {  	_ =	swait.ge [sflag:s12], $0x2800  }
0x19: {  	[sflag:s12] =	ssyncset.done $0x0  }
0x1a: {  	[sflag:s12] =	ssyncadd.s32 $0xFFFFD800  }
0x1b: {  	s18 =	simm.s32 $0x0;
	[bflag:$0x0] =	sbarrier.arrive $0xFFFF  }
0x1c: {  	[tilespmem:s15], [sflag:$0x1] =	stream.indirect.gather [hbm4b:s4+s14], $0x80, s18, s14, $0xb8;
	[tilespmem:$0x1D000] =	vst v63  }
0x1d: {  	_ =	swait.ge [sflag:s16], $0x4000  }
0x1e: {  	[sflag:s16] =	ssyncset.done $0x0  }
0x1f: {  	s31 =	simm.s32 $0x2800;
	[sflag:s16] =	ssyncadd.s32 $0xFFFFC000  }
0x20: {  	[spmem:s2] =	stream.indirect.scatter.add.f32 [tilespmem:s15], [sflag:$0x2], $0x80, s31, s14, $0xb8;
	[tilespmem:$0x1D000] =	vst v63  }
0x21: {  	_ =	swait.ge [sflag:s12], $0x4000  }
0x22: {  	s19 =	simm.s32 $0x400;
	s18 =	simm.s32 $0x200;
	[sflag:s12] =	ssyncset.done $0x0  }
.LBB2_2:
0x23: {  	s20 =	sshra.s32 s18, $0x2  }
0x24: {  	[sflag:s12] =	ssyncadd.s32 $0xFFFFC000;
	s18 =	smov.u32 s19;
	s21 =	sadd.s32 $0x200, s19  }
0x25: {  	[tilespmem:s15], [sflag:$0x1] =	stream.indirect.gather [hbm4b:s4+s14], $0x80, s20, s14, $0xb8;
	[tilespmem:$0x1D000] =	vst v63  }
0x26: {  	p0 =	sne.s32 s19, $0x9E00;
	_ =	swait.ge [sflag:s16], $0x4000  }
.Ltmp0:
0x27: {  	[sflag:s16] =	ssyncset.done $0x0;
	(pc) =	sbr.rel @p0 .LBB2_2-.Ltmp0, $4  }
0x28: {  	s19 =	sadd.s32 $0x2800, s20;
	[sflag:s16] =	ssyncadd.s32 $0xFFFFC000  }
0x29: {  	[spmem:s2] =	stream.indirect.scatter.add.f32 [tilespmem:s15], [sflag:$0x2], $0x80, s19, s14, $0xb8;
	[tilespmem:$0x1D000] =	vst v63  }
0x2a: {  	_ =	swait.ge [sflag:s12], $0x4000  }
0x2b: {  	s19 =	smov.u32 s21;
	[sflag:s12] =	ssyncset.done $0x0  }
0x2c: {  	s18 =	sshra.s32 s18, $0x2;
	[sflag:s12] =	ssyncadd.s32 $0xFFFFC000  }
0x2d: {  	[tilespmem:s15], [sflag:$0x1] =	stream.indirect.gather [hbm4b:s4+s14], $0x80, s18, s14, $0xb8;
	[tilespmem:$0x1D000] =	vst v63  }
0x2e: {  	_ =	swait.ge [sflag:s16], $0x4000  }
0x2f: {  	[sflag:s16] =	ssyncset.done $0x0  }
0x30: {  	s18 =	sadd.s32 $0x2800, s18;
	[sflag:s16] =	ssyncadd.s32 $0xFFFFC000  }
0x31: {  	[spmem:s2] =	stream.indirect.scatter.add.f32 [tilespmem:s15], [sflag:$0x2], $0x80, s18, s14, $0xb8;
	[tilespmem:$0x1D000] =	vst v63  }
0x32: {  	_ =	swait.ge [sflag:s12], $0x4000  }
0x33: {  	s17 =	sadd.s32 $0x1, s17;
	[sflag:s12] =	ssyncset.done $0x0  }
0x34: {  	p0 =	sne.s32 s17, s10;
	[sflag:s12] =	ssyncadd.s32 $0xFFFFC000  }
.Ltmp1:
0x35: {  	[bflag:$0x0] =	sbarrier.arrive $0xFFFF;
	(pc) =	sbr.rel @p0 .LBB2_1-.Ltmp1, $4  }
0x36: {  	[hbm:s9], [sflag:s6] =	dma.local [spmem:s11], $0x2800  }
0x37: {  	_ =	swait.ge [sflag:s12], $0x2800  }
0x38: {  	[sflag:s12] =	ssyncset.done $0x0  }
0x39: {  	[sflag:s12] =	ssyncadd.s32 $0xFFFFD800  }
0x3a: {  	_ =	sfence.sel $0x180000  }
0x3b: {  	[bflag:$0x0] =	sbarrier.arrive $0xFFFF  }
0x3c: {  	p0 =	sne.s32 s0, $0x0;
	_ =	strace $0x9000005F  }
0x3d: {  	s0 =	sadd.s32 @!p0 $0x100000, s1;
	[bflag:$0x2] =	sbarrier.arrive $0xFFFF  }
0x3e: {  	[sflag:s0] =	ssyncadd.tile.s32 @!p0 $0x1;
	_ =	shalt  }
.Lfunc_end2:
_tile_overlayer_lowered:
.L_overlay_start_2:
0x3f: {  	(tag) =	ssettag $0x2  }
0x40: {  	s0 =	rddreg [dreg:$0x0];
	s2 =	stileid.u32  }
0x41: {  	s1 =	rddreg [dreg:$0x1];
	p0 =	sne.s32 s2, $0x0  }
0x42: {  	s3 =	rddreg [dreg:$0x2];
	[bflag:$0x3] =	sbarrier.arrive $0xFFFF;
	s2 =	simm.s32 @!p0 $0x1C02  }
0x43: {  	[timem:s3], [sflag:s2] =	dma.local @!p0 [hbm:s0], s1  }
0x44: {  	s0 =	simm.s32 @!p0 $0x2  }
0x45: {  	_ =	swait.ge @!p0 [sflag:s0], s1  }
0x46: {  	s1 =	ssub.s32 @!p0 $0x0, s1;
	[sflag:s0] =	ssyncset.done @!p0 $0x0  }
0x47: {  	[sflag:s0] =	ssyncadd.s32 @!p0 s1  }
0x48: {  	[bflag:$0x3] =	sbarrier.arrive $0xFFFF  }
0x49: {  	_ =	shalt  }

</sc_bundles>
